<compile_context>
chip_gen: v7x
topology: tpu7x:2x2x1
jax: 0.10.2.dev20260603
libtpu: 0.0.44.dev20260713+nightly
codegen_flags: <defaults>
</compile_context>

<pallas_src>
import functools

import jax
import jax.numpy as jnp
from jax import lax
from jax.experimental import pallas as pl
from jax.experimental.pallas import tpu as pltpu
from jax.experimental.pallas import tpu_sc as plsc

N0 = 10000
E0 = 320000
EH0 = 100000
NHE0 = 2000
DF = 128
DIM = 64
DIMP = 128
NCLS = 40

NCORE = 2
NSUB = 16
NW = NCORE * NSUB
C = 128

NR = 10240
BH = 2048

KE = 80
KH = 26
EP = NW * KE * C
EHP = NW * KH * C

_MESH = plsc.VectorSubcoreMesh(
    core_axis_name="c", subcore_axis_name="s",
    num_cores=NCORE, num_subcores=NSUB)


def _fill_zero_rows(buf):
    z = jnp.zeros((16,), jnp.float32)

    @pl.loop(0, C)
    def _(r):
        for j in range(DIMP // 16):
            buf[r, pl.ds(j * 16, 16)] = z


def _fill_1d(buf, n, value):
    v = jnp.full((16,), value, jnp.float32)

    @pl.loop(0, n // 16)
    def _(k):
        buf[pl.ds(k * 16, 16)] = v


def _make_part_seg(K, phases, name):
    rb = NR // NSUB
    kp = K // phases
    assert rb % C == 0 and kp * phases == K and kp % 2 == 0

    @functools.partial(
        pl.kernel,
        out_type=jax.ShapeDtypeStruct((NCORE * NR, DIMP), jnp.float32),
        mesh=_MESH,
        scratch_types=[
            pltpu.VMEM((kp, C), jnp.int32),
            pltpu.VMEM((kp, C), jnp.int32),
            pltpu.VMEM((C, DIMP), jnp.float32),
            pltpu.VMEM((C, DIMP), jnp.float32),
            pltpu.VMEM_SHARED((NR, DIMP), jnp.float32),
            pltpu.SemaphoreType.DMA,
            pltpu.SemaphoreType.DMA,
            pltpu.SemaphoreType.DMA,
            pltpu.SemaphoreType.DMA,
        ],
        name=name,
    )
    def kern(table, gidx, sidx, out, gv, sv, r0, r1, acc, sg0, sg1, ss0, ss1):
        cid = lax.axis_index("c")
        sid = lax.axis_index("s")
        w = cid * NSUB + sid

        _fill_zero_rows(r0)
        for k in range(rb // C):
            pltpu.async_copy(r0, acc.at[pl.ds(sid * rb + k * C, C)], sg0)
        for k in range(rb // C):
            pltpu.make_async_copy(
                r0, acc.at[pl.ds(sid * rb + k * C, C)], sg0).wait()
        plsc.subcore_barrier()

        for p in range(phases):
            pltpu.sync_copy(gidx.at[w, pl.ds(p * kp, kp)], gv)
            pltpu.sync_copy(sidx.at[w, pl.ds(p * kp, kp)], sv)
            pltpu.async_copy(table.at[gv.at[0]], r0, sg0)
            pltpu.async_copy(table.at[gv.at[1]], r1, sg1)

            @pl.loop(0, kp, step=2)
            def _(k):
                pltpu.make_async_copy(table.at[pl.ds(0, C)], r0, sg0).wait()
                pltpu.async_copy(r0, acc.at[sv.at[k]], ss0, add=True)
                pltpu.make_async_copy(table.at[pl.ds(0, C)], r1, sg1).wait()
                pltpu.async_copy(r1, acc.at[sv.at[k + 1]], ss1, add=True)
                pltpu.make_async_copy(r0, acc.at[pl.ds(0, C)], ss0).wait()

                @pl.when(k + 2 < kp)
                def _():
                    pltpu.async_copy(table.at[gv.at[k + 2]], r0, sg0)

                pltpu.make_async_copy(r1, acc.at[pl.ds(0, C)], ss1).wait()

                @pl.when(k + 3 < kp)
                def _():
                    pltpu.async_copy(table.at[gv.at[k + 3]], r1, sg1)

        plsc.subcore_barrier()
        for k in range(rb // C):
            off = sid * rb + k * C
            pltpu.async_copy(acc.at[pl.ds(off, C)],
                             out.at[pl.ds(cid * NR + off, C)], sg0)
        for k in range(rb // C):
            off = sid * rb + k * C
            pltpu.make_async_copy(acc.at[pl.ds(off, C)],
                                  out.at[pl.ds(cid * NR + off, C)], sg0).wait()

    return kern


@functools.partial(
    pl.kernel,
    out_type=(
        jax.ShapeDtypeStruct((NCORE * BH, DIMP), jnp.float32),
        jax.ShapeDtypeStruct((NCORE * NR,), jnp.float32),
    ),
    mesh=_MESH,
    scratch_types=[
        pltpu.VMEM((KH, C), jnp.int32),
        pltpu.VMEM((KH, C), jnp.int32),
        pltpu.VMEM((KE, C), jnp.int32),
        pltpu.VMEM((C, DIMP), jnp.float32),
        pltpu.VMEM((C, DIMP), jnp.float32),
        pltpu.VMEM((C,), jnp.float32),
        pltpu.VMEM((C,), jnp.float32),
        pltpu.VMEM_SHARED((BH, DIMP), jnp.float32),
        pltpu.VMEM_SHARED((NR,), jnp.float32),
        pltpu.SemaphoreType.DMA,
        pltpu.SemaphoreType.DMA,
        pltpu.SemaphoreType.DMA,
        pltpu.SemaphoreType.DMA,
        pltpu.SemaphoreType.DMA,
    ],
    name="sc_hyper_fwd_hist",
)
def _sc_hyper_fwd(h, nidx, hidx, didx,
                  esum_o, deg_o,
                  nv, hv, dv, r0, r1, ones, z1,
                  eacc, deg, sg0, sg1, ss0, ss1, sh):
    cid = lax.axis_index("c")
    sid = lax.axis_index("s")
    w = cid * NSUB + sid
    rbh = BH // NSUB
    rbn = NR // NSUB

    _fill_zero_rows(r0)
    _fill_1d(ones, C, 1.0)
    _fill_1d(z1, C, 0.0)
    pltpu.async_copy(r0, eacc.at[pl.ds(sid * rbh, C)], ss0)
    for k in range(rbn // C):
        pltpu.async_copy(z1, deg.at[pl.ds(sid * rbn + k * C, C)], sh)
    pltpu.sync_copy(nidx.at[w], nv)
    pltpu.sync_copy(hidx.at[w], hv)
    pltpu.sync_copy(didx.at[w], dv)
    pltpu.make_async_copy(r0, eacc.at[pl.ds(sid * rbh, C)], ss0).wait()
    for k in range(rbn // C):
        pltpu.make_async_copy(
            z1, deg.at[pl.ds(sid * rbn + k * C, C)], sh).wait()
    plsc.subcore_barrier()

    pltpu.async_copy(h.at[nv.at[0]], r0, sg0)
    pltpu.async_copy(h.at[nv.at[1]], r1, sg1)

    @pl.loop(0, KH, step=2)
    def _(k):
        pltpu.make_async_copy(h.at[pl.ds(0, C)], r0, sg0).wait()
        pltpu.async_copy(r0, eacc.at[hv.at[k]], ss0, add=True)
        pltpu.make_async_copy(h.at[pl.ds(0, C)], r1, sg1).wait()
        pltpu.async_copy(r1, eacc.at[hv.at[k + 1]], ss1, add=True)
        pltpu.make_async_copy(r0, eacc.at[pl.ds(0, C)], ss0).wait()

        @pl.when(k + 2 < KH)
        def _():
            pltpu.async_copy(h.at[nv.at[k + 2]], r0, sg0)

        pltpu.make_async_copy(r1, eacc.at[pl.ds(0, C)], ss1).wait()

        @pl.when(k + 3 < KH)
        def _():
            pltpu.async_copy(h.at[nv.at[k + 3]], r1, sg1)

    @pl.loop(0, KE)
    def _(k):
        pltpu.async_copy(ones, deg.at[dv.at[k]], sh, add=True)

    @pl.loop(0, KE)
    def _(k):
        pltpu.make_async_copy(ones, deg.at[pl.ds(0, C)], sh).wait()

    plsc.subcore_barrier()
    pltpu.async_copy(eacc.at[pl.ds(sid * rbh, C)],
                     esum_o.at[pl.ds(cid * BH + sid * rbh, C)], ss0)
    for k in range(rbn // C):
        off = sid * rbn + k * C
        pltpu.async_copy(deg.at[pl.ds(off, C)],
                         deg_o.at[pl.ds(cid * NR + off, C)], sh)
    pltpu.make_async_copy(eacc.at[pl.ds(sid * rbh, C)],
                          esum_o.at[pl.ds(cid * BH + sid * rbh, C)], ss0).wait()
    for k in range(rbn // C):
        off = sid * rbn + k * C
        pltpu.make_async_copy(deg.at[pl.ds(off, C)],
                              deg_o.at[pl.ds(cid * NR + off, C)], sh).wait()


_seg_vsum = _make_part_seg(KH, 1, "sc_hyper_bwd")
_seg_gcn = _make_part_seg(KE, 2, "sc_gcn_edges")


_RB = 1024


def _row_spec(d):
    return pl.BlockSpec((_RB, d), lambda i: (i, 0))


def _full_spec(a, b):
    return pl.BlockSpec((a, b), lambda i: (0, 0))


def _tc1_body(x_ref, w_ref, b_ref, o_ref):
    o_ref[...] = jax.nn.relu(
        jnp.dot(x_ref[...], w_ref[...], preferred_element_type=jnp.float32)
        + b_ref[...])


def _tc2_body(e0_ref, e1_ref, w_ref, b_ref, o_ref):
    s = e0_ref[...] + e1_ref[...]
    cnt = jnp.maximum(s[:, DIM:DIM + 1], 1.0)
    m = s / cnt
    o_ref[...] = jax.nn.relu(
        jnp.dot(m, w_ref[...], preferred_element_type=jnp.float32) + b_ref[...])


def _tc3_body(v0_ref, v1_ref, dg0_ref, dg1_ref, x_ref,
              wv_ref, bv_ref, w1a_ref, w1b_ref, h1s_ref, dinv_ref):
    s = v0_ref[...] + v1_ref[...]
    m = s / jnp.maximum(s[:, DIM:DIM + 1], 1.0)
    xh = jax.nn.relu(
        jnp.dot(m, wv_ref[...], preferred_element_type=jnp.float32) + bv_ref[...])
    dinv = lax.rsqrt(dg0_ref[...] + dg1_ref[...] + 1.0)
    h1 = (jnp.dot(x_ref[...], w1a_ref[...], preferred_element_type=jnp.float32)
          + jnp.dot(xh, w1b_ref[...], preferred_element_type=jnp.float32))
    h1s_ref[...] = h1 * dinv
    dinv_ref[...] = dinv


def _tc4_body(a0_ref, a1_ref, hs_ref, di_ref, w2_ref, b1_ref, o_ref):
    g1 = jax.nn.relu(
        (a0_ref[...] + a1_ref[...] + hs_ref[...]) * di_ref[...] + b1_ref[...])
    o_ref[...] = jnp.dot(
        g1, w2_ref[...], preferred_element_type=jnp.float32) * di_ref[...]


def _tc5_body(a0_ref, a1_ref, hs_ref, di_ref, b2_ref, wlp_ref, blp_ref, o_ref):
    g2 = (a0_ref[...] + a1_ref[...] + hs_ref[...]) * di_ref[...] + b2_ref[...]
    o_ref[...] = (jnp.dot(g2, wlp_ref[...], preferred_element_type=jnp.float32)
                  + blp_ref[...])


def kernel(x, edge_index, hyperedge_index,
           W_in, b_in, W_e, b_e, W_v, b_v, W1, b1, W2, b2, Wlp, blp):
    f32 = jnp.float32
    src = edge_index[0]
    dst = edge_index[1]
    nidx = hyperedge_index[0]
    hidx = hyperedge_index[1]

    tail_e = N0 + (jnp.arange(EP - E0, dtype=jnp.int32) % (NR - N0))
    tail_n = N0 + (jnp.arange(EHP - EH0, dtype=jnp.int32) % (NR - N0))
    tail_h = NHE0 + (jnp.arange(EHP - EH0, dtype=jnp.int32) % (BH - NHE0))
    tail_s = jnp.arange(EP - E0, dtype=jnp.int32) % N0
    srcf = jnp.concatenate([src, tail_s])
    dstf = jnp.concatenate([dst, tail_e])
    nidxf = jnp.concatenate([nidx, tail_n])
    hidxf = jnp.concatenate([hidx, tail_h])

    nidxp = nidxf.reshape(NW, KH, C)
    hidxp = hidxf.reshape(NW, KH, C)
    dstp = dstf.reshape(NW, KE, C)
    srcp = srcf.reshape(NW, KE, C)

    xp = jnp.zeros((NR, DF), f32).at[:N0].set(x)
    W_inp = jnp.zeros((DF, DIMP), f32).at[:, :DIM].set(W_in)
    b_in2 = jnp.zeros((1, DIMP), f32).at[0, :DIM].set(b_in).at[0, DIM].set(1.0)
    W_ep = jnp.zeros((DIMP, DIMP), f32).at[:DIM, :DIM].set(W_e)
    b_e2 = jnp.zeros((1, DIMP), f32).at[0, :DIM].set(b_e).at[0, DIM].set(1.0)
    W_vp = jnp.zeros((DIMP, DIMP), f32).at[:DIM, :DIM].set(W_v)
    b_v2 = jnp.zeros((1, DIMP), f32).at[0, :DIM].set(b_v)
    W1a = jnp.zeros((DF, DIMP), f32).at[:, :DIM].set(W1[:DF])
    W1b = jnp.zeros((DIMP, DIMP), f32).at[:DIM, :DIM].set(W1[DF:])
    b1_2 = jnp.zeros((1, DIMP), f32).at[0, :DIM].set(b1)
    W2p = jnp.zeros((DIMP, DIMP), f32).at[:DIM, :NCLS].set(W2)
    b2p = jnp.zeros((1, DIMP), f32).at[0, :NCLS].set(b2)
    Wlpp = jnp.zeros((DIMP, NCLS), f32).at[:NCLS].set(Wlp)
    blp2 = blp.reshape(1, NCLS)

    h = pl.pallas_call(
        _tc1_body,
        grid=(NR // _RB,),
        in_specs=[_row_spec(DF), _full_spec(DF, DIMP), _full_spec(1, DIMP)],
        out_specs=_row_spec(DIMP),
        out_shape=jax.ShapeDtypeStruct((NR, DIMP), f32),
    )(xp, W_inp, b_in2)

    esum_p, deg_p = _sc_hyper_fwd(h, nidxp, hidxp, dstp)

    e = pl.pallas_call(
        _tc2_body,
        grid=(1,),
        in_specs=[_full_spec(BH, DIMP), _full_spec(BH, DIMP),
                  _full_spec(DIMP, DIMP), _full_spec(1, DIMP)],
        out_specs=_full_spec(BH, DIMP),
        out_shape=jax.ShapeDtypeStruct((BH, DIMP), f32),
    )(esum_p[:BH], esum_p[BH:], W_ep, b_e2)

    vsum_p = _seg_vsum(e, hidxp, nidxp)

    h1s, dinv = pl.pallas_call(
        _tc3_body,
        grid=(NR // _RB,),
        in_specs=[_row_spec(DIMP), _row_spec(DIMP),
                  _row_spec(1), _row_spec(1),
                  _row_spec(DF), _full_spec(DIMP, DIMP), _full_spec(1, DIMP),
                  _full_spec(DF, DIMP), _full_spec(DIMP, DIMP)],
        out_specs=(_row_spec(DIMP), _row_spec(1)),
        out_shape=(jax.ShapeDtypeStruct((NR, DIMP), f32),
                   jax.ShapeDtypeStruct((NR, 1), f32)),
    )(vsum_p[:NR], vsum_p[NR:],
      deg_p[:NR].reshape(NR, 1), deg_p[NR:].reshape(NR, 1),
      xp, W_vp, b_v2, W1a, W1b)

    acc1_p = _seg_gcn(h1s, srcp, dstp)

    h2s = pl.pallas_call(
        _tc4_body,
        grid=(NR // _RB,),
        in_specs=[_row_spec(DIMP), _row_spec(DIMP), _row_spec(DIMP),
                  _row_spec(1),
                  _full_spec(DIMP, DIMP), _full_spec(1, DIMP)],
        out_specs=_row_spec(DIMP),
        out_shape=jax.ShapeDtypeStruct((NR, DIMP), f32),
    )(acc1_p[:NR], acc1_p[NR:], h1s, dinv, W2p, b1_2)

    acc2_p = _seg_gcn(h2s, srcp, dstp)

    outp = pl.pallas_call(
        _tc5_body,
        grid=(NR // _RB,),
        in_specs=[_row_spec(DIMP), _row_spec(DIMP), _row_spec(DIMP),
                  _row_spec(1),
                  _full_spec(1, DIMP), _full_spec(DIMP, NCLS),
                  _full_spec(1, NCLS)],
        out_specs=_row_spec(NCLS),
        out_shape=jax.ShapeDtypeStruct((NR, NCLS), f32),
    )(acc2_p[:NR], acc2_p[NR:], h2s, dinv, b2p, Wlpp, blp2)

    return outp[:N0]

# --- scband reference (transcript-rebuilt; emitter-appended) ---
"""Pipeline reference for scband-lpgcnedgnnablation-89275190215309 (READ-ONLY COPY).

The authoritative reference and input builder live on the scoring server;
editing this copy changes nothing except your own understanding.
"""

import jax, jax.numpy as jnp
import numpy as np

N = 10000
E = 320000
EH = 100000
NHE = 2000
DF = 128
DIM = 64
NC = 40

def setup_inputs(seed: int = 0):
    key = jax.random.key(seed)
    ks = jax.random.split(key, 20)
    x = jax.random.normal(ks[0], (N, DF), dtype=jnp.float32)
    edge_index = jax.random.randint(ks[1], (2, E), 0, N, dtype=jnp.int32)
    node_idx = jax.random.randint(ks[2], (EH,), 0, N, dtype=jnp.int32)
    he_idx = jax.random.randint(ks[3], (EH,), 0, NHE, dtype=jnp.int32)
    hyperedge_index = jnp.stack([node_idx, he_idx], axis=0)
    def lin(k, fi, fo):
        return jax.random.normal(k, (fi, fo), dtype=jnp.float32) / np.sqrt(fi)
    return {
        "x": x,
        "edge_index": edge_index,
        "hyperedge_index": hyperedge_index,
        "W_in": lin(ks[4], DF, DIM), "b_in": jnp.zeros((DIM,), jnp.float32),
        "W_e": lin(ks[5], DIM, DIM), "b_e": jnp.zeros((DIM,), jnp.float32),
        "W_v": lin(ks[6], DIM, DIM), "b_v": jnp.zeros((DIM,), jnp.float32),
        "W1": lin(ks[7], DF + DIM, DIM), "b1": jnp.zeros((DIM,), jnp.float32),
        "W2": lin(ks[8], DIM, NC), "b2": jnp.zeros((NC,), jnp.float32),
        "Wlp": lin(ks[9], NC, NC), "blp": jnp.zeros((NC,), jnp.float32),
    }

def _gcn(x, W, b, edge_index, n):
    src = edge_index[0]; dst = edge_index[1]
    loop = jnp.arange(n, dtype=src.dtype)
    s = jnp.concatenate([src, loop]); d = jnp.concatenate([dst, loop])
    deg = jax.ops.segment_sum(jnp.ones(d.shape, jnp.float32), d, n)
    dinv = jnp.where(deg > 0, 1.0 / jnp.sqrt(deg), 0.0)
    norm = dinv[s] * dinv[d]
    h = x @ W
    out = jax.ops.segment_sum(h[s] * norm[:, None], d, n)
    return out + b

def _hyper(x, node_idx, he_idx, W_in, b_in, W_e, b_e, W_v, b_v):
    h = jax.nn.relu(x @ W_in + b_in)
    esum = jax.ops.segment_sum(h[node_idx], he_idx, NHE)
    ecnt = jax.ops.segment_sum(jnp.ones(he_idx.shape, jnp.float32), he_idx, NHE)
    e = esum / jnp.clip(ecnt, 1.0, None)[:, None]
    e = jax.nn.relu(e @ W_e + b_e)
    vsum = jax.ops.segment_sum(e[he_idx], node_idx, N)
    vcnt = jax.ops.segment_sum(jnp.ones(node_idx.shape, jnp.float32), node_idx, N)
    m = vsum / jnp.clip(vcnt, 1.0, None)[:, None]
    return jax.nn.relu(m @ W_v + b_v)

def reference(x, edge_index, hyperedge_index, W_in, b_in, W_e, b_e, W_v, b_v, W1, b1, W2, b2, Wlp, blp):
    x_hyper = _hyper(x, hyperedge_index[0], hyperedge_index[1], W_in, b_in, W_e, b_e, W_v, b_v)
    xc = jnp.concatenate([x, x_hyper], axis=1)
    g1 = jax.nn.relu(_gcn(xc, W1, b1, edge_index, N))
    g2 = _gcn(g1, W2, b2, edge_index, N)
    return g2 @ Wlp + blp

if __name__ == "__main__":
    import jax
    _d = setup_inputs()
    print(jax.jit(kernel)(*tuple(_d.values())))

</pallas_src>

<mosaic_0001>
#map = affine_map<(d0, d1) -> (0, 0)>
#map1 = affine_map<(d0, d1) -> (0, 0, 0)>
#map2 = affine_map<(d0, d1) -> (0)>
module attributes {stable_mosaic.version = 14 : i64} {
  func.func @sc_hyper_fwd_hist(%arg0: i32, %arg1: i32, %arg2: memref<10240x128xf32, #tpu.memory_space<hbm>>, %arg3: memref<32x26x128xi32, #tpu.memory_space<hbm>>, %arg4: memref<32x26x128xi32, #tpu.memory_space<hbm>>, %arg5: memref<32x80x128xi32, #tpu.memory_space<hbm>>, %arg6: memref<4096x128xf32, #tpu.memory_space<hbm>>, %arg7: memref<20480xf32, #tpu.memory_space<hbm>>, %arg8: memref<26x128xi32, #tpu.memory_space<vmem>>, %arg9: memref<26x128xi32, #tpu.memory_space<vmem>>, %arg10: memref<80x128xi32, #tpu.memory_space<vmem>>, %arg11: memref<128x128xf32, #tpu.memory_space<vmem>>, %arg12: memref<128x128xf32, #tpu.memory_space<vmem>>, %arg13: memref<128xf32, #tpu.memory_space<vmem>>, %arg14: memref<128xf32, #tpu.memory_space<vmem>>, %arg15: memref<2048x128xf32, #tpu.memory_space<vmem_shared>>, %arg16: memref<10240xf32, #tpu.memory_space<vmem_shared>>, %arg17: memref<!tpu.dma_semaphore, #tpu.memory_space<semaphore_mem>>, %arg18: memref<!tpu.dma_semaphore, #tpu.memory_space<semaphore_mem>>, %arg19: memref<!tpu.dma_semaphore, #tpu.memory_space<semaphore_mem>>, %arg20: memref<!tpu.dma_semaphore, #tpu.memory_space<semaphore_mem>>, %arg21: memref<!tpu.dma_semaphore, #tpu.memory_space<semaphore_mem>>) attributes {dimension_semantics = [#tpu.dimension_semantics<core_parallel>, #tpu.dimension_semantics<subcore_parallel>], iteration_bounds = array<i64: 2, 16>, scalar_prefetch = 0 : i64, scratch_operands = 14 : i64, tpu.core_type = #tpu.core_type<sc_vector_subcore>, window_params = [{transform_indices = #map}, {transform_indices = #map1}, {transform_indices = #map1}, {transform_indices = #map1}, {transform_indices = #map}, {transform_indices = #map2}]} {
    %mul3A = arith.constant 16 : i32
    %mul3A_0 = arith.muli %arg0, %mul3A : i32
    %add3A = arith.addi %mul3A_0, %arg1 : i32
    %broadcast_in_dim3A = arith.constant 0.000000e+00 : f32
    %broadcast_in_dim3A_1 = vector.broadcast %broadcast_in_dim3A : f32 to vector<16xf32>
    %scan3A = arith.constant 0 : i32
    %scan3A_2 = arith.constant 128 : i32
    %scan3A_3 = arith.addi %scan3A, %scan3A_2 : i32
    %scan3A_4 = arith.constant 1 : i32
    scf.for %scan3A_232 = %scan3A to %scan3A_3 step %scan3A_4  : i32 {
      %mul3A_233 = arith.constant 1 : i32
      %mul3A_234 = arith.muli %scan3A_232, %mul3A_233 : i32
      %add3A_235 = arith.constant 0 : i32
      %add3A_236 = arith.addi %add3A_235, %mul3A_234 : i32
      %swap3A = arith.index_cast %add3A_236 : i32 to index
      %swap3A_237 = arith.constant 0 : index
      %swap3A_238 = tpu.vector_load %arg11[%swap3A, %swap3A_237] {strides = array<i32>} : memref<128x128xf32, #tpu.memory_space<vmem>>, vector<1x16xf32>,
      %swap3A_239 = vector.shape_cast %swap3A_238 : vector<1x16xf32> to vector<16xf32>
      %swap3A_240 = vector.shape_cast %broadcast_in_dim3A_1 : vector<16xf32> to vector<1x16xf32>
      tpu.vector_store %arg11[%swap3A, %swap3A_237], %swap3A_240 {strides = array<i32>} : memref<128x128xf32, #tpu.memory_space<vmem>>, vector<1x16xf32>,
      %swap3A_241 = arith.index_cast %add3A_236 : i32 to index
      %swap3A_242 = arith.constant 16 : index
      %swap3A_243 = tpu.vector_load %arg11[%swap3A_241, %swap3A_242] {strides = array<i32>} : memref<128x128xf32, #tpu.memory_space<vmem>>, vector<1x16xf32>,
      %swap3A_244 = vector.shape_cast %swap3A_243 : vector<1x16xf32> to vector<16xf32>
      %swap3A_245 = vector.shape_cast %broadcast_in_dim3A_1 : vector<16xf32> to vector<1x16xf32>
      tpu.vector_store %arg11[%swap3A_241, %swap3A_242], %swap3A_245 {strides = array<i32>} : memref<128x128xf32, #tpu.memory_space<vmem>>, vector<1x16xf32>,
      %swap3A_246 = arith.index_cast %add3A_236 : i32 to index
      %swap3A_247 = arith.constant 32 : index
      %swap3A_248 = tpu.vector_load %arg11[%swap3A_246, %swap3A_247] {strides = array<i32>} : memref<128x128xf32, #tpu.memory_space<vmem>>, vector<1x16xf32>,
      %swap3A_249 = vector.shape_cast %swap3A_248 : vector<1x16xf32> to vector<16xf32>
      %swap3A_250 = vector.shape_cast %broadcast_in_dim3A_1 : vector<16xf32> to vector<1x16xf32>
      tpu.vector_store %arg11[%swap3A_246, %swap3A_247], %swap3A_250 {strides = array<i32>} : memref<128x128xf32, #tpu.memory_space<vmem>>, vector<1x16xf32>,
      %swap3A_251 = arith.index_cast %add3A_236 : i32 to index
      %swap3A_252 = arith.constant 48 : index
      %swap3A_253 = tpu.vector_load %arg11[%swap3A_251, %swap3A_252] {strides = array<i32>} : memref<128x128xf32, #tpu.memory_space<vmem>>, vector<1x16xf32>,
      %swap3A_254 = vector.shape_cast %swap3A_253 : vector<1x16xf32> to vector<16xf32>
      %swap3A_255 = vector.shape_cast %broadcast_in_dim3A_1 : vector<16xf32> to vector<1x16xf32>
      tpu.vector_store %arg11[%swap3A_251, %swap3A_252], %swap3A_255 {strides = array<i32>} : memref<128x128xf32, #tpu.memory_space<vmem>>, vector<1x16xf32>,
      %swap3A_256 = arith.index_cast %add3A_236 : i32 to index
      %swap3A_257 = arith.constant 64 : index
      %swap3A_258 = tpu.vector_load %arg11[%swap3A_256, %swap3A_257] {strides = array<i32>} : memref<128x128xf32, #tpu.memory_space<vmem>>, vector<1x16xf32>,
      %swap3A_259 = vector.shape_cast %swap3A_258 : vector<1x16xf32> to vector<16xf32>
      %swap3A_260 = vector.shape_cast %broadcast_in_dim3A_1 : vector<16xf32> to vector<1x16xf32>
      tpu.vector_store %arg11[%swap3A_256, %swap3A_257], %swap3A_260 {strides = array<i32>} : memref<128x128xf32, #tpu.memory_space<vmem>>, vector<1x16xf32>,
      %swap3A_261 = arith.index_cast %add3A_236 : i32 to index
      %swap3A_262 = arith.constant 80 : index
      %swap3A_263 = tpu.vector_load %arg11[%swap3A_261, %swap3A_262] {strides = array<i32>} : memref<128x128xf32, #tpu.memory_space<vmem>>, vector<1x16xf32>,
      %swap3A_264 = vector.shape_cast %swap3A_263 : vector<1x16xf32> to vector<16xf32>
      %swap3A_265 = vector.shape_cast %broadcast_in_dim3A_1 : vector<16xf32> to vector<1x16xf32>
      tpu.vector_store %arg11[%swap3A_261, %swap3A_262], %swap3A_265 {strides = array<i32>} : memref<128x128xf32, #tpu.memory_space<vmem>>, vector<1x16xf32>,
      %swap3A_266 = arith.index_cast %add3A_236 : i32 to index
      %swap3A_267 = arith.constant 96 : index
      %swap3A_268 = tpu.vector_load %arg11[%swap3A_266, %swap3A_267] {strides = array<i32>} : memref<128x128xf32, #tpu.memory_space<vmem>>, vector<1x16xf32>,
      %swap3A_269 = vector.shape_cast %swap3A_268 : vector<1x16xf32> to vector<16xf32>
      %swap3A_270 = vector.shape_cast %broadcast_in_dim3A_1 : vector<16xf32> to vector<1x16xf32>
      tpu.vector_store %arg11[%swap3A_266, %swap3A_267], %swap3A_270 {strides = array<i32>} : memref<128x128xf32, #tpu.memory_space<vmem>>, vector<1x16xf32>,
      %swap3A_271 = arith.index_cast %add3A_236 : i32 to index
      %swap3A_272 = arith.constant 112 : index
      %swap3A_273 = tpu.vector_load %arg11[%swap3A_271, %swap3A_272] {strides = array<i32>} : memref<128x128xf32, #tpu.memory_space<vmem>>, vector<1x16xf32>,
      %swap3A_274 = vector.shape_cast %swap3A_273 : vector<1x16xf32> to vector<16xf32>
      %swap3A_275 = vector.shape_cast %broadcast_in_dim3A_1 : vector<16xf32> to vector<1x16xf32>
      tpu.vector_store %arg11[%swap3A_271, %swap3A_272], %swap3A_275 {strides = array<i32>} : memref<128x128xf32, #tpu.memory_space<vmem>>, vector<1x16xf32>,
    }
    %scan3A_5 = arith.constant 128 : i32
    %broadcast_in_dim3A_6 = arith.constant 1.000000e+00 : f32
    %broadcast_in_dim3A_7 = vector.broadcast %broadcast_in_dim3A_6 : f32 to vector<16xf32>
    %scan3A_8 = arith.constant 0 : i32
    %scan3A_9 = arith.constant 8 : i32
    %scan3A_10 = arith.addi %scan3A_8, %scan3A_9 : i32
    %scan3A_11 = arith.constant 1 : i32
    scf.for %scan3A_232 = %scan3A_8 to %scan3A_10 step %scan3A_11  : i32 {
      %mul3A_233 = arith.constant 1 : i32
      %mul3A_234 = arith.muli %scan3A_232, %mul3A_233 : i32
      %add3A_235 = arith.constant 0 : i32
      %add3A_236 = arith.addi %add3A_235, %mul3A_234 : i32
      %mul3A_237 = arith.constant 16 : i32
      %mul3A_238 = arith.muli %add3A_236, %mul3A_237 : i32
      %swap3A = arith.index_cast %mul3A_238 : i32 to index
      %swap3A_239 = tpu.vector_load %arg13[%swap3A] {strides = array<i32>} : memref<128xf32, #tpu.memory_space<vmem>>, vector<16xf32>,
      %swap3A_240 = vector.shape_cast %swap3A_239 : vector<16xf32> to vector<16xf32>
      %swap3A_241 = vector.shape_cast %broadcast_in_dim3A_7 : vector<16xf32> to vector<16xf32>
      tpu.vector_store %arg13[%swap3A], %swap3A_241 {strides = array<i32>} : memref<128xf32, #tpu.memory_space<vmem>>, vector<16xf32>,
    }
    %scan3A_12 = arith.constant 8 : i32
    %broadcast_in_dim3A_13 = arith.constant 0.000000e+00 : f32
    %broadcast_in_dim3A_14 = vector.broadcast %broadcast_in_dim3A_13 : f32 to vector<16xf32>
    %scan3A_15 = arith.constant 0 : i32
    %scan3A_16 = arith.constant 8 : i32
    %scan3A_17 = arith.addi %scan3A_15, %scan3A_16 : i32
    %scan3A_18 = arith.constant 1 : i32
    scf.for %scan3A_232 = %scan3A_15 to %scan3A_17 step %scan3A_18  : i32 {
      %mul3A_233 = arith.constant 1 : i32
      %mul3A_234 = arith.muli %scan3A_232, %mul3A_233 : i32
      %add3A_235 = arith.constant 0 : i32
      %add3A_236 = arith.addi %add3A_235, %mul3A_234 : i32
      %mul3A_237 = arith.constant 16 : i32
      %mul3A_238 = arith.muli %add3A_236, %mul3A_237 : i32
      %swap3A = arith.index_cast %mul3A_238 : i32 to index
      %swap3A_239 = tpu.vector_load %arg14[%swap3A] {strides = array<i32>} : memref<128xf32, #tpu.memory_space<vmem>>, vector<16xf32>,
      %swap3A_240 = vector.shape_cast %swap3A_239 : vector<16xf32> to vector<16xf32>
      %swap3A_241 = vector.shape_cast %broadcast_in_dim3A_14 : vector<16xf32> to vector<16xf32>
      tpu.vector_store %arg14[%swap3A], %swap3A_241 {strides = array<i32>} : memref<128xf32, #tpu.memory_space<vmem>>, vector<16xf32>,
    }
    %scan3A_19 = arith.constant 8 : i32
    %mul3A_20 = arith.constant 128 : i32
    %mul3A_21 = arith.muli %arg1, %mul3A_20 : i32
    %dma_start3A = arith.constant 0 : i32
    %dma_start3A_22 = tpu.memref_slice %arg15[%mul3A_21, %dma_start3A] : memref<2048x128xf32, #tpu.memory_space<vmem_shared>> -> memref<128x128xf32, #tpu.memory_space<vmem_shared>>
    %dma_start3A_23 = arith.constant 0 : i32
    %dma_start3A_24 = tpu.memref_slice %arg15[%mul3A_21, %dma_start3A_23] : memref<2048x128xf32, #tpu.memory_space<vmem_shared>> -> memref<128x128xf32, #tpu.memory_space<vmem_shared>>
    tpu.enqueue_dma source(%arg11 : memref<128x128xf32, #tpu.memory_space<vmem>>) target(%dma_start3A_24 : memref<128x128xf32, #tpu.memory_space<vmem_shared>>) target_semaphore(%arg19 : memref<!tpu.dma_semaphore, #tpu.memory_space<semaphore_mem>>)
    %mul3A_25 = arith.constant 640 : i32
    %mul3A_26 = arith.muli %arg1, %mul3A_25 : i32
    %add3A_27 = arith.constant 0 : i32
    %add3A_28 = arith.addi %mul3A_26, %add3A_27 : i32
    %dma_start3A_29 = tpu.memref_slice %arg16[%add3A_28] : memref<10240xf32, #tpu.memory_space<vmem_shared>> -> memref<128xf32, #tpu.memory_space<vmem_shared>>
    %dma_start3A_30 = tpu.memref_slice %arg16[%add3A_28] : memref<10240xf32, #tpu.memory_space<vmem_shared>> -> memref<128xf32, #tpu.memory_space<vmem_shared>>
    tpu.enqueue_dma source(%arg14 : memref<128xf32, #tpu.memory_space<vmem>>) target(%dma_start3A_30 : memref<128xf32, #tpu.memory_space<vmem_shared>>) target_semaphore(%arg21 : memref<!tpu.dma_semaphore, #tpu.memory_space<semaphore_mem>>)
    %mul3A_31 = arith.constant 640 : i32
    %mul3A_32 = arith.muli %arg1, %mul3A_31 : i32
    %add3A_33 = arith.constant 128 : i32
    %add3A_34 = arith.addi %mul3A_32, %add3A_33 : i32
    %dma_start3A_35 = tpu.memref_slice %arg16[%add3A_34] : memref<10240xf32, #tpu.memory_space<vmem_shared>> -> memref<128xf32, #tpu.memory_space<vmem_shared>>
    %dma_start3A_36 = tpu.memref_slice %arg16[%add3A_34] : memref<10240xf32, #tpu.memory_space<vmem_shared>> -> memref<128xf32, #tpu.memory_space<vmem_shared>>
    tpu.enqueue_dma source(%arg14 : memref<128xf32, #tpu.memory_space<vmem>>) target(%dma_start3A_36 : memref<128xf32, #tpu.memory_space<vmem_shared>>) target_semaphore(%arg21 : memref<!tpu.dma_semaphore, #tpu.memory_space<semaphore_mem>>)
    %mul3A_37 = arith.constant 640 : i32
    %mul3A_38 = arith.muli %arg1, %mul3A_37 : i32
    %add3A_39 = arith.constant 256 : i32
    %add3A_40 = arith.addi %mul3A_38, %add3A_39 : i32
    %dma_start3A_41 = tpu.memref_slice %arg16[%add3A_40] : memref<10240xf32, #tpu.memory_space<vmem_shared>> -> memref<128xf32, #tpu.memory_space<vmem_shared>>
    %dma_start3A_42 = tpu.memref_slice %arg16[%add3A_40] : memref<10240xf32, #tpu.memory_space<vmem_shared>> -> memref<128xf32, #tpu.memory_space<vmem_shared>>
    tpu.enqueue_dma source(%arg14 : memref<128xf32, #tpu.memory_space<vmem>>) target(%dma_start3A_42 : memref<128xf32, #tpu.memory_space<vmem_shared>>) target_semaphore(%arg21 : memref<!tpu.dma_semaphore, #tpu.memory_space<semaphore_mem>>)
    %mul3A_43 = arith.constant 640 : i32
    %mul3A_44 = arith.muli %arg1, %mul3A_43 : i32
    %add3A_45 = arith.constant 384 : i32
    %add3A_46 = arith.addi %mul3A_44, %add3A_45 : i32
    %dma_start3A_47 = tpu.memref_slice %arg16[%add3A_46] : memref<10240xf32, #tpu.memory_space<vmem_shared>> -> memref<128xf32, #tpu.memory_space<vmem_shared>>
    %dma_start3A_48 = tpu.memref_slice %arg16[%add3A_46] : memref<10240xf32, #tpu.memory_space<vmem_shared>> -> memref<128xf32, #tpu.memory_space<vmem_shared>>
    tpu.enqueue_dma source(%arg14 : memref<128xf32, #tpu.memory_space<vmem>>) target(%dma_start3A_48 : memref<128xf32, #tpu.memory_space<vmem_shared>>) target_semaphore(%arg21 : memref<!tpu.dma_semaphore, #tpu.memory_space<semaphore_mem>>)
    %mul3A_49 = arith.constant 640 : i32
    %mul3A_50 = arith.muli %arg1, %mul3A_49 : i32
    %add3A_51 = arith.constant 512 : i32
    %add3A_52 = arith.addi %mul3A_50, %add3A_51 : i32
    %dma_start3A_53 = tpu.memref_slice %arg16[%add3A_52] : memref<10240xf32, #tpu.memory_space<vmem_shared>> -> memref<128xf32, #tpu.memory_space<vmem_shared>>
    %dma_start3A_54 = tpu.memref_slice %arg16[%add3A_52] : memref<10240xf32, #tpu.memory_space<vmem_shared>> -> memref<128xf32, #tpu.memory_space<vmem_shared>>
    tpu.enqueue_dma source(%arg14 : memref<128xf32, #tpu.memory_space<vmem>>) target(%dma_start3A_54 : memref<128xf32, #tpu.memory_space<vmem_shared>>) target_semaphore(%arg21 : memref<!tpu.dma_semaphore, #tpu.memory_space<semaphore_mem>>)
    "tpu.region"() ({
      %run_scoped3A = tpu.sem_alloc : memref<!tpu.dma_semaphore, #tpu.memory_space<semaphore_mem>>
      %dma_start3A_232 = arith.constant 0 : i32
      %dma_start3A_233 = arith.constant 0 : i32
      %dma_start3A_234 = tpu.memref_slice %arg3[%add3A, %dma_start3A_232, %dma_start3A_233] : memref<32x26x128xi32, #tpu.memory_space<hbm>> -> memref<1x26x128xi32, #tpu.memory_space<hbm>>
      %dma_start3A_235 = tpu.memref_squeeze %dma_start3A_234 : memref<1x26x128xi32, #tpu.memory_space<hbm>> -> memref<26x128xi32, #tpu.memory_space<hbm>>
      %dma_start3A_236 = arith.constant 0 : i32
      %dma_start3A_237 = arith.constant 0 : i32
      %dma_start3A_238 = tpu.memref_slice %arg3[%add3A, %dma_start3A_236, %dma_start3A_237] : memref<32x26x128xi32, #tpu.memory_space<hbm>> -> memref<1x26x128xi32, #tpu.memory_space<hbm>>
      %dma_start3A_239 = tpu.memref_squeeze %dma_start3A_238 : memref<1x26x128xi32, #tpu.memory_space<hbm>> -> memref<26x128xi32, #tpu.memory_space<hbm>>
      tpu.enqueue_dma source(%dma_start3A_239 : memref<26x128xi32, #tpu.memory_space<hbm>>) target(%arg8 : memref<26x128xi32, #tpu.memory_space<vmem>>) target_semaphore(%run_scoped3A : memref<!tpu.dma_semaphore, #tpu.memory_space<semaphore_mem>>)
      %dma_wait3A_240 = arith.constant 0 : i32
      %dma_wait3A_241 = arith.constant 0 : i32
      %dma_wait3A_242 = tpu.memref_slice %arg3[%add3A, %dma_wait3A_240, %dma_wait3A_241] : memref<32x26x128xi32, #tpu.memory_space<hbm>> -> memref<1x26x128xi32, #tpu.memory_space<hbm>>
      %dma_wait3A_243 = tpu.memref_squeeze %dma_wait3A_242 : memref<1x26x128xi32, #tpu.memory_space<hbm>> -> memref<26x128xi32, #tpu.memory_space<hbm>>
      %dma_wait3A_244 = arith.constant 0 : i32
      %dma_wait3A_245 = arith.constant 0 : i32
      %dma_wait3A_246 = tpu.memref_slice %arg3[%add3A, %dma_wait3A_244, %dma_wait3A_245] : memref<32x26x128xi32, #tpu.memory_space<hbm>> -> memref<1x26x128xi32, #tpu.memory_space<hbm>>
      %dma_wait3A_247 = tpu.memref_squeeze %dma_wait3A_246 : memref<1x26x128xi32, #tpu.memory_space<hbm>> -> memref<26x128xi32, #tpu.memory_space<hbm>>
      tpu.wait_dma2 semaphore(%run_scoped3A : memref<!tpu.dma_semaphore, #tpu.memory_space<semaphore_mem>>) src(%dma_wait3A_247 : memref<26x128xi32, #tpu.memory_space<hbm>>) dst(%arg8 : memref<26x128xi32, #tpu.memory_space<vmem>>)
      tpu.yield
    }) : () -> ()
    "tpu.region"() ({
      %run_scoped3A = tpu.sem_alloc : memref<!tpu.dma_semaphore, #tpu.memory_space<semaphore_mem>>
      %dma_start3A_232 = arith.constant 0 : i32
      %dma_start3A_233 = arith.constant 0 : i32
      %dma_start3A_234 = tpu.memref_slice %arg4[%add3A, %dma_start3A_232, %dma_start3A_233] : memref<32x26x128xi32, #tpu.memory_space<hbm>> -> memref<1x26x128xi32, #tpu.memory_space<hbm>>
      %dma_start3A_235 = tpu.memref_squeeze %dma_start3A_234 : memref<1x26x128xi32, #tpu.memory_space<hbm>> -> memref<26x128xi32, #tpu.memory_space<hbm>>
      %dma_start3A_236 = arith.constant 0 : i32
      %dma_start3A_237 = arith.constant 0 : i32
      %dma_start3A_238 = tpu.memref_slice %arg4[%add3A, %dma_start3A_236, %dma_start3A_237] : memref<32x26x128xi32, #tpu.memory_space<hbm>> -> memref<1x26x128xi32, #tpu.memory_space<hbm>>
      %dma_start3A_239 = tpu.memref_squeeze %dma_start3A_238 : memref<1x26x128xi32, #tpu.memory_space<hbm>> -> memref<26x128xi32, #tpu.memory_space<hbm>>
      tpu.enqueue_dma source(%dma_start3A_239 : memref<26x128xi32, #tpu.memory_space<hbm>>) target(%arg9 : memref<26x128xi32, #tpu.memory_space<vmem>>) target_semaphore(%run_scoped3A : memref<!tpu.dma_semaphore, #tpu.memory_space<semaphore_mem>>)
      %dma_wait3A_240 = arith.constant 0 : i32
      %dma_wait3A_241 = arith.constant 0 : i32
      %dma_wait3A_242 = tpu.memref_slice %arg4[%add3A, %dma_wait3A_240, %dma_wait3A_241] : memref<32x26x128xi32, #tpu.memory_space<hbm>> -> memref<1x26x128xi32, #tpu.memory_space<hbm>>
      %dma_wait3A_243 = tpu.memref_squeeze %dma_wait3A_242 : memref<1x26x128xi32, #tpu.memory_space<hbm>> -> memref<26x128xi32, #tpu.memory_space<hbm>>
      %dma_wait3A_244 = arith.constant 0 : i32
      %dma_wait3A_245 = arith.constant 0 : i32
      %dma_wait3A_246 = tpu.memref_slice %arg4[%add3A, %dma_wait3A_244, %dma_wait3A_245] : memref<32x26x128xi32, #tpu.memory_space<hbm>> -> memref<1x26x128xi32, #tpu.memory_space<hbm>>
      %dma_wait3A_247 = tpu.memref_squeeze %dma_wait3A_246 : memref<1x26x128xi32, #tpu.memory_space<hbm>> -> memref<26x128xi32, #tpu.memory_space<hbm>>
      tpu.wait_dma2 semaphore(%run_scoped3A : memref<!tpu.dma_semaphore, #tpu.memory_space<semaphore_mem>>) src(%dma_wait3A_247 : memref<26x128xi32, #tpu.memory_space<hbm>>) dst(%arg9 : memref<26x128xi32, #tpu.memory_space<vmem>>)
      tpu.yield
    }) : () -> ()
    "tpu.region"() ({
      %run_scoped3A = tpu.sem_alloc : memref<!tpu.dma_semaphore, #tpu.memory_space<semaphore_mem>>
      %dma_start3A_232 = arith.constant 0 : i32
      %dma_start3A_233 = arith.constant 0 : i32
      %dma_start3A_234 = tpu.memref_slice %arg5[%add3A, %dma_start3A_232, %dma_start3A_233] : memref<32x80x128xi32, #tpu.memory_space<hbm>> -> memref<1x80x128xi32, #tpu.memory_space<hbm>>
      %dma_start3A_235 = tpu.memref_squeeze %dma_start3A_234 : memref<1x80x128xi32, #tpu.memory_space<hbm>> -> memref<80x128xi32, #tpu.memory_space<hbm>>
      %dma_start3A_236 = arith.constant 0 : i32
      %dma_start3A_237 = arith.constant 0 : i32
      %dma_start3A_238 = tpu.memref_slice %arg5[%add3A, %dma_start3A_236, %dma_start3A_237] : memref<32x80x128xi32, #tpu.memory_space<hbm>> -> memref<1x80x128xi32, #tpu.memory_space<hbm>>
      %dma_start3A_239 = tpu.memref_squeeze %dma_start3A_238 : memref<1x80x128xi32, #tpu.memory_space<hbm>> -> memref<80x128xi32, #tpu.memory_space<hbm>>
      tpu.enqueue_dma source(%dma_start3A_239 : memref<80x128xi32, #tpu.memory_space<hbm>>) target(%arg10 : memref<80x128xi32, #tpu.memory_space<vmem>>) target_semaphore(%run_scoped3A : memref<!tpu.dma_semaphore, #tpu.memory_space<semaphore_mem>>)
      %dma_wait3A_240 = arith.constant 0 : i32
      %dma_wait3A_241 = arith.constant 0 : i32
      %dma_wait3A_242 = tpu.memref_slice %arg5[%add3A, %dma_wait3A_240, %dma_wait3A_241] : memref<32x80x128xi32, #tpu.memory_space<hbm>> -> memref<1x80x128xi32, #tpu.memory_space<hbm>>
      %dma_wait3A_243 = tpu.memref_squeeze %dma_wait3A_242 : memref<1x80x128xi32, #tpu.memory_space<hbm>> -> memref<80x128xi32, #tpu.memory_space<hbm>>
      %dma_wait3A_244 = arith.constant 0 : i32
      %dma_wait3A_245 = arith.constant 0 : i32
      %dma_wait3A_246 = tpu.memref_slice %arg5[%add3A, %dma_wait3A_244, %dma_wait3A_245] : memref<32x80x128xi32, #tpu.memory_space<hbm>> -> memref<1x80x128xi32, #tpu.memory_space<hbm>>
      %dma_wait3A_247 = tpu.memref_squeeze %dma_wait3A_246 : memref<1x80x128xi32, #tpu.memory_space<hbm>> -> memref<80x128xi32, #tpu.memory_space<hbm>>
      tpu.wait_dma2 semaphore(%run_scoped3A : memref<!tpu.dma_semaphore, #tpu.memory_space<semaphore_mem>>) src(%dma_wait3A_247 : memref<80x128xi32, #tpu.memory_space<hbm>>) dst(%arg10 : memref<80x128xi32, #tpu.memory_space<vmem>>)
      tpu.yield
    }) : () -> ()
    %mul3A_55 = arith.constant 128 : i32
    %mul3A_56 = arith.muli %arg1, %mul3A_55 : i32
    %dma_wait3A = arith.constant 0 : i32
    %dma_wait3A_57 = tpu.memref_slice %arg15[%mul3A_56, %dma_wait3A] : memref<2048x128xf32, #tpu.memory_space<vmem_shared>> -> memref<128x128xf32, #tpu.memory_space<vmem_shared>>
    %dma_wait3A_58 = arith.constant 0 : i32
    %dma_wait3A_59 = tpu.memref_slice %arg15[%mul3A_56, %dma_wait3A_58] : memref<2048x128xf32, #tpu.memory_space<vmem_shared>> -> memref<128x128xf32, #tpu.memory_space<vmem_shared>>
    tpu.wait_dma2 semaphore(%arg19 : memref<!tpu.dma_semaphore, #tpu.memory_space<semaphore_mem>>) src(%arg11 : memref<128x128xf32, #tpu.memory_space<vmem>>) dst(%dma_wait3A_59 : memref<128x128xf32, #tpu.memory_space<vmem_shared>>)
    %mul3A_60 = arith.constant 640 : i32
    %mul3A_61 = arith.muli %arg1, %mul3A_60 : i32
    %add3A_62 = arith.constant 0 : i32
    %add3A_63 = arith.addi %mul3A_61, %add3A_62 : i32
    %dma_wait3A_64 = tpu.memref_slice %arg16[%add3A_63] : memref<10240xf32, #tpu.memory_space<vmem_shared>> -> memref<128xf32, #tpu.memory_space<vmem_shared>>
    %dma_wait3A_65 = tpu.memref_slice %arg16[%add3A_63] : memref<10240xf32, #tpu.memory_space<vmem_shared>> -> memref<128xf32, #tpu.memory_space<vmem_shared>>
    tpu.wait_dma2 semaphore(%arg21 : memref<!tpu.dma_semaphore, #tpu.memory_space<semaphore_mem>>) src(%arg14 : memref<128xf32, #tpu.memory_space<vmem>>) dst(%dma_wait3A_65 : memref<128xf32, #tpu.memory_space<vmem_shared>>)
    %mul3A_66 = arith.constant 640 : i32
    %mul3A_67 = arith.muli %arg1, %mul3A_66 : i32
    %add3A_68 = arith.constant 128 : i32
    %add3A_69 = arith.addi %mul3A_67, %add3A_68 : i32
    %dma_wait3A_70 = tpu.memref_slice %arg16[%add3A_69] : memref<10240xf32, #tpu.memory_space<vmem_shared>> -> memref<128xf32, #tpu.memory_space<vmem_shared>>
    %dma_wait3A_71 = tpu.memref_slice %arg16[%add3A_69] : memref<10240xf32, #tpu.memory_space<vmem_shared>> -> memref<128xf32, #tpu.memory_space<vmem_shared>>
    tpu.wait_dma2 semaphore(%arg21 : memref<!tpu.dma_semaphore, #tpu.memory_space<semaphore_mem>>) src(%arg14 : memref<128xf32, #tpu.memory_space<vmem>>) dst(%dma_wait3A_71 : memref<128xf32, #tpu.memory_space<vmem_shared>>)
    %mul3A_72 = arith.constant 640 : i32
    %mul3A_73 = arith.muli %arg1, %mul3A_72 : i32
    %add3A_74 = arith.constant 256 : i32
    %add3A_75 = arith.addi %mul3A_73, %add3A_74 : i32
    %dma_wait3A_76 = tpu.memref_slice %arg16[%add3A_75] : memref<10240xf32, #tpu.memory_space<vmem_shared>> -> memref<128xf32, #tpu.memory_space<vmem_shared>>
    %dma_wait3A_77 = tpu.memref_slice %arg16[%add3A_75] : memref<10240xf32, #tpu.memory_space<vmem_shared>> -> memref<128xf32, #tpu.memory_space<vmem_shared>>
    tpu.wait_dma2 semaphore(%arg21 : memref<!tpu.dma_semaphore, #tpu.memory_space<semaphore_mem>>) src(%arg14 : memref<128xf32, #tpu.memory_space<vmem>>) dst(%dma_wait3A_77 : memref<128xf32, #tpu.memory_space<vmem_shared>>)
    %mul3A_78 = arith.constant 640 : i32
    %mul3A_79 = arith.muli %arg1, %mul3A_78 : i32
    %add3A_80 = arith.constant 384 : i32
    %add3A_81 = arith.addi %mul3A_79, %add3A_80 : i32
    %dma_wait3A_82 = tpu.memref_slice %arg16[%add3A_81] : memref<10240xf32, #tpu.memory_space<vmem_shared>> -> memref<128xf32, #tpu.memory_space<vmem_shared>>
    %dma_wait3A_83 = tpu.memref_slice %arg16[%add3A_81] : memref<10240xf32, #tpu.memory_space<vmem_shared>> -> memref<128xf32, #tpu.memory_space<vmem_shared>>
    tpu.wait_dma2 semaphore(%arg21 : memref<!tpu.dma_semaphore, #tpu.memory_space<semaphore_mem>>) src(%arg14 : memref<128xf32, #tpu.memory_space<vmem>>) dst(%dma_wait3A_83 : memref<128xf32, #tpu.memory_space<vmem_shared>>)
    %mul3A_84 = arith.constant 640 : i32
    %mul3A_85 = arith.muli %arg1, %mul3A_84 : i32
    %add3A_86 = arith.constant 512 : i32
    %add3A_87 = arith.addi %mul3A_85, %add3A_86 : i32
    %dma_wait3A_88 = tpu.memref_slice %arg16[%add3A_87] : memref<10240xf32, #tpu.memory_space<vmem_shared>> -> memref<128xf32, #tpu.memory_space<vmem_shared>>
    %dma_wait3A_89 = tpu.memref_slice %arg16[%add3A_87] : memref<10240xf32, #tpu.memory_space<vmem_shared>> -> memref<128xf32, #tpu.memory_space<vmem_shared>>
    tpu.wait_dma2 semaphore(%arg21 : memref<!tpu.dma_semaphore, #tpu.memory_space<semaphore_mem>>) src(%arg14 : memref<128xf32, #tpu.memory_space<vmem>>) dst(%dma_wait3A_89 : memref<128xf32, #tpu.memory_space<vmem_shared>>)
    %barrier3A = arith.constant 0 : index
    tpu.barrier barrier_id(%barrier3A)
    %dma_start3A_90 = arith.constant 0 : i32
    %dma_start3A_91 = arith.constant 0 : i32
    %dma_start3A_92 = tpu.memref_slice %arg8[%dma_start3A_90, %dma_start3A_91] : memref<26x128xi32, #tpu.memory_space<vmem>> -> memref<1x128xi32, #tpu.memory_space<vmem>>
    %dma_start3A_93 = tpu.memref_squeeze %dma_start3A_92 : memref<1x128xi32, #tpu.memory_space<vmem>> -> memref<128xi32, #tpu.memory_space<vmem>>
    %dma_start3A_94 = arith.constant 0 : i32
    %dma_start3A_95 = arith.constant 0 : i32
    %dma_start3A_96 = tpu.memref_slice %arg2[%dma_start3A_94, %dma_start3A_95] : memref<10240x128xf32, #tpu.memory_space<hbm>> -> memref<10240x128xf32, #tpu.memory_space<hbm>>
    tpu.enqueue_indirect_dma source(%dma_start3A_96 : memref<10240x128xf32, #tpu.memory_space<hbm>>) target(%arg11 : memref<128x128xf32, #tpu.memory_space<vmem>>) offsets(%dma_start3A_93 : memref<128xi32, #tpu.memory_space<vmem>>) semaphore(%arg17 : memref<!tpu.dma_semaphore, #tpu.memory_space<semaphore_mem>>)
    %dma_start3A_97 = arith.constant 1 : i32
    %dma_start3A_98 = arith.constant 0 : i32
    %dma_start3A_99 = tpu.memref_slice %arg8[%dma_start3A_97, %dma_start3A_98] : memref<26x128xi32, #tpu.memory_space<vmem>> -> memref<1x128xi32, #tpu.memory_space<vmem>>
    %dma_start3A_100 = tpu.memref_squeeze %dma_start3A_99 : memref<1x128xi32, #tpu.memory_space<vmem>> -> memref<128xi32, #tpu.memory_space<vmem>>
    %dma_start3A_101 = arith.constant 0 : i32
    %dma_start3A_102 = arith.constant 0 : i32
    %dma_start3A_103 = tpu.memref_slice %arg2[%dma_start3A_101, %dma_start3A_102] : memref<10240x128xf32, #tpu.memory_space<hbm>> -> memref<10240x128xf32, #tpu.memory_space<hbm>>
    tpu.enqueue_indirect_dma source(%dma_start3A_103 : memref<10240x128xf32, #tpu.memory_space<hbm>>) target(%arg12 : memref<128x128xf32, #tpu.memory_space<vmem>>) offsets(%dma_start3A_100 : memref<128xi32, #tpu.memory_space<vmem>>) semaphore(%arg18 : memref<!tpu.dma_semaphore, #tpu.memory_space<semaphore_mem>>)
    %scan3A_104 = arith.constant 0 : i32
    %scan3A_105 = arith.constant 13 : i32
    %scan3A_106 = arith.addi %scan3A_104, %scan3A_105 : i32
    %scan3A_107 = arith.constant 1 : i32
    scf.for %scan3A_232 = %scan3A_104 to %scan3A_106 step %scan3A_107  : i32 {
      %mul3A_233 = arith.constant 2 : i32
      %mul3A_234 = arith.muli %scan3A_232, %mul3A_233 : i32
      %add3A_235 = arith.constant 0 : i32
      %add3A_236 = arith.addi %add3A_235, %mul3A_234 : i32
      %dma_wait3A_237 = arith.constant 0 : i32
      %dma_wait3A_238 = arith.constant 0 : i32
      %dma_wait3A_239 = tpu.memref_slice %arg2[%dma_wait3A_237, %dma_wait3A_238] : memref<10240x128xf32, #tpu.memory_space<hbm>> -> memref<128x128xf32, #tpu.memory_space<hbm>>
      %dma_wait3A_240 = arith.constant 0 : i32
      %dma_wait3A_241 = arith.constant 0 : i32
      %dma_wait3A_242 = tpu.memref_slice %arg2[%dma_wait3A_240, %dma_wait3A_241] : memref<10240x128xf32, #tpu.memory_space<hbm>> -> memref<128x128xf32, #tpu.memory_space<hbm>>
      tpu.wait_dma2 semaphore(%arg17 : memref<!tpu.dma_semaphore, #tpu.memory_space<semaphore_mem>>) src(%dma_wait3A_242 : memref<128x128xf32, #tpu.memory_space<hbm>>) dst(%arg11 : memref<128x128xf32, #tpu.memory_space<vmem>>)
      %dma_start3A_243 = arith.constant 0 : i32
      %dma_start3A_244 = tpu.memref_slice %arg9[%add3A_236, %dma_start3A_243] : memref<26x128xi32, #tpu.memory_space<vmem>> -> memref<1x128xi32, #tpu.memory_space<vmem>>
      %dma_start3A_245 = tpu.memref_squeeze %dma_start3A_244 : memref<1x128xi32, #tpu.memory_space<vmem>> -> memref<128xi32, #tpu.memory_space<vmem>>
      %dma_start3A_246 = arith.constant 0 : i32
      %dma_start3A_247 = arith.constant 0 : i32
      %dma_start3A_248 = tpu.memref_slice %arg15[%dma_start3A_246, %dma_start3A_247] : memref<2048x128xf32, #tpu.memory_space<vmem_shared>> -> memref<2048x128xf32, #tpu.memory_space<vmem_shared>>
      tpu.enqueue_indirect_dma source(%arg11 : memref<128x128xf32, #tpu.memory_space<vmem>>) target(%dma_start3A_248 : memref<2048x128xf32, #tpu.memory_space<vmem_shared>>) offsets(%dma_start3A_245 : memref<128xi32, #tpu.memory_space<vmem>>) semaphore(%arg19 : memref<!tpu.dma_semaphore, #tpu.memory_space<semaphore_mem>>) {add = true}
      %dma_wait3A_249 = arith.constant 0 : i32
      %dma_wait3A_250 = arith.constant 0 : i32
      %dma_wait3A_251 = tpu.memref_slice %arg2[%dma_wait3A_249, %dma_wait3A_250] : memref<10240x128xf32, #tpu.memory_space<hbm>> -> memref<128x128xf32, #tpu.memory_space<hbm>>
      %dma_wait3A_252 = arith.constant 0 : i32
      %dma_wait3A_253 = arith.constant 0 : i32
      %dma_wait3A_254 = tpu.memref_slice %arg2[%dma_wait3A_252, %dma_wait3A_253] : memref<10240x128xf32, #tpu.memory_space<hbm>> -> memref<128x128xf32, #tpu.memory_space<hbm>>
      tpu.wait_dma2 semaphore(%arg18 : memref<!tpu.dma_semaphore, #tpu.memory_space<semaphore_mem>>) src(%dma_wait3A_254 : memref<128x128xf32, #tpu.memory_space<hbm>>) dst(%arg12 : memref<128x128xf32, #tpu.memory_space<vmem>>)
      %add3A_255 = arith.constant 1 : i32
      %add3A_256 = arith.addi %add3A_236, %add3A_255 : i32
      %dma_start3A_257 = arith.constant 0 : i32
      %dma_start3A_258 = tpu.memref_slice %arg9[%add3A_256, %dma_start3A_257] : memref<26x128xi32, #tpu.memory_space<vmem>> -> memref<1x128xi32, #tpu.memory_space<vmem>>
      %dma_start3A_259 = tpu.memref_squeeze %dma_start3A_258 : memref<1x128xi32, #tpu.memory_space<vmem>> -> memref<128xi32, #tpu.memory_space<vmem>>
      %dma_start3A_260 = arith.constant 0 : i32
      %dma_start3A_261 = arith.constant 0 : i32
      %dma_start3A_262 = tpu.memref_slice %arg15[%dma_start3A_260, %dma_start3A_261] : memref<2048x128xf32, #tpu.memory_space<vmem_shared>> -> memref<2048x128xf32, #tpu.memory_space<vmem_shared>>
      tpu.enqueue_indirect_dma source(%arg12 : memref<128x128xf32, #tpu.memory_space<vmem>>) target(%dma_start3A_262 : memref<2048x128xf32, #tpu.memory_space<vmem_shared>>) offsets(%dma_start3A_259 : memref<128xi32, #tpu.memory_space<vmem>>) semaphore(%arg20 : memref<!tpu.dma_semaphore, #tpu.memory_space<semaphore_mem>>) {add = true}
      %dma_wait3A_263 = arith.constant 0 : i32
      %dma_wait3A_264 = arith.constant 0 : i32
      %dma_wait3A_265 = tpu.memref_slice %arg15[%dma_wait3A_263, %dma_wait3A_264] : memref<2048x128xf32, #tpu.memory_space<vmem_shared>> -> memref<128x128xf32, #tpu.memory_space<vmem_shared>>
      %dma_wait3A_266 = arith.constant 0 : i32
      %dma_wait3A_267 = arith.constant 0 : i32
      %dma_wait3A_268 = tpu.memref_slice %arg15[%dma_wait3A_266, %dma_wait3A_267] : memref<2048x128xf32, #tpu.memory_space<vmem_shared>> -> memref<128x128xf32, #tpu.memory_space<vmem_shared>>
      tpu.wait_dma2 semaphore(%arg19 : memref<!tpu.dma_semaphore, #tpu.memory_space<semaphore_mem>>) src(%arg11 : memref<128x128xf32, #tpu.memory_space<vmem>>) dst(%dma_wait3A_268 : memref<128x128xf32, #tpu.memory_space<vmem_shared>>)
      %add3A_269 = arith.constant 2 : i32
      %add3A_270 = arith.addi %add3A_236, %add3A_269 : i32
      %lt3A = arith.constant 26 : i32
      %lt3A_271 = arith.cmpi slt, %add3A_270, %lt3A : i32
      %convert_element_type3A = arith.extui %lt3A_271 : i1 to i32
      %cond3A = arith.constant 0 : i32
      %cond3A_272 = arith.cmpi ne, %convert_element_type3A, %cond3A : i32
      scf.if %cond3A_272 {
        %add3A_286 = arith.constant 2 : i32
        %add3A_287 = arith.addi %add3A_236, %add3A_286 : i32
        %dma_start3A_288 = arith.constant 0 : i32
        %dma_start3A_289 = tpu.memref_slice %arg8[%add3A_287, %dma_start3A_288] : memref<26x128xi32, #tpu.memory_space<vmem>> -> memref<1x128xi32, #tpu.memory_space<vmem>>
        %dma_start3A_290 = tpu.memref_squeeze %dma_start3A_289 : memref<1x128xi32, #tpu.memory_space<vmem>> -> memref<128xi32, #tpu.memory_space<vmem>>
        %dma_start3A_291 = arith.constant 0 : i32
        %dma_start3A_292 = arith.constant 0 : i32
        %dma_start3A_293 = tpu.memref_slice %arg2[%dma_start3A_291, %dma_start3A_292] : memref<10240x128xf32, #tpu.memory_space<hbm>> -> memref<10240x128xf32, #tpu.memory_space<hbm>>
        tpu.enqueue_indirect_dma source(%dma_start3A_293 : memref<10240x128xf32, #tpu.memory_space<hbm>>) target(%arg11 : memref<128x128xf32, #tpu.memory_space<vmem>>) offsets(%dma_start3A_290 : memref<128xi32, #tpu.memory_space<vmem>>) semaphore(%arg17 : memref<!tpu.dma_semaphore, #tpu.memory_space<semaphore_mem>>)
      } else {
      }
      %dma_wait3A_273 = arith.constant 0 : i32
      %dma_wait3A_274 = arith.constant 0 : i32
      %dma_wait3A_275 = tpu.memref_slice %arg15[%dma_wait3A_273, %dma_wait3A_274] : memref<2048x128xf32, #tpu.memory_space<vmem_shared>> -> memref<128x128xf32, #tpu.memory_space<vmem_shared>>
      %dma_wait3A_276 = arith.constant 0 : i32
      %dma_wait3A_277 = arith.constant 0 : i32
      %dma_wait3A_278 = tpu.memref_slice %arg15[%dma_wait3A_276, %dma_wait3A_277] : memref<2048x128xf32, #tpu.memory_space<vmem_shared>> -> memref<128x128xf32, #tpu.memory_space<vmem_shared>>
      tpu.wait_dma2 semaphore(%arg20 : memref<!tpu.dma_semaphore, #tpu.memory_space<semaphore_mem>>) src(%arg12 : memref<128x128xf32, #tpu.memory_space<vmem>>) dst(%dma_wait3A_278 : memref<128x128xf32, #tpu.memory_space<vmem_shared>>)
      %add3A_279 = arith.constant 3 : i32
      %add3A_280 = arith.addi %add3A_236, %add3A_279 : i32
      %lt3A_281 = arith.constant 26 : i32
      %lt3A_282 = arith.cmpi slt, %add3A_280, %lt3A_281 : i32
      %convert_element_type3A_283 = arith.extui %lt3A_282 : i1 to i32
      %cond3A_284 = arith.constant 0 : i32
      %cond3A_285 = arith.cmpi ne, %convert_element_type3A_283, %cond3A_284 : i32
      scf.if %cond3A_285 {
        %add3A_286 = arith.constant 3 : i32
        %add3A_287 = arith.addi %add3A_236, %add3A_286 : i32
        %dma_start3A_288 = arith.constant 0 : i32
        %dma_start3A_289 = tpu.memref_slice %arg8[%add3A_287, %dma_start3A_288] : memref<26x128xi32, #tpu.memory_space<vmem>> -> memref<1x128xi32, #tpu.memory_space<vmem>>
        %dma_start3A_290 = tpu.memref_squeeze %dma_start3A_289 : memref<1x128xi32, #tpu.memory_space<vmem>> -> memref<128xi32, #tpu.memory_space<vmem>>
        %dma_start3A_291 = arith.constant 0 : i32
        %dma_start3A_292 = arith.constant 0 : i32
        %dma_start3A_293 = tpu.memref_slice %arg2[%dma_start3A_291, %dma_start3A_292] : memref<10240x128xf32, #tpu.memory_space<hbm>> -> memref<10240x128xf32, #tpu.memory_space<hbm>>
        tpu.enqueue_indirect_dma source(%dma_start3A_293 : memref<10240x128xf32, #tpu.memory_space<hbm>>) target(%arg12 : memref<128x128xf32, #tpu.memory_space<vmem>>) offsets(%dma_start3A_290 : memref<128xi32, #tpu.memory_space<vmem>>) semaphore(%arg18 : memref<!tpu.dma_semaphore, #tpu.memory_space<semaphore_mem>>)
      } else {
      }
    }
    %scan3A_108 = arith.constant 13 : i32
    %scan3A_109 = arith.constant 0 : i32
    %scan3A_110 = arith.constant 80 : i32
    %scan3A_111 = arith.addi %scan3A_109, %scan3A_110 : i32
    %scan3A_112 = arith.constant 1 : i32
    scf.for %scan3A_232 = %scan3A_109 to %scan3A_111 step %scan3A_112  : i32 {
      %mul3A_233 = arith.constant 1 : i32
      %mul3A_234 = arith.muli %scan3A_232, %mul3A_233 : i32
      %add3A_235 = arith.constant 0 : i32
      %add3A_236 = arith.addi %add3A_235, %mul3A_234 : i32
      %dma_start3A_237 = arith.constant 0 : i32
      %dma_start3A_238 = tpu.memref_slice %arg10[%add3A_236, %dma_start3A_237] : memref<80x128xi32, #tpu.memory_space<vmem>> -> memref<1x128xi32, #tpu.memory_space<vmem>>
      %dma_start3A_239 = tpu.memref_squeeze %dma_start3A_238 : memref<1x128xi32, #tpu.memory_space<vmem>> -> memref<128xi32, #tpu.memory_space<vmem>>
      %dma_start3A_240 = arith.constant 0 : i32
      %dma_start3A_241 = tpu.memref_slice %arg16[%dma_start3A_240] : memref<10240xf32, #tpu.memory_space<vmem_shared>> -> memref<10240xf32, #tpu.memory_space<vmem_shared>>
      tpu.enqueue_indirect_dma source(%arg13 : memref<128xf32, #tpu.memory_space<vmem>>) target(%dma_start3A_241 : memref<10240xf32, #tpu.memory_space<vmem_shared>>) offsets(%dma_start3A_239 : memref<128xi32, #tpu.memory_space<vmem>>) semaphore(%arg21 : memref<!tpu.dma_semaphore, #tpu.memory_space<semaphore_mem>>) {add = true}
    }
    %scan3A_113 = arith.constant 80 : i32
    %scan3A_114 = arith.constant 0 : i32
    %scan3A_115 = arith.constant 80 : i32
    %scan3A_116 = arith.addi %scan3A_114, %scan3A_115 : i32
    %scan3A_117 = arith.constant 1 : i32
    scf.for %scan3A_232 = %scan3A_114 to %scan3A_116 step %scan3A_117  : i32 {
      %mul3A_233 = arith.constant 1 : i32
      %mul3A_234 = arith.muli %scan3A_232, %mul3A_233 : i32
      %add3A_235 = arith.constant 0 : i32
      %add3A_236 = arith.addi %add3A_235, %mul3A_234 : i32
      %dma_wait3A_237 = arith.constant 0 : i32
      %dma_wait3A_238 = tpu.memref_slice %arg16[%dma_wait3A_237] : memref<10240xf32, #tpu.memory_space<vmem_shared>> -> memref<128xf32, #tpu.memory_space<vmem_shared>>
      %dma_wait3A_239 = arith.constant 0 : i32
      %dma_wait3A_240 = tpu.memref_slice %arg16[%dma_wait3A_239] : memref<10240xf32, #tpu.memory_space<vmem_shared>> -> memref<128xf32, #tpu.memory_space<vmem_shared>>
      tpu.wait_dma2 semaphore(%arg21 : memref<!tpu.dma_semaphore, #tpu.memory_space<semaphore_mem>>) src(%arg13 : memref<128xf32, #tpu.memory_space<vmem>>) dst(%dma_wait3A_240 : memref<128xf32, #tpu.memory_space<vmem_shared>>)
    }
    %scan3A_118 = arith.constant 80 : i32
    %barrier3A_119 = arith.constant 0 : index
    tpu.barrier barrier_id(%barrier3A_119)
    %mul3A_120 = arith.constant 128 : i32
    %mul3A_121 = arith.muli %arg1, %mul3A_120 : i32
    %mul3A_122 = arith.constant 2048 : i32
    %mul3A_123 = arith.muli %arg0, %mul3A_122 : i32
    %mul3A_124 = arith.constant 128 : i32
    %mul3A_125 = arith.muli %arg1, %mul3A_124 : i32
    %add3A_126 = arith.addi %mul3A_123, %mul3A_125 : i32
    %dma_start3A_127 = arith.constant 0 : i32
    %dma_start3A_128 = tpu.memref_slice %arg6[%add3A_126, %dma_start3A_127] : memref<4096x128xf32, #tpu.memory_space<hbm>> -> memref<128x128xf32, #tpu.memory_space<hbm>>
    %dma_start3A_129 = arith.constant 0 : i32
    %dma_start3A_130 = tpu.memref_slice %arg15[%mul3A_121, %dma_start3A_129] : memref<2048x128xf32, #tpu.memory_space<vmem_shared>> -> memref<128x128xf32, #tpu.memory_space<vmem_shared>>
    tpu.enqueue_dma source(%dma_start3A_130 : memref<128x128xf32, #tpu.memory_space<vmem_shared>>) target(%dma_start3A_128 : memref<128x128xf32, #tpu.memory_space<hbm>>) target_semaphore(%arg19 : memref<!tpu.dma_semaphore, #tpu.memory_space<semaphore_mem>>)
    %mul3A_131 = arith.constant 640 : i32
    %mul3A_132 = arith.muli %arg1, %mul3A_131 : i32
    %add3A_133 = arith.constant 0 : i32
    %add3A_134 = arith.addi %mul3A_132, %add3A_133 : i32
    %mul3A_135 = arith.constant 10240 : i32
    %mul3A_136 = arith.muli %arg0, %mul3A_135 : i32
    %add3A_137 = arith.addi %mul3A_136, %add3A_134 : i32
    %dma_start3A_138 = tpu.memref_slice %arg7[%add3A_137] : memref<20480xf32, #tpu.memory_space<hbm>> -> memref<128xf32, #tpu.memory_space<hbm>>
    %dma_start3A_139 = tpu.memref_slice %arg16[%add3A_134] : memref<10240xf32, #tpu.memory_space<vmem_shared>> -> memref<128xf32, #tpu.memory_space<vmem_shared>>
    tpu.enqueue_dma source(%dma_start3A_139 : memref<128xf32, #tpu.memory_space<vmem_shared>>) target(%dma_start3A_138 : memref<128xf32, #tpu.memory_space<hbm>>) target_semaphore(%arg21 : memref<!tpu.dma_semaphore, #tpu.memory_space<semaphore_mem>>)
    %mul3A_140 = arith.constant 640 : i32
    %mul3A_141 = arith.muli %arg1, %mul3A_140 : i32
    %add3A_142 = arith.constant 128 : i32
    %add3A_143 = arith.addi %mul3A_141, %add3A_142 : i32
    %mul3A_144 = arith.constant 10240 : i32
    %mul3A_145 = arith.muli %arg0, %mul3A_144 : i32
    %add3A_146 = arith.addi %mul3A_145, %add3A_143 : i32
    %dma_start3A_147 = tpu.memref_slice %arg7[%add3A_146] : memref<20480xf32, #tpu.memory_space<hbm>> -> memref<128xf32, #tpu.memory_space<hbm>>
    %dma_start3A_148 = tpu.memref_slice %arg16[%add3A_143] : memref<10240xf32, #tpu.memory_space<vmem_shared>> -> memref<128xf32, #tpu.memory_space<vmem_shared>>
    tpu.enqueue_dma source(%dma_start3A_148 : memref<128xf32, #tpu.memory_space<vmem_shared>>) target(%dma_start3A_147 : memref<128xf32, #tpu.memory_space<hbm>>) target_semaphore(%arg21 : memref<!tpu.dma_semaphore, #tpu.memory_space<semaphore_mem>>)
    %mul3A_149 = arith.constant 640 : i32
    %mul3A_150 = arith.muli %arg1, %mul3A_149 : i32
    %add3A_151 = arith.constant 256 : i32
    %add3A_152 = arith.addi %mul3A_150, %add3A_151 : i32
    %mul3A_153 = arith.constant 10240 : i32
    %mul3A_154 = arith.muli %arg0, %mul3A_153 : i32
    %add3A_155 = arith.addi %mul3A_154, %add3A_152 : i32
    %dma_start3A_156 = tpu.memref_slice %arg7[%add3A_155] : memref<20480xf32, #tpu.memory_space<hbm>> -> memref<128xf32, #tpu.memory_space<hbm>>
    %dma_start3A_157 = tpu.memref_slice %arg16[%add3A_152] : memref<10240xf32, #tpu.memory_space<vmem_shared>> -> memref<128xf32, #tpu.memory_space<vmem_shared>>
    tpu.enqueue_dma source(%dma_start3A_157 : memref<128xf32, #tpu.memory_space<vmem_shared>>) target(%dma_start3A_156 : memref<128xf32, #tpu.memory_space<hbm>>) target_semaphore(%arg21 : memref<!tpu.dma_semaphore, #tpu.memory_space<semaphore_mem>>)
    %mul3A_158 = arith.constant 640 : i32
    %mul3A_159 = arith.muli %arg1, %mul3A_158 : i32
    %add3A_160 = arith.constant 384 : i32
    %add3A_161 = arith.addi %mul3A_159, %add3A_160 : i32
    %mul3A_162 = arith.constant 10240 : i32
    %mul3A_163 = arith.muli %arg0, %mul3A_162 : i32
    %add3A_164 = arith.addi %mul3A_163, %add3A_161 : i32
    %dma_start3A_165 = tpu.memref_slice %arg7[%add3A_164] : memref<20480xf32, #tpu.memory_space<hbm>> -> memref<128xf32, #tpu.memory_space<hbm>>
    %dma_start3A_166 = tpu.memref_slice %arg16[%add3A_161] : memref<10240xf32, #tpu.memory_space<vmem_shared>> -> memref<128xf32, #tpu.memory_space<vmem_shared>>
    tpu.enqueue_dma source(%dma_start3A_166 : memref<128xf32, #tpu.memory_space<vmem_shared>>) target(%dma_start3A_165 : memref<128xf32, #tpu.memory_space<hbm>>) target_semaphore(%arg21 : memref<!tpu.dma_semaphore, #tpu.memory_space<semaphore_mem>>)
    %mul3A_167 = arith.constant 640 : i32
    %mul3A_168 = arith.muli %arg1, %mul3A_167 : i32
    %add3A_169 = arith.constant 512 : i32
    %add3A_170 = arith.addi %mul3A_168, %add3A_169 : i32
    %mul3A_171 = arith.constant 10240 : i32
    %mul3A_172 = arith.muli %arg0, %mul3A_171 : i32
    %add3A_173 = arith.addi %mul3A_172, %add3A_170 : i32
    %dma_start3A_174 = tpu.memref_slice %arg7[%add3A_173] : memref<20480xf32, #tpu.memory_space<hbm>> -> memref<128xf32, #tpu.memory_space<hbm>>
    %dma_start3A_175 = tpu.memref_slice %arg16[%add3A_170] : memref<10240xf32, #tpu.memory_space<vmem_shared>> -> memref<128xf32, #tpu.memory_space<vmem_shared>>
    tpu.enqueue_dma source(%dma_start3A_175 : memref<128xf32, #tpu.memory_space<vmem_shared>>) target(%dma_start3A_174 : memref<128xf32, #tpu.memory_space<hbm>>) target_semaphore(%arg21 : memref<!tpu.dma_semaphore, #tpu.memory_space<semaphore_mem>>)
    %mul3A_176 = arith.constant 128 : i32
    %mul3A_177 = arith.muli %arg1, %mul3A_176 : i32
    %mul3A_178 = arith.constant 2048 : i32
    %mul3A_179 = arith.muli %arg0, %mul3A_178 : i32
    %mul3A_180 = arith.constant 128 : i32
    %mul3A_181 = arith.muli %arg1, %mul3A_180 : i32
    %add3A_182 = arith.addi %mul3A_179, %mul3A_181 : i32
    %dma_wait3A_183 = arith.constant 0 : i32
    %dma_wait3A_184 = tpu.memref_slice %arg6[%add3A_182, %dma_wait3A_183] : memref<4096x128xf32, #tpu.memory_space<hbm>> -> memref<128x128xf32, #tpu.memory_space<hbm>>
    %dma_wait3A_185 = arith.constant 0 : i32
    %dma_wait3A_186 = tpu.memref_slice %arg15[%mul3A_177, %dma_wait3A_185] : memref<2048x128xf32, #tpu.memory_space<vmem_shared>> -> memref<128x128xf32, #tpu.memory_space<vmem_shared>>
    tpu.wait_dma2 semaphore(%arg19 : memref<!tpu.dma_semaphore, #tpu.memory_space<semaphore_mem>>) src(%dma_wait3A_186 : memref<128x128xf32, #tpu.memory_space<vmem_shared>>) dst(%dma_wait3A_184 : memref<128x128xf32, #tpu.memory_space<hbm>>)
    %mul3A_187 = arith.constant 640 : i32
    %mul3A_188 = arith.muli %arg1, %mul3A_187 : i32
    %add3A_189 = arith.constant 0 : i32
    %add3A_190 = arith.addi %mul3A_188, %add3A_189 : i32
    %mul3A_191 = arith.constant 10240 : i32
    %mul3A_192 = arith.muli %arg0, %mul3A_191 : i32
    %add3A_193 = arith.addi %mul3A_192, %add3A_190 : i32
    %dma_wait3A_194 = tpu.memref_slice %arg7[%add3A_193] : memref<20480xf32, #tpu.memory_space<hbm>> -> memref<128xf32, #tpu.memory_space<hbm>>
    %dma_wait3A_195 = tpu.memref_slice %arg16[%add3A_190] : memref<10240xf32, #tpu.memory_space<vmem_shared>> -> memref<128xf32, #tpu.memory_space<vmem_shared>>
    tpu.wait_dma2 semaphore(%arg21 : memref<!tpu.dma_semaphore, #tpu.memory_space<semaphore_mem>>) src(%dma_wait3A_195 : memref<128xf32, #tpu.memory_space<vmem_shared>>) dst(%dma_wait3A_194 : memref<128xf32, #tpu.memory_space<hbm>>)
    %mul3A_196 = arith.constant 640 : i32
    %mul3A_197 = arith.muli %arg1, %mul3A_196 : i32
    %add3A_198 = arith.constant 128 : i32
    %add3A_199 = arith.addi %mul3A_197, %add3A_198 : i32
    %mul3A_200 = arith.constant 10240 : i32
    %mul3A_201 = arith.muli %arg0, %mul3A_200 : i32
    %add3A_202 = arith.addi %mul3A_201, %add3A_199 : i32
    %dma_wait3A_203 = tpu.memref_slice %arg7[%add3A_202] : memref<20480xf32, #tpu.memory_space<hbm>> -> memref<128xf32, #tpu.memory_space<hbm>>
    %dma_wait3A_204 = tpu.memref_slice %arg16[%add3A_199] : memref<10240xf32, #tpu.memory_space<vmem_shared>> -> memref<128xf32, #tpu.memory_space<vmem_shared>>
    tpu.wait_dma2 semaphore(%arg21 : memref<!tpu.dma_semaphore, #tpu.memory_space<semaphore_mem>>) src(%dma_wait3A_204 : memref<128xf32, #tpu.memory_space<vmem_shared>>) dst(%dma_wait3A_203 : memref<128xf32, #tpu.memory_space<hbm>>)
    %mul3A_205 = arith.constant 640 : i32
    %mul3A_206 = arith.muli %arg1, %mul3A_205 : i32
    %add3A_207 = arith.constant 256 : i32
    %add3A_208 = arith.addi %mul3A_206, %add3A_207 : i32
    %mul3A_209 = arith.constant 10240 : i32
    %mul3A_210 = arith.muli %arg0, %mul3A_209 : i32
    %add3A_211 = arith.addi %mul3A_210, %add3A_208 : i32
    %dma_wait3A_212 = tpu.memref_slice %arg7[%add3A_211] : memref<20480xf32, #tpu.memory_space<hbm>> -> memref<128xf32, #tpu.memory_space<hbm>>
    %dma_wait3A_213 = tpu.memref_slice %arg16[%add3A_208] : memref<10240xf32, #tpu.memory_space<vmem_shared>> -> memref<128xf32, #tpu.memory_space<vmem_shared>>
    tpu.wait_dma2 semaphore(%arg21 : memref<!tpu.dma_semaphore, #tpu.memory_space<semaphore_mem>>) src(%dma_wait3A_213 : memref<128xf32, #tpu.memory_space<vmem_shared>>) dst(%dma_wait3A_212 : memref<128xf32, #tpu.memory_space<hbm>>)
    %mul3A_214 = arith.constant 640 : i32
    %mul3A_215 = arith.muli %arg1, %mul3A_214 : i32
    %add3A_216 = arith.constant 384 : i32
    %add3A_217 = arith.addi %mul3A_215, %add3A_216 : i32
    %mul3A_218 = arith.constant 10240 : i32
    %mul3A_219 = arith.muli %arg0, %mul3A_218 : i32
    %add3A_220 = arith.addi %mul3A_219, %add3A_217 : i32
    %dma_wait3A_221 = tpu.memref_slice %arg7[%add3A_220] : memref<20480xf32, #tpu.memory_space<hbm>> -> memref<128xf32, #tpu.memory_space<hbm>>
    %dma_wait3A_222 = tpu.memref_slice %arg16[%add3A_217] : memref<10240xf32, #tpu.memory_space<vmem_shared>> -> memref<128xf32, #tpu.memory_space<vmem_shared>>
    tpu.wait_dma2 semaphore(%arg21 : memref<!tpu.dma_semaphore, #tpu.memory_space<semaphore_mem>>) src(%dma_wait3A_222 : memref<128xf32, #tpu.memory_space<vmem_shared>>) dst(%dma_wait3A_221 : memref<128xf32, #tpu.memory_space<hbm>>)
    %mul3A_223 = arith.constant 640 : i32
    %mul3A_224 = arith.muli %arg1, %mul3A_223 : i32
    %add3A_225 = arith.constant 512 : i32
    %add3A_226 = arith.addi %mul3A_224, %add3A_225 : i32
    %mul3A_227 = arith.constant 10240 : i32
    %mul3A_228 = arith.muli %arg0, %mul3A_227 : i32
    %add3A_229 = arith.addi %mul3A_228, %add3A_226 : i32
    %dma_wait3A_230 = tpu.memref_slice %arg7[%add3A_229] : memref<20480xf32, #tpu.memory_space<hbm>> -> memref<128xf32, #tpu.memory_space<hbm>>
    %dma_wait3A_231 = tpu.memref_slice %arg16[%add3A_226] : memref<10240xf32, #tpu.memory_space<vmem_shared>> -> memref<128xf32, #tpu.memory_space<vmem_shared>>
    tpu.wait_dma2 semaphore(%arg21 : memref<!tpu.dma_semaphore, #tpu.memory_space<semaphore_mem>>) src(%dma_wait3A_231 : memref<128xf32, #tpu.memory_space<vmem_shared>>) dst(%dma_wait3A_230 : memref<128xf32, #tpu.memory_space<hbm>>)
    return
  }
}

#map = affine_map<(d0, d1) -> (0, 0)>
#map1 = affine_map<(d0, d1) -> (0, 0, 0)>
module attributes {stable_mosaic.version = 14 : i64} {
  func.func @sc_gcn_edges(%arg0: i32, %arg1: i32, %arg2: memref<10240x128xf32, #tpu.memory_space<hbm>>, %arg3: memref<32x80x128xi32, #tpu.memory_space<hbm>>, %arg4: memref<32x80x128xi32, #tpu.memory_space<hbm>>, %arg5: memref<20480x128xf32, #tpu.memory_space<hbm>>, %arg6: memref<40x128xi32, #tpu.memory_space<vmem>>, %arg7: memref<40x128xi32, #tpu.memory_space<vmem>>, %arg8: memref<128x128xf32, #tpu.memory_space<vmem>>, %arg9: memref<128x128xf32, #tpu.memory_space<vmem>>, %arg10: memref<10240x128xf32, #tpu.memory_space<vmem_shared>>, %arg11: memref<!tpu.dma_semaphore, #tpu.memory_space<semaphore_mem>>, %arg12: memref<!tpu.dma_semaphore, #tpu.memory_space<semaphore_mem>>, %arg13: memref<!tpu.dma_semaphore, #tpu.memory_space<semaphore_mem>>, %arg14: memref<!tpu.dma_semaphore, #tpu.memory_space<semaphore_mem>>) attributes {dimension_semantics = [#tpu.dimension_semantics<core_parallel>, #tpu.dimension_semantics<subcore_parallel>], iteration_bounds = array<i64: 2, 16>, scalar_prefetch = 0 : i64, scratch_operands = 9 : i64, tpu.core_type = #tpu.core_type<sc_vector_subcore>, window_params = [{transform_indices = #map}, {transform_indices = #map1}, {transform_indices = #map1}, {transform_indices = #map}]} {
    %mul3A = arith.constant 16 : i32
    %mul3A_0 = arith.muli %arg0, %mul3A : i32
    %add3A = arith.addi %mul3A_0, %arg1 : i32
    %broadcast_in_dim3A = arith.constant 0.000000e+00 : f32
    %broadcast_in_dim3A_1 = vector.broadcast %broadcast_in_dim3A : f32 to vector<16xf32>
    %scan3A = arith.constant 0 : i32
    %scan3A_2 = arith.constant 128 : i32
    %scan3A_3 = arith.addi %scan3A, %scan3A_2 : i32
    %scan3A_4 = arith.constant 1 : i32
    scf.for %scan3A_233 = %scan3A to %scan3A_3 step %scan3A_4  : i32 {
      %mul3A_234 = arith.constant 1 : i32
      %mul3A_235 = arith.muli %scan3A_233, %mul3A_234 : i32
      %add3A_236 = arith.constant 0 : i32
      %add3A_237 = arith.addi %add3A_236, %mul3A_235 : i32
      %swap3A = arith.index_cast %add3A_237 : i32 to index
      %swap3A_238 = arith.constant 0 : index
      %swap3A_239 = tpu.vector_load %arg8[%swap3A, %swap3A_238] {strides = array<i32>} : memref<128x128xf32, #tpu.memory_space<vmem>>, vector<1x16xf32>,
      %swap3A_240 = vector.shape_cast %swap3A_239 : vector<1x16xf32> to vector<16xf32>
      %swap3A_241 = vector.shape_cast %broadcast_in_dim3A_1 : vector<16xf32> to vector<1x16xf32>
      tpu.vector_store %arg8[%swap3A, %swap3A_238], %swap3A_241 {strides = array<i32>} : memref<128x128xf32, #tpu.memory_space<vmem>>, vector<1x16xf32>,
      %swap3A_242 = arith.index_cast %add3A_237 : i32 to index
      %swap3A_243 = arith.constant 16 : index
      %swap3A_244 = tpu.vector_load %arg8[%swap3A_242, %swap3A_243] {strides = array<i32>} : memref<128x128xf32, #tpu.memory_space<vmem>>, vector<1x16xf32>,
      %swap3A_245 = vector.shape_cast %swap3A_244 : vector<1x16xf32> to vector<16xf32>
      %swap3A_246 = vector.shape_cast %broadcast_in_dim3A_1 : vector<16xf32> to vector<1x16xf32>
      tpu.vector_store %arg8[%swap3A_242, %swap3A_243], %swap3A_246 {strides = array<i32>} : memref<128x128xf32, #tpu.memory_space<vmem>>, vector<1x16xf32>,
      %swap3A_247 = arith.index_cast %add3A_237 : i32 to index
      %swap3A_248 = arith.constant 32 : index
      %swap3A_249 = tpu.vector_load %arg8[%swap3A_247, %swap3A_248] {strides = array<i32>} : memref<128x128xf32, #tpu.memory_space<vmem>>, vector<1x16xf32>,
      %swap3A_250 = vector.shape_cast %swap3A_249 : vector<1x16xf32> to vector<16xf32>
      %swap3A_251 = vector.shape_cast %broadcast_in_dim3A_1 : vector<16xf32> to vector<1x16xf32>
      tpu.vector_store %arg8[%swap3A_247, %swap3A_248], %swap3A_251 {strides = array<i32>} : memref<128x128xf32, #tpu.memory_space<vmem>>, vector<1x16xf32>,
      %swap3A_252 = arith.index_cast %add3A_237 : i32 to index
      %swap3A_253 = arith.constant 48 : index
      %swap3A_254 = tpu.vector_load %arg8[%swap3A_252, %swap3A_253] {strides = array<i32>} : memref<128x128xf32, #tpu.memory_space<vmem>>, vector<1x16xf32>,
      %swap3A_255 = vector.shape_cast %swap3A_254 : vector<1x16xf32> to vector<16xf32>
      %swap3A_256 = vector.shape_cast %broadcast_in_dim3A_1 : vector<16xf32> to vector<1x16xf32>
      tpu.vector_store %arg8[%swap3A_252, %swap3A_253], %swap3A_256 {strides = array<i32>} : memref<128x128xf32, #tpu.memory_space<vmem>>, vector<1x16xf32>,
      %swap3A_257 = arith.index_cast %add3A_237 : i32 to index
      %swap3A_258 = arith.constant 64 : index
      %swap3A_259 = tpu.vector_load %arg8[%swap3A_257, %swap3A_258] {strides = array<i32>} : memref<128x128xf32, #tpu.memory_space<vmem>>, vector<1x16xf32>,
      %swap3A_260 = vector.shape_cast %swap3A_259 : vector<1x16xf32> to vector<16xf32>
      %swap3A_261 = vector.shape_cast %broadcast_in_dim3A_1 : vector<16xf32> to vector<1x16xf32>
      tpu.vector_store %arg8[%swap3A_257, %swap3A_258], %swap3A_261 {strides = array<i32>} : memref<128x128xf32, #tpu.memory_space<vmem>>, vector<1x16xf32>,
      %swap3A_262 = arith.index_cast %add3A_237 : i32 to index
      %swap3A_263 = arith.constant 80 : index
      %swap3A_264 = tpu.vector_load %arg8[%swap3A_262, %swap3A_263] {strides = array<i32>} : memref<128x128xf32, #tpu.memory_space<vmem>>, vector<1x16xf32>,
      %swap3A_265 = vector.shape_cast %swap3A_264 : vector<1x16xf32> to vector<16xf32>
      %swap3A_266 = vector.shape_cast %broadcast_in_dim3A_1 : vector<16xf32> to vector<1x16xf32>
      tpu.vector_store %arg8[%swap3A_262, %swap3A_263], %swap3A_266 {strides = array<i32>} : memref<128x128xf32, #tpu.memory_space<vmem>>, vector<1x16xf32>,
      %swap3A_267 = arith.index_cast %add3A_237 : i32 to index
      %swap3A_268 = arith.constant 96 : index
      %swap3A_269 = tpu.vector_load %arg8[%swap3A_267, %swap3A_268] {strides = array<i32>} : memref<128x128xf32, #tpu.memory_space<vmem>>, vector<1x16xf32>,
      %swap3A_270 = vector.shape_cast %swap3A_269 : vector<1x16xf32> to vector<16xf32>
      %swap3A_271 = vector.shape_cast %broadcast_in_dim3A_1 : vector<16xf32> to vector<1x16xf32>
      tpu.vector_store %arg8[%swap3A_267, %swap3A_268], %swap3A_271 {strides = array<i32>} : memref<128x128xf32, #tpu.memory_space<vmem>>, vector<1x16xf32>,
      %swap3A_272 = arith.index_cast %add3A_237 : i32 to index
      %swap3A_273 = arith.constant 112 : index
      %swap3A_274 = tpu.vector_load %arg8[%swap3A_272, %swap3A_273] {strides = array<i32>} : memref<128x128xf32, #tpu.memory_space<vmem>>, vector<1x16xf32>,
      %swap3A_275 = vector.shape_cast %swap3A_274 : vector<1x16xf32> to vector<16xf32>
      %swap3A_276 = vector.shape_cast %broadcast_in_dim3A_1 : vector<16xf32> to vector<1x16xf32>
      tpu.vector_store %arg8[%swap3A_272, %swap3A_273], %swap3A_276 {strides = array<i32>} : memref<128x128xf32, #tpu.memory_space<vmem>>, vector<1x16xf32>,
    }
    %scan3A_5 = arith.constant 128 : i32
    %mul3A_6 = arith.constant 640 : i32
    %mul3A_7 = arith.muli %arg1, %mul3A_6 : i32
    %add3A_8 = arith.constant 0 : i32
    %add3A_9 = arith.addi %mul3A_7, %add3A_8 : i32
    %dma_start3A = arith.constant 0 : i32
    %dma_start3A_10 = tpu.memref_slice %arg10[%add3A_9, %dma_start3A] : memref<10240x128xf32, #tpu.memory_space<vmem_shared>> -> memref<128x128xf32, #tpu.memory_space<vmem_shared>>
    %dma_start3A_11 = arith.constant 0 : i32
    %dma_start3A_12 = tpu.memref_slice %arg10[%add3A_9, %dma_start3A_11] : memref<10240x128xf32, #tpu.memory_space<vmem_shared>> -> memref<128x128xf32, #tpu.memory_space<vmem_shared>>
    tpu.enqueue_dma source(%arg8 : memref<128x128xf32, #tpu.memory_space<vmem>>) target(%dma_start3A_12 : memref<128x128xf32, #tpu.memory_space<vmem_shared>>) target_semaphore(%arg11 : memref<!tpu.dma_semaphore, #tpu.memory_space<semaphore_mem>>)
    %mul3A_13 = arith.constant 640 : i32
    %mul3A_14 = arith.muli %arg1, %mul3A_13 : i32
    %add3A_15 = arith.constant 128 : i32
    %add3A_16 = arith.addi %mul3A_14, %add3A_15 : i32
    %dma_start3A_17 = arith.constant 0 : i32
    %dma_start3A_18 = tpu.memref_slice %arg10[%add3A_16, %dma_start3A_17] : memref<10240x128xf32, #tpu.memory_space<vmem_shared>> -> memref<128x128xf32, #tpu.memory_space<vmem_shared>>
    %dma_start3A_19 = arith.constant 0 : i32
    %dma_start3A_20 = tpu.memref_slice %arg10[%add3A_16, %dma_start3A_19] : memref<10240x128xf32, #tpu.memory_space<vmem_shared>> -> memref<128x128xf32, #tpu.memory_space<vmem_shared>>
    tpu.enqueue_dma source(%arg8 : memref<128x128xf32, #tpu.memory_space<vmem>>) target(%dma_start3A_20 : memref<128x128xf32, #tpu.memory_space<vmem_shared>>) target_semaphore(%arg11 : memref<!tpu.dma_semaphore, #tpu.memory_space<semaphore_mem>>)
    %mul3A_21 = arith.constant 640 : i32
    %mul3A_22 = arith.muli %arg1, %mul3A_21 : i32
    %add3A_23 = arith.constant 256 : i32
    %add3A_24 = arith.addi %mul3A_22, %add3A_23 : i32
    %dma_start3A_25 = arith.constant 0 : i32
    %dma_start3A_26 = tpu.memref_slice %arg10[%add3A_24, %dma_start3A_25] : memref<10240x128xf32, #tpu.memory_space<vmem_shared>> -> memref<128x128xf32, #tpu.memory_space<vmem_shared>>
    %dma_start3A_27 = arith.constant 0 : i32
    %dma_start3A_28 = tpu.memref_slice %arg10[%add3A_24, %dma_start3A_27] : memref<10240x128xf32, #tpu.memory_space<vmem_shared>> -> memref<128x128xf32, #tpu.memory_space<vmem_shared>>
    tpu.enqueue_dma source(%arg8 : memref<128x128xf32, #tpu.memory_space<vmem>>) target(%dma_start3A_28 : memref<128x128xf32, #tpu.memory_space<vmem_shared>>) target_semaphore(%arg11 : memref<!tpu.dma_semaphore, #tpu.memory_space<semaphore_mem>>)
    %mul3A_29 = arith.constant 640 : i32
    %mul3A_30 = arith.muli %arg1, %mul3A_29 : i32
    %add3A_31 = arith.constant 384 : i32
    %add3A_32 = arith.addi %mul3A_30, %add3A_31 : i32
    %dma_start3A_33 = arith.constant 0 : i32
    %dma_start3A_34 = tpu.memref_slice %arg10[%add3A_32, %dma_start3A_33] : memref<10240x128xf32, #tpu.memory_space<vmem_shared>> -> memref<128x128xf32, #tpu.memory_space<vmem_shared>>
    %dma_start3A_35 = arith.constant 0 : i32
    %dma_start3A_36 = tpu.memref_slice %arg10[%add3A_32, %dma_start3A_35] : memref<10240x128xf32, #tpu.memory_space<vmem_shared>> -> memref<128x128xf32, #tpu.memory_space<vmem_shared>>
    tpu.enqueue_dma source(%arg8 : memref<128x128xf32, #tpu.memory_space<vmem>>) target(%dma_start3A_36 : memref<128x128xf32, #tpu.memory_space<vmem_shared>>) target_semaphore(%arg11 : memref<!tpu.dma_semaphore, #tpu.memory_space<semaphore_mem>>)
    %mul3A_37 = arith.constant 640 : i32
    %mul3A_38 = arith.muli %arg1, %mul3A_37 : i32
    %add3A_39 = arith.constant 512 : i32
    %add3A_40 = arith.addi %mul3A_38, %add3A_39 : i32
    %dma_start3A_41 = arith.constant 0 : i32
    %dma_start3A_42 = tpu.memref_slice %arg10[%add3A_40, %dma_start3A_41] : memref<10240x128xf32, #tpu.memory_space<vmem_shared>> -> memref<128x128xf32, #tpu.memory_space<vmem_shared>>
    %dma_start3A_43 = arith.constant 0 : i32
    %dma_start3A_44 = tpu.memref_slice %arg10[%add3A_40, %dma_start3A_43] : memref<10240x128xf32, #tpu.memory_space<vmem_shared>> -> memref<128x128xf32, #tpu.memory_space<vmem_shared>>
    tpu.enqueue_dma source(%arg8 : memref<128x128xf32, #tpu.memory_space<vmem>>) target(%dma_start3A_44 : memref<128x128xf32, #tpu.memory_space<vmem_shared>>) target_semaphore(%arg11 : memref<!tpu.dma_semaphore, #tpu.memory_space<semaphore_mem>>)
    %mul3A_45 = arith.constant 640 : i32
    %mul3A_46 = arith.muli %arg1, %mul3A_45 : i32
    %add3A_47 = arith.constant 0 : i32
    %add3A_48 = arith.addi %mul3A_46, %add3A_47 : i32
    %dma_wait3A = arith.constant 0 : i32
    %dma_wait3A_49 = tpu.memref_slice %arg10[%add3A_48, %dma_wait3A] : memref<10240x128xf32, #tpu.memory_space<vmem_shared>> -> memref<128x128xf32, #tpu.memory_space<vmem_shared>>
    %dma_wait3A_50 = arith.constant 0 : i32
    %dma_wait3A_51 = tpu.memref_slice %arg10[%add3A_48, %dma_wait3A_50] : memref<10240x128xf32, #tpu.memory_space<vmem_shared>> -> memref<128x128xf32, #tpu.memory_space<vmem_shared>>
    tpu.wait_dma2 semaphore(%arg11 : memref<!tpu.dma_semaphore, #tpu.memory_space<semaphore_mem>>) src(%arg8 : memref<128x128xf32, #tpu.memory_space<vmem>>) dst(%dma_wait3A_51 : memref<128x128xf32, #tpu.memory_space<vmem_shared>>)
    %mul3A_52 = arith.constant 640 : i32
    %mul3A_53 = arith.muli %arg1, %mul3A_52 : i32
    %add3A_54 = arith.constant 128 : i32
    %add3A_55 = arith.addi %mul3A_53, %add3A_54 : i32
    %dma_wait3A_56 = arith.constant 0 : i32
    %dma_wait3A_57 = tpu.memref_slice %arg10[%add3A_55, %dma_wait3A_56] : memref<10240x128xf32, #tpu.memory_space<vmem_shared>> -> memref<128x128xf32, #tpu.memory_space<vmem_shared>>
    %dma_wait3A_58 = arith.constant 0 : i32
    %dma_wait3A_59 = tpu.memref_slice %arg10[%add3A_55, %dma_wait3A_58] : memref<10240x128xf32, #tpu.memory_space<vmem_shared>> -> memref<128x128xf32, #tpu.memory_space<vmem_shared>>
    tpu.wait_dma2 semaphore(%arg11 : memref<!tpu.dma_semaphore, #tpu.memory_space<semaphore_mem>>) src(%arg8 : memref<128x128xf32, #tpu.memory_space<vmem>>) dst(%dma_wait3A_59 : memref<128x128xf32, #tpu.memory_space<vmem_shared>>)
    %mul3A_60 = arith.constant 640 : i32
    %mul3A_61 = arith.muli %arg1, %mul3A_60 : i32
    %add3A_62 = arith.constant 256 : i32
    %add3A_63 = arith.addi %mul3A_61, %add3A_62 : i32
    %dma_wait3A_64 = arith.constant 0 : i32
    %dma_wait3A_65 = tpu.memref_slice %arg10[%add3A_63, %dma_wait3A_64] : memref<10240x128xf32, #tpu.memory_space<vmem_shared>> -> memref<128x128xf32, #tpu.memory_space<vmem_shared>>
    %dma_wait3A_66 = arith.constant 0 : i32
    %dma_wait3A_67 = tpu.memref_slice %arg10[%add3A_63, %dma_wait3A_66] : memref<10240x128xf32, #tpu.memory_space<vmem_shared>> -> memref<128x128xf32, #tpu.memory_space<vmem_shared>>
    tpu.wait_dma2 semaphore(%arg11 : memref<!tpu.dma_semaphore, #tpu.memory_space<semaphore_mem>>) src(%arg8 : memref<128x128xf32, #tpu.memory_space<vmem>>) dst(%dma_wait3A_67 : memref<128x128xf32, #tpu.memory_space<vmem_shared>>)
    %mul3A_68 = arith.constant 640 : i32
    %mul3A_69 = arith.muli %arg1, %mul3A_68 : i32
    %add3A_70 = arith.constant 384 : i32
    %add3A_71 = arith.addi %mul3A_69, %add3A_70 : i32
    %dma_wait3A_72 = arith.constant 0 : i32
    %dma_wait3A_73 = tpu.memref_slice %arg10[%add3A_71, %dma_wait3A_72] : memref<10240x128xf32, #tpu.memory_space<vmem_shared>> -> memref<128x128xf32, #tpu.memory_space<vmem_shared>>
    %dma_wait3A_74 = arith.constant 0 : i32
    %dma_wait3A_75 = tpu.memref_slice %arg10[%add3A_71, %dma_wait3A_74] : memref<10240x128xf32, #tpu.memory_space<vmem_shared>> -> memref<128x128xf32, #tpu.memory_space<vmem_shared>>
    tpu.wait_dma2 semaphore(%arg11 : memref<!tpu.dma_semaphore, #tpu.memory_space<semaphore_mem>>) src(%arg8 : memref<128x128xf32, #tpu.memory_space<vmem>>) dst(%dma_wait3A_75 : memref<128x128xf32, #tpu.memory_space<vmem_shared>>)
    %mul3A_76 = arith.constant 640 : i32
    %mul3A_77 = arith.muli %arg1, %mul3A_76 : i32
    %add3A_78 = arith.constant 512 : i32
    %add3A_79 = arith.addi %mul3A_77, %add3A_78 : i32
    %dma_wait3A_80 = arith.constant 0 : i32
    %dma_wait3A_81 = tpu.memref_slice %arg10[%add3A_79, %dma_wait3A_80] : memref<10240x128xf32, #tpu.memory_space<vmem_shared>> -> memref<128x128xf32, #tpu.memory_space<vmem_shared>>
    %dma_wait3A_82 = arith.constant 0 : i32
    %dma_wait3A_83 = tpu.memref_slice %arg10[%add3A_79, %dma_wait3A_82] : memref<10240x128xf32, #tpu.memory_space<vmem_shared>> -> memref<128x128xf32, #tpu.memory_space<vmem_shared>>
    tpu.wait_dma2 semaphore(%arg11 : memref<!tpu.dma_semaphore, #tpu.memory_space<semaphore_mem>>) src(%arg8 : memref<128x128xf32, #tpu.memory_space<vmem>>) dst(%dma_wait3A_83 : memref<128x128xf32, #tpu.memory_space<vmem_shared>>)
    %barrier3A = arith.constant 0 : index
    tpu.barrier barrier_id(%barrier3A)
    "tpu.region"() ({
      %run_scoped3A = tpu.sem_alloc : memref<!tpu.dma_semaphore, #tpu.memory_space<semaphore_mem>>
      %dma_start3A_233 = arith.constant 0 : i32
      %dma_start3A_234 = arith.constant 0 : i32
      %dma_start3A_235 = tpu.memref_slice %arg3[%add3A, %dma_start3A_233, %dma_start3A_234] : memref<32x80x128xi32, #tpu.memory_space<hbm>> -> memref<1x40x128xi32, #tpu.memory_space<hbm>>
      %dma_start3A_236 = tpu.memref_squeeze %dma_start3A_235 : memref<1x40x128xi32, #tpu.memory_space<hbm>> -> memref<40x128xi32, #tpu.memory_space<hbm>>
      %dma_start3A_237 = arith.constant 0 : i32
      %dma_start3A_238 = arith.constant 0 : i32
      %dma_start3A_239 = tpu.memref_slice %arg3[%add3A, %dma_start3A_237, %dma_start3A_238] : memref<32x80x128xi32, #tpu.memory_space<hbm>> -> memref<1x40x128xi32, #tpu.memory_space<hbm>>
      %dma_start3A_240 = tpu.memref_squeeze %dma_start3A_239 : memref<1x40x128xi32, #tpu.memory_space<hbm>> -> memref<40x128xi32, #tpu.memory_space<hbm>>
      tpu.enqueue_dma source(%dma_start3A_240 : memref<40x128xi32, #tpu.memory_space<hbm>>) target(%arg6 : memref<40x128xi32, #tpu.memory_space<vmem>>) target_semaphore(%run_scoped3A : memref<!tpu.dma_semaphore, #tpu.memory_space<semaphore_mem>>)
      %dma_wait3A_241 = arith.constant 0 : i32
      %dma_wait3A_242 = arith.constant 0 : i32
      %dma_wait3A_243 = tpu.memref_slice %arg3[%add3A, %dma_wait3A_241, %dma_wait3A_242] : memref<32x80x128xi32, #tpu.memory_space<hbm>> -> memref<1x40x128xi32, #tpu.memory_space<hbm>>
      %dma_wait3A_244 = tpu.memref_squeeze %dma_wait3A_243 : memref<1x40x128xi32, #tpu.memory_space<hbm>> -> memref<40x128xi32, #tpu.memory_space<hbm>>
      %dma_wait3A_245 = arith.constant 0 : i32
      %dma_wait3A_246 = arith.constant 0 : i32
      %dma_wait3A_247 = tpu.memref_slice %arg3[%add3A, %dma_wait3A_245, %dma_wait3A_246] : memref<32x80x128xi32, #tpu.memory_space<hbm>> -> memref<1x40x128xi32, #tpu.memory_space<hbm>>
      %dma_wait3A_248 = tpu.memref_squeeze %dma_wait3A_247 : memref<1x40x128xi32, #tpu.memory_space<hbm>> -> memref<40x128xi32, #tpu.memory_space<hbm>>
      tpu.wait_dma2 semaphore(%run_scoped3A : memref<!tpu.dma_semaphore, #tpu.memory_space<semaphore_mem>>) src(%dma_wait3A_248 : memref<40x128xi32, #tpu.memory_space<hbm>>) dst(%arg6 : memref<40x128xi32, #tpu.memory_space<vmem>>)
      tpu.yield
    }) : () -> ()
    "tpu.region"() ({
      %run_scoped3A = tpu.sem_alloc : memref<!tpu.dma_semaphore, #tpu.memory_space<semaphore_mem>>
      %dma_start3A_233 = arith.constant 0 : i32
      %dma_start3A_234 = arith.constant 0 : i32
      %dma_start3A_235 = tpu.memref_slice %arg4[%add3A, %dma_start3A_233, %dma_start3A_234] : memref<32x80x128xi32, #tpu.memory_space<hbm>> -> memref<1x40x128xi32, #tpu.memory_space<hbm>>
      %dma_start3A_236 = tpu.memref_squeeze %dma_start3A_235 : memref<1x40x128xi32, #tpu.memory_space<hbm>> -> memref<40x128xi32, #tpu.memory_space<hbm>>
      %dma_start3A_237 = arith.constant 0 : i32
      %dma_start3A_238 = arith.constant 0 : i32
      %dma_start3A_239 = tpu.memref_slice %arg4[%add3A, %dma_start3A_237, %dma_start3A_238] : memref<32x80x128xi32, #tpu.memory_space<hbm>> -> memref<1x40x128xi32, #tpu.memory_space<hbm>>
      %dma_start3A_240 = tpu.memref_squeeze %dma_start3A_239 : memref<1x40x128xi32, #tpu.memory_space<hbm>> -> memref<40x128xi32, #tpu.memory_space<hbm>>
      tpu.enqueue_dma source(%dma_start3A_240 : memref<40x128xi32, #tpu.memory_space<hbm>>) target(%arg7 : memref<40x128xi32, #tpu.memory_space<vmem>>) target_semaphore(%run_scoped3A : memref<!tpu.dma_semaphore, #tpu.memory_space<semaphore_mem>>)
      %dma_wait3A_241 = arith.constant 0 : i32
      %dma_wait3A_242 = arith.constant 0 : i32
      %dma_wait3A_243 = tpu.memref_slice %arg4[%add3A, %dma_wait3A_241, %dma_wait3A_242] : memref<32x80x128xi32, #tpu.memory_space<hbm>> -> memref<1x40x128xi32, #tpu.memory_space<hbm>>
      %dma_wait3A_244 = tpu.memref_squeeze %dma_wait3A_243 : memref<1x40x128xi32, #tpu.memory_space<hbm>> -> memref<40x128xi32, #tpu.memory_space<hbm>>
      %dma_wait3A_245 = arith.constant 0 : i32
      %dma_wait3A_246 = arith.constant 0 : i32
      %dma_wait3A_247 = tpu.memref_slice %arg4[%add3A, %dma_wait3A_245, %dma_wait3A_246] : memref<32x80x128xi32, #tpu.memory_space<hbm>> -> memref<1x40x128xi32, #tpu.memory_space<hbm>>
      %dma_wait3A_248 = tpu.memref_squeeze %dma_wait3A_247 : memref<1x40x128xi32, #tpu.memory_space<hbm>> -> memref<40x128xi32, #tpu.memory_space<hbm>>
      tpu.wait_dma2 semaphore(%run_scoped3A : memref<!tpu.dma_semaphore, #tpu.memory_space<semaphore_mem>>) src(%dma_wait3A_248 : memref<40x128xi32, #tpu.memory_space<hbm>>) dst(%arg7 : memref<40x128xi32, #tpu.memory_space<vmem>>)
      tpu.yield
    }) : () -> ()
    %dma_start3A_84 = arith.constant 0 : i32
    %dma_start3A_85 = arith.constant 0 : i32
    %dma_start3A_86 = tpu.memref_slice %arg6[%dma_start3A_84, %dma_start3A_85] : memref<40x128xi32, #tpu.memory_space<vmem>> -> memref<1x128xi32, #tpu.memory_space<vmem>>
    %dma_start3A_87 = tpu.memref_squeeze %dma_start3A_86 : memref<1x128xi32, #tpu.memory_space<vmem>> -> memref<128xi32, #tpu.memory_space<vmem>>
    %dma_start3A_88 = arith.constant 0 : i32
    %dma_start3A_89 = arith.constant 0 : i32
    %dma_start3A_90 = tpu.memref_slice %arg2[%dma_start3A_88, %dma_start3A_89] : memref<10240x128xf32, #tpu.memory_space<hbm>> -> memref<10240x128xf32, #tpu.memory_space<hbm>>
    tpu.enqueue_indirect_dma source(%dma_start3A_90 : memref<10240x128xf32, #tpu.memory_space<hbm>>) target(%arg8 : memref<128x128xf32, #tpu.memory_space<vmem>>) offsets(%dma_start3A_87 : memref<128xi32, #tpu.memory_space<vmem>>) semaphore(%arg11 : memref<!tpu.dma_semaphore, #tpu.memory_space<semaphore_mem>>)
    %dma_start3A_91 = arith.constant 1 : i32
    %dma_start3A_92 = arith.constant 0 : i32
    %dma_start3A_93 = tpu.memref_slice %arg6[%dma_start3A_91, %dma_start3A_92] : memref<40x128xi32, #tpu.memory_space<vmem>> -> memref<1x128xi32, #tpu.memory_space<vmem>>
    %dma_start3A_94 = tpu.memref_squeeze %dma_start3A_93 : memref<1x128xi32, #tpu.memory_space<vmem>> -> memref<128xi32, #tpu.memory_space<vmem>>
    %dma_start3A_95 = arith.constant 0 : i32
    %dma_start3A_96 = arith.constant 0 : i32
    %dma_start3A_97 = tpu.memref_slice %arg2[%dma_start3A_95, %dma_start3A_96] : memref<10240x128xf32, #tpu.memory_space<hbm>> -> memref<10240x128xf32, #tpu.memory_space<hbm>>
    tpu.enqueue_indirect_dma source(%dma_start3A_97 : memref<10240x128xf32, #tpu.memory_space<hbm>>) target(%arg9 : memref<128x128xf32, #tpu.memory_space<vmem>>) offsets(%dma_start3A_94 : memref<128xi32, #tpu.memory_space<vmem>>) semaphore(%arg12 : memref<!tpu.dma_semaphore, #tpu.memory_space<semaphore_mem>>)
    %scan3A_98 = arith.constant 0 : i32
    %scan3A_99 = arith.constant 20 : i32
    %scan3A_100 = arith.addi %scan3A_98, %scan3A_99 : i32
    %scan3A_101 = arith.constant 1 : i32
    scf.for %scan3A_233 = %scan3A_98 to %scan3A_100 step %scan3A_101  : i32 {
      %mul3A_234 = arith.constant 2 : i32
      %mul3A_235 = arith.muli %scan3A_233, %mul3A_234 : i32
      %add3A_236 = arith.constant 0 : i32
      %add3A_237 = arith.addi %add3A_236, %mul3A_235 : i32
      %dma_wait3A_238 = arith.constant 0 : i32
      %dma_wait3A_239 = arith.constant 0 : i32
      %dma_wait3A_240 = tpu.memref_slice %arg2[%dma_wait3A_238, %dma_wait3A_239] : memref<10240x128xf32, #tpu.memory_space<hbm>> -> memref<128x128xf32, #tpu.memory_space<hbm>>
      %dma_wait3A_241 = arith.constant 0 : i32
      %dma_wait3A_242 = arith.constant 0 : i32
      %dma_wait3A_243 = tpu.memref_slice %arg2[%dma_wait3A_241, %dma_wait3A_242] : memref<10240x128xf32, #tpu.memory_space<hbm>> -> memref<128x128xf32, #tpu.memory_space<hbm>>
      tpu.wait_dma2 semaphore(%arg11 : memref<!tpu.dma_semaphore, #tpu.memory_space<semaphore_mem>>) src(%dma_wait3A_243 : memref<128x128xf32, #tpu.memory_space<hbm>>) dst(%arg8 : memref<128x128xf32, #tpu.memory_space<vmem>>)
      %dma_start3A_244 = arith.constant 0 : i32
      %dma_start3A_245 = tpu.memref_slice %arg7[%add3A_237, %dma_start3A_244] : memref<40x128xi32, #tpu.memory_space<vmem>> -> memref<1x128xi32, #tpu.memory_space<vmem>>
      %dma_start3A_246 = tpu.memref_squeeze %dma_start3A_245 : memref<1x128xi32, #tpu.memory_space<vmem>> -> memref<128xi32, #tpu.memory_space<vmem>>
      %dma_start3A_247 = arith.constant 0 : i32
      %dma_start3A_248 = arith.constant 0 : i32
      %dma_start3A_249 = tpu.memref_slice %arg10[%dma_start3A_247, %dma_start3A_248] : memref<10240x128xf32, #tpu.memory_space<vmem_shared>> -> memref<10240x128xf32, #tpu.memory_space<vmem_shared>>
      tpu.enqueue_indirect_dma source(%arg8 : memref<128x128xf32, #tpu.memory_space<vmem>>) target(%dma_start3A_249 : memref<10240x128xf32, #tpu.memory_space<vmem_shared>>) offsets(%dma_start3A_246 : memref<128xi32, #tpu.memory_space<vmem>>) semaphore(%arg13 : memref<!tpu.dma_semaphore, #tpu.memory_space<semaphore_mem>>) {add = true}
      %dma_wait3A_250 = arith.constant 0 : i32
      %dma_wait3A_251 = arith.constant 0 : i32
      %dma_wait3A_252 = tpu.memref_slice %arg2[%dma_wait3A_250, %dma_wait3A_251] : memref<10240x128xf32, #tpu.memory_space<hbm>> -> memref<128x128xf32, #tpu.memory_space<hbm>>
      %dma_wait3A_253 = arith.constant 0 : i32
      %dma_wait3A_254 = arith.constant 0 : i32
      %dma_wait3A_255 = tpu.memref_slice %arg2[%dma_wait3A_253, %dma_wait3A_254] : memref<10240x128xf32, #tpu.memory_space<hbm>> -> memref<128x128xf32, #tpu.memory_space<hbm>>
      tpu.wait_dma2 semaphore(%arg12 : memref<!tpu.dma_semaphore, #tpu.memory_space<semaphore_mem>>) src(%dma_wait3A_255 : memref<128x128xf32, #tpu.memory_space<hbm>>) dst(%arg9 : memref<128x128xf32, #tpu.memory_space<vmem>>)
      %add3A_256 = arith.constant 1 : i32
      %add3A_257 = arith.addi %add3A_237, %add3A_256 : i32
      %dma_start3A_258 = arith.constant 0 : i32
      %dma_start3A_259 = tpu.memref_slice %arg7[%add3A_257, %dma_start3A_258] : memref<40x128xi32, #tpu.memory_space<vmem>> -> memref<1x128xi32, #tpu.memory_space<vmem>>
      %dma_start3A_260 = tpu.memref_squeeze %dma_start3A_259 : memref<1x128xi32, #tpu.memory_space<vmem>> -> memref<128xi32, #tpu.memory_space<vmem>>
      %dma_start3A_261 = arith.constant 0 : i32
      %dma_start3A_262 = arith.constant 0 : i32
      %dma_start3A_263 = tpu.memref_slice %arg10[%dma_start3A_261, %dma_start3A_262] : memref<10240x128xf32, #tpu.memory_space<vmem_shared>> -> memref<10240x128xf32, #tpu.memory_space<vmem_shared>>
      tpu.enqueue_indirect_dma source(%arg9 : memref<128x128xf32, #tpu.memory_space<vmem>>) target(%dma_start3A_263 : memref<10240x128xf32, #tpu.memory_space<vmem_shared>>) offsets(%dma_start3A_260 : memref<128xi32, #tpu.memory_space<vmem>>) semaphore(%arg14 : memref<!tpu.dma_semaphore, #tpu.memory_space<semaphore_mem>>) {add = true}
      %dma_wait3A_264 = arith.constant 0 : i32
      %dma_wait3A_265 = arith.constant 0 : i32
      %dma_wait3A_266 = tpu.memref_slice %arg10[%dma_wait3A_264, %dma_wait3A_265] : memref<10240x128xf32, #tpu.memory_space<vmem_shared>> -> memref<128x128xf32, #tpu.memory_space<vmem_shared>>
      %dma_wait3A_267 = arith.constant 0 : i32
      %dma_wait3A_268 = arith.constant 0 : i32
      %dma_wait3A_269 = tpu.memref_slice %arg10[%dma_wait3A_267, %dma_wait3A_268] : memref<10240x128xf32, #tpu.memory_space<vmem_shared>> -> memref<128x128xf32, #tpu.memory_space<vmem_shared>>
      tpu.wait_dma2 semaphore(%arg13 : memref<!tpu.dma_semaphore, #tpu.memory_space<semaphore_mem>>) src(%arg8 : memref<128x128xf32, #tpu.memory_space<vmem>>) dst(%dma_wait3A_269 : memref<128x128xf32, #tpu.memory_space<vmem_shared>>)
      %add3A_270 = arith.constant 2 : i32
      %add3A_271 = arith.addi %add3A_237, %add3A_270 : i32
      %lt3A = arith.constant 40 : i32
      %lt3A_272 = arith.cmpi slt, %add3A_271, %lt3A : i32
      %convert_element_type3A = arith.extui %lt3A_272 : i1 to i32
      %cond3A = arith.constant 0 : i32
      %cond3A_273 = arith.cmpi ne, %convert_element_type3A, %cond3A : i32
      scf.if %cond3A_273 {
        %add3A_287 = arith.constant 2 : i32
        %add3A_288 = arith.addi %add3A_237, %add3A_287 : i32
        %dma_start3A_289 = arith.constant 0 : i32
        %dma_start3A_290 = tpu.memref_slice %arg6[%add3A_288, %dma_start3A_289] : memref<40x128xi32, #tpu.memory_space<vmem>> -> memref<1x128xi32, #tpu.memory_space<vmem>>
        %dma_start3A_291 = tpu.memref_squeeze %dma_start3A_290 : memref<1x128xi32, #tpu.memory_space<vmem>> -> memref<128xi32, #tpu.memory_space<vmem>>
        %dma_start3A_292 = arith.constant 0 : i32
        %dma_start3A_293 = arith.constant 0 : i32
        %dma_start3A_294 = tpu.memref_slice %arg2[%dma_start3A_292, %dma_start3A_293] : memref<10240x128xf32, #tpu.memory_space<hbm>> -> memref<10240x128xf32, #tpu.memory_space<hbm>>
        tpu.enqueue_indirect_dma source(%dma_start3A_294 : memref<10240x128xf32, #tpu.memory_space<hbm>>) target(%arg8 : memref<128x128xf32, #tpu.memory_space<vmem>>) offsets(%dma_start3A_291 : memref<128xi32, #tpu.memory_space<vmem>>) semaphore(%arg11 : memref<!tpu.dma_semaphore, #tpu.memory_space<semaphore_mem>>)
      } else {
      }
      %dma_wait3A_274 = arith.constant 0 : i32
      %dma_wait3A_275 = arith.constant 0 : i32
      %dma_wait3A_276 = tpu.memref_slice %arg10[%dma_wait3A_274, %dma_wait3A_275] : memref<10240x128xf32, #tpu.memory_space<vmem_shared>> -> memref<128x128xf32, #tpu.memory_space<vmem_shared>>
      %dma_wait3A_277 = arith.constant 0 : i32
      %dma_wait3A_278 = arith.constant 0 : i32
      %dma_wait3A_279 = tpu.memref_slice %arg10[%dma_wait3A_277, %dma_wait3A_278] : memref<10240x128xf32, #tpu.memory_space<vmem_shared>> -> memref<128x128xf32, #tpu.memory_space<vmem_shared>>
      tpu.wait_dma2 semaphore(%arg14 : memref<!tpu.dma_semaphore, #tpu.memory_space<semaphore_mem>>) src(%arg9 : memref<128x128xf32, #tpu.memory_space<vmem>>) dst(%dma_wait3A_279 : memref<128x128xf32, #tpu.memory_space<vmem_shared>>)
      %add3A_280 = arith.constant 3 : i32
      %add3A_281 = arith.addi %add3A_237, %add3A_280 : i32
      %lt3A_282 = arith.constant 40 : i32
      %lt3A_283 = arith.cmpi slt, %add3A_281, %lt3A_282 : i32
      %convert_element_type3A_284 = arith.extui %lt3A_283 : i1 to i32
      %cond3A_285 = arith.constant 0 : i32
      %cond3A_286 = arith.cmpi ne, %convert_element_type3A_284, %cond3A_285 : i32
      scf.if %cond3A_286 {
        %add3A_287 = arith.constant 3 : i32
        %add3A_288 = arith.addi %add3A_237, %add3A_287 : i32
        %dma_start3A_289 = arith.constant 0 : i32
        %dma_start3A_290 = tpu.memref_slice %arg6[%add3A_288, %dma_start3A_289] : memref<40x128xi32, #tpu.memory_space<vmem>> -> memref<1x128xi32, #tpu.memory_space<vmem>>
        %dma_start3A_291 = tpu.memref_squeeze %dma_start3A_290 : memref<1x128xi32, #tpu.memory_space<vmem>> -> memref<128xi32, #tpu.memory_space<vmem>>
        %dma_start3A_292 = arith.constant 0 : i32
        %dma_start3A_293 = arith.constant 0 : i32
        %dma_start3A_294 = tpu.memref_slice %arg2[%dma_start3A_292, %dma_start3A_293] : memref<10240x128xf32, #tpu.memory_space<hbm>> -> memref<10240x128xf32, #tpu.memory_space<hbm>>
        tpu.enqueue_indirect_dma source(%dma_start3A_294 : memref<10240x128xf32, #tpu.memory_space<hbm>>) target(%arg9 : memref<128x128xf32, #tpu.memory_space<vmem>>) offsets(%dma_start3A_291 : memref<128xi32, #tpu.memory_space<vmem>>) semaphore(%arg12 : memref<!tpu.dma_semaphore, #tpu.memory_space<semaphore_mem>>)
      } else {
      }
    }
    %scan3A_102 = arith.constant 20 : i32
    "tpu.region"() ({
      %run_scoped3A = tpu.sem_alloc : memref<!tpu.dma_semaphore, #tpu.memory_space<semaphore_mem>>
      %dma_start3A_233 = arith.constant 40 : i32
      %dma_start3A_234 = arith.constant 0 : i32
      %dma_start3A_235 = tpu.memref_slice %arg3[%add3A, %dma_start3A_233, %dma_start3A_234] : memref<32x80x128xi32, #tpu.memory_space<hbm>> -> memref<1x40x128xi32, #tpu.memory_space<hbm>>
      %dma_start3A_236 = tpu.memref_squeeze %dma_start3A_235 : memref<1x40x128xi32, #tpu.memory_space<hbm>> -> memref<40x128xi32, #tpu.memory_space<hbm>>
      %dma_start3A_237 = arith.constant 40 : i32
      %dma_start3A_238 = arith.constant 0 : i32
      %dma_start3A_239 = tpu.memref_slice %arg3[%add3A, %dma_start3A_237, %dma_start3A_238] : memref<32x80x128xi32, #tpu.memory_space<hbm>> -> memref<1x40x128xi32, #tpu.memory_space<hbm>>
      %dma_start3A_240 = tpu.memref_squeeze %dma_start3A_239 : memref<1x40x128xi32, #tpu.memory_space<hbm>> -> memref<40x128xi32, #tpu.memory_space<hbm>>
      tpu.enqueue_dma source(%dma_start3A_240 : memref<40x128xi32, #tpu.memory_space<hbm>>) target(%arg6 : memref<40x128xi32, #tpu.memory_space<vmem>>) target_semaphore(%run_scoped3A : memref<!tpu.dma_semaphore, #tpu.memory_space<semaphore_mem>>)
      %dma_wait3A_241 = arith.constant 40 : i32
      %dma_wait3A_242 = arith.constant 0 : i32
      %dma_wait3A_243 = tpu.memref_slice %arg3[%add3A, %dma_wait3A_241, %dma_wait3A_242] : memref<32x80x128xi32, #tpu.memory_space<hbm>> -> memref<1x40x128xi32, #tpu.memory_space<hbm>>
      %dma_wait3A_244 = tpu.memref_squeeze %dma_wait3A_243 : memref<1x40x128xi32, #tpu.memory_space<hbm>> -> memref<40x128xi32, #tpu.memory_space<hbm>>
      %dma_wait3A_245 = arith.constant 40 : i32
      %dma_wait3A_246 = arith.constant 0 : i32
      %dma_wait3A_247 = tpu.memref_slice %arg3[%add3A, %dma_wait3A_245, %dma_wait3A_246] : memref<32x80x128xi32, #tpu.memory_space<hbm>> -> memref<1x40x128xi32, #tpu.memory_space<hbm>>
      %dma_wait3A_248 = tpu.memref_squeeze %dma_wait3A_247 : memref<1x40x128xi32, #tpu.memory_space<hbm>> -> memref<40x128xi32, #tpu.memory_space<hbm>>
      tpu.wait_dma2 semaphore(%run_scoped3A : memref<!tpu.dma_semaphore, #tpu.memory_space<semaphore_mem>>) src(%dma_wait3A_248 : memref<40x128xi32, #tpu.memory_space<hbm>>) dst(%arg6 : memref<40x128xi32, #tpu.memory_space<vmem>>)
      tpu.yield
    }) : () -> ()
    "tpu.region"() ({
      %run_scoped3A = tpu.sem_alloc : memref<!tpu.dma_semaphore, #tpu.memory_space<semaphore_mem>>
      %dma_start3A_233 = arith.constant 40 : i32
      %dma_start3A_234 = arith.constant 0 : i32
      %dma_start3A_235 = tpu.memref_slice %arg4[%add3A, %dma_start3A_233, %dma_start3A_234] : memref<32x80x128xi32, #tpu.memory_space<hbm>> -> memref<1x40x128xi32, #tpu.memory_space<hbm>>
      %dma_start3A_236 = tpu.memref_squeeze %dma_start3A_235 : memref<1x40x128xi32, #tpu.memory_space<hbm>> -> memref<40x128xi32, #tpu.memory_space<hbm>>
      %dma_start3A_237 = arith.constant 40 : i32
      %dma_start3A_238 = arith.constant 0 : i32
      %dma_start3A_239 = tpu.memref_slice %arg4[%add3A, %dma_start3A_237, %dma_start3A_238] : memref<32x80x128xi32, #tpu.memory_space<hbm>> -> memref<1x40x128xi32, #tpu.memory_space<hbm>>
      %dma_start3A_240 = tpu.memref_squeeze %dma_start3A_239 : memref<1x40x128xi32, #tpu.memory_space<hbm>> -> memref<40x128xi32, #tpu.memory_space<hbm>>
      tpu.enqueue_dma source(%dma_start3A_240 : memref<40x128xi32, #tpu.memory_space<hbm>>) target(%arg7 : memref<40x128xi32, #tpu.memory_space<vmem>>) target_semaphore(%run_scoped3A : memref<!tpu.dma_semaphore, #tpu.memory_space<semaphore_mem>>)
      %dma_wait3A_241 = arith.constant 40 : i32
      %dma_wait3A_242 = arith.constant 0 : i32
      %dma_wait3A_243 = tpu.memref_slice %arg4[%add3A, %dma_wait3A_241, %dma_wait3A_242] : memref<32x80x128xi32, #tpu.memory_space<hbm>> -> memref<1x40x128xi32, #tpu.memory_space<hbm>>
      %dma_wait3A_244 = tpu.memref_squeeze %dma_wait3A_243 : memref<1x40x128xi32, #tpu.memory_space<hbm>> -> memref<40x128xi32, #tpu.memory_space<hbm>>
      %dma_wait3A_245 = arith.constant 40 : i32
      %dma_wait3A_246 = arith.constant 0 : i32
      %dma_wait3A_247 = tpu.memref_slice %arg4[%add3A, %dma_wait3A_245, %dma_wait3A_246] : memref<32x80x128xi32, #tpu.memory_space<hbm>> -> memref<1x40x128xi32, #tpu.memory_space<hbm>>
      %dma_wait3A_248 = tpu.memref_squeeze %dma_wait3A_247 : memref<1x40x128xi32, #tpu.memory_space<hbm>> -> memref<40x128xi32, #tpu.memory_space<hbm>>
      tpu.wait_dma2 semaphore(%run_scoped3A : memref<!tpu.dma_semaphore, #tpu.memory_space<semaphore_mem>>) src(%dma_wait3A_248 : memref<40x128xi32, #tpu.memory_space<hbm>>) dst(%arg7 : memref<40x128xi32, #tpu.memory_space<vmem>>)
      tpu.yield
    }) : () -> ()
    %dma_start3A_103 = arith.constant 0 : i32
    %dma_start3A_104 = arith.constant 0 : i32
    %dma_start3A_105 = tpu.memref_slice %arg6[%dma_start3A_103, %dma_start3A_104] : memref<40x128xi32, #tpu.memory_space<vmem>> -> memref<1x128xi32, #tpu.memory_space<vmem>>
    %dma_start3A_106 = tpu.memref_squeeze %dma_start3A_105 : memref<1x128xi32, #tpu.memory_space<vmem>> -> memref<128xi32, #tpu.memory_space<vmem>>
    %dma_start3A_107 = arith.constant 0 : i32
    %dma_start3A_108 = arith.constant 0 : i32
    %dma_start3A_109 = tpu.memref_slice %arg2[%dma_start3A_107, %dma_start3A_108] : memref<10240x128xf32, #tpu.memory_space<hbm>> -> memref<10240x128xf32, #tpu.memory_space<hbm>>
    tpu.enqueue_indirect_dma source(%dma_start3A_109 : memref<10240x128xf32, #tpu.memory_space<hbm>>) target(%arg8 : memref<128x128xf32, #tpu.memory_space<vmem>>) offsets(%dma_start3A_106 : memref<128xi32, #tpu.memory_space<vmem>>) semaphore(%arg11 : memref<!tpu.dma_semaphore, #tpu.memory_space<semaphore_mem>>)
    %dma_start3A_110 = arith.constant 1 : i32
    %dma_start3A_111 = arith.constant 0 : i32
    %dma_start3A_112 = tpu.memref_slice %arg6[%dma_start3A_110, %dma_start3A_111] : memref<40x128xi32, #tpu.memory_space<vmem>> -> memref<1x128xi32, #tpu.memory_space<vmem>>
    %dma_start3A_113 = tpu.memref_squeeze %dma_start3A_112 : memref<1x128xi32, #tpu.memory_space<vmem>> -> memref<128xi32, #tpu.memory_space<vmem>>
    %dma_start3A_114 = arith.constant 0 : i32
    %dma_start3A_115 = arith.constant 0 : i32
    %dma_start3A_116 = tpu.memref_slice %arg2[%dma_start3A_114, %dma_start3A_115] : memref<10240x128xf32, #tpu.memory_space<hbm>> -> memref<10240x128xf32, #tpu.memory_space<hbm>>
    tpu.enqueue_indirect_dma source(%dma_start3A_116 : memref<10240x128xf32, #tpu.memory_space<hbm>>) target(%arg9 : memref<128x128xf32, #tpu.memory_space<vmem>>) offsets(%dma_start3A_113 : memref<128xi32, #tpu.memory_space<vmem>>) semaphore(%arg12 : memref<!tpu.dma_semaphore, #tpu.memory_space<semaphore_mem>>)
    %scan3A_117 = arith.constant 0 : i32
    %scan3A_118 = arith.constant 20 : i32
    %scan3A_119 = arith.addi %scan3A_117, %scan3A_118 : i32
    %scan3A_120 = arith.constant 1 : i32
    scf.for %scan3A_233 = %scan3A_117 to %scan3A_119 step %scan3A_120  : i32 {
      %mul3A_234 = arith.constant 2 : i32
      %mul3A_235 = arith.muli %scan3A_233, %mul3A_234 : i32
      %add3A_236 = arith.constant 0 : i32
      %add3A_237 = arith.addi %add3A_236, %mul3A_235 : i32
      %dma_wait3A_238 = arith.constant 0 : i32
      %dma_wait3A_239 = arith.constant 0 : i32
      %dma_wait3A_240 = tpu.memref_slice %arg2[%dma_wait3A_238, %dma_wait3A_239] : memref<10240x128xf32, #tpu.memory_space<hbm>> -> memref<128x128xf32, #tpu.memory_space<hbm>>
      %dma_wait3A_241 = arith.constant 0 : i32
      %dma_wait3A_242 = arith.constant 0 : i32
      %dma_wait3A_243 = tpu.memref_slice %arg2[%dma_wait3A_241, %dma_wait3A_242] : memref<10240x128xf32, #tpu.memory_space<hbm>> -> memref<128x128xf32, #tpu.memory_space<hbm>>
      tpu.wait_dma2 semaphore(%arg11 : memref<!tpu.dma_semaphore, #tpu.memory_space<semaphore_mem>>) src(%dma_wait3A_243 : memref<128x128xf32, #tpu.memory_space<hbm>>) dst(%arg8 : memref<128x128xf32, #tpu.memory_space<vmem>>)
      %dma_start3A_244 = arith.constant 0 : i32
      %dma_start3A_245 = tpu.memref_slice %arg7[%add3A_237, %dma_start3A_244] : memref<40x128xi32, #tpu.memory_space<vmem>> -> memref<1x128xi32, #tpu.memory_space<vmem>>
      %dma_start3A_246 = tpu.memref_squeeze %dma_start3A_245 : memref<1x128xi32, #tpu.memory_space<vmem>> -> memref<128xi32, #tpu.memory_space<vmem>>
      %dma_start3A_247 = arith.constant 0 : i32
      %dma_start3A_248 = arith.constant 0 : i32
      %dma_start3A_249 = tpu.memref_slice %arg10[%dma_start3A_247, %dma_start3A_248] : memref<10240x128xf32, #tpu.memory_space<vmem_shared>> -> memref<10240x128xf32, #tpu.memory_space<vmem_shared>>
      tpu.enqueue_indirect_dma source(%arg8 : memref<128x128xf32, #tpu.memory_space<vmem>>) target(%dma_start3A_249 : memref<10240x128xf32, #tpu.memory_space<vmem_shared>>) offsets(%dma_start3A_246 : memref<128xi32, #tpu.memory_space<vmem>>) semaphore(%arg13 : memref<!tpu.dma_semaphore, #tpu.memory_space<semaphore_mem>>) {add = true}
      %dma_wait3A_250 = arith.constant 0 : i32
      %dma_wait3A_251 = arith.constant 0 : i32
      %dma_wait3A_252 = tpu.memref_slice %arg2[%dma_wait3A_250, %dma_wait3A_251] : memref<10240x128xf32, #tpu.memory_space<hbm>> -> memref<128x128xf32, #tpu.memory_space<hbm>>
      %dma_wait3A_253 = arith.constant 0 : i32
      %dma_wait3A_254 = arith.constant 0 : i32
      %dma_wait3A_255 = tpu.memref_slice %arg2[%dma_wait3A_253, %dma_wait3A_254] : memref<10240x128xf32, #tpu.memory_space<hbm>> -> memref<128x128xf32, #tpu.memory_space<hbm>>
      tpu.wait_dma2 semaphore(%arg12 : memref<!tpu.dma_semaphore, #tpu.memory_space<semaphore_mem>>) src(%dma_wait3A_255 : memref<128x128xf32, #tpu.memory_space<hbm>>) dst(%arg9 : memref<128x128xf32, #tpu.memory_space<vmem>>)
      %add3A_256 = arith.constant 1 : i32
      %add3A_257 = arith.addi %add3A_237, %add3A_256 : i32
      %dma_start3A_258 = arith.constant 0 : i32
      %dma_start3A_259 = tpu.memref_slice %arg7[%add3A_257, %dma_start3A_258] : memref<40x128xi32, #tpu.memory_space<vmem>> -> memref<1x128xi32, #tpu.memory_space<vmem>>
      %dma_start3A_260 = tpu.memref_squeeze %dma_start3A_259 : memref<1x128xi32, #tpu.memory_space<vmem>> -> memref<128xi32, #tpu.memory_space<vmem>>
      %dma_start3A_261 = arith.constant 0 : i32
      %dma_start3A_262 = arith.constant 0 : i32
      %dma_start3A_263 = tpu.memref_slice %arg10[%dma_start3A_261, %dma_start3A_262] : memref<10240x128xf32, #tpu.memory_space<vmem_shared>> -> memref<10240x128xf32, #tpu.memory_space<vmem_shared>>
      tpu.enqueue_indirect_dma source(%arg9 : memref<128x128xf32, #tpu.memory_space<vmem>>) target(%dma_start3A_263 : memref<10240x128xf32, #tpu.memory_space<vmem_shared>>) offsets(%dma_start3A_260 : memref<128xi32, #tpu.memory_space<vmem>>) semaphore(%arg14 : memref<!tpu.dma_semaphore, #tpu.memory_space<semaphore_mem>>) {add = true}
      %dma_wait3A_264 = arith.constant 0 : i32
      %dma_wait3A_265 = arith.constant 0 : i32
      %dma_wait3A_266 = tpu.memref_slice %arg10[%dma_wait3A_264, %dma_wait3A_265] : memref<10240x128xf32, #tpu.memory_space<vmem_shared>> -> memref<128x128xf32, #tpu.memory_space<vmem_shared>>
      %dma_wait3A_267 = arith.constant 0 : i32
      %dma_wait3A_268 = arith.constant 0 : i32
      %dma_wait3A_269 = tpu.memref_slice %arg10[%dma_wait3A_267, %dma_wait3A_268] : memref<10240x128xf32, #tpu.memory_space<vmem_shared>> -> memref<128x128xf32, #tpu.memory_space<vmem_shared>>
      tpu.wait_dma2 semaphore(%arg13 : memref<!tpu.dma_semaphore, #tpu.memory_space<semaphore_mem>>) src(%arg8 : memref<128x128xf32, #tpu.memory_space<vmem>>) dst(%dma_wait3A_269 : memref<128x128xf32, #tpu.memory_space<vmem_shared>>)
      %add3A_270 = arith.constant 2 : i32
      %add3A_271 = arith.addi %add3A_237, %add3A_270 : i32
      %lt3A = arith.constant 40 : i32
      %lt3A_272 = arith.cmpi slt, %add3A_271, %lt3A : i32
      %convert_element_type3A = arith.extui %lt3A_272 : i1 to i32
      %cond3A = arith.constant 0 : i32
      %cond3A_273 = arith.cmpi ne, %convert_element_type3A, %cond3A : i32
      scf.if %cond3A_273 {
        %add3A_287 = arith.constant 2 : i32
        %add3A_288 = arith.addi %add3A_237, %add3A_287 : i32
        %dma_start3A_289 = arith.constant 0 : i32
        %dma_start3A_290 = tpu.memref_slice %arg6[%add3A_288, %dma_start3A_289] : memref<40x128xi32, #tpu.memory_space<vmem>> -> memref<1x128xi32, #tpu.memory_space<vmem>>
        %dma_start3A_291 = tpu.memref_squeeze %dma_start3A_290 : memref<1x128xi32, #tpu.memory_space<vmem>> -> memref<128xi32, #tpu.memory_space<vmem>>
        %dma_start3A_292 = arith.constant 0 : i32
        %dma_start3A_293 = arith.constant 0 : i32
        %dma_start3A_294 = tpu.memref_slice %arg2[%dma_start3A_292, %dma_start3A_293] : memref<10240x128xf32, #tpu.memory_space<hbm>> -> memref<10240x128xf32, #tpu.memory_space<hbm>>
        tpu.enqueue_indirect_dma source(%dma_start3A_294 : memref<10240x128xf32, #tpu.memory_space<hbm>>) target(%arg8 : memref<128x128xf32, #tpu.memory_space<vmem>>) offsets(%dma_start3A_291 : memref<128xi32, #tpu.memory_space<vmem>>) semaphore(%arg11 : memref<!tpu.dma_semaphore, #tpu.memory_space<semaphore_mem>>)
      } else {
      }
      %dma_wait3A_274 = arith.constant 0 : i32
      %dma_wait3A_275 = arith.constant 0 : i32
      %dma_wait3A_276 = tpu.memref_slice %arg10[%dma_wait3A_274, %dma_wait3A_275] : memref<10240x128xf32, #tpu.memory_space<vmem_shared>> -> memref<128x128xf32, #tpu.memory_space<vmem_shared>>
      %dma_wait3A_277 = arith.constant 0 : i32
      %dma_wait3A_278 = arith.constant 0 : i32
      %dma_wait3A_279 = tpu.memref_slice %arg10[%dma_wait3A_277, %dma_wait3A_278] : memref<10240x128xf32, #tpu.memory_space<vmem_shared>> -> memref<128x128xf32, #tpu.memory_space<vmem_shared>>
      tpu.wait_dma2 semaphore(%arg14 : memref<!tpu.dma_semaphore, #tpu.memory_space<semaphore_mem>>) src(%arg9 : memref<128x128xf32, #tpu.memory_space<vmem>>) dst(%dma_wait3A_279 : memref<128x128xf32, #tpu.memory_space<vmem_shared>>)
      %add3A_280 = arith.constant 3 : i32
      %add3A_281 = arith.addi %add3A_237, %add3A_280 : i32
      %lt3A_282 = arith.constant 40 : i32
      %lt3A_283 = arith.cmpi slt, %add3A_281, %lt3A_282 : i32
      %convert_element_type3A_284 = arith.extui %lt3A_283 : i1 to i32
      %cond3A_285 = arith.constant 0 : i32
      %cond3A_286 = arith.cmpi ne, %convert_element_type3A_284, %cond3A_285 : i32
      scf.if %cond3A_286 {
        %add3A_287 = arith.constant 3 : i32
        %add3A_288 = arith.addi %add3A_237, %add3A_287 : i32
        %dma_start3A_289 = arith.constant 0 : i32
        %dma_start3A_290 = tpu.memref_slice %arg6[%add3A_288, %dma_start3A_289] : memref<40x128xi32, #tpu.memory_space<vmem>> -> memref<1x128xi32, #tpu.memory_space<vmem>>
        %dma_start3A_291 = tpu.memref_squeeze %dma_start3A_290 : memref<1x128xi32, #tpu.memory_space<vmem>> -> memref<128xi32, #tpu.memory_space<vmem>>
        %dma_start3A_292 = arith.constant 0 : i32
        %dma_start3A_293 = arith.constant 0 : i32
        %dma_start3A_294 = tpu.memref_slice %arg2[%dma_start3A_292, %dma_start3A_293] : memref<10240x128xf32, #tpu.memory_space<hbm>> -> memref<10240x128xf32, #tpu.memory_space<hbm>>
        tpu.enqueue_indirect_dma source(%dma_start3A_294 : memref<10240x128xf32, #tpu.memory_space<hbm>>) target(%arg9 : memref<128x128xf32, #tpu.memory_space<vmem>>) offsets(%dma_start3A_291 : memref<128xi32, #tpu.memory_space<vmem>>) semaphore(%arg12 : memref<!tpu.dma_semaphore, #tpu.memory_space<semaphore_mem>>)
      } else {
      }
    }
    %scan3A_121 = arith.constant 20 : i32
    %barrier3A_122 = arith.constant 0 : index
    tpu.barrier barrier_id(%barrier3A_122)
    %mul3A_123 = arith.constant 640 : i32
    %mul3A_124 = arith.muli %arg1, %mul3A_123 : i32
    %add3A_125 = arith.constant 0 : i32
    %add3A_126 = arith.addi %mul3A_124, %add3A_125 : i32
    %mul3A_127 = arith.constant 10240 : i32
    %mul3A_128 = arith.muli %arg0, %mul3A_127 : i32
    %add3A_129 = arith.addi %mul3A_128, %add3A_126 : i32
    %dma_start3A_130 = arith.constant 0 : i32
    %dma_start3A_131 = tpu.memref_slice %arg5[%add3A_129, %dma_start3A_130] : memref<20480x128xf32, #tpu.memory_space<hbm>> -> memref<128x128xf32, #tpu.memory_space<hbm>>
    %dma_start3A_132 = arith.constant 0 : i32
    %dma_start3A_133 = tpu.memref_slice %arg10[%add3A_126, %dma_start3A_132] : memref<10240x128xf32, #tpu.memory_space<vmem_shared>> -> memref<128x128xf32, #tpu.memory_space<vmem_shared>>
    tpu.enqueue_dma source(%dma_start3A_133 : memref<128x128xf32, #tpu.memory_space<vmem_shared>>) target(%dma_start3A_131 : memref<128x128xf32, #tpu.memory_space<hbm>>) target_semaphore(%arg11 : memref<!tpu.dma_semaphore, #tpu.memory_space<semaphore_mem>>)
    %mul3A_134 = arith.constant 640 : i32
    %mul3A_135 = arith.muli %arg1, %mul3A_134 : i32
    %add3A_136 = arith.constant 128 : i32
    %add3A_137 = arith.addi %mul3A_135, %add3A_136 : i32
    %mul3A_138 = arith.constant 10240 : i32
    %mul3A_139 = arith.muli %arg0, %mul3A_138 : i32
    %add3A_140 = arith.addi %mul3A_139, %add3A_137 : i32
    %dma_start3A_141 = arith.constant 0 : i32
    %dma_start3A_142 = tpu.memref_slice %arg5[%add3A_140, %dma_start3A_141] : memref<20480x128xf32, #tpu.memory_space<hbm>> -> memref<128x128xf32, #tpu.memory_space<hbm>>
    %dma_start3A_143 = arith.constant 0 : i32
    %dma_start3A_144 = tpu.memref_slice %arg10[%add3A_137, %dma_start3A_143] : memref<10240x128xf32, #tpu.memory_space<vmem_shared>> -> memref<128x128xf32, #tpu.memory_space<vmem_shared>>
    tpu.enqueue_dma source(%dma_start3A_144 : memref<128x128xf32, #tpu.memory_space<vmem_shared>>) target(%dma_start3A_142 : memref<128x128xf32, #tpu.memory_space<hbm>>) target_semaphore(%arg11 : memref<!tpu.dma_semaphore, #tpu.memory_space<semaphore_mem>>)
    %mul3A_145 = arith.constant 640 : i32
    %mul3A_146 = arith.muli %arg1, %mul3A_145 : i32
    %add3A_147 = arith.constant 256 : i32
    %add3A_148 = arith.addi %mul3A_146, %add3A_147 : i32
    %mul3A_149 = arith.constant 10240 : i32
    %mul3A_150 = arith.muli %arg0, %mul3A_149 : i32
    %add3A_151 = arith.addi %mul3A_150, %add3A_148 : i32
    %dma_start3A_152 = arith.constant 0 : i32
    %dma_start3A_153 = tpu.memref_slice %arg5[%add3A_151, %dma_start3A_152] : memref<20480x128xf32, #tpu.memory_space<hbm>> -> memref<128x128xf32, #tpu.memory_space<hbm>>
    %dma_start3A_154 = arith.constant 0 : i32
    %dma_start3A_155 = tpu.memref_slice %arg10[%add3A_148, %dma_start3A_154] : memref<10240x128xf32, #tpu.memory_space<vmem_shared>> -> memref<128x128xf32, #tpu.memory_space<vmem_shared>>
    tpu.enqueue_dma source(%dma_start3A_155 : memref<128x128xf32, #tpu.memory_space<vmem_shared>>) target(%dma_start3A_153 : memref<128x128xf32, #tpu.memory_space<hbm>>) target_semaphore(%arg11 : memref<!tpu.dma_semaphore, #tpu.memory_space<semaphore_mem>>)
    %mul3A_156 = arith.constant 640 : i32
    %mul3A_157 = arith.muli %arg1, %mul3A_156 : i32
    %add3A_158 = arith.constant 384 : i32
    %add3A_159 = arith.addi %mul3A_157, %add3A_158 : i32
    %mul3A_160 = arith.constant 10240 : i32
    %mul3A_161 = arith.muli %arg0, %mul3A_160 : i32
    %add3A_162 = arith.addi %mul3A_161, %add3A_159 : i32
    %dma_start3A_163 = arith.constant 0 : i32
    %dma_start3A_164 = tpu.memref_slice %arg5[%add3A_162, %dma_start3A_163] : memref<20480x128xf32, #tpu.memory_space<hbm>> -> memref<128x128xf32, #tpu.memory_space<hbm>>
    %dma_start3A_165 = arith.constant 0 : i32
    %dma_start3A_166 = tpu.memref_slice %arg10[%add3A_159, %dma_start3A_165] : memref<10240x128xf32, #tpu.memory_space<vmem_shared>> -> memref<128x128xf32, #tpu.memory_space<vmem_shared>>
    tpu.enqueue_dma source(%dma_start3A_166 : memref<128x128xf32, #tpu.memory_space<vmem_shared>>) target(%dma_start3A_164 : memref<128x128xf32, #tpu.memory_space<hbm>>) target_semaphore(%arg11 : memref<!tpu.dma_semaphore, #tpu.memory_space<semaphore_mem>>)
    %mul3A_167 = arith.constant 640 : i32
    %mul3A_168 = arith.muli %arg1, %mul3A_167 : i32
    %add3A_169 = arith.constant 512 : i32
    %add3A_170 = arith.addi %mul3A_168, %add3A_169 : i32
    %mul3A_171 = arith.constant 10240 : i32
    %mul3A_172 = arith.muli %arg0, %mul3A_171 : i32
    %add3A_173 = arith.addi %mul3A_172, %add3A_170 : i32
    %dma_start3A_174 = arith.constant 0 : i32
    %dma_start3A_175 = tpu.memref_slice %arg5[%add3A_173, %dma_start3A_174] : memref<20480x128xf32, #tpu.memory_space<hbm>> -> memref<128x128xf32, #tpu.memory_space<hbm>>
    %dma_start3A_176 = arith.constant 0 : i32
    %dma_start3A_177 = tpu.memref_slice %arg10[%add3A_170, %dma_start3A_176] : memref<10240x128xf32, #tpu.memory_space<vmem_shared>> -> memref<128x128xf32, #tpu.memory_space<vmem_shared>>
    tpu.enqueue_dma source(%dma_start3A_177 : memref<128x128xf32, #tpu.memory_space<vmem_shared>>) target(%dma_start3A_175 : memref<128x128xf32, #tpu.memory_space<hbm>>) target_semaphore(%arg11 : memref<!tpu.dma_semaphore, #tpu.memory_space<semaphore_mem>>)
    %mul3A_178 = arith.constant 640 : i32
    %mul3A_179 = arith.muli %arg1, %mul3A_178 : i32
    %add3A_180 = arith.constant 0 : i32
    %add3A_181 = arith.addi %mul3A_179, %add3A_180 : i32
    %mul3A_182 = arith.constant 10240 : i32
    %mul3A_183 = arith.muli %arg0, %mul3A_182 : i32
    %add3A_184 = arith.addi %mul3A_183, %add3A_181 : i32
    %dma_wait3A_185 = arith.constant 0 : i32
    %dma_wait3A_186 = tpu.memref_slice %arg5[%add3A_184, %dma_wait3A_185] : memref<20480x128xf32, #tpu.memory_space<hbm>> -> memref<128x128xf32, #tpu.memory_space<hbm>>
    %dma_wait3A_187 = arith.constant 0 : i32
    %dma_wait3A_188 = tpu.memref_slice %arg10[%add3A_181, %dma_wait3A_187] : memref<10240x128xf32, #tpu.memory_space<vmem_shared>> -> memref<128x128xf32, #tpu.memory_space<vmem_shared>>
    tpu.wait_dma2 semaphore(%arg11 : memref<!tpu.dma_semaphore, #tpu.memory_space<semaphore_mem>>) src(%dma_wait3A_188 : memref<128x128xf32, #tpu.memory_space<vmem_shared>>) dst(%dma_wait3A_186 : memref<128x128xf32, #tpu.memory_space<hbm>>)
    %mul3A_189 = arith.constant 640 : i32
    %mul3A_190 = arith.muli %arg1, %mul3A_189 : i32
    %add3A_191 = arith.constant 128 : i32
    %add3A_192 = arith.addi %mul3A_190, %add3A_191 : i32
    %mul3A_193 = arith.constant 10240 : i32
    %mul3A_194 = arith.muli %arg0, %mul3A_193 : i32
    %add3A_195 = arith.addi %mul3A_194, %add3A_192 : i32
    %dma_wait3A_196 = arith.constant 0 : i32
    %dma_wait3A_197 = tpu.memref_slice %arg5[%add3A_195, %dma_wait3A_196] : memref<20480x128xf32, #tpu.memory_space<hbm>> -> memref<128x128xf32, #tpu.memory_space<hbm>>
    %dma_wait3A_198 = arith.constant 0 : i32
    %dma_wait3A_199 = tpu.memref_slice %arg10[%add3A_192, %dma_wait3A_198] : memref<10240x128xf32, #tpu.memory_space<vmem_shared>> -> memref<128x128xf32, #tpu.memory_space<vmem_shared>>
    tpu.wait_dma2 semaphore(%arg11 : memref<!tpu.dma_semaphore, #tpu.memory_space<semaphore_mem>>) src(%dma_wait3A_199 : memref<128x128xf32, #tpu.memory_space<vmem_shared>>) dst(%dma_wait3A_197 : memref<128x128xf32, #tpu.memory_space<hbm>>)
    %mul3A_200 = arith.constant 640 : i32
    %mul3A_201 = arith.muli %arg1, %mul3A_200 : i32
    %add3A_202 = arith.constant 256 : i32
    %add3A_203 = arith.addi %mul3A_201, %add3A_202 : i32
    %mul3A_204 = arith.constant 10240 : i32
    %mul3A_205 = arith.muli %arg0, %mul3A_204 : i32
    %add3A_206 = arith.addi %mul3A_205, %add3A_203 : i32
    %dma_wait3A_207 = arith.constant 0 : i32
    %dma_wait3A_208 = tpu.memref_slice %arg5[%add3A_206, %dma_wait3A_207] : memref<20480x128xf32, #tpu.memory_space<hbm>> -> memref<128x128xf32, #tpu.memory_space<hbm>>
    %dma_wait3A_209 = arith.constant 0 : i32
    %dma_wait3A_210 = tpu.memref_slice %arg10[%add3A_203, %dma_wait3A_209] : memref<10240x128xf32, #tpu.memory_space<vmem_shared>> -> memref<128x128xf32, #tpu.memory_space<vmem_shared>>
    tpu.wait_dma2 semaphore(%arg11 : memref<!tpu.dma_semaphore, #tpu.memory_space<semaphore_mem>>) src(%dma_wait3A_210 : memref<128x128xf32, #tpu.memory_space<vmem_shared>>) dst(%dma_wait3A_208 : memref<128x128xf32, #tpu.memory_space<hbm>>)
    %mul3A_211 = arith.constant 640 : i32
    %mul3A_212 = arith.muli %arg1, %mul3A_211 : i32
    %add3A_213 = arith.constant 384 : i32
    %add3A_214 = arith.addi %mul3A_212, %add3A_213 : i32
    %mul3A_215 = arith.constant 10240 : i32
    %mul3A_216 = arith.muli %arg0, %mul3A_215 : i32
    %add3A_217 = arith.addi %mul3A_216, %add3A_214 : i32
    %dma_wait3A_218 = arith.constant 0 : i32
    %dma_wait3A_219 = tpu.memref_slice %arg5[%add3A_217, %dma_wait3A_218] : memref<20480x128xf32, #tpu.memory_space<hbm>> -> memref<128x128xf32, #tpu.memory_space<hbm>>
    %dma_wait3A_220 = arith.constant 0 : i32
    %dma_wait3A_221 = tpu.memref_slice %arg10[%add3A_214, %dma_wait3A_220] : memref<10240x128xf32, #tpu.memory_space<vmem_shared>> -> memref<128x128xf32, #tpu.memory_space<vmem_shared>>
    tpu.wait_dma2 semaphore(%arg11 : memref<!tpu.dma_semaphore, #tpu.memory_space<semaphore_mem>>) src(%dma_wait3A_221 : memref<128x128xf32, #tpu.memory_space<vmem_shared>>) dst(%dma_wait3A_219 : memref<128x128xf32, #tpu.memory_space<hbm>>)
    %mul3A_222 = arith.constant 640 : i32
    %mul3A_223 = arith.muli %arg1, %mul3A_222 : i32
    %add3A_224 = arith.constant 512 : i32
    %add3A_225 = arith.addi %mul3A_223, %add3A_224 : i32
    %mul3A_226 = arith.constant 10240 : i32
    %mul3A_227 = arith.muli %arg0, %mul3A_226 : i32
    %add3A_228 = arith.addi %mul3A_227, %add3A_225 : i32
    %dma_wait3A_229 = arith.constant 0 : i32
    %dma_wait3A_230 = tpu.memref_slice %arg5[%add3A_228, %dma_wait3A_229] : memref<20480x128xf32, #tpu.memory_space<hbm>> -> memref<128x128xf32, #tpu.memory_space<hbm>>
    %dma_wait3A_231 = arith.constant 0 : i32
    %dma_wait3A_232 = tpu.memref_slice %arg10[%add3A_225, %dma_wait3A_231] : memref<10240x128xf32, #tpu.memory_space<vmem_shared>> -> memref<128x128xf32, #tpu.memory_space<vmem_shared>>
    tpu.wait_dma2 semaphore(%arg11 : memref<!tpu.dma_semaphore, #tpu.memory_space<semaphore_mem>>) src(%dma_wait3A_232 : memref<128x128xf32, #tpu.memory_space<vmem_shared>>) dst(%dma_wait3A_230 : memref<128x128xf32, #tpu.memory_space<hbm>>)
    return
  }
}

#map = affine_map<(d0, d1) -> (0, 0)>
#map1 = affine_map<(d0, d1) -> (0, 0, 0)>
module attributes {stable_mosaic.version = 14 : i64} {
  func.func @sc_gcn_edges(%arg0: i32, %arg1: i32, %arg2: memref<10240x128xf32, #tpu.memory_space<hbm>>, %arg3: memref<32x80x128xi32, #tpu.memory_space<hbm>>, %arg4: memref<32x80x128xi32, #tpu.memory_space<hbm>>, %arg5: memref<20480x128xf32, #tpu.memory_space<hbm>>, %arg6: memref<40x128xi32, #tpu.memory_space<vmem>>, %arg7: memref<40x128xi32, #tpu.memory_space<vmem>>, %arg8: memref<128x128xf32, #tpu.memory_space<vmem>>, %arg9: memref<128x128xf32, #tpu.memory_space<vmem>>, %arg10: memref<10240x128xf32, #tpu.memory_space<vmem_shared>>, %arg11: memref<!tpu.dma_semaphore, #tpu.memory_space<semaphore_mem>>, %arg12: memref<!tpu.dma_semaphore, #tpu.memory_space<semaphore_mem>>, %arg13: memref<!tpu.dma_semaphore, #tpu.memory_space<semaphore_mem>>, %arg14: memref<!tpu.dma_semaphore, #tpu.memory_space<semaphore_mem>>) attributes {dimension_semantics = [#tpu.dimension_semantics<core_parallel>, #tpu.dimension_semantics<subcore_parallel>], iteration_bounds = array<i64: 2, 16>, scalar_prefetch = 0 : i64, scratch_operands = 9 : i64, tpu.core_type = #tpu.core_type<sc_vector_subcore>, window_params = [{transform_indices = #map}, {transform_indices = #map1}, {transform_indices = #map1}, {transform_indices = #map}]} {
    %mul3A = arith.constant 16 : i32
    %mul3A_0 = arith.muli %arg0, %mul3A : i32
    %add3A = arith.addi %mul3A_0, %arg1 : i32
    %broadcast_in_dim3A = arith.constant 0.000000e+00 : f32
    %broadcast_in_dim3A_1 = vector.broadcast %broadcast_in_dim3A : f32 to vector<16xf32>
    %scan3A = arith.constant 0 : i32
    %scan3A_2 = arith.constant 128 : i32
    %scan3A_3 = arith.addi %scan3A, %scan3A_2 : i32
    %scan3A_4 = arith.constant 1 : i32
    scf.for %scan3A_233 = %scan3A to %scan3A_3 step %scan3A_4  : i32 {
      %mul3A_234 = arith.constant 1 : i32
      %mul3A_235 = arith.muli %scan3A_233, %mul3A_234 : i32
      %add3A_236 = arith.constant 0 : i32
      %add3A_237 = arith.addi %add3A_236, %mul3A_235 : i32
      %swap3A = arith.index_cast %add3A_237 : i32 to index
      %swap3A_238 = arith.constant 0 : index
      %swap3A_239 = tpu.vector_load %arg8[%swap3A, %swap3A_238] {strides = array<i32>} : memref<128x128xf32, #tpu.memory_space<vmem>>, vector<1x16xf32>,
      %swap3A_240 = vector.shape_cast %swap3A_239 : vector<1x16xf32> to vector<16xf32>
      %swap3A_241 = vector.shape_cast %broadcast_in_dim3A_1 : vector<16xf32> to vector<1x16xf32>
      tpu.vector_store %arg8[%swap3A, %swap3A_238], %swap3A_241 {strides = array<i32>} : memref<128x128xf32, #tpu.memory_space<vmem>>, vector<1x16xf32>,
      %swap3A_242 = arith.index_cast %add3A_237 : i32 to index
      %swap3A_243 = arith.constant 16 : index
      %swap3A_244 = tpu.vector_load %arg8[%swap3A_242, %swap3A_243] {strides = array<i32>} : memref<128x128xf32, #tpu.memory_space<vmem>>, vector<1x16xf32>,
      %swap3A_245 = vector.shape_cast %swap3A_244 : vector<1x16xf32> to vector<16xf32>
      %swap3A_246 = vector.shape_cast %broadcast_in_dim3A_1 : vector<16xf32> to vector<1x16xf32>
      tpu.vector_store %arg8[%swap3A_242, %swap3A_243], %swap3A_246 {strides = array<i32>} : memref<128x128xf32, #tpu.memory_space<vmem>>, vector<1x16xf32>,
      %swap3A_247 = arith.index_cast %add3A_237 : i32 to index
      %swap3A_248 = arith.constant 32 : index
      %swap3A_249 = tpu.vector_load %arg8[%swap3A_247, %swap3A_248] {strides = array<i32>} : memref<128x128xf32, #tpu.memory_space<vmem>>, vector<1x16xf32>,
      %swap3A_250 = vector.shape_cast %swap3A_249 : vector<1x16xf32> to vector<16xf32>
      %swap3A_251 = vector.shape_cast %broadcast_in_dim3A_1 : vector<16xf32> to vector<1x16xf32>
      tpu.vector_store %arg8[%swap3A_247, %swap3A_248], %swap3A_251 {strides = array<i32>} : memref<128x128xf32, #tpu.memory_space<vmem>>, vector<1x16xf32>,
      %swap3A_252 = arith.index_cast %add3A_237 : i32 to index
      %swap3A_253 = arith.constant 48 : index
      %swap3A_254 = tpu.vector_load %arg8[%swap3A_252, %swap3A_253] {strides = array<i32>} : memref<128x128xf32, #tpu.memory_space<vmem>>, vector<1x16xf32>,
      %swap3A_255 = vector.shape_cast %swap3A_254 : vector<1x16xf32> to vector<16xf32>
      %swap3A_256 = vector.shape_cast %broadcast_in_dim3A_1 : vector<16xf32> to vector<1x16xf32>
      tpu.vector_store %arg8[%swap3A_252, %swap3A_253], %swap3A_256 {strides = array<i32>} : memref<128x128xf32, #tpu.memory_space<vmem>>, vector<1x16xf32>,
      %swap3A_257 = arith.index_cast %add3A_237 : i32 to index
      %swap3A_258 = arith.constant 64 : index
      %swap3A_259 = tpu.vector_load %arg8[%swap3A_257, %swap3A_258] {strides = array<i32>} : memref<128x128xf32, #tpu.memory_space<vmem>>, vector<1x16xf32>,
      %swap3A_260 = vector.shape_cast %swap3A_259 : vector<1x16xf32> to vector<16xf32>
      %swap3A_261 = vector.shape_cast %broadcast_in_dim3A_1 : vector<16xf32> to vector<1x16xf32>
      tpu.vector_store %arg8[%swap3A_257, %swap3A_258], %swap3A_261 {strides = array<i32>} : memref<128x128xf32, #tpu.memory_space<vmem>>, vector<1x16xf32>,
      %swap3A_262 = arith.index_cast %add3A_237 : i32 to index
      %swap3A_263 = arith.constant 80 : index
      %swap3A_264 = tpu.vector_load %arg8[%swap3A_262, %swap3A_263] {strides = array<i32>} : memref<128x128xf32, #tpu.memory_space<vmem>>, vector<1x16xf32>,
      %swap3A_265 = vector.shape_cast %swap3A_264 : vector<1x16xf32> to vector<16xf32>
      %swap3A_266 = vector.shape_cast %broadcast_in_dim3A_1 : vector<16xf32> to vector<1x16xf32>
      tpu.vector_store %arg8[%swap3A_262, %swap3A_263], %swap3A_266 {strides = array<i32>} : memref<128x128xf32, #tpu.memory_space<vmem>>, vector<1x16xf32>,
      %swap3A_267 = arith.index_cast %add3A_237 : i32 to index
      %swap3A_268 = arith.constant 96 : index
      %swap3A_269 = tpu.vector_load %arg8[%swap3A_267, %swap3A_268] {strides = array<i32>} : memref<128x128xf32, #tpu.memory_space<vmem>>, vector<1x16xf32>,
      %swap3A_270 = vector.shape_cast %swap3A_269 : vector<1x16xf32> to vector<16xf32>
      %swap3A_271 = vector.shape_cast %broadcast_in_dim3A_1 : vector<16xf32> to vector<1x16xf32>
      tpu.vector_store %arg8[%swap3A_267, %swap3A_268], %swap3A_271 {strides = array<i32>} : memref<128x128xf32, #tpu.memory_space<vmem>>, vector<1x16xf32>,
      %swap3A_272 = arith.index_cast %add3A_237 : i32 to index
      %swap3A_273 = arith.constant 112 : index
      %swap3A_274 = tpu.vector_load %arg8[%swap3A_272, %swap3A_273] {strides = array<i32>} : memref<128x128xf32, #tpu.memory_space<vmem>>, vector<1x16xf32>,
      %swap3A_275 = vector.shape_cast %swap3A_274 : vector<1x16xf32> to vector<16xf32>
      %swap3A_276 = vector.shape_cast %broadcast_in_dim3A_1 : vector<16xf32> to vector<1x16xf32>
      tpu.vector_store %arg8[%swap3A_272, %swap3A_273], %swap3A_276 {strides = array<i32>} : memref<128x128xf32, #tpu.memory_space<vmem>>, vector<1x16xf32>,
    }
    %scan3A_5 = arith.constant 128 : i32
    %mul3A_6 = arith.constant 640 : i32
    %mul3A_7 = arith.muli %arg1, %mul3A_6 : i32
    %add3A_8 = arith.constant 0 : i32
    %add3A_9 = arith.addi %mul3A_7, %add3A_8 : i32
    %dma_start3A = arith.constant 0 : i32
    %dma_start3A_10 = tpu.memref_slice %arg10[%add3A_9, %dma_start3A] : memref<10240x128xf32, #tpu.memory_space<vmem_shared>> -> memref<128x128xf32, #tpu.memory_space<vmem_shared>>
    %dma_start3A_11 = arith.constant 0 : i32
    %dma_start3A_12 = tpu.memref_slice %arg10[%add3A_9, %dma_start3A_11] : memref<10240x128xf32, #tpu.memory_space<vmem_shared>> -> memref<128x128xf32, #tpu.memory_space<vmem_shared>>
    tpu.enqueue_dma source(%arg8 : memref<128x128xf32, #tpu.memory_space<vmem>>) target(%dma_start3A_12 : memref<128x128xf32, #tpu.memory_space<vmem_shared>>) target_semaphore(%arg11 : memref<!tpu.dma_semaphore, #tpu.memory_space<semaphore_mem>>)
    %mul3A_13 = arith.constant 640 : i32
    %mul3A_14 = arith.muli %arg1, %mul3A_13 : i32
    %add3A_15 = arith.constant 128 : i32
    %add3A_16 = arith.addi %mul3A_14, %add3A_15 : i32
    %dma_start3A_17 = arith.constant 0 : i32
    %dma_start3A_18 = tpu.memref_slice %arg10[%add3A_16, %dma_start3A_17] : memref<10240x128xf32, #tpu.memory_space<vmem_shared>> -> memref<128x128xf32, #tpu.memory_space<vmem_shared>>
    %dma_start3A_19 = arith.constant 0 : i32
    %dma_start3A_20 = tpu.memref_slice %arg10[%add3A_16, %dma_start3A_19] : memref<10240x128xf32, #tpu.memory_space<vmem_shared>> -> memref<128x128xf32, #tpu.memory_space<vmem_shared>>
    tpu.enqueue_dma source(%arg8 : memref<128x128xf32, #tpu.memory_space<vmem>>) target(%dma_start3A_20 : memref<128x128xf32, #tpu.memory_space<vmem_shared>>) target_semaphore(%arg11 : memref<!tpu.dma_semaphore, #tpu.memory_space<semaphore_mem>>)
    %mul3A_21 = arith.constant 640 : i32
    %mul3A_22 = arith.muli %arg1, %mul3A_21 : i32
    %add3A_23 = arith.constant 256 : i32
    %add3A_24 = arith.addi %mul3A_22, %add3A_23 : i32
    %dma_start3A_25 = arith.constant 0 : i32
    %dma_start3A_26 = tpu.memref_slice %arg10[%add3A_24, %dma_start3A_25] : memref<10240x128xf32, #tpu.memory_space<vmem_shared>> -> memref<128x128xf32, #tpu.memory_space<vmem_shared>>
    %dma_start3A_27 = arith.constant 0 : i32
    %dma_start3A_28 = tpu.memref_slice %arg10[%add3A_24, %dma_start3A_27] : memref<10240x128xf32, #tpu.memory_space<vmem_shared>> -> memref<128x128xf32, #tpu.memory_space<vmem_shared>>
    tpu.enqueue_dma source(%arg8 : memref<128x128xf32, #tpu.memory_space<vmem>>) target(%dma_start3A_28 : memref<128x128xf32, #tpu.memory_space<vmem_shared>>) target_semaphore(%arg11 : memref<!tpu.dma_semaphore, #tpu.memory_space<semaphore_mem>>)
    %mul3A_29 = arith.constant 640 : i32
    %mul3A_30 = arith.muli %arg1, %mul3A_29 : i32
    %add3A_31 = arith.constant 384 : i32
    %add3A_32 = arith.addi %mul3A_30, %add3A_31 : i32
    %dma_start3A_33 = arith.constant 0 : i32
    %dma_start3A_34 = tpu.memref_slice %arg10[%add3A_32, %dma_start3A_33] : memref<10240x128xf32, #tpu.memory_space<vmem_shared>> -> memref<128x128xf32, #tpu.memory_space<vmem_shared>>
    %dma_start3A_35 = arith.constant 0 : i32
    %dma_start3A_36 = tpu.memref_slice %arg10[%add3A_32, %dma_start3A_35] : memref<10240x128xf32, #tpu.memory_space<vmem_shared>> -> memref<128x128xf32, #tpu.memory_space<vmem_shared>>
    tpu.enqueue_dma source(%arg8 : memref<128x128xf32, #tpu.memory_space<vmem>>) target(%dma_start3A_36 : memref<128x128xf32, #tpu.memory_space<vmem_shared>>) target_semaphore(%arg11 : memref<!tpu.dma_semaphore, #tpu.memory_space<semaphore_mem>>)
    %mul3A_37 = arith.constant 640 : i32
    %mul3A_38 = arith.muli %arg1, %mul3A_37 : i32
    %add3A_39 = arith.constant 512 : i32
    %add3A_40 = arith.addi %mul3A_38, %add3A_39 : i32
    %dma_start3A_41 = arith.constant 0 : i32
    %dma_start3A_42 = tpu.memref_slice %arg10[%add3A_40, %dma_start3A_41] : memref<10240x128xf32, #tpu.memory_space<vmem_shared>> -> memref<128x128xf32, #tpu.memory_space<vmem_shared>>
    %dma_start3A_43 = arith.constant 0 : i32
    %dma_start3A_44 = tpu.memref_slice %arg10[%add3A_40, %dma_start3A_43] : memref<10240x128xf32, #tpu.memory_space<vmem_shared>> -> memref<128x128xf32, #tpu.memory_space<vmem_shared>>
    tpu.enqueue_dma source(%arg8 : memref<128x128xf32, #tpu.memory_space<vmem>>) target(%dma_start3A_44 : memref<128x128xf32, #tpu.memory_space<vmem_shared>>) target_semaphore(%arg11 : memref<!tpu.dma_semaphore, #tpu.memory_space<semaphore_mem>>)
    %mul3A_45 = arith.constant 640 : i32
    %mul3A_46 = arith.muli %arg1, %mul3A_45 : i32
    %add3A_47 = arith.constant 0 : i32
    %add3A_48 = arith.addi %mul3A_46, %add3A_47 : i32
    %dma_wait3A = arith.constant 0 : i32
    %dma_wait3A_49 = tpu.memref_slice %arg10[%add3A_48, %dma_wait3A] : memref<10240x128xf32, #tpu.memory_space<vmem_shared>> -> memref<128x128xf32, #tpu.memory_space<vmem_shared>>
    %dma_wait3A_50 = arith.constant 0 : i32
    %dma_wait3A_51 = tpu.memref_slice %arg10[%add3A_48, %dma_wait3A_50] : memref<10240x128xf32, #tpu.memory_space<vmem_shared>> -> memref<128x128xf32, #tpu.memory_space<vmem_shared>>
    tpu.wait_dma2 semaphore(%arg11 : memref<!tpu.dma_semaphore, #tpu.memory_space<semaphore_mem>>) src(%arg8 : memref<128x128xf32, #tpu.memory_space<vmem>>) dst(%dma_wait3A_51 : memref<128x128xf32, #tpu.memory_space<vmem_shared>>)
    %mul3A_52 = arith.constant 640 : i32
    %mul3A_53 = arith.muli %arg1, %mul3A_52 : i32
    %add3A_54 = arith.constant 128 : i32
    %add3A_55 = arith.addi %mul3A_53, %add3A_54 : i32
    %dma_wait3A_56 = arith.constant 0 : i32
    %dma_wait3A_57 = tpu.memref_slice %arg10[%add3A_55, %dma_wait3A_56] : memref<10240x128xf32, #tpu.memory_space<vmem_shared>> -> memref<128x128xf32, #tpu.memory_space<vmem_shared>>
    %dma_wait3A_58 = arith.constant 0 : i32
    %dma_wait3A_59 = tpu.memref_slice %arg10[%add3A_55, %dma_wait3A_58] : memref<10240x128xf32, #tpu.memory_space<vmem_shared>> -> memref<128x128xf32, #tpu.memory_space<vmem_shared>>
    tpu.wait_dma2 semaphore(%arg11 : memref<!tpu.dma_semaphore, #tpu.memory_space<semaphore_mem>>) src(%arg8 : memref<128x128xf32, #tpu.memory_space<vmem>>) dst(%dma_wait3A_59 : memref<128x128xf32, #tpu.memory_space<vmem_shared>>)
    %mul3A_60 = arith.constant 640 : i32
    %mul3A_61 = arith.muli %arg1, %mul3A_60 : i32
    %add3A_62 = arith.constant 256 : i32
    %add3A_63 = arith.addi %mul3A_61, %add3A_62 : i32
    %dma_wait3A_64 = arith.constant 0 : i32
    %dma_wait3A_65 = tpu.memref_slice %arg10[%add3A_63, %dma_wait3A_64] : memref<10240x128xf32, #tpu.memory_space<vmem_shared>> -> memref<128x128xf32, #tpu.memory_space<vmem_shared>>
    %dma_wait3A_66 = arith.constant 0 : i32
    %dma_wait3A_67 = tpu.memref_slice %arg10[%add3A_63, %dma_wait3A_66] : memref<10240x128xf32, #tpu.memory_space<vmem_shared>> -> memref<128x128xf32, #tpu.memory_space<vmem_shared>>
    tpu.wait_dma2 semaphore(%arg11 : memref<!tpu.dma_semaphore, #tpu.memory_space<semaphore_mem>>) src(%arg8 : memref<128x128xf32, #tpu.memory_space<vmem>>) dst(%dma_wait3A_67 : memref<128x128xf32, #tpu.memory_space<vmem_shared>>)
    %mul3A_68 = arith.constant 640 : i32
    %mul3A_69 = arith.muli %arg1, %mul3A_68 : i32
    %add3A_70 = arith.constant 384 : i32
    %add3A_71 = arith.addi %mul3A_69, %add3A_70 : i32
    %dma_wait3A_72 = arith.constant 0 : i32
    %dma_wait3A_73 = tpu.memref_slice %arg10[%add3A_71, %dma_wait3A_72] : memref<10240x128xf32, #tpu.memory_space<vmem_shared>> -> memref<128x128xf32, #tpu.memory_space<vmem_shared>>
    %dma_wait3A_74 = arith.constant 0 : i32
    %dma_wait3A_75 = tpu.memref_slice %arg10[%add3A_71, %dma_wait3A_74] : memref<10240x128xf32, #tpu.memory_space<vmem_shared>> -> memref<128x128xf32, #tpu.memory_space<vmem_shared>>
    tpu.wait_dma2 semaphore(%arg11 : memref<!tpu.dma_semaphore, #tpu.memory_space<semaphore_mem>>) src(%arg8 : memref<128x128xf32, #tpu.memory_space<vmem>>) dst(%dma_wait3A_75 : memref<128x128xf32, #tpu.memory_space<vmem_shared>>)
    %mul3A_76 = arith.constant 640 : i32
    %mul3A_77 = arith.muli %arg1, %mul3A_76 : i32
    %add3A_78 = arith.constant 512 : i32
    %add3A_79 = arith.addi %mul3A_77, %add3A_78 : i32
    %dma_wait3A_80 = arith.constant 0 : i32
    %dma_wait3A_81 = tpu.memref_slice %arg10[%add3A_79, %dma_wait3A_80] : memref<10240x128xf32, #tpu.memory_space<vmem_shared>> -> memref<128x128xf32, #tpu.memory_space<vmem_shared>>
    %dma_wait3A_82 = arith.constant 0 : i32
    %dma_wait3A_83 = tpu.memref_slice %arg10[%add3A_79, %dma_wait3A_82] : memref<10240x128xf32, #tpu.memory_space<vmem_shared>> -> memref<128x128xf32, #tpu.memory_space<vmem_shared>>
    tpu.wait_dma2 semaphore(%arg11 : memref<!tpu.dma_semaphore, #tpu.memory_space<semaphore_mem>>) src(%arg8 : memref<128x128xf32, #tpu.memory_space<vmem>>) dst(%dma_wait3A_83 : memref<128x128xf32, #tpu.memory_space<vmem_shared>>)
    %barrier3A = arith.constant 0 : index
    tpu.barrier barrier_id(%barrier3A)
    "tpu.region"() ({
      %run_scoped3A = tpu.sem_alloc : memref<!tpu.dma_semaphore, #tpu.memory_space<semaphore_mem>>
      %dma_start3A_233 = arith.constant 0 : i32
      %dma_start3A_234 = arith.constant 0 : i32
      %dma_start3A_235 = tpu.memref_slice %arg3[%add3A, %dma_start3A_233, %dma_start3A_234] : memref<32x80x128xi32, #tpu.memory_space<hbm>> -> memref<1x40x128xi32, #tpu.memory_space<hbm>>
      %dma_start3A_236 = tpu.memref_squeeze %dma_start3A_235 : memref<1x40x128xi32, #tpu.memory_space<hbm>> -> memref<40x128xi32, #tpu.memory_space<hbm>>
      %dma_start3A_237 = arith.constant 0 : i32
      %dma_start3A_238 = arith.constant 0 : i32
      %dma_start3A_239 = tpu.memref_slice %arg3[%add3A, %dma_start3A_237, %dma_start3A_238] : memref<32x80x128xi32, #tpu.memory_space<hbm>> -> memref<1x40x128xi32, #tpu.memory_space<hbm>>
      %dma_start3A_240 = tpu.memref_squeeze %dma_start3A_239 : memref<1x40x128xi32, #tpu.memory_space<hbm>> -> memref<40x128xi32, #tpu.memory_space<hbm>>
      tpu.enqueue_dma source(%dma_start3A_240 : memref<40x128xi32, #tpu.memory_space<hbm>>) target(%arg6 : memref<40x128xi32, #tpu.memory_space<vmem>>) target_semaphore(%run_scoped3A : memref<!tpu.dma_semaphore, #tpu.memory_space<semaphore_mem>>)
      %dma_wait3A_241 = arith.constant 0 : i32
      %dma_wait3A_242 = arith.constant 0 : i32
      %dma_wait3A_243 = tpu.memref_slice %arg3[%add3A, %dma_wait3A_241, %dma_wait3A_242] : memref<32x80x128xi32, #tpu.memory_space<hbm>> -> memref<1x40x128xi32, #tpu.memory_space<hbm>>
      %dma_wait3A_244 = tpu.memref_squeeze %dma_wait3A_243 : memref<1x40x128xi32, #tpu.memory_space<hbm>> -> memref<40x128xi32, #tpu.memory_space<hbm>>
      %dma_wait3A_245 = arith.constant 0 : i32
      %dma_wait3A_246 = arith.constant 0 : i32
      %dma_wait3A_247 = tpu.memref_slice %arg3[%add3A, %dma_wait3A_245, %dma_wait3A_246] : memref<32x80x128xi32, #tpu.memory_space<hbm>> -> memref<1x40x128xi32, #tpu.memory_space<hbm>>
      %dma_wait3A_248 = tpu.memref_squeeze %dma_wait3A_247 : memref<1x40x128xi32, #tpu.memory_space<hbm>> -> memref<40x128xi32, #tpu.memory_space<hbm>>
      tpu.wait_dma2 semaphore(%run_scoped3A : memref<!tpu.dma_semaphore, #tpu.memory_space<semaphore_mem>>) src(%dma_wait3A_248 : memref<40x128xi32, #tpu.memory_space<hbm>>) dst(%arg6 : memref<40x128xi32, #tpu.memory_space<vmem>>)
      tpu.yield
    }) : () -> ()
    "tpu.region"() ({
      %run_scoped3A = tpu.sem_alloc : memref<!tpu.dma_semaphore, #tpu.memory_space<semaphore_mem>>
      %dma_start3A_233 = arith.constant 0 : i32
      %dma_start3A_234 = arith.constant 0 : i32
      %dma_start3A_235 = tpu.memref_slice %arg4[%add3A, %dma_start3A_233, %dma_start3A_234] : memref<32x80x128xi32, #tpu.memory_space<hbm>> -> memref<1x40x128xi32, #tpu.memory_space<hbm>>
      %dma_start3A_236 = tpu.memref_squeeze %dma_start3A_235 : memref<1x40x128xi32, #tpu.memory_space<hbm>> -> memref<40x128xi32, #tpu.memory_space<hbm>>
      %dma_start3A_237 = arith.constant 0 : i32
      %dma_start3A_238 = arith.constant 0 : i32
      %dma_start3A_239 = tpu.memref_slice %arg4[%add3A, %dma_start3A_237, %dma_start3A_238] : memref<32x80x128xi32, #tpu.memory_space<hbm>> -> memref<1x40x128xi32, #tpu.memory_space<hbm>>
      %dma_start3A_240 = tpu.memref_squeeze %dma_start3A_239 : memref<1x40x128xi32, #tpu.memory_space<hbm>> -> memref<40x128xi32, #tpu.memory_space<hbm>>
      tpu.enqueue_dma source(%dma_start3A_240 : memref<40x128xi32, #tpu.memory_space<hbm>>) target(%arg7 : memref<40x128xi32, #tpu.memory_space<vmem>>) target_semaphore(%run_scoped3A : memref<!tpu.dma_semaphore, #tpu.memory_space<semaphore_mem>>)
      %dma_wait3A_241 = arith.constant 0 : i32
      %dma_wait3A_242 = arith.constant 0 : i32
      %dma_wait3A_243 = tpu.memref_slice %arg4[%add3A, %dma_wait3A_241, %dma_wait3A_242] : memref<32x80x128xi32, #tpu.memory_space<hbm>> -> memref<1x40x128xi32, #tpu.memory_space<hbm>>
      %dma_wait3A_244 = tpu.memref_squeeze %dma_wait3A_243 : memref<1x40x128xi32, #tpu.memory_space<hbm>> -> memref<40x128xi32, #tpu.memory_space<hbm>>
      %dma_wait3A_245 = arith.constant 0 : i32
      %dma_wait3A_246 = arith.constant 0 : i32
      %dma_wait3A_247 = tpu.memref_slice %arg4[%add3A, %dma_wait3A_245, %dma_wait3A_246] : memref<32x80x128xi32, #tpu.memory_space<hbm>> -> memref<1x40x128xi32, #tpu.memory_space<hbm>>
      %dma_wait3A_248 = tpu.memref_squeeze %dma_wait3A_247 : memref<1x40x128xi32, #tpu.memory_space<hbm>> -> memref<40x128xi32, #tpu.memory_space<hbm>>
      tpu.wait_dma2 semaphore(%run_scoped3A : memref<!tpu.dma_semaphore, #tpu.memory_space<semaphore_mem>>) src(%dma_wait3A_248 : memref<40x128xi32, #tpu.memory_space<hbm>>) dst(%arg7 : memref<40x128xi32, #tpu.memory_space<vmem>>)
      tpu.yield
    }) : () -> ()
    %dma_start3A_84 = arith.constant 0 : i32
    %dma_start3A_85 = arith.constant 0 : i32
    %dma_start3A_86 = tpu.memref_slice %arg6[%dma_start3A_84, %dma_start3A_85] : memref<40x128xi32, #tpu.memory_space<vmem>> -> memref<1x128xi32, #tpu.memory_space<vmem>>
    %dma_start3A_87 = tpu.memref_squeeze %dma_start3A_86 : memref<1x128xi32, #tpu.memory_space<vmem>> -> memref<128xi32, #tpu.memory_space<vmem>>
    %dma_start3A_88 = arith.constant 0 : i32
    %dma_start3A_89 = arith.constant 0 : i32
    %dma_start3A_90 = tpu.memref_slice %arg2[%dma_start3A_88, %dma_start3A_89] : memref<10240x128xf32, #tpu.memory_space<hbm>> -> memref<10240x128xf32, #tpu.memory_space<hbm>>
    tpu.enqueue_indirect_dma source(%dma_start3A_90 : memref<10240x128xf32, #tpu.memory_space<hbm>>) target(%arg8 : memref<128x128xf32, #tpu.memory_space<vmem>>) offsets(%dma_start3A_87 : memref<128xi32, #tpu.memory_space<vmem>>) semaphore(%arg11 : memref<!tpu.dma_semaphore, #tpu.memory_space<semaphore_mem>>)
    %dma_start3A_91 = arith.constant 1 : i32
    %dma_start3A_92 = arith.constant 0 : i32
    %dma_start3A_93 = tpu.memref_slice %arg6[%dma_start3A_91, %dma_start3A_92] : memref<40x128xi32, #tpu.memory_space<vmem>> -> memref<1x128xi32, #tpu.memory_space<vmem>>
    %dma_start3A_94 = tpu.memref_squeeze %dma_start3A_93 : memref<1x128xi32, #tpu.memory_space<vmem>> -> memref<128xi32, #tpu.memory_space<vmem>>
    %dma_start3A_95 = arith.constant 0 : i32
    %dma_start3A_96 = arith.constant 0 : i32
    %dma_start3A_97 = tpu.memref_slice %arg2[%dma_start3A_95, %dma_start3A_96] : memref<10240x128xf32, #tpu.memory_space<hbm>> -> memref<10240x128xf32, #tpu.memory_space<hbm>>
    tpu.enqueue_indirect_dma source(%dma_start3A_97 : memref<10240x128xf32, #tpu.memory_space<hbm>>) target(%arg9 : memref<128x128xf32, #tpu.memory_space<vmem>>) offsets(%dma_start3A_94 : memref<128xi32, #tpu.memory_space<vmem>>) semaphore(%arg12 : memref<!tpu.dma_semaphore, #tpu.memory_space<semaphore_mem>>)
    %scan3A_98 = arith.constant 0 : i32
    %scan3A_99 = arith.constant 20 : i32
    %scan3A_100 = arith.addi %scan3A_98, %scan3A_99 : i32
    %scan3A_101 = arith.constant 1 : i32
    scf.for %scan3A_233 = %scan3A_98 to %scan3A_100 step %scan3A_101  : i32 {
      %mul3A_234 = arith.constant 2 : i32
      %mul3A_235 = arith.muli %scan3A_233, %mul3A_234 : i32
      %add3A_236 = arith.constant 0 : i32
      %add3A_237 = arith.addi %add3A_236, %mul3A_235 : i32
      %dma_wait3A_238 = arith.constant 0 : i32
      %dma_wait3A_239 = arith.constant 0 : i32
      %dma_wait3A_240 = tpu.memref_slice %arg2[%dma_wait3A_238, %dma_wait3A_239] : memref<10240x128xf32, #tpu.memory_space<hbm>> -> memref<128x128xf32, #tpu.memory_space<hbm>>
      %dma_wait3A_241 = arith.constant 0 : i32
      %dma_wait3A_242 = arith.constant 0 : i32
      %dma_wait3A_243 = tpu.memref_slice %arg2[%dma_wait3A_241, %dma_wait3A_242] : memref<10240x128xf32, #tpu.memory_space<hbm>> -> memref<128x128xf32, #tpu.memory_space<hbm>>
      tpu.wait_dma2 semaphore(%arg11 : memref<!tpu.dma_semaphore, #tpu.memory_space<semaphore_mem>>) src(%dma_wait3A_243 : memref<128x128xf32, #tpu.memory_space<hbm>>) dst(%arg8 : memref<128x128xf32, #tpu.memory_space<vmem>>)
      %dma_start3A_244 = arith.constant 0 : i32
      %dma_start3A_245 = tpu.memref_slice %arg7[%add3A_237, %dma_start3A_244] : memref<40x128xi32, #tpu.memory_space<vmem>> -> memref<1x128xi32, #tpu.memory_space<vmem>>
      %dma_start3A_246 = tpu.memref_squeeze %dma_start3A_245 : memref<1x128xi32, #tpu.memory_space<vmem>> -> memref<128xi32, #tpu.memory_space<vmem>>
      %dma_start3A_247 = arith.constant 0 : i32
      %dma_start3A_248 = arith.constant 0 : i32
      %dma_start3A_249 = tpu.memref_slice %arg10[%dma_start3A_247, %dma_start3A_248] : memref<10240x128xf32, #tpu.memory_space<vmem_shared>> -> memref<10240x128xf32, #tpu.memory_space<vmem_shared>>
      tpu.enqueue_indirect_dma source(%arg8 : memref<128x128xf32, #tpu.memory_space<vmem>>) target(%dma_start3A_249 : memref<10240x128xf32, #tpu.memory_space<vmem_shared>>) offsets(%dma_start3A_246 : memref<128xi32, #tpu.memory_space<vmem>>) semaphore(%arg13 : memref<!tpu.dma_semaphore, #tpu.memory_space<semaphore_mem>>) {add = true}
      %dma_wait3A_250 = arith.constant 0 : i32
      %dma_wait3A_251 = arith.constant 0 : i32
      %dma_wait3A_252 = tpu.memref_slice %arg2[%dma_wait3A_250, %dma_wait3A_251] : memref<10240x128xf32, #tpu.memory_space<hbm>> -> memref<128x128xf32, #tpu.memory_space<hbm>>
      %dma_wait3A_253 = arith.constant 0 : i32
      %dma_wait3A_254 = arith.constant 0 : i32
      %dma_wait3A_255 = tpu.memref_slice %arg2[%dma_wait3A_253, %dma_wait3A_254] : memref<10240x128xf32, #tpu.memory_space<hbm>> -> memref<128x128xf32, #tpu.memory_space<hbm>>
      tpu.wait_dma2 semaphore(%arg12 : memref<!tpu.dma_semaphore, #tpu.memory_space<semaphore_mem>>) src(%dma_wait3A_255 : memref<128x128xf32, #tpu.memory_space<hbm>>) dst(%arg9 : memref<128x128xf32, #tpu.memory_space<vmem>>)
      %add3A_256 = arith.constant 1 : i32
      %add3A_257 = arith.addi %add3A_237, %add3A_256 : i32
      %dma_start3A_258 = arith.constant 0 : i32
      %dma_start3A_259 = tpu.memref_slice %arg7[%add3A_257, %dma_start3A_258] : memref<40x128xi32, #tpu.memory_space<vmem>> -> memref<1x128xi32, #tpu.memory_space<vmem>>
      %dma_start3A_260 = tpu.memref_squeeze %dma_start3A_259 : memref<1x128xi32, #tpu.memory_space<vmem>> -> memref<128xi32, #tpu.memory_space<vmem>>
      %dma_start3A_261 = arith.constant 0 : i32
      %dma_start3A_262 = arith.constant 0 : i32
      %dma_start3A_263 = tpu.memref_slice %arg10[%dma_start3A_261, %dma_start3A_262] : memref<10240x128xf32, #tpu.memory_space<vmem_shared>> -> memref<10240x128xf32, #tpu.memory_space<vmem_shared>>
      tpu.enqueue_indirect_dma source(%arg9 : memref<128x128xf32, #tpu.memory_space<vmem>>) target(%dma_start3A_263 : memref<10240x128xf32, #tpu.memory_space<vmem_shared>>) offsets(%dma_start3A_260 : memref<128xi32, #tpu.memory_space<vmem>>) semaphore(%arg14 : memref<!tpu.dma_semaphore, #tpu.memory_space<semaphore_mem>>) {add = true}
      %dma_wait3A_264 = arith.constant 0 : i32
      %dma_wait3A_265 = arith.constant 0 : i32
      %dma_wait3A_266 = tpu.memref_slice %arg10[%dma_wait3A_264, %dma_wait3A_265] : memref<10240x128xf32, #tpu.memory_space<vmem_shared>> -> memref<128x128xf32, #tpu.memory_space<vmem_shared>>
      %dma_wait3A_267 = arith.constant 0 : i32
      %dma_wait3A_268 = arith.constant 0 : i32
      %dma_wait3A_269 = tpu.memref_slice %arg10[%dma_wait3A_267, %dma_wait3A_268] : memref<10240x128xf32, #tpu.memory_space<vmem_shared>> -> memref<128x128xf32, #tpu.memory_space<vmem_shared>>
      tpu.wait_dma2 semaphore(%arg13 : memref<!tpu.dma_semaphore, #tpu.memory_space<semaphore_mem>>) src(%arg8 : memref<128x128xf32, #tpu.memory_space<vmem>>) dst(%dma_wait3A_269 : memref<128x128xf32, #tpu.memory_space<vmem_shared>>)
      %add3A_270 = arith.constant 2 : i32
      %add3A_271 = arith.addi %add3A_237, %add3A_270 : i32
      %lt3A = arith.constant 40 : i32
      %lt3A_272 = arith.cmpi slt, %add3A_271, %lt3A : i32
      %convert_element_type3A = arith.extui %lt3A_272 : i1 to i32
      %cond3A = arith.constant 0 : i32
      %cond3A_273 = arith.cmpi ne, %convert_element_type3A, %cond3A : i32
      scf.if %cond3A_273 {
        %add3A_287 = arith.constant 2 : i32
        %add3A_288 = arith.addi %add3A_237, %add3A_287 : i32
        %dma_start3A_289 = arith.constant 0 : i32
        %dma_start3A_290 = tpu.memref_slice %arg6[%add3A_288, %dma_start3A_289] : memref<40x128xi32, #tpu.memory_space<vmem>> -> memref<1x128xi32, #tpu.memory_space<vmem>>
        %dma_start3A_291 = tpu.memref_squeeze %dma_start3A_290 : memref<1x128xi32, #tpu.memory_space<vmem>> -> memref<128xi32, #tpu.memory_space<vmem>>
        %dma_start3A_292 = arith.constant 0 : i32
        %dma_start3A_293 = arith.constant 0 : i32
        %dma_start3A_294 = tpu.memref_slice %arg2[%dma_start3A_292, %dma_start3A_293] : memref<10240x128xf32, #tpu.memory_space<hbm>> -> memref<10240x128xf32, #tpu.memory_space<hbm>>
        tpu.enqueue_indirect_dma source(%dma_start3A_294 : memref<10240x128xf32, #tpu.memory_space<hbm>>) target(%arg8 : memref<128x128xf32, #tpu.memory_space<vmem>>) offsets(%dma_start3A_291 : memref<128xi32, #tpu.memory_space<vmem>>) semaphore(%arg11 : memref<!tpu.dma_semaphore, #tpu.memory_space<semaphore_mem>>)
      } else {
      }
      %dma_wait3A_274 = arith.constant 0 : i32
      %dma_wait3A_275 = arith.constant 0 : i32
      %dma_wait3A_276 = tpu.memref_slice %arg10[%dma_wait3A_274, %dma_wait3A_275] : memref<10240x128xf32, #tpu.memory_space<vmem_shared>> -> memref<128x128xf32, #tpu.memory_space<vmem_shared>>
      %dma_wait3A_277 = arith.constant 0 : i32
      %dma_wait3A_278 = arith.constant 0 : i32
      %dma_wait3A_279 = tpu.memref_slice %arg10[%dma_wait3A_277, %dma_wait3A_278] : memref<10240x128xf32, #tpu.memory_space<vmem_shared>> -> memref<128x128xf32, #tpu.memory_space<vmem_shared>>
      tpu.wait_dma2 semaphore(%arg14 : memref<!tpu.dma_semaphore, #tpu.memory_space<semaphore_mem>>) src(%arg9 : memref<128x128xf32, #tpu.memory_space<vmem>>) dst(%dma_wait3A_279 : memref<128x128xf32, #tpu.memory_space<vmem_shared>>)
      %add3A_280 = arith.constant 3 : i32
      %add3A_281 = arith.addi %add3A_237, %add3A_280 : i32
      %lt3A_282 = arith.constant 40 : i32
      %lt3A_283 = arith.cmpi slt, %add3A_281, %lt3A_282 : i32
      %convert_element_type3A_284 = arith.extui %lt3A_283 : i1 to i32
      %cond3A_285 = arith.constant 0 : i32
      %cond3A_286 = arith.cmpi ne, %convert_element_type3A_284, %cond3A_285 : i32
      scf.if %cond3A_286 {
        %add3A_287 = arith.constant 3 : i32
        %add3A_288 = arith.addi %add3A_237, %add3A_287 : i32
        %dma_start3A_289 = arith.constant 0 : i32
        %dma_start3A_290 = tpu.memref_slice %arg6[%add3A_288, %dma_start3A_289] : memref<40x128xi32, #tpu.memory_space<vmem>> -> memref<1x128xi32, #tpu.memory_space<vmem>>
        %dma_start3A_291 = tpu.memref_squeeze %dma_start3A_290 : memref<1x128xi32, #tpu.memory_space<vmem>> -> memref<128xi32, #tpu.memory_space<vmem>>
        %dma_start3A_292 = arith.constant 0 : i32
        %dma_start3A_293 = arith.constant 0 : i32
        %dma_start3A_294 = tpu.memref_slice %arg2[%dma_start3A_292, %dma_start3A_293] : memref<10240x128xf32, #tpu.memory_space<hbm>> -> memref<10240x128xf32, #tpu.memory_space<hbm>>
        tpu.enqueue_indirect_dma source(%dma_start3A_294 : memref<10240x128xf32, #tpu.memory_space<hbm>>) target(%arg9 : memref<128x128xf32, #tpu.memory_space<vmem>>) offsets(%dma_start3A_291 : memref<128xi32, #tpu.memory_space<vmem>>) semaphore(%arg12 : memref<!tpu.dma_semaphore, #tpu.memory_space<semaphore_mem>>)
      } else {
      }
    }
    %scan3A_102 = arith.constant 20 : i32
    "tpu.region"() ({
      %run_scoped3A = tpu.sem_alloc : memref<!tpu.dma_semaphore, #tpu.memory_space<semaphore_mem>>
      %dma_start3A_233 = arith.constant 40 : i32
      %dma_start3A_234 = arith.constant 0 : i32
      %dma_start3A_235 = tpu.memref_slice %arg3[%add3A, %dma_start3A_233, %dma_start3A_234] : memref<32x80x128xi32, #tpu.memory_space<hbm>> -> memref<1x40x128xi32, #tpu.memory_space<hbm>>
      %dma_start3A_236 = tpu.memref_squeeze %dma_start3A_235 : memref<1x40x128xi32, #tpu.memory_space<hbm>> -> memref<40x128xi32, #tpu.memory_space<hbm>>
      %dma_start3A_237 = arith.constant 40 : i32
      %dma_start3A_238 = arith.constant 0 : i32
      %dma_start3A_239 = tpu.memref_slice %arg3[%add3A, %dma_start3A_237, %dma_start3A_238] : memref<32x80x128xi32, #tpu.memory_space<hbm>> -> memref<1x40x128xi32, #tpu.memory_space<hbm>>
      %dma_start3A_240 = tpu.memref_squeeze %dma_start3A_239 : memref<1x40x128xi32, #tpu.memory_space<hbm>> -> memref<40x128xi32, #tpu.memory_space<hbm>>
      tpu.enqueue_dma source(%dma_start3A_240 : memref<40x128xi32, #tpu.memory_space<hbm>>) target(%arg6 : memref<40x128xi32, #tpu.memory_space<vmem>>) target_semaphore(%run_scoped3A : memref<!tpu.dma_semaphore, #tpu.memory_space<semaphore_mem>>)
      %dma_wait3A_241 = arith.constant 40 : i32
      %dma_wait3A_242 = arith.constant 0 : i32
      %dma_wait3A_243 = tpu.memref_slice %arg3[%add3A, %dma_wait3A_241, %dma_wait3A_242] : memref<32x80x128xi32, #tpu.memory_space<hbm>> -> memref<1x40x128xi32, #tpu.memory_space<hbm>>
      %dma_wait3A_244 = tpu.memref_squeeze %dma_wait3A_243 : memref<1x40x128xi32, #tpu.memory_space<hbm>> -> memref<40x128xi32, #tpu.memory_space<hbm>>
      %dma_wait3A_245 = arith.constant 40 : i32
      %dma_wait3A_246 = arith.constant 0 : i32
      %dma_wait3A_247 = tpu.memref_slice %arg3[%add3A, %dma_wait3A_245, %dma_wait3A_246] : memref<32x80x128xi32, #tpu.memory_space<hbm>> -> memref<1x40x128xi32, #tpu.memory_space<hbm>>
      %dma_wait3A_248 = tpu.memref_squeeze %dma_wait3A_247 : memref<1x40x128xi32, #tpu.memory_space<hbm>> -> memref<40x128xi32, #tpu.memory_space<hbm>>
      tpu.wait_dma2 semaphore(%run_scoped3A : memref<!tpu.dma_semaphore, #tpu.memory_space<semaphore_mem>>) src(%dma_wait3A_248 : memref<40x128xi32, #tpu.memory_space<hbm>>) dst(%arg6 : memref<40x128xi32, #tpu.memory_space<vmem>>)
      tpu.yield
    }) : () -> ()
    "tpu.region"() ({
      %run_scoped3A = tpu.sem_alloc : memref<!tpu.dma_semaphore, #tpu.memory_space<semaphore_mem>>
      %dma_start3A_233 = arith.constant 40 : i32
      %dma_start3A_234 = arith.constant 0 : i32
      %dma_start3A_235 = tpu.memref_slice %arg4[%add3A, %dma_start3A_233, %dma_start3A_234] : memref<32x80x128xi32, #tpu.memory_space<hbm>> -> memref<1x40x128xi32, #tpu.memory_space<hbm>>
      %dma_start3A_236 = tpu.memref_squeeze %dma_start3A_235 : memref<1x40x128xi32, #tpu.memory_space<hbm>> -> memref<40x128xi32, #tpu.memory_space<hbm>>
      %dma_start3A_237 = arith.constant 40 : i32
      %dma_start3A_238 = arith.constant 0 : i32
      %dma_start3A_239 = tpu.memref_slice %arg4[%add3A, %dma_start3A_237, %dma_start3A_238] : memref<32x80x128xi32, #tpu.memory_space<hbm>> -> memref<1x40x128xi32, #tpu.memory_space<hbm>>
      %dma_start3A_240 = tpu.memref_squeeze %dma_start3A_239 : memref<1x40x128xi32, #tpu.memory_space<hbm>> -> memref<40x128xi32, #tpu.memory_space<hbm>>
      tpu.enqueue_dma source(%dma_start3A_240 : memref<40x128xi32, #tpu.memory_space<hbm>>) target(%arg7 : memref<40x128xi32, #tpu.memory_space<vmem>>) target_semaphore(%run_scoped3A : memref<!tpu.dma_semaphore, #tpu.memory_space<semaphore_mem>>)
      %dma_wait3A_241 = arith.constant 40 : i32
      %dma_wait3A_242 = arith.constant 0 : i32
      %dma_wait3A_243 = tpu.memref_slice %arg4[%add3A, %dma_wait3A_241, %dma_wait3A_242] : memref<32x80x128xi32, #tpu.memory_space<hbm>> -> memref<1x40x128xi32, #tpu.memory_space<hbm>>
      %dma_wait3A_244 = tpu.memref_squeeze %dma_wait3A_243 : memref<1x40x128xi32, #tpu.memory_space<hbm>> -> memref<40x128xi32, #tpu.memory_space<hbm>>
      %dma_wait3A_245 = arith.constant 40 : i32
      %dma_wait3A_246 = arith.constant 0 : i32
      %dma_wait3A_247 = tpu.memref_slice %arg4[%add3A, %dma_wait3A_245, %dma_wait3A_246] : memref<32x80x128xi32, #tpu.memory_space<hbm>> -> memref<1x40x128xi32, #tpu.memory_space<hbm>>
      %dma_wait3A_248 = tpu.memref_squeeze %dma_wait3A_247 : memref<1x40x128xi32, #tpu.memory_space<hbm>> -> memref<40x128xi32, #tpu.memory_space<hbm>>
      tpu.wait_dma2 semaphore(%run_scoped3A : memref<!tpu.dma_semaphore, #tpu.memory_space<semaphore_mem>>) src(%dma_wait3A_248 : memref<40x128xi32, #tpu.memory_space<hbm>>) dst(%arg7 : memref<40x128xi32, #tpu.memory_space<vmem>>)
      tpu.yield
    }) : () -> ()
    %dma_start3A_103 = arith.constant 0 : i32
    %dma_start3A_104 = arith.constant 0 : i32
    %dma_start3A_105 = tpu.memref_slice %arg6[%dma_start3A_103, %dma_start3A_104] : memref<40x128xi32, #tpu.memory_space<vmem>> -> memref<1x128xi32, #tpu.memory_space<vmem>>
    %dma_start3A_106 = tpu.memref_squeeze %dma_start3A_105 : memref<1x128xi32, #tpu.memory_space<vmem>> -> memref<128xi32, #tpu.memory_space<vmem>>
    %dma_start3A_107 = arith.constant 0 : i32
    %dma_start3A_108 = arith.constant 0 : i32
    %dma_start3A_109 = tpu.memref_slice %arg2[%dma_start3A_107, %dma_start3A_108] : memref<10240x128xf32, #tpu.memory_space<hbm>> -> memref<10240x128xf32, #tpu.memory_space<hbm>>
    tpu.enqueue_indirect_dma source(%dma_start3A_109 : memref<10240x128xf32, #tpu.memory_space<hbm>>) target(%arg8 : memref<128x128xf32, #tpu.memory_space<vmem>>) offsets(%dma_start3A_106 : memref<128xi32, #tpu.memory_space<vmem>>) semaphore(%arg11 : memref<!tpu.dma_semaphore, #tpu.memory_space<semaphore_mem>>)
    %dma_start3A_110 = arith.constant 1 : i32
    %dma_start3A_111 = arith.constant 0 : i32
    %dma_start3A_112 = tpu.memref_slice %arg6[%dma_start3A_110, %dma_start3A_111] : memref<40x128xi32, #tpu.memory_space<vmem>> -> memref<1x128xi32, #tpu.memory_space<vmem>>
    %dma_start3A_113 = tpu.memref_squeeze %dma_start3A_112 : memref<1x128xi32, #tpu.memory_space<vmem>> -> memref<128xi32, #tpu.memory_space<vmem>>
    %dma_start3A_114 = arith.constant 0 : i32
    %dma_start3A_115 = arith.constant 0 : i32
    %dma_start3A_116 = tpu.memref_slice %arg2[%dma_start3A_114, %dma_start3A_115] : memref<10240x128xf32, #tpu.memory_space<hbm>> -> memref<10240x128xf32, #tpu.memory_space<hbm>>
    tpu.enqueue_indirect_dma source(%dma_start3A_116 : memref<10240x128xf32, #tpu.memory_space<hbm>>) target(%arg9 : memref<128x128xf32, #tpu.memory_space<vmem>>) offsets(%dma_start3A_113 : memref<128xi32, #tpu.memory_space<vmem>>) semaphore(%arg12 : memref<!tpu.dma_semaphore, #tpu.memory_space<semaphore_mem>>)
    %scan3A_117 = arith.constant 0 : i32
    %scan3A_118 = arith.constant 20 : i32
    %scan3A_119 = arith.addi %scan3A_117, %scan3A_118 : i32
    %scan3A_120 = arith.constant 1 : i32
    scf.for %scan3A_233 = %scan3A_117 to %scan3A_119 step %scan3A_120  : i32 {
      %mul3A_234 = arith.constant 2 : i32
      %mul3A_235 = arith.muli %scan3A_233, %mul3A_234 : i32
      %add3A_236 = arith.constant 0 : i32
      %add3A_237 = arith.addi %add3A_236, %mul3A_235 : i32
      %dma_wait3A_238 = arith.constant 0 : i32
      %dma_wait3A_239 = arith.constant 0 : i32
      %dma_wait3A_240 = tpu.memref_slice %arg2[%dma_wait3A_238, %dma_wait3A_239] : memref<10240x128xf32, #tpu.memory_space<hbm>> -> memref<128x128xf32, #tpu.memory_space<hbm>>
      %dma_wait3A_241 = arith.constant 0 : i32
      %dma_wait3A_242 = arith.constant 0 : i32
      %dma_wait3A_243 = tpu.memref_slice %arg2[%dma_wait3A_241, %dma_wait3A_242] : memref<10240x128xf32, #tpu.memory_space<hbm>> -> memref<128x128xf32, #tpu.memory_space<hbm>>
      tpu.wait_dma2 semaphore(%arg11 : memref<!tpu.dma_semaphore, #tpu.memory_space<semaphore_mem>>) src(%dma_wait3A_243 : memref<128x128xf32, #tpu.memory_space<hbm>>) dst(%arg8 : memref<128x128xf32, #tpu.memory_space<vmem>>)
      %dma_start3A_244 = arith.constant 0 : i32
      %dma_start3A_245 = tpu.memref_slice %arg7[%add3A_237, %dma_start3A_244] : memref<40x128xi32, #tpu.memory_space<vmem>> -> memref<1x128xi32, #tpu.memory_space<vmem>>
      %dma_start3A_246 = tpu.memref_squeeze %dma_start3A_245 : memref<1x128xi32, #tpu.memory_space<vmem>> -> memref<128xi32, #tpu.memory_space<vmem>>
      %dma_start3A_247 = arith.constant 0 : i32
      %dma_start3A_248 = arith.constant 0 : i32
      %dma_start3A_249 = tpu.memref_slice %arg10[%dma_start3A_247, %dma_start3A_248] : memref<10240x128xf32, #tpu.memory_space<vmem_shared>> -> memref<10240x128xf32, #tpu.memory_space<vmem_shared>>
      tpu.enqueue_indirect_dma source(%arg8 : memref<128x128xf32, #tpu.memory_space<vmem>>) target(%dma_start3A_249 : memref<10240x128xf32, #tpu.memory_space<vmem_shared>>) offsets(%dma_start3A_246 : memref<128xi32, #tpu.memory_space<vmem>>) semaphore(%arg13 : memref<!tpu.dma_semaphore, #tpu.memory_space<semaphore_mem>>) {add = true}
      %dma_wait3A_250 = arith.constant 0 : i32
      %dma_wait3A_251 = arith.constant 0 : i32
      %dma_wait3A_252 = tpu.memref_slice %arg2[%dma_wait3A_250, %dma_wait3A_251] : memref<10240x128xf32, #tpu.memory_space<hbm>> -> memref<128x128xf32, #tpu.memory_space<hbm>>
      %dma_wait3A_253 = arith.constant 0 : i32
      %dma_wait3A_254 = arith.constant 0 : i32
      %dma_wait3A_255 = tpu.memref_slice %arg2[%dma_wait3A_253, %dma_wait3A_254] : memref<10240x128xf32, #tpu.memory_space<hbm>> -> memref<128x128xf32, #tpu.memory_space<hbm>>
      tpu.wait_dma2 semaphore(%arg12 : memref<!tpu.dma_semaphore, #tpu.memory_space<semaphore_mem>>) src(%dma_wait3A_255 : memref<128x128xf32, #tpu.memory_space<hbm>>) dst(%arg9 : memref<128x128xf32, #tpu.memory_space<vmem>>)
      %add3A_256 = arith.constant 1 : i32
      %add3A_257 = arith.addi %add3A_237, %add3A_256 : i32
      %dma_start3A_258 = arith.constant 0 : i32
      %dma_start3A_259 = tpu.memref_slice %arg7[%add3A_257, %dma_start3A_258] : memref<40x128xi32, #tpu.memory_space<vmem>> -> memref<1x128xi32, #tpu.memory_space<vmem>>
      %dma_start3A_260 = tpu.memref_squeeze %dma_start3A_259 : memref<1x128xi32, #tpu.memory_space<vmem>> -> memref<128xi32, #tpu.memory_space<vmem>>
      %dma_start3A_261 = arith.constant 0 : i32
      %dma_start3A_262 = arith.constant 0 : i32
      %dma_start3A_263 = tpu.memref_slice %arg10[%dma_start3A_261, %dma_start3A_262] : memref<10240x128xf32, #tpu.memory_space<vmem_shared>> -> memref<10240x128xf32, #tpu.memory_space<vmem_shared>>
      tpu.enqueue_indirect_dma source(%arg9 : memref<128x128xf32, #tpu.memory_space<vmem>>) target(%dma_start3A_263 : memref<10240x128xf32, #tpu.memory_space<vmem_shared>>) offsets(%dma_start3A_260 : memref<128xi32, #tpu.memory_space<vmem>>) semaphore(%arg14 : memref<!tpu.dma_semaphore, #tpu.memory_space<semaphore_mem>>) {add = true}
      %dma_wait3A_264 = arith.constant 0 : i32
      %dma_wait3A_265 = arith.constant 0 : i32
      %dma_wait3A_266 = tpu.memref_slice %arg10[%dma_wait3A_264, %dma_wait3A_265] : memref<10240x128xf32, #tpu.memory_space<vmem_shared>> -> memref<128x128xf32, #tpu.memory_space<vmem_shared>>
      %dma_wait3A_267 = arith.constant 0 : i32
      %dma_wait3A_268 = arith.constant 0 : i32
      %dma_wait3A_269 = tpu.memref_slice %arg10[%dma_wait3A_267, %dma_wait3A_268] : memref<10240x128xf32, #tpu.memory_space<vmem_shared>> -> memref<128x128xf32, #tpu.memory_space<vmem_shared>>
      tpu.wait_dma2 semaphore(%arg13 : memref<!tpu.dma_semaphore, #tpu.memory_space<semaphore_mem>>) src(%arg8 : memref<128x128xf32, #tpu.memory_space<vmem>>) dst(%dma_wait3A_269 : memref<128x128xf32, #tpu.memory_space<vmem_shared>>)
      %add3A_270 = arith.constant 2 : i32
      %add3A_271 = arith.addi %add3A_237, %add3A_270 : i32
      %lt3A = arith.constant 40 : i32
      %lt3A_272 = arith.cmpi slt, %add3A_271, %lt3A : i32
      %convert_element_type3A = arith.extui %lt3A_272 : i1 to i32
      %cond3A = arith.constant 0 : i32
      %cond3A_273 = arith.cmpi ne, %convert_element_type3A, %cond3A : i32
      scf.if %cond3A_273 {
        %add3A_287 = arith.constant 2 : i32
        %add3A_288 = arith.addi %add3A_237, %add3A_287 : i32
        %dma_start3A_289 = arith.constant 0 : i32
        %dma_start3A_290 = tpu.memref_slice %arg6[%add3A_288, %dma_start3A_289] : memref<40x128xi32, #tpu.memory_space<vmem>> -> memref<1x128xi32, #tpu.memory_space<vmem>>
        %dma_start3A_291 = tpu.memref_squeeze %dma_start3A_290 : memref<1x128xi32, #tpu.memory_space<vmem>> -> memref<128xi32, #tpu.memory_space<vmem>>
        %dma_start3A_292 = arith.constant 0 : i32
        %dma_start3A_293 = arith.constant 0 : i32
        %dma_start3A_294 = tpu.memref_slice %arg2[%dma_start3A_292, %dma_start3A_293] : memref<10240x128xf32, #tpu.memory_space<hbm>> -> memref<10240x128xf32, #tpu.memory_space<hbm>>
        tpu.enqueue_indirect_dma source(%dma_start3A_294 : memref<10240x128xf32, #tpu.memory_space<hbm>>) target(%arg8 : memref<128x128xf32, #tpu.memory_space<vmem>>) offsets(%dma_start3A_291 : memref<128xi32, #tpu.memory_space<vmem>>) semaphore(%arg11 : memref<!tpu.dma_semaphore, #tpu.memory_space<semaphore_mem>>)
      } else {
      }
      %dma_wait3A_274 = arith.constant 0 : i32
      %dma_wait3A_275 = arith.constant 0 : i32
      %dma_wait3A_276 = tpu.memref_slice %arg10[%dma_wait3A_274, %dma_wait3A_275] : memref<10240x128xf32, #tpu.memory_space<vmem_shared>> -> memref<128x128xf32, #tpu.memory_space<vmem_shared>>
      %dma_wait3A_277 = arith.constant 0 : i32
      %dma_wait3A_278 = arith.constant 0 : i32
      %dma_wait3A_279 = tpu.memref_slice %arg10[%dma_wait3A_277, %dma_wait3A_278] : memref<10240x128xf32, #tpu.memory_space<vmem_shared>> -> memref<128x128xf32, #tpu.memory_space<vmem_shared>>
      tpu.wait_dma2 semaphore(%arg14 : memref<!tpu.dma_semaphore, #tpu.memory_space<semaphore_mem>>) src(%arg9 : memref<128x128xf32, #tpu.memory_space<vmem>>) dst(%dma_wait3A_279 : memref<128x128xf32, #tpu.memory_space<vmem_shared>>)
      %add3A_280 = arith.constant 3 : i32
      %add3A_281 = arith.addi %add3A_237, %add3A_280 : i32
      %lt3A_282 = arith.constant 40 : i32
      %lt3A_283 = arith.cmpi slt, %add3A_281, %lt3A_282 : i32
      %convert_element_type3A_284 = arith.extui %lt3A_283 : i1 to i32
      %cond3A_285 = arith.constant 0 : i32
      %cond3A_286 = arith.cmpi ne, %convert_element_type3A_284, %cond3A_285 : i32
      scf.if %cond3A_286 {
        %add3A_287 = arith.constant 3 : i32
        %add3A_288 = arith.addi %add3A_237, %add3A_287 : i32
        %dma_start3A_289 = arith.constant 0 : i32
        %dma_start3A_290 = tpu.memref_slice %arg6[%add3A_288, %dma_start3A_289] : memref<40x128xi32, #tpu.memory_space<vmem>> -> memref<1x128xi32, #tpu.memory_space<vmem>>
        %dma_start3A_291 = tpu.memref_squeeze %dma_start3A_290 : memref<1x128xi32, #tpu.memory_space<vmem>> -> memref<128xi32, #tpu.memory_space<vmem>>
        %dma_start3A_292 = arith.constant 0 : i32
        %dma_start3A_293 = arith.constant 0 : i32
        %dma_start3A_294 = tpu.memref_slice %arg2[%dma_start3A_292, %dma_start3A_293] : memref<10240x128xf32, #tpu.memory_space<hbm>> -> memref<10240x128xf32, #tpu.memory_space<hbm>>
        tpu.enqueue_indirect_dma source(%dma_start3A_294 : memref<10240x128xf32, #tpu.memory_space<hbm>>) target(%arg9 : memref<128x128xf32, #tpu.memory_space<vmem>>) offsets(%dma_start3A_291 : memref<128xi32, #tpu.memory_space<vmem>>) semaphore(%arg12 : memref<!tpu.dma_semaphore, #tpu.memory_space<semaphore_mem>>)
      } else {
      }
    }
    %scan3A_121 = arith.constant 20 : i32
    %barrier3A_122 = arith.constant 0 : index
    tpu.barrier barrier_id(%barrier3A_122)
    %mul3A_123 = arith.constant 640 : i32
    %mul3A_124 = arith.muli %arg1, %mul3A_123 : i32
    %add3A_125 = arith.constant 0 : i32
    %add3A_126 = arith.addi %mul3A_124, %add3A_125 : i32
    %mul3A_127 = arith.constant 10240 : i32
    %mul3A_128 = arith.muli %arg0, %mul3A_127 : i32
    %add3A_129 = arith.addi %mul3A_128, %add3A_126 : i32
    %dma_start3A_130 = arith.constant 0 : i32
    %dma_start3A_131 = tpu.memref_slice %arg5[%add3A_129, %dma_start3A_130] : memref<20480x128xf32, #tpu.memory_space<hbm>> -> memref<128x128xf32, #tpu.memory_space<hbm>>
    %dma_start3A_132 = arith.constant 0 : i32
    %dma_start3A_133 = tpu.memref_slice %arg10[%add3A_126, %dma_start3A_132] : memref<10240x128xf32, #tpu.memory_space<vmem_shared>> -> memref<128x128xf32, #tpu.memory_space<vmem_shared>>
    tpu.enqueue_dma source(%dma_start3A_133 : memref<128x128xf32, #tpu.memory_space<vmem_shared>>) target(%dma_start3A_131 : memref<128x128xf32, #tpu.memory_space<hbm>>) target_semaphore(%arg11 : memref<!tpu.dma_semaphore, #tpu.memory_space<semaphore_mem>>)
    %mul3A_134 = arith.constant 640 : i32
    %mul3A_135 = arith.muli %arg1, %mul3A_134 : i32
    %add3A_136 = arith.constant 128 : i32
    %add3A_137 = arith.addi %mul3A_135, %add3A_136 : i32
    %mul3A_138 = arith.constant 10240 : i32
    %mul3A_139 = arith.muli %arg0, %mul3A_138 : i32
    %add3A_140 = arith.addi %mul3A_139, %add3A_137 : i32
    %dma_start3A_141 = arith.constant 0 : i32
    %dma_start3A_142 = tpu.memref_slice %arg5[%add3A_140, %dma_start3A_141] : memref<20480x128xf32, #tpu.memory_space<hbm>> -> memref<128x128xf32, #tpu.memory_space<hbm>>
    %dma_start3A_143 = arith.constant 0 : i32
    %dma_start3A_144 = tpu.memref_slice %arg10[%add3A_137, %dma_start3A_143] : memref<10240x128xf32, #tpu.memory_space<vmem_shared>> -> memref<128x128xf32, #tpu.memory_space<vmem_shared>>
    tpu.enqueue_dma source(%dma_start3A_144 : memref<128x128xf32, #tpu.memory_space<vmem_shared>>) target(%dma_start3A_142 : memref<128x128xf32, #tpu.memory_space<hbm>>) target_semaphore(%arg11 : memref<!tpu.dma_semaphore, #tpu.memory_space<semaphore_mem>>)
    %mul3A_145 = arith.constant 640 : i32
    %mul3A_146 = arith.muli %arg1, %mul3A_145 : i32
    %add3A_147 = arith.constant 256 : i32
    %add3A_148 = arith.addi %mul3A_146, %add3A_147 : i32
    %mul3A_149 = arith.constant 10240 : i32
    %mul3A_150 = arith.muli %arg0, %mul3A_149 : i32
    %add3A_151 = arith.addi %mul3A_150, %add3A_148 : i32
    %dma_start3A_152 = arith.constant 0 : i32
    %dma_start3A_153 = tpu.memref_slice %arg5[%add3A_151, %dma_start3A_152] : memref<20480x128xf32, #tpu.memory_space<hbm>> -> memref<128x128xf32, #tpu.memory_space<hbm>>
    %dma_start3A_154 = arith.constant 0 : i32
    %dma_start3A_155 = tpu.memref_slice %arg10[%add3A_148, %dma_start3A_154] : memref<10240x128xf32, #tpu.memory_space<vmem_shared>> -> memref<128x128xf32, #tpu.memory_space<vmem_shared>>
    tpu.enqueue_dma source(%dma_start3A_155 : memref<128x128xf32, #tpu.memory_space<vmem_shared>>) target(%dma_start3A_153 : memref<128x128xf32, #tpu.memory_space<hbm>>) target_semaphore(%arg11 : memref<!tpu.dma_semaphore, #tpu.memory_space<semaphore_mem>>)
    %mul3A_156 = arith.constant 640 : i32
    %mul3A_157 = arith.muli %arg1, %mul3A_156 : i32
    %add3A_158 = arith.constant 384 : i32
    %add3A_159 = arith.addi %mul3A_157, %add3A_158 : i32
    %mul3A_160 = arith.constant 10240 : i32
    %mul3A_161 = arith.muli %arg0, %mul3A_160 : i32
    %add3A_162 = arith.addi %mul3A_161, %add3A_159 : i32
    %dma_start3A_163 = arith.constant 0 : i32
    %dma_start3A_164 = tpu.memref_slice %arg5[%add3A_162, %dma_start3A_163] : memref<20480x128xf32, #tpu.memory_space<hbm>> -> memref<128x128xf32, #tpu.memory_space<hbm>>
    %dma_start3A_165 = arith.constant 0 : i32
    %dma_start3A_166 = tpu.memref_slice %arg10[%add3A_159, %dma_start3A_165] : memref<10240x128xf32, #tpu.memory_space<vmem_shared>> -> memref<128x128xf32, #tpu.memory_space<vmem_shared>>
    tpu.enqueue_dma source(%dma_start3A_166 : memref<128x128xf32, #tpu.memory_space<vmem_shared>>) target(%dma_start3A_164 : memref<128x128xf32, #tpu.memory_space<hbm>>) target_semaphore(%arg11 : memref<!tpu.dma_semaphore, #tpu.memory_space<semaphore_mem>>)
    %mul3A_167 = arith.constant 640 : i32
    %mul3A_168 = arith.muli %arg1, %mul3A_167 : i32
    %add3A_169 = arith.constant 512 : i32
    %add3A_170 = arith.addi %mul3A_168, %add3A_169 : i32
    %mul3A_171 = arith.constant 10240 : i32
    %mul3A_172 = arith.muli %arg0, %mul3A_171 : i32
    %add3A_173 = arith.addi %mul3A_172, %add3A_170 : i32
    %dma_start3A_174 = arith.constant 0 : i32
    %dma_start3A_175 = tpu.memref_slice %arg5[%add3A_173, %dma_start3A_174] : memref<20480x128xf32, #tpu.memory_space<hbm>> -> memref<128x128xf32, #tpu.memory_space<hbm>>
    %dma_start3A_176 = arith.constant 0 : i32
    %dma_start3A_177 = tpu.memref_slice %arg10[%add3A_170, %dma_start3A_176] : memref<10240x128xf32, #tpu.memory_space<vmem_shared>> -> memref<128x128xf32, #tpu.memory_space<vmem_shared>>
    tpu.enqueue_dma source(%dma_start3A_177 : memref<128x128xf32, #tpu.memory_space<vmem_shared>>) target(%dma_start3A_175 : memref<128x128xf32, #tpu.memory_space<hbm>>) target_semaphore(%arg11 : memref<!tpu.dma_semaphore, #tpu.memory_space<semaphore_mem>>)
    %mul3A_178 = arith.constant 640 : i32
    %mul3A_179 = arith.muli %arg1, %mul3A_178 : i32
    %add3A_180 = arith.constant 0 : i32
    %add3A_181 = arith.addi %mul3A_179, %add3A_180 : i32
    %mul3A_182 = arith.constant 10240 : i32
    %mul3A_183 = arith.muli %arg0, %mul3A_182 : i32
    %add3A_184 = arith.addi %mul3A_183, %add3A_181 : i32
    %dma_wait3A_185 = arith.constant 0 : i32
    %dma_wait3A_186 = tpu.memref_slice %arg5[%add3A_184, %dma_wait3A_185] : memref<20480x128xf32, #tpu.memory_space<hbm>> -> memref<128x128xf32, #tpu.memory_space<hbm>>
    %dma_wait3A_187 = arith.constant 0 : i32
    %dma_wait3A_188 = tpu.memref_slice %arg10[%add3A_181, %dma_wait3A_187] : memref<10240x128xf32, #tpu.memory_space<vmem_shared>> -> memref<128x128xf32, #tpu.memory_space<vmem_shared>>
    tpu.wait_dma2 semaphore(%arg11 : memref<!tpu.dma_semaphore, #tpu.memory_space<semaphore_mem>>) src(%dma_wait3A_188 : memref<128x128xf32, #tpu.memory_space<vmem_shared>>) dst(%dma_wait3A_186 : memref<128x128xf32, #tpu.memory_space<hbm>>)
    %mul3A_189 = arith.constant 640 : i32
    %mul3A_190 = arith.muli %arg1, %mul3A_189 : i32
    %add3A_191 = arith.constant 128 : i32
    %add3A_192 = arith.addi %mul3A_190, %add3A_191 : i32
    %mul3A_193 = arith.constant 10240 : i32
    %mul3A_194 = arith.muli %arg0, %mul3A_193 : i32
    %add3A_195 = arith.addi %mul3A_194, %add3A_192 : i32
    %dma_wait3A_196 = arith.constant 0 : i32
    %dma_wait3A_197 = tpu.memref_slice %arg5[%add3A_195, %dma_wait3A_196] : memref<20480x128xf32, #tpu.memory_space<hbm>> -> memref<128x128xf32, #tpu.memory_space<hbm>>
    %dma_wait3A_198 = arith.constant 0 : i32
    %dma_wait3A_199 = tpu.memref_slice %arg10[%add3A_192, %dma_wait3A_198] : memref<10240x128xf32, #tpu.memory_space<vmem_shared>> -> memref<128x128xf32, #tpu.memory_space<vmem_shared>>
    tpu.wait_dma2 semaphore(%arg11 : memref<!tpu.dma_semaphore, #tpu.memory_space<semaphore_mem>>) src(%dma_wait3A_199 : memref<128x128xf32, #tpu.memory_space<vmem_shared>>) dst(%dma_wait3A_197 : memref<128x128xf32, #tpu.memory_space<hbm>>)
    %mul3A_200 = arith.constant 640 : i32
    %mul3A_201 = arith.muli %arg1, %mul3A_200 : i32
    %add3A_202 = arith.constant 256 : i32
    %add3A_203 = arith.addi %mul3A_201, %add3A_202 : i32
    %mul3A_204 = arith.constant 10240 : i32
    %mul3A_205 = arith.muli %arg0, %mul3A_204 : i32
    %add3A_206 = arith.addi %mul3A_205, %add3A_203 : i32
    %dma_wait3A_207 = arith.constant 0 : i32
    %dma_wait3A_208 = tpu.memref_slice %arg5[%add3A_206, %dma_wait3A_207] : memref<20480x128xf32, #tpu.memory_space<hbm>> -> memref<128x128xf32, #tpu.memory_space<hbm>>
    %dma_wait3A_209 = arith.constant 0 : i32
    %dma_wait3A_210 = tpu.memref_slice %arg10[%add3A_203, %dma_wait3A_209] : memref<10240x128xf32, #tpu.memory_space<vmem_shared>> -> memref<128x128xf32, #tpu.memory_space<vmem_shared>>
    tpu.wait_dma2 semaphore(%arg11 : memref<!tpu.dma_semaphore, #tpu.memory_space<semaphore_mem>>) src(%dma_wait3A_210 : memref<128x128xf32, #tpu.memory_space<vmem_shared>>) dst(%dma_wait3A_208 : memref<128x128xf32, #tpu.memory_space<hbm>>)
    %mul3A_211 = arith.constant 640 : i32
    %mul3A_212 = arith.muli %arg1, %mul3A_211 : i32
    %add3A_213 = arith.constant 384 : i32
    %add3A_214 = arith.addi %mul3A_212, %add3A_213 : i32
    %mul3A_215 = arith.constant 10240 : i32
    %mul3A_216 = arith.muli %arg0, %mul3A_215 : i32
    %add3A_217 = arith.addi %mul3A_216, %add3A_214 : i32
    %dma_wait3A_218 = arith.constant 0 : i32
    %dma_wait3A_219 = tpu.memref_slice %arg5[%add3A_217, %dma_wait3A_218] : memref<20480x128xf32, #tpu.memory_space<hbm>> -> memref<128x128xf32, #tpu.memory_space<hbm>>
    %dma_wait3A_220 = arith.constant 0 : i32
    %dma_wait3A_221 = tpu.memref_slice %arg10[%add3A_214, %dma_wait3A_220] : memref<10240x128xf32, #tpu.memory_space<vmem_shared>> -> memref<128x128xf32, #tpu.memory_space<vmem_shared>>
    tpu.wait_dma2 semaphore(%arg11 : memref<!tpu.dma_semaphore, #tpu.memory_space<semaphore_mem>>) src(%dma_wait3A_221 : memref<128x128xf32, #tpu.memory_space<vmem_shared>>) dst(%dma_wait3A_219 : memref<128x128xf32, #tpu.memory_space<hbm>>)
    %mul3A_222 = arith.constant 640 : i32
    %mul3A_223 = arith.muli %arg1, %mul3A_222 : i32
    %add3A_224 = arith.constant 512 : i32
    %add3A_225 = arith.addi %mul3A_223, %add3A_224 : i32
    %mul3A_226 = arith.constant 10240 : i32
    %mul3A_227 = arith.muli %arg0, %mul3A_226 : i32
    %add3A_228 = arith.addi %mul3A_227, %add3A_225 : i32
    %dma_wait3A_229 = arith.constant 0 : i32
    %dma_wait3A_230 = tpu.memref_slice %arg5[%add3A_228, %dma_wait3A_229] : memref<20480x128xf32, #tpu.memory_space<hbm>> -> memref<128x128xf32, #tpu.memory_space<hbm>>
    %dma_wait3A_231 = arith.constant 0 : i32
    %dma_wait3A_232 = tpu.memref_slice %arg10[%add3A_225, %dma_wait3A_231] : memref<10240x128xf32, #tpu.memory_space<vmem_shared>> -> memref<128x128xf32, #tpu.memory_space<vmem_shared>>
    tpu.wait_dma2 semaphore(%arg11 : memref<!tpu.dma_semaphore, #tpu.memory_space<semaphore_mem>>) src(%dma_wait3A_232 : memref<128x128xf32, #tpu.memory_space<vmem_shared>>) dst(%dma_wait3A_230 : memref<128x128xf32, #tpu.memory_space<hbm>>)
    return
  }
}

#map = affine_map<(d0, d1) -> (0, 0)>
#map1 = affine_map<(d0, d1) -> (0, 0, 0)>
module attributes {stable_mosaic.version = 14 : i64} {
  func.func @sc_hyper_bwd(%arg0: i32, %arg1: i32, %arg2: memref<2048x128xf32, #tpu.memory_space<hbm>>, %arg3: memref<32x26x128xi32, #tpu.memory_space<hbm>>, %arg4: memref<32x26x128xi32, #tpu.memory_space<hbm>>, %arg5: memref<20480x128xf32, #tpu.memory_space<hbm>>, %arg6: memref<26x128xi32, #tpu.memory_space<vmem>>, %arg7: memref<26x128xi32, #tpu.memory_space<vmem>>, %arg8: memref<128x128xf32, #tpu.memory_space<vmem>>, %arg9: memref<128x128xf32, #tpu.memory_space<vmem>>, %arg10: memref<10240x128xf32, #tpu.memory_space<vmem_shared>>, %arg11: memref<!tpu.dma_semaphore, #tpu.memory_space<semaphore_mem>>, %arg12: memref<!tpu.dma_semaphore, #tpu.memory_space<semaphore_mem>>, %arg13: memref<!tpu.dma_semaphore, #tpu.memory_space<semaphore_mem>>, %arg14: memref<!tpu.dma_semaphore, #tpu.memory_space<semaphore_mem>>) attributes {dimension_semantics = [#tpu.dimension_semantics<core_parallel>, #tpu.dimension_semantics<subcore_parallel>], iteration_bounds = array<i64: 2, 16>, scalar_prefetch = 0 : i64, scratch_operands = 9 : i64, tpu.core_type = #tpu.core_type<sc_vector_subcore>, window_params = [{transform_indices = #map}, {transform_indices = #map1}, {transform_indices = #map1}, {transform_indices = #map}]} {
    %mul3A = arith.constant 16 : i32
    %mul3A_0 = arith.muli %arg0, %mul3A : i32
    %add3A = arith.addi %mul3A_0, %arg1 : i32
    %broadcast_in_dim3A = arith.constant 0.000000e+00 : f32
    %broadcast_in_dim3A_1 = vector.broadcast %broadcast_in_dim3A : f32 to vector<16xf32>
    %scan3A = arith.constant 0 : i32
    %scan3A_2 = arith.constant 128 : i32
    %scan3A_3 = arith.addi %scan3A, %scan3A_2 : i32
    %scan3A_4 = arith.constant 1 : i32
    scf.for %scan3A_214 = %scan3A to %scan3A_3 step %scan3A_4  : i32 {
      %mul3A_215 = arith.constant 1 : i32
      %mul3A_216 = arith.muli %scan3A_214, %mul3A_215 : i32
      %add3A_217 = arith.constant 0 : i32
      %add3A_218 = arith.addi %add3A_217, %mul3A_216 : i32
      %swap3A = arith.index_cast %add3A_218 : i32 to index
      %swap3A_219 = arith.constant 0 : index
      %swap3A_220 = tpu.vector_load %arg8[%swap3A, %swap3A_219] {strides = array<i32>} : memref<128x128xf32, #tpu.memory_space<vmem>>, vector<1x16xf32>,
      %swap3A_221 = vector.shape_cast %swap3A_220 : vector<1x16xf32> to vector<16xf32>
      %swap3A_222 = vector.shape_cast %broadcast_in_dim3A_1 : vector<16xf32> to vector<1x16xf32>
      tpu.vector_store %arg8[%swap3A, %swap3A_219], %swap3A_222 {strides = array<i32>} : memref<128x128xf32, #tpu.memory_space<vmem>>, vector<1x16xf32>,
      %swap3A_223 = arith.index_cast %add3A_218 : i32 to index
      %swap3A_224 = arith.constant 16 : index
      %swap3A_225 = tpu.vector_load %arg8[%swap3A_223, %swap3A_224] {strides = array<i32>} : memref<128x128xf32, #tpu.memory_space<vmem>>, vector<1x16xf32>,
      %swap3A_226 = vector.shape_cast %swap3A_225 : vector<1x16xf32> to vector<16xf32>
      %swap3A_227 = vector.shape_cast %broadcast_in_dim3A_1 : vector<16xf32> to vector<1x16xf32>
      tpu.vector_store %arg8[%swap3A_223, %swap3A_224], %swap3A_227 {strides = array<i32>} : memref<128x128xf32, #tpu.memory_space<vmem>>, vector<1x16xf32>,
      %swap3A_228 = arith.index_cast %add3A_218 : i32 to index
      %swap3A_229 = arith.constant 32 : index
      %swap3A_230 = tpu.vector_load %arg8[%swap3A_228, %swap3A_229] {strides = array<i32>} : memref<128x128xf32, #tpu.memory_space<vmem>>, vector<1x16xf32>,
      %swap3A_231 = vector.shape_cast %swap3A_230 : vector<1x16xf32> to vector<16xf32>
      %swap3A_232 = vector.shape_cast %broadcast_in_dim3A_1 : vector<16xf32> to vector<1x16xf32>
      tpu.vector_store %arg8[%swap3A_228, %swap3A_229], %swap3A_232 {strides = array<i32>} : memref<128x128xf32, #tpu.memory_space<vmem>>, vector<1x16xf32>,
      %swap3A_233 = arith.index_cast %add3A_218 : i32 to index
      %swap3A_234 = arith.constant 48 : index
      %swap3A_235 = tpu.vector_load %arg8[%swap3A_233, %swap3A_234] {strides = array<i32>} : memref<128x128xf32, #tpu.memory_space<vmem>>, vector<1x16xf32>,
      %swap3A_236 = vector.shape_cast %swap3A_235 : vector<1x16xf32> to vector<16xf32>
      %swap3A_237 = vector.shape_cast %broadcast_in_dim3A_1 : vector<16xf32> to vector<1x16xf32>
      tpu.vector_store %arg8[%swap3A_233, %swap3A_234], %swap3A_237 {strides = array<i32>} : memref<128x128xf32, #tpu.memory_space<vmem>>, vector<1x16xf32>,
      %swap3A_238 = arith.index_cast %add3A_218 : i32 to index
      %swap3A_239 = arith.constant 64 : index
      %swap3A_240 = tpu.vector_load %arg8[%swap3A_238, %swap3A_239] {strides = array<i32>} : memref<128x128xf32, #tpu.memory_space<vmem>>, vector<1x16xf32>,
      %swap3A_241 = vector.shape_cast %swap3A_240 : vector<1x16xf32> to vector<16xf32>
      %swap3A_242 = vector.shape_cast %broadcast_in_dim3A_1 : vector<16xf32> to vector<1x16xf32>
      tpu.vector_store %arg8[%swap3A_238, %swap3A_239], %swap3A_242 {strides = array<i32>} : memref<128x128xf32, #tpu.memory_space<vmem>>, vector<1x16xf32>,
      %swap3A_243 = arith.index_cast %add3A_218 : i32 to index
      %swap3A_244 = arith.constant 80 : index
      %swap3A_245 = tpu.vector_load %arg8[%swap3A_243, %swap3A_244] {strides = array<i32>} : memref<128x128xf32, #tpu.memory_space<vmem>>, vector<1x16xf32>,
      %swap3A_246 = vector.shape_cast %swap3A_245 : vector<1x16xf32> to vector<16xf32>
      %swap3A_247 = vector.shape_cast %broadcast_in_dim3A_1 : vector<16xf32> to vector<1x16xf32>
      tpu.vector_store %arg8[%swap3A_243, %swap3A_244], %swap3A_247 {strides = array<i32>} : memref<128x128xf32, #tpu.memory_space<vmem>>, vector<1x16xf32>,
      %swap3A_248 = arith.index_cast %add3A_218 : i32 to index
      %swap3A_249 = arith.constant 96 : index
      %swap3A_250 = tpu.vector_load %arg8[%swap3A_248, %swap3A_249] {strides = array<i32>} : memref<128x128xf32, #tpu.memory_space<vmem>>, vector<1x16xf32>,
      %swap3A_251 = vector.shape_cast %swap3A_250 : vector<1x16xf32> to vector<16xf32>
      %swap3A_252 = vector.shape_cast %broadcast_in_dim3A_1 : vector<16xf32> to vector<1x16xf32>
      tpu.vector_store %arg8[%swap3A_248, %swap3A_249], %swap3A_252 {strides = array<i32>} : memref<128x128xf32, #tpu.memory_space<vmem>>, vector<1x16xf32>,
      %swap3A_253 = arith.index_cast %add3A_218 : i32 to index
      %swap3A_254 = arith.constant 112 : index
      %swap3A_255 = tpu.vector_load %arg8[%swap3A_253, %swap3A_254] {strides = array<i32>} : memref<128x128xf32, #tpu.memory_space<vmem>>, vector<1x16xf32>,
      %swap3A_256 = vector.shape_cast %swap3A_255 : vector<1x16xf32> to vector<16xf32>
      %swap3A_257 = vector.shape_cast %broadcast_in_dim3A_1 : vector<16xf32> to vector<1x16xf32>
      tpu.vector_store %arg8[%swap3A_253, %swap3A_254], %swap3A_257 {strides = array<i32>} : memref<128x128xf32, #tpu.memory_space<vmem>>, vector<1x16xf32>,
    }
    %scan3A_5 = arith.constant 128 : i32
    %mul3A_6 = arith.constant 640 : i32
    %mul3A_7 = arith.muli %arg1, %mul3A_6 : i32
    %add3A_8 = arith.constant 0 : i32
    %add3A_9 = arith.addi %mul3A_7, %add3A_8 : i32
    %dma_start3A = arith.constant 0 : i32
    %dma_start3A_10 = tpu.memref_slice %arg10[%add3A_9, %dma_start3A] : memref<10240x128xf32, #tpu.memory_space<vmem_shared>> -> memref<128x128xf32, #tpu.memory_space<vmem_shared>>
    %dma_start3A_11 = arith.constant 0 : i32
    %dma_start3A_12 = tpu.memref_slice %arg10[%add3A_9, %dma_start3A_11] : memref<10240x128xf32, #tpu.memory_space<vmem_shared>> -> memref<128x128xf32, #tpu.memory_space<vmem_shared>>
    tpu.enqueue_dma source(%arg8 : memref<128x128xf32, #tpu.memory_space<vmem>>) target(%dma_start3A_12 : memref<128x128xf32, #tpu.memory_space<vmem_shared>>) target_semaphore(%arg11 : memref<!tpu.dma_semaphore, #tpu.memory_space<semaphore_mem>>)
    %mul3A_13 = arith.constant 640 : i32
    %mul3A_14 = arith.muli %arg1, %mul3A_13 : i32
    %add3A_15 = arith.constant 128 : i32
    %add3A_16 = arith.addi %mul3A_14, %add3A_15 : i32
    %dma_start3A_17 = arith.constant 0 : i32
    %dma_start3A_18 = tpu.memref_slice %arg10[%add3A_16, %dma_start3A_17] : memref<10240x128xf32, #tpu.memory_space<vmem_shared>> -> memref<128x128xf32, #tpu.memory_space<vmem_shared>>
    %dma_start3A_19 = arith.constant 0 : i32
    %dma_start3A_20 = tpu.memref_slice %arg10[%add3A_16, %dma_start3A_19] : memref<10240x128xf32, #tpu.memory_space<vmem_shared>> -> memref<128x128xf32, #tpu.memory_space<vmem_shared>>
    tpu.enqueue_dma source(%arg8 : memref<128x128xf32, #tpu.memory_space<vmem>>) target(%dma_start3A_20 : memref<128x128xf32, #tpu.memory_space<vmem_shared>>) target_semaphore(%arg11 : memref<!tpu.dma_semaphore, #tpu.memory_space<semaphore_mem>>)
    %mul3A_21 = arith.constant 640 : i32
    %mul3A_22 = arith.muli %arg1, %mul3A_21 : i32
    %add3A_23 = arith.constant 256 : i32
    %add3A_24 = arith.addi %mul3A_22, %add3A_23 : i32
    %dma_start3A_25 = arith.constant 0 : i32
    %dma_start3A_26 = tpu.memref_slice %arg10[%add3A_24, %dma_start3A_25] : memref<10240x128xf32, #tpu.memory_space<vmem_shared>> -> memref<128x128xf32, #tpu.memory_space<vmem_shared>>
    %dma_start3A_27 = arith.constant 0 : i32
    %dma_start3A_28 = tpu.memref_slice %arg10[%add3A_24, %dma_start3A_27] : memref<10240x128xf32, #tpu.memory_space<vmem_shared>> -> memref<128x128xf32, #tpu.memory_space<vmem_shared>>
    tpu.enqueue_dma source(%arg8 : memref<128x128xf32, #tpu.memory_space<vmem>>) target(%dma_start3A_28 : memref<128x128xf32, #tpu.memory_space<vmem_shared>>) target_semaphore(%arg11 : memref<!tpu.dma_semaphore, #tpu.memory_space<semaphore_mem>>)
    %mul3A_29 = arith.constant 640 : i32
    %mul3A_30 = arith.muli %arg1, %mul3A_29 : i32
    %add3A_31 = arith.constant 384 : i32
    %add3A_32 = arith.addi %mul3A_30, %add3A_31 : i32
    %dma_start3A_33 = arith.constant 0 : i32
    %dma_start3A_34 = tpu.memref_slice %arg10[%add3A_32, %dma_start3A_33] : memref<10240x128xf32, #tpu.memory_space<vmem_shared>> -> memref<128x128xf32, #tpu.memory_space<vmem_shared>>
    %dma_start3A_35 = arith.constant 0 : i32
    %dma_start3A_36 = tpu.memref_slice %arg10[%add3A_32, %dma_start3A_35] : memref<10240x128xf32, #tpu.memory_space<vmem_shared>> -> memref<128x128xf32, #tpu.memory_space<vmem_shared>>
    tpu.enqueue_dma source(%arg8 : memref<128x128xf32, #tpu.memory_space<vmem>>) target(%dma_start3A_36 : memref<128x128xf32, #tpu.memory_space<vmem_shared>>) target_semaphore(%arg11 : memref<!tpu.dma_semaphore, #tpu.memory_space<semaphore_mem>>)
    %mul3A_37 = arith.constant 640 : i32
    %mul3A_38 = arith.muli %arg1, %mul3A_37 : i32
    %add3A_39 = arith.constant 512 : i32
    %add3A_40 = arith.addi %mul3A_38, %add3A_39 : i32
    %dma_start3A_41 = arith.constant 0 : i32
    %dma_start3A_42 = tpu.memref_slice %arg10[%add3A_40, %dma_start3A_41] : memref<10240x128xf32, #tpu.memory_space<vmem_shared>> -> memref<128x128xf32, #tpu.memory_space<vmem_shared>>
    %dma_start3A_43 = arith.constant 0 : i32
    %dma_start3A_44 = tpu.memref_slice %arg10[%add3A_40, %dma_start3A_43] : memref<10240x128xf32, #tpu.memory_space<vmem_shared>> -> memref<128x128xf32, #tpu.memory_space<vmem_shared>>
    tpu.enqueue_dma source(%arg8 : memref<128x128xf32, #tpu.memory_space<vmem>>) target(%dma_start3A_44 : memref<128x128xf32, #tpu.memory_space<vmem_shared>>) target_semaphore(%arg11 : memref<!tpu.dma_semaphore, #tpu.memory_space<semaphore_mem>>)
    %mul3A_45 = arith.constant 640 : i32
    %mul3A_46 = arith.muli %arg1, %mul3A_45 : i32
    %add3A_47 = arith.constant 0 : i32
    %add3A_48 = arith.addi %mul3A_46, %add3A_47 : i32
    %dma_wait3A = arith.constant 0 : i32
    %dma_wait3A_49 = tpu.memref_slice %arg10[%add3A_48, %dma_wait3A] : memref<10240x128xf32, #tpu.memory_space<vmem_shared>> -> memref<128x128xf32, #tpu.memory_space<vmem_shared>>
    %dma_wait3A_50 = arith.constant 0 : i32
    %dma_wait3A_51 = tpu.memref_slice %arg10[%add3A_48, %dma_wait3A_50] : memref<10240x128xf32, #tpu.memory_space<vmem_shared>> -> memref<128x128xf32, #tpu.memory_space<vmem_shared>>
    tpu.wait_dma2 semaphore(%arg11 : memref<!tpu.dma_semaphore, #tpu.memory_space<semaphore_mem>>) src(%arg8 : memref<128x128xf32, #tpu.memory_space<vmem>>) dst(%dma_wait3A_51 : memref<128x128xf32, #tpu.memory_space<vmem_shared>>)
    %mul3A_52 = arith.constant 640 : i32
    %mul3A_53 = arith.muli %arg1, %mul3A_52 : i32
    %add3A_54 = arith.constant 128 : i32
    %add3A_55 = arith.addi %mul3A_53, %add3A_54 : i32
    %dma_wait3A_56 = arith.constant 0 : i32
    %dma_wait3A_57 = tpu.memref_slice %arg10[%add3A_55, %dma_wait3A_56] : memref<10240x128xf32, #tpu.memory_space<vmem_shared>> -> memref<128x128xf32, #tpu.memory_space<vmem_shared>>
    %dma_wait3A_58 = arith.constant 0 : i32
    %dma_wait3A_59 = tpu.memref_slice %arg10[%add3A_55, %dma_wait3A_58] : memref<10240x128xf32, #tpu.memory_space<vmem_shared>> -> memref<128x128xf32, #tpu.memory_space<vmem_shared>>
    tpu.wait_dma2 semaphore(%arg11 : memref<!tpu.dma_semaphore, #tpu.memory_space<semaphore_mem>>) src(%arg8 : memref<128x128xf32, #tpu.memory_space<vmem>>) dst(%dma_wait3A_59 : memref<128x128xf32, #tpu.memory_space<vmem_shared>>)
    %mul3A_60 = arith.constant 640 : i32
    %mul3A_61 = arith.muli %arg1, %mul3A_60 : i32
    %add3A_62 = arith.constant 256 : i32
    %add3A_63 = arith.addi %mul3A_61, %add3A_62 : i32
    %dma_wait3A_64 = arith.constant 0 : i32
    %dma_wait3A_65 = tpu.memref_slice %arg10[%add3A_63, %dma_wait3A_64] : memref<10240x128xf32, #tpu.memory_space<vmem_shared>> -> memref<128x128xf32, #tpu.memory_space<vmem_shared>>
    %dma_wait3A_66 = arith.constant 0 : i32
    %dma_wait3A_67 = tpu.memref_slice %arg10[%add3A_63, %dma_wait3A_66] : memref<10240x128xf32, #tpu.memory_space<vmem_shared>> -> memref<128x128xf32, #tpu.memory_space<vmem_shared>>
    tpu.wait_dma2 semaphore(%arg11 : memref<!tpu.dma_semaphore, #tpu.memory_space<semaphore_mem>>) src(%arg8 : memref<128x128xf32, #tpu.memory_space<vmem>>) dst(%dma_wait3A_67 : memref<128x128xf32, #tpu.memory_space<vmem_shared>>)
    %mul3A_68 = arith.constant 640 : i32
    %mul3A_69 = arith.muli %arg1, %mul3A_68 : i32
    %add3A_70 = arith.constant 384 : i32
    %add3A_71 = arith.addi %mul3A_69, %add3A_70 : i32
    %dma_wait3A_72 = arith.constant 0 : i32
    %dma_wait3A_73 = tpu.memref_slice %arg10[%add3A_71, %dma_wait3A_72] : memref<10240x128xf32, #tpu.memory_space<vmem_shared>> -> memref<128x128xf32, #tpu.memory_space<vmem_shared>>
    %dma_wait3A_74 = arith.constant 0 : i32
    %dma_wait3A_75 = tpu.memref_slice %arg10[%add3A_71, %dma_wait3A_74] : memref<10240x128xf32, #tpu.memory_space<vmem_shared>> -> memref<128x128xf32, #tpu.memory_space<vmem_shared>>
    tpu.wait_dma2 semaphore(%arg11 : memref<!tpu.dma_semaphore, #tpu.memory_space<semaphore_mem>>) src(%arg8 : memref<128x128xf32, #tpu.memory_space<vmem>>) dst(%dma_wait3A_75 : memref<128x128xf32, #tpu.memory_space<vmem_shared>>)
    %mul3A_76 = arith.constant 640 : i32
    %mul3A_77 = arith.muli %arg1, %mul3A_76 : i32
    %add3A_78 = arith.constant 512 : i32
    %add3A_79 = arith.addi %mul3A_77, %add3A_78 : i32
    %dma_wait3A_80 = arith.constant 0 : i32
    %dma_wait3A_81 = tpu.memref_slice %arg10[%add3A_79, %dma_wait3A_80] : memref<10240x128xf32, #tpu.memory_space<vmem_shared>> -> memref<128x128xf32, #tpu.memory_space<vmem_shared>>
    %dma_wait3A_82 = arith.constant 0 : i32
    %dma_wait3A_83 = tpu.memref_slice %arg10[%add3A_79, %dma_wait3A_82] : memref<10240x128xf32, #tpu.memory_space<vmem_shared>> -> memref<128x128xf32, #tpu.memory_space<vmem_shared>>
    tpu.wait_dma2 semaphore(%arg11 : memref<!tpu.dma_semaphore, #tpu.memory_space<semaphore_mem>>) src(%arg8 : memref<128x128xf32, #tpu.memory_space<vmem>>) dst(%dma_wait3A_83 : memref<128x128xf32, #tpu.memory_space<vmem_shared>>)
    %barrier3A = arith.constant 0 : index
    tpu.barrier barrier_id(%barrier3A)
    "tpu.region"() ({
      %run_scoped3A = tpu.sem_alloc : memref<!tpu.dma_semaphore, #tpu.memory_space<semaphore_mem>>
      %dma_start3A_214 = arith.constant 0 : i32
      %dma_start3A_215 = arith.constant 0 : i32
      %dma_start3A_216 = tpu.memref_slice %arg3[%add3A, %dma_start3A_214, %dma_start3A_215] : memref<32x26x128xi32, #tpu.memory_space<hbm>> -> memref<1x26x128xi32, #tpu.memory_space<hbm>>
      %dma_start3A_217 = tpu.memref_squeeze %dma_start3A_216 : memref<1x26x128xi32, #tpu.memory_space<hbm>> -> memref<26x128xi32, #tpu.memory_space<hbm>>
      %dma_start3A_218 = arith.constant 0 : i32
      %dma_start3A_219 = arith.constant 0 : i32
      %dma_start3A_220 = tpu.memref_slice %arg3[%add3A, %dma_start3A_218, %dma_start3A_219] : memref<32x26x128xi32, #tpu.memory_space<hbm>> -> memref<1x26x128xi32, #tpu.memory_space<hbm>>
      %dma_start3A_221 = tpu.memref_squeeze %dma_start3A_220 : memref<1x26x128xi32, #tpu.memory_space<hbm>> -> memref<26x128xi32, #tpu.memory_space<hbm>>
      tpu.enqueue_dma source(%dma_start3A_221 : memref<26x128xi32, #tpu.memory_space<hbm>>) target(%arg6 : memref<26x128xi32, #tpu.memory_space<vmem>>) target_semaphore(%run_scoped3A : memref<!tpu.dma_semaphore, #tpu.memory_space<semaphore_mem>>)
      %dma_wait3A_222 = arith.constant 0 : i32
      %dma_wait3A_223 = arith.constant 0 : i32
      %dma_wait3A_224 = tpu.memref_slice %arg3[%add3A, %dma_wait3A_222, %dma_wait3A_223] : memref<32x26x128xi32, #tpu.memory_space<hbm>> -> memref<1x26x128xi32, #tpu.memory_space<hbm>>
      %dma_wait3A_225 = tpu.memref_squeeze %dma_wait3A_224 : memref<1x26x128xi32, #tpu.memory_space<hbm>> -> memref<26x128xi32, #tpu.memory_space<hbm>>
      %dma_wait3A_226 = arith.constant 0 : i32
      %dma_wait3A_227 = arith.constant 0 : i32
      %dma_wait3A_228 = tpu.memref_slice %arg3[%add3A, %dma_wait3A_226, %dma_wait3A_227] : memref<32x26x128xi32, #tpu.memory_space<hbm>> -> memref<1x26x128xi32, #tpu.memory_space<hbm>>
      %dma_wait3A_229 = tpu.memref_squeeze %dma_wait3A_228 : memref<1x26x128xi32, #tpu.memory_space<hbm>> -> memref<26x128xi32, #tpu.memory_space<hbm>>
      tpu.wait_dma2 semaphore(%run_scoped3A : memref<!tpu.dma_semaphore, #tpu.memory_space<semaphore_mem>>) src(%dma_wait3A_229 : memref<26x128xi32, #tpu.memory_space<hbm>>) dst(%arg6 : memref<26x128xi32, #tpu.memory_space<vmem>>)
      tpu.yield
    }) : () -> ()
    "tpu.region"() ({
      %run_scoped3A = tpu.sem_alloc : memref<!tpu.dma_semaphore, #tpu.memory_space<semaphore_mem>>
      %dma_start3A_214 = arith.constant 0 : i32
      %dma_start3A_215 = arith.constant 0 : i32
      %dma_start3A_216 = tpu.memref_slice %arg4[%add3A, %dma_start3A_214, %dma_start3A_215] : memref<32x26x128xi32, #tpu.memory_space<hbm>> -> memref<1x26x128xi32, #tpu.memory_space<hbm>>
      %dma_start3A_217 = tpu.memref_squeeze %dma_start3A_216 : memref<1x26x128xi32, #tpu.memory_space<hbm>> -> memref<26x128xi32, #tpu.memory_space<hbm>>
      %dma_start3A_218 = arith.constant 0 : i32
      %dma_start3A_219 = arith.constant 0 : i32
      %dma_start3A_220 = tpu.memref_slice %arg4[%add3A, %dma_start3A_218, %dma_start3A_219] : memref<32x26x128xi32, #tpu.memory_space<hbm>> -> memref<1x26x128xi32, #tpu.memory_space<hbm>>
      %dma_start3A_221 = tpu.memref_squeeze %dma_start3A_220 : memref<1x26x128xi32, #tpu.memory_space<hbm>> -> memref<26x128xi32, #tpu.memory_space<hbm>>
      tpu.enqueue_dma source(%dma_start3A_221 : memref<26x128xi32, #tpu.memory_space<hbm>>) target(%arg7 : memref<26x128xi32, #tpu.memory_space<vmem>>) target_semaphore(%run_scoped3A : memref<!tpu.dma_semaphore, #tpu.memory_space<semaphore_mem>>)
      %dma_wait3A_222 = arith.constant 0 : i32
      %dma_wait3A_223 = arith.constant 0 : i32
      %dma_wait3A_224 = tpu.memref_slice %arg4[%add3A, %dma_wait3A_222, %dma_wait3A_223] : memref<32x26x128xi32, #tpu.memory_space<hbm>> -> memref<1x26x128xi32, #tpu.memory_space<hbm>>
      %dma_wait3A_225 = tpu.memref_squeeze %dma_wait3A_224 : memref<1x26x128xi32, #tpu.memory_space<hbm>> -> memref<26x128xi32, #tpu.memory_space<hbm>>
      %dma_wait3A_226 = arith.constant 0 : i32
      %dma_wait3A_227 = arith.constant 0 : i32
      %dma_wait3A_228 = tpu.memref_slice %arg4[%add3A, %dma_wait3A_226, %dma_wait3A_227] : memref<32x26x128xi32, #tpu.memory_space<hbm>> -> memref<1x26x128xi32, #tpu.memory_space<hbm>>
      %dma_wait3A_229 = tpu.memref_squeeze %dma_wait3A_228 : memref<1x26x128xi32, #tpu.memory_space<hbm>> -> memref<26x128xi32, #tpu.memory_space<hbm>>
      tpu.wait_dma2 semaphore(%run_scoped3A : memref<!tpu.dma_semaphore, #tpu.memory_space<semaphore_mem>>) src(%dma_wait3A_229 : memref<26x128xi32, #tpu.memory_space<hbm>>) dst(%arg7 : memref<26x128xi32, #tpu.memory_space<vmem>>)
      tpu.yield
    }) : () -> ()
    %dma_start3A_84 = arith.constant 0 : i32
    %dma_start3A_85 = arith.constant 0 : i32
    %dma_start3A_86 = tpu.memref_slice %arg6[%dma_start3A_84, %dma_start3A_85] : memref<26x128xi32, #tpu.memory_space<vmem>> -> memref<1x128xi32, #tpu.memory_space<vmem>>
    %dma_start3A_87 = tpu.memref_squeeze %dma_start3A_86 : memref<1x128xi32, #tpu.memory_space<vmem>> -> memref<128xi32, #tpu.memory_space<vmem>>
    %dma_start3A_88 = arith.constant 0 : i32
    %dma_start3A_89 = arith.constant 0 : i32
    %dma_start3A_90 = tpu.memref_slice %arg2[%dma_start3A_88, %dma_start3A_89] : memref<2048x128xf32, #tpu.memory_space<hbm>> -> memref<2048x128xf32, #tpu.memory_space<hbm>>
    tpu.enqueue_indirect_dma source(%dma_start3A_90 : memref<2048x128xf32, #tpu.memory_space<hbm>>) target(%arg8 : memref<128x128xf32, #tpu.memory_space<vmem>>) offsets(%dma_start3A_87 : memref<128xi32, #tpu.memory_space<vmem>>) semaphore(%arg11 : memref<!tpu.dma_semaphore, #tpu.memory_space<semaphore_mem>>)
    %dma_start3A_91 = arith.constant 1 : i32
    %dma_start3A_92 = arith.constant 0 : i32
    %dma_start3A_93 = tpu.memref_slice %arg6[%dma_start3A_91, %dma_start3A_92] : memref<26x128xi32, #tpu.memory_space<vmem>> -> memref<1x128xi32, #tpu.memory_space<vmem>>
    %dma_start3A_94 = tpu.memref_squeeze %dma_start3A_93 : memref<1x128xi32, #tpu.memory_space<vmem>> -> memref<128xi32, #tpu.memory_space<vmem>>
    %dma_start3A_95 = arith.constant 0 : i32
    %dma_start3A_96 = arith.constant 0 : i32
    %dma_start3A_97 = tpu.memref_slice %arg2[%dma_start3A_95, %dma_start3A_96] : memref<2048x128xf32, #tpu.memory_space<hbm>> -> memref<2048x128xf32, #tpu.memory_space<hbm>>
    tpu.enqueue_indirect_dma source(%dma_start3A_97 : memref<2048x128xf32, #tpu.memory_space<hbm>>) target(%arg9 : memref<128x128xf32, #tpu.memory_space<vmem>>) offsets(%dma_start3A_94 : memref<128xi32, #tpu.memory_space<vmem>>) semaphore(%arg12 : memref<!tpu.dma_semaphore, #tpu.memory_space<semaphore_mem>>)
    %scan3A_98 = arith.constant 0 : i32
    %scan3A_99 = arith.constant 13 : i32
    %scan3A_100 = arith.addi %scan3A_98, %scan3A_99 : i32
    %scan3A_101 = arith.constant 1 : i32
    scf.for %scan3A_214 = %scan3A_98 to %scan3A_100 step %scan3A_101  : i32 {
      %mul3A_215 = arith.constant 2 : i32
      %mul3A_216 = arith.muli %scan3A_214, %mul3A_215 : i32
      %add3A_217 = arith.constant 0 : i32
      %add3A_218 = arith.addi %add3A_217, %mul3A_216 : i32
      %dma_wait3A_219 = arith.constant 0 : i32
      %dma_wait3A_220 = arith.constant 0 : i32
      %dma_wait3A_221 = tpu.memref_slice %arg2[%dma_wait3A_219, %dma_wait3A_220] : memref<2048x128xf32, #tpu.memory_space<hbm>> -> memref<128x128xf32, #tpu.memory_space<hbm>>
      %dma_wait3A_222 = arith.constant 0 : i32
      %dma_wait3A_223 = arith.constant 0 : i32
      %dma_wait3A_224 = tpu.memref_slice %arg2[%dma_wait3A_222, %dma_wait3A_223] : memref<2048x128xf32, #tpu.memory_space<hbm>> -> memref<128x128xf32, #tpu.memory_space<hbm>>
      tpu.wait_dma2 semaphore(%arg11 : memref<!tpu.dma_semaphore, #tpu.memory_space<semaphore_mem>>) src(%dma_wait3A_224 : memref<128x128xf32, #tpu.memory_space<hbm>>) dst(%arg8 : memref<128x128xf32, #tpu.memory_space<vmem>>)
      %dma_start3A_225 = arith.constant 0 : i32
      %dma_start3A_226 = tpu.memref_slice %arg7[%add3A_218, %dma_start3A_225] : memref<26x128xi32, #tpu.memory_space<vmem>> -> memref<1x128xi32, #tpu.memory_space<vmem>>
      %dma_start3A_227 = tpu.memref_squeeze %dma_start3A_226 : memref<1x128xi32, #tpu.memory_space<vmem>> -> memref<128xi32, #tpu.memory_space<vmem>>
      %dma_start3A_228 = arith.constant 0 : i32
      %dma_start3A_229 = arith.constant 0 : i32
      %dma_start3A_230 = tpu.memref_slice %arg10[%dma_start3A_228, %dma_start3A_229] : memref<10240x128xf32, #tpu.memory_space<vmem_shared>> -> memref<10240x128xf32, #tpu.memory_space<vmem_shared>>
      tpu.enqueue_indirect_dma source(%arg8 : memref<128x128xf32, #tpu.memory_space<vmem>>) target(%dma_start3A_230 : memref<10240x128xf32, #tpu.memory_space<vmem_shared>>) offsets(%dma_start3A_227 : memref<128xi32, #tpu.memory_space<vmem>>) semaphore(%arg13 : memref<!tpu.dma_semaphore, #tpu.memory_space<semaphore_mem>>) {add = true}
      %dma_wait3A_231 = arith.constant 0 : i32
      %dma_wait3A_232 = arith.constant 0 : i32
      %dma_wait3A_233 = tpu.memref_slice %arg2[%dma_wait3A_231, %dma_wait3A_232] : memref<2048x128xf32, #tpu.memory_space<hbm>> -> memref<128x128xf32, #tpu.memory_space<hbm>>
      %dma_wait3A_234 = arith.constant 0 : i32
      %dma_wait3A_235 = arith.constant 0 : i32
      %dma_wait3A_236 = tpu.memref_slice %arg2[%dma_wait3A_234, %dma_wait3A_235] : memref<2048x128xf32, #tpu.memory_space<hbm>> -> memref<128x128xf32, #tpu.memory_space<hbm>>
      tpu.wait_dma2 semaphore(%arg12 : memref<!tpu.dma_semaphore, #tpu.memory_space<semaphore_mem>>) src(%dma_wait3A_236 : memref<128x128xf32, #tpu.memory_space<hbm>>) dst(%arg9 : memref<128x128xf32, #tpu.memory_space<vmem>>)
      %add3A_237 = arith.constant 1 : i32
      %add3A_238 = arith.addi %add3A_218, %add3A_237 : i32
      %dma_start3A_239 = arith.constant 0 : i32
      %dma_start3A_240 = tpu.memref_slice %arg7[%add3A_238, %dma_start3A_239] : memref<26x128xi32, #tpu.memory_space<vmem>> -> memref<1x128xi32, #tpu.memory_space<vmem>>
      %dma_start3A_241 = tpu.memref_squeeze %dma_start3A_240 : memref<1x128xi32, #tpu.memory_space<vmem>> -> memref<128xi32, #tpu.memory_space<vmem>>
      %dma_start3A_242 = arith.constant 0 : i32
      %dma_start3A_243 = arith.constant 0 : i32
      %dma_start3A_244 = tpu.memref_slice %arg10[%dma_start3A_242, %dma_start3A_243] : memref<10240x128xf32, #tpu.memory_space<vmem_shared>> -> memref<10240x128xf32, #tpu.memory_space<vmem_shared>>
      tpu.enqueue_indirect_dma source(%arg9 : memref<128x128xf32, #tpu.memory_space<vmem>>) target(%dma_start3A_244 : memref<10240x128xf32, #tpu.memory_space<vmem_shared>>) offsets(%dma_start3A_241 : memref<128xi32, #tpu.memory_space<vmem>>) semaphore(%arg14 : memref<!tpu.dma_semaphore, #tpu.memory_space<semaphore_mem>>) {add = true}
      %dma_wait3A_245 = arith.constant 0 : i32
      %dma_wait3A_246 = arith.constant 0 : i32
      %dma_wait3A_247 = tpu.memref_slice %arg10[%dma_wait3A_245, %dma_wait3A_246] : memref<10240x128xf32, #tpu.memory_space<vmem_shared>> -> memref<128x128xf32, #tpu.memory_space<vmem_shared>>
      %dma_wait3A_248 = arith.constant 0 : i32
      %dma_wait3A_249 = arith.constant 0 : i32
      %dma_wait3A_250 = tpu.memref_slice %arg10[%dma_wait3A_248, %dma_wait3A_249] : memref<10240x128xf32, #tpu.memory_space<vmem_shared>> -> memref<128x128xf32, #tpu.memory_space<vmem_shared>>
      tpu.wait_dma2 semaphore(%arg13 : memref<!tpu.dma_semaphore, #tpu.memory_space<semaphore_mem>>) src(%arg8 : memref<128x128xf32, #tpu.memory_space<vmem>>) dst(%dma_wait3A_250 : memref<128x128xf32, #tpu.memory_space<vmem_shared>>)
      %add3A_251 = arith.constant 2 : i32
      %add3A_252 = arith.addi %add3A_218, %add3A_251 : i32
      %lt3A = arith.constant 26 : i32
      %lt3A_253 = arith.cmpi slt, %add3A_252, %lt3A : i32
      %convert_element_type3A = arith.extui %lt3A_253 : i1 to i32
      %cond3A = arith.constant 0 : i32
      %cond3A_254 = arith.cmpi ne, %convert_element_type3A, %cond3A : i32
      scf.if %cond3A_254 {
        %add3A_268 = arith.constant 2 : i32
        %add3A_269 = arith.addi %add3A_218, %add3A_268 : i32
        %dma_start3A_270 = arith.constant 0 : i32
        %dma_start3A_271 = tpu.memref_slice %arg6[%add3A_269, %dma_start3A_270] : memref<26x128xi32, #tpu.memory_space<vmem>> -> memref<1x128xi32, #tpu.memory_space<vmem>>
        %dma_start3A_272 = tpu.memref_squeeze %dma_start3A_271 : memref<1x128xi32, #tpu.memory_space<vmem>> -> memref<128xi32, #tpu.memory_space<vmem>>
        %dma_start3A_273 = arith.constant 0 : i32
        %dma_start3A_274 = arith.constant 0 : i32
        %dma_start3A_275 = tpu.memref_slice %arg2[%dma_start3A_273, %dma_start3A_274] : memref<2048x128xf32, #tpu.memory_space<hbm>> -> memref<2048x128xf32, #tpu.memory_space<hbm>>
        tpu.enqueue_indirect_dma source(%dma_start3A_275 : memref<2048x128xf32, #tpu.memory_space<hbm>>) target(%arg8 : memref<128x128xf32, #tpu.memory_space<vmem>>) offsets(%dma_start3A_272 : memref<128xi32, #tpu.memory_space<vmem>>) semaphore(%arg11 : memref<!tpu.dma_semaphore, #tpu.memory_space<semaphore_mem>>)
      } else {
      }
      %dma_wait3A_255 = arith.constant 0 : i32
      %dma_wait3A_256 = arith.constant 0 : i32
      %dma_wait3A_257 = tpu.memref_slice %arg10[%dma_wait3A_255, %dma_wait3A_256] : memref<10240x128xf32, #tpu.memory_space<vmem_shared>> -> memref<128x128xf32, #tpu.memory_space<vmem_shared>>
      %dma_wait3A_258 = arith.constant 0 : i32
      %dma_wait3A_259 = arith.constant 0 : i32
      %dma_wait3A_260 = tpu.memref_slice %arg10[%dma_wait3A_258, %dma_wait3A_259] : memref<10240x128xf32, #tpu.memory_space<vmem_shared>> -> memref<128x128xf32, #tpu.memory_space<vmem_shared>>
      tpu.wait_dma2 semaphore(%arg14 : memref<!tpu.dma_semaphore, #tpu.memory_space<semaphore_mem>>) src(%arg9 : memref<128x128xf32, #tpu.memory_space<vmem>>) dst(%dma_wait3A_260 : memref<128x128xf32, #tpu.memory_space<vmem_shared>>)
      %add3A_261 = arith.constant 3 : i32
      %add3A_262 = arith.addi %add3A_218, %add3A_261 : i32
      %lt3A_263 = arith.constant 26 : i32
      %lt3A_264 = arith.cmpi slt, %add3A_262, %lt3A_263 : i32
      %convert_element_type3A_265 = arith.extui %lt3A_264 : i1 to i32
      %cond3A_266 = arith.constant 0 : i32
      %cond3A_267 = arith.cmpi ne, %convert_element_type3A_265, %cond3A_266 : i32
      scf.if %cond3A_267 {
        %add3A_268 = arith.constant 3 : i32
        %add3A_269 = arith.addi %add3A_218, %add3A_268 : i32
        %dma_start3A_270 = arith.constant 0 : i32
        %dma_start3A_271 = tpu.memref_slice %arg6[%add3A_269, %dma_start3A_270] : memref<26x128xi32, #tpu.memory_space<vmem>> -> memref<1x128xi32, #tpu.memory_space<vmem>>
        %dma_start3A_272 = tpu.memref_squeeze %dma_start3A_271 : memref<1x128xi32, #tpu.memory_space<vmem>> -> memref<128xi32, #tpu.memory_space<vmem>>
        %dma_start3A_273 = arith.constant 0 : i32
        %dma_start3A_274 = arith.constant 0 : i32
        %dma_start3A_275 = tpu.memref_slice %arg2[%dma_start3A_273, %dma_start3A_274] : memref<2048x128xf32, #tpu.memory_space<hbm>> -> memref<2048x128xf32, #tpu.memory_space<hbm>>
        tpu.enqueue_indirect_dma source(%dma_start3A_275 : memref<2048x128xf32, #tpu.memory_space<hbm>>) target(%arg9 : memref<128x128xf32, #tpu.memory_space<vmem>>) offsets(%dma_start3A_272 : memref<128xi32, #tpu.memory_space<vmem>>) semaphore(%arg12 : memref<!tpu.dma_semaphore, #tpu.memory_space<semaphore_mem>>)
      } else {
      }
    }
    %scan3A_102 = arith.constant 13 : i32
    %barrier3A_103 = arith.constant 0 : index
    tpu.barrier barrier_id(%barrier3A_103)
    %mul3A_104 = arith.constant 640 : i32
    %mul3A_105 = arith.muli %arg1, %mul3A_104 : i32
    %add3A_106 = arith.constant 0 : i32
    %add3A_107 = arith.addi %mul3A_105, %add3A_106 : i32
    %mul3A_108 = arith.constant 10240 : i32
    %mul3A_109 = arith.muli %arg0, %mul3A_108 : i32
    %add3A_110 = arith.addi %mul3A_109, %add3A_107 : i32
    %dma_start3A_111 = arith.constant 0 : i32
    %dma_start3A_112 = tpu.memref_slice %arg5[%add3A_110, %dma_start3A_111] : memref<20480x128xf32, #tpu.memory_space<hbm>> -> memref<128x128xf32, #tpu.memory_space<hbm>>
    %dma_start3A_113 = arith.constant 0 : i32
    %dma_start3A_114 = tpu.memref_slice %arg10[%add3A_107, %dma_start3A_113] : memref<10240x128xf32, #tpu.memory_space<vmem_shared>> -> memref<128x128xf32, #tpu.memory_space<vmem_shared>>
    tpu.enqueue_dma source(%dma_start3A_114 : memref<128x128xf32, #tpu.memory_space<vmem_shared>>) target(%dma_start3A_112 : memref<128x128xf32, #tpu.memory_space<hbm>>) target_semaphore(%arg11 : memref<!tpu.dma_semaphore, #tpu.memory_space<semaphore_mem>>)
    %mul3A_115 = arith.constant 640 : i32
    %mul3A_116 = arith.muli %arg1, %mul3A_115 : i32
    %add3A_117 = arith.constant 128 : i32
    %add3A_118 = arith.addi %mul3A_116, %add3A_117 : i32
    %mul3A_119 = arith.constant 10240 : i32
    %mul3A_120 = arith.muli %arg0, %mul3A_119 : i32
    %add3A_121 = arith.addi %mul3A_120, %add3A_118 : i32
    %dma_start3A_122 = arith.constant 0 : i32
    %dma_start3A_123 = tpu.memref_slice %arg5[%add3A_121, %dma_start3A_122] : memref<20480x128xf32, #tpu.memory_space<hbm>> -> memref<128x128xf32, #tpu.memory_space<hbm>>
    %dma_start3A_124 = arith.constant 0 : i32
    %dma_start3A_125 = tpu.memref_slice %arg10[%add3A_118, %dma_start3A_124] : memref<10240x128xf32, #tpu.memory_space<vmem_shared>> -> memref<128x128xf32, #tpu.memory_space<vmem_shared>>
    tpu.enqueue_dma source(%dma_start3A_125 : memref<128x128xf32, #tpu.memory_space<vmem_shared>>) target(%dma_start3A_123 : memref<128x128xf32, #tpu.memory_space<hbm>>) target_semaphore(%arg11 : memref<!tpu.dma_semaphore, #tpu.memory_space<semaphore_mem>>)
    %mul3A_126 = arith.constant 640 : i32
    %mul3A_127 = arith.muli %arg1, %mul3A_126 : i32
    %add3A_128 = arith.constant 256 : i32
    %add3A_129 = arith.addi %mul3A_127, %add3A_128 : i32
    %mul3A_130 = arith.constant 10240 : i32
    %mul3A_131 = arith.muli %arg0, %mul3A_130 : i32
    %add3A_132 = arith.addi %mul3A_131, %add3A_129 : i32
    %dma_start3A_133 = arith.constant 0 : i32
    %dma_start3A_134 = tpu.memref_slice %arg5[%add3A_132, %dma_start3A_133] : memref<20480x128xf32, #tpu.memory_space<hbm>> -> memref<128x128xf32, #tpu.memory_space<hbm>>
    %dma_start3A_135 = arith.constant 0 : i32
    %dma_start3A_136 = tpu.memref_slice %arg10[%add3A_129, %dma_start3A_135] : memref<10240x128xf32, #tpu.memory_space<vmem_shared>> -> memref<128x128xf32, #tpu.memory_space<vmem_shared>>
    tpu.enqueue_dma source(%dma_start3A_136 : memref<128x128xf32, #tpu.memory_space<vmem_shared>>) target(%dma_start3A_134 : memref<128x128xf32, #tpu.memory_space<hbm>>) target_semaphore(%arg11 : memref<!tpu.dma_semaphore, #tpu.memory_space<semaphore_mem>>)
    %mul3A_137 = arith.constant 640 : i32
    %mul3A_138 = arith.muli %arg1, %mul3A_137 : i32
    %add3A_139 = arith.constant 384 : i32
    %add3A_140 = arith.addi %mul3A_138, %add3A_139 : i32
    %mul3A_141 = arith.constant 10240 : i32
    %mul3A_142 = arith.muli %arg0, %mul3A_141 : i32
    %add3A_143 = arith.addi %mul3A_142, %add3A_140 : i32
    %dma_start3A_144 = arith.constant 0 : i32
    %dma_start3A_145 = tpu.memref_slice %arg5[%add3A_143, %dma_start3A_144] : memref<20480x128xf32, #tpu.memory_space<hbm>> -> memref<128x128xf32, #tpu.memory_space<hbm>>
    %dma_start3A_146 = arith.constant 0 : i32
    %dma_start3A_147 = tpu.memref_slice %arg10[%add3A_140, %dma_start3A_146] : memref<10240x128xf32, #tpu.memory_space<vmem_shared>> -> memref<128x128xf32, #tpu.memory_space<vmem_shared>>
    tpu.enqueue_dma source(%dma_start3A_147 : memref<128x128xf32, #tpu.memory_space<vmem_shared>>) target(%dma_start3A_145 : memref<128x128xf32, #tpu.memory_space<hbm>>) target_semaphore(%arg11 : memref<!tpu.dma_semaphore, #tpu.memory_space<semaphore_mem>>)
    %mul3A_148 = arith.constant 640 : i32
    %mul3A_149 = arith.muli %arg1, %mul3A_148 : i32
    %add3A_150 = arith.constant 512 : i32
    %add3A_151 = arith.addi %mul3A_149, %add3A_150 : i32
    %mul3A_152 = arith.constant 10240 : i32
    %mul3A_153 = arith.muli %arg0, %mul3A_152 : i32
    %add3A_154 = arith.addi %mul3A_153, %add3A_151 : i32
    %dma_start3A_155 = arith.constant 0 : i32
    %dma_start3A_156 = tpu.memref_slice %arg5[%add3A_154, %dma_start3A_155] : memref<20480x128xf32, #tpu.memory_space<hbm>> -> memref<128x128xf32, #tpu.memory_space<hbm>>
    %dma_start3A_157 = arith.constant 0 : i32
    %dma_start3A_158 = tpu.memref_slice %arg10[%add3A_151, %dma_start3A_157] : memref<10240x128xf32, #tpu.memory_space<vmem_shared>> -> memref<128x128xf32, #tpu.memory_space<vmem_shared>>
    tpu.enqueue_dma source(%dma_start3A_158 : memref<128x128xf32, #tpu.memory_space<vmem_shared>>) target(%dma_start3A_156 : memref<128x128xf32, #tpu.memory_space<hbm>>) target_semaphore(%arg11 : memref<!tpu.dma_semaphore, #tpu.memory_space<semaphore_mem>>)
    %mul3A_159 = arith.constant 640 : i32
    %mul3A_160 = arith.muli %arg1, %mul3A_159 : i32
    %add3A_161 = arith.constant 0 : i32
    %add3A_162 = arith.addi %mul3A_160, %add3A_161 : i32
    %mul3A_163 = arith.constant 10240 : i32
    %mul3A_164 = arith.muli %arg0, %mul3A_163 : i32
    %add3A_165 = arith.addi %mul3A_164, %add3A_162 : i32
    %dma_wait3A_166 = arith.constant 0 : i32
    %dma_wait3A_167 = tpu.memref_slice %arg5[%add3A_165, %dma_wait3A_166] : memref<20480x128xf32, #tpu.memory_space<hbm>> -> memref<128x128xf32, #tpu.memory_space<hbm>>
    %dma_wait3A_168 = arith.constant 0 : i32
    %dma_wait3A_169 = tpu.memref_slice %arg10[%add3A_162, %dma_wait3A_168] : memref<10240x128xf32, #tpu.memory_space<vmem_shared>> -> memref<128x128xf32, #tpu.memory_space<vmem_shared>>
    tpu.wait_dma2 semaphore(%arg11 : memref<!tpu.dma_semaphore, #tpu.memory_space<semaphore_mem>>) src(%dma_wait3A_169 : memref<128x128xf32, #tpu.memory_space<vmem_shared>>) dst(%dma_wait3A_167 : memref<128x128xf32, #tpu.memory_space<hbm>>)
    %mul3A_170 = arith.constant 640 : i32
    %mul3A_171 = arith.muli %arg1, %mul3A_170 : i32
    %add3A_172 = arith.constant 128 : i32
    %add3A_173 = arith.addi %mul3A_171, %add3A_172 : i32
    %mul3A_174 = arith.constant 10240 : i32
    %mul3A_175 = arith.muli %arg0, %mul3A_174 : i32
    %add3A_176 = arith.addi %mul3A_175, %add3A_173 : i32
    %dma_wait3A_177 = arith.constant 0 : i32
    %dma_wait3A_178 = tpu.memref_slice %arg5[%add3A_176, %dma_wait3A_177] : memref<20480x128xf32, #tpu.memory_space<hbm>> -> memref<128x128xf32, #tpu.memory_space<hbm>>
    %dma_wait3A_179 = arith.constant 0 : i32
    %dma_wait3A_180 = tpu.memref_slice %arg10[%add3A_173, %dma_wait3A_179] : memref<10240x128xf32, #tpu.memory_space<vmem_shared>> -> memref<128x128xf32, #tpu.memory_space<vmem_shared>>
    tpu.wait_dma2 semaphore(%arg11 : memref<!tpu.dma_semaphore, #tpu.memory_space<semaphore_mem>>) src(%dma_wait3A_180 : memref<128x128xf32, #tpu.memory_space<vmem_shared>>) dst(%dma_wait3A_178 : memref<128x128xf32, #tpu.memory_space<hbm>>)
    %mul3A_181 = arith.constant 640 : i32
    %mul3A_182 = arith.muli %arg1, %mul3A_181 : i32
    %add3A_183 = arith.constant 256 : i32
    %add3A_184 = arith.addi %mul3A_182, %add3A_183 : i32
    %mul3A_185 = arith.constant 10240 : i32
    %mul3A_186 = arith.muli %arg0, %mul3A_185 : i32
    %add3A_187 = arith.addi %mul3A_186, %add3A_184 : i32
    %dma_wait3A_188 = arith.constant 0 : i32
    %dma_wait3A_189 = tpu.memref_slice %arg5[%add3A_187, %dma_wait3A_188] : memref<20480x128xf32, #tpu.memory_space<hbm>> -> memref<128x128xf32, #tpu.memory_space<hbm>>
    %dma_wait3A_190 = arith.constant 0 : i32
    %dma_wait3A_191 = tpu.memref_slice %arg10[%add3A_184, %dma_wait3A_190] : memref<10240x128xf32, #tpu.memory_space<vmem_shared>> -> memref<128x128xf32, #tpu.memory_space<vmem_shared>>
    tpu.wait_dma2 semaphore(%arg11 : memref<!tpu.dma_semaphore, #tpu.memory_space<semaphore_mem>>) src(%dma_wait3A_191 : memref<128x128xf32, #tpu.memory_space<vmem_shared>>) dst(%dma_wait3A_189 : memref<128x128xf32, #tpu.memory_space<hbm>>)
    %mul3A_192 = arith.constant 640 : i32
    %mul3A_193 = arith.muli %arg1, %mul3A_192 : i32
    %add3A_194 = arith.constant 384 : i32
    %add3A_195 = arith.addi %mul3A_193, %add3A_194 : i32
    %mul3A_196 = arith.constant 10240 : i32
    %mul3A_197 = arith.muli %arg0, %mul3A_196 : i32
    %add3A_198 = arith.addi %mul3A_197, %add3A_195 : i32
    %dma_wait3A_199 = arith.constant 0 : i32
    %dma_wait3A_200 = tpu.memref_slice %arg5[%add3A_198, %dma_wait3A_199] : memref<20480x128xf32, #tpu.memory_space<hbm>> -> memref<128x128xf32, #tpu.memory_space<hbm>>
    %dma_wait3A_201 = arith.constant 0 : i32
    %dma_wait3A_202 = tpu.memref_slice %arg10[%add3A_195, %dma_wait3A_201] : memref<10240x128xf32, #tpu.memory_space<vmem_shared>> -> memref<128x128xf32, #tpu.memory_space<vmem_shared>>
    tpu.wait_dma2 semaphore(%arg11 : memref<!tpu.dma_semaphore, #tpu.memory_space<semaphore_mem>>) src(%dma_wait3A_202 : memref<128x128xf32, #tpu.memory_space<vmem_shared>>) dst(%dma_wait3A_200 : memref<128x128xf32, #tpu.memory_space<hbm>>)
    %mul3A_203 = arith.constant 640 : i32
    %mul3A_204 = arith.muli %arg1, %mul3A_203 : i32
    %add3A_205 = arith.constant 512 : i32
    %add3A_206 = arith.addi %mul3A_204, %add3A_205 : i32
    %mul3A_207 = arith.constant 10240 : i32
    %mul3A_208 = arith.muli %arg0, %mul3A_207 : i32
    %add3A_209 = arith.addi %mul3A_208, %add3A_206 : i32
    %dma_wait3A_210 = arith.constant 0 : i32
    %dma_wait3A_211 = tpu.memref_slice %arg5[%add3A_209, %dma_wait3A_210] : memref<20480x128xf32, #tpu.memory_space<hbm>> -> memref<128x128xf32, #tpu.memory_space<hbm>>
    %dma_wait3A_212 = arith.constant 0 : i32
    %dma_wait3A_213 = tpu.memref_slice %arg10[%add3A_206, %dma_wait3A_212] : memref<10240x128xf32, #tpu.memory_space<vmem_shared>> -> memref<128x128xf32, #tpu.memory_space<vmem_shared>>
    tpu.wait_dma2 semaphore(%arg11 : memref<!tpu.dma_semaphore, #tpu.memory_space<semaphore_mem>>) src(%dma_wait3A_213 : memref<128x128xf32, #tpu.memory_space<vmem_shared>>) dst(%dma_wait3A_211 : memref<128x128xf32, #tpu.memory_space<hbm>>)
    return
  }
}

module attributes {stable_mosaic.version = 14 : i64} {
  func.func @_tc1_body(%arg0: i32, %arg1: memref<1024x128xf32, #tpu.memory_space<vmem>>, %arg2: memref<128x128xf32, #tpu.memory_space<vmem>>, %arg3: memref<1x128xf32, #tpu.memory_space<vmem>>, %arg4: memref<1024x128xf32, #tpu.memory_space<vmem>>) attributes {dimension_semantics = [#tpu.dimension_semantics<arbitrary>], iteration_bounds = array<i64: 10>, scalar_prefetch = 0 : i64, scratch_operands = 0 : i64, tpu.core_type = #tpu.core_type<tc>, window_params = [{transform_indices = @transform_0, window_bounds = array<i64: 1024, 128>}, {pipeline_mode = #tpu.pipeline_mode<synchronous>, transform_indices = @transform_1, window_bounds = array<i64: 128, 128>}, {pipeline_mode = #tpu.pipeline_mode<synchronous>, transform_indices = @transform_2, window_bounds = array<i64: 1, 128>}, {transform_indices = @transform_3, window_bounds = array<i64: 1024, 128>}]} {
    %get3A = arith.constant 0 : index
    %get3A_0 = arith.constant 0 : index
    %get3A_1 = vector.load %arg1[%get3A, %get3A_0] : memref<1024x128xf32, #tpu.memory_space<vmem>>, vector<1024x128xf32>
    %get3A_2 = arith.constant 0 : index
    %get3A_3 = arith.constant 0 : index
    %get3A_4 = vector.load %arg2[%get3A_2, %get3A_3] : memref<128x128xf32, #tpu.memory_space<vmem>>, vector<128x128xf32>
    %dot_general3A = arith.constant dense<0.000000e+00> : vector<1024x128xf32>
    %dot_general3A_5 = tpu.matmul %get3A_1, %get3A_4, %dot_general3A {dimension_numbers = #tpu.dot_dimension_numbers<[1], [0], [0], [1], [0, 0, 1, 1], [], []>, transpose_lhs_hint = false} : vector<1024x128xf32>, vector<128x128xf32>, vector<1024x128xf32> -> vector<1024x128xf32>
    %get3A_6 = arith.constant 0 : index
    %get3A_7 = arith.constant 0 : index
    %get3A_8 = vector.load %arg3[%get3A_6, %get3A_7] : memref<1x128xf32, #tpu.memory_space<vmem>>, vector<1x128xf32>
    %add3A = vector.broadcast %get3A_8 : vector<1x128xf32> to vector<1024x128xf32>
    %add3A_9 = arith.addf %dot_general3A_5, %add3A : vector<1024x128xf32>
    %max3A = arith.constant 0.000000e+00 : f32
    %max3A_10 = vector.broadcast %max3A : f32 to vector<1024x128xf32>
    %max3A_11 = arith.maximumf %add3A_9, %max3A_10 : vector<1024x128xf32>
    %swap3A = arith.constant 0 : index
    %swap3A_12 = arith.constant 0 : index
    %swap3A_13 = vector.load %arg4[%swap3A, %swap3A_12] : memref<1024x128xf32, #tpu.memory_space<vmem>>, vector<1024x128xf32>
    tpu.vector_store %arg4[%swap3A, %swap3A_12], %max3A_11 {strides = array<i32>} : memref<1024x128xf32, #tpu.memory_space<vmem>>, vector<1024x128xf32>,
    return
  }
  func.func @transform_0(%arg0: i32) -> (i32, i32) {
    %c0_i32 = arith.constant 0 : i32
    %c0_i32_0 = arith.constant 0 : i32
    return %arg0, %c0_i32 : i32, i32
  }
  func.func @transform_1(%arg0: i32) -> (i32, i32) {
    %c0_i32 = arith.constant 0 : i32
    %c0_i32_0 = arith.constant 0 : i32
    %c0_i32_1 = arith.constant 0 : i32
    return %c0_i32, %c0_i32_0 : i32, i32
  }
  func.func @transform_2(%arg0: i32) -> (i32, i32) {
    %c0_i32 = arith.constant 0 : i32
    %c0_i32_0 = arith.constant 0 : i32
    %c0_i32_1 = arith.constant 0 : i32
    return %c0_i32, %c0_i32_0 : i32, i32
  }
  func.func @transform_3(%arg0: i32) -> (i32, i32) {
    %c0_i32 = arith.constant 0 : i32
    %c0_i32_0 = arith.constant 0 : i32
    return %arg0, %c0_i32 : i32, i32
  }
}

module attributes {stable_mosaic.version = 14 : i64} {
  func.func @_tc2_body(%arg0: i32, %arg1: memref<2048x128xf32, #tpu.memory_space<vmem>>, %arg2: memref<2048x128xf32, #tpu.memory_space<vmem>>, %arg3: memref<128x128xf32, #tpu.memory_space<vmem>>, %arg4: memref<1x128xf32, #tpu.memory_space<vmem>>, %arg5: memref<2048x128xf32, #tpu.memory_space<vmem>>) attributes {dimension_semantics = [#tpu.dimension_semantics<arbitrary>], iteration_bounds = array<i64: 1>, scalar_prefetch = 0 : i64, scratch_operands = 0 : i64, tpu.core_type = #tpu.core_type<tc>, window_params = [{pipeline_mode = #tpu.pipeline_mode<synchronous>, transform_indices = @transform_0, window_bounds = array<i64: 2048, 128>}, {pipeline_mode = #tpu.pipeline_mode<synchronous>, transform_indices = @transform_1, window_bounds = array<i64: 2048, 128>}, {pipeline_mode = #tpu.pipeline_mode<synchronous>, transform_indices = @transform_2, window_bounds = array<i64: 128, 128>}, {pipeline_mode = #tpu.pipeline_mode<synchronous>, transform_indices = @transform_3, window_bounds = array<i64: 1, 128>}, {pipeline_mode = #tpu.pipeline_mode<synchronous>, transform_indices = @transform_4, window_bounds = array<i64: 2048, 128>}]} {
    %get3A = arith.constant 0 : index
    %get3A_0 = arith.constant 0 : index
    %get3A_1 = vector.load %arg1[%get3A, %get3A_0] : memref<2048x128xf32, #tpu.memory_space<vmem>>, vector<2048x128xf32>
    %get3A_2 = arith.constant 0 : index
    %get3A_3 = arith.constant 0 : index
    %get3A_4 = vector.load %arg2[%get3A_2, %get3A_3] : memref<2048x128xf32, #tpu.memory_space<vmem>>, vector<2048x128xf32>
    %add3A = arith.addf %get3A_1, %get3A_4 : vector<2048x128xf32>
    %slice3A = vector.extract_strided_slice %add3A {offsets = [0, 64], sizes = [2048, 1], strides = [1, 1]} : vector<2048x128xf32> to vector<2048x1xf32>
    %max3A = arith.constant 1.000000e+00 : f32
    %max3A_5 = vector.broadcast %max3A : f32 to vector<2048x1xf32>
    %max3A_6 = arith.maximumf %slice3A, %max3A_5 : vector<2048x1xf32>
    %div3A = vector.broadcast %max3A_6 : vector<2048x1xf32> to vector<2048x128xf32>
    %div3A_7 = arith.divf %add3A, %div3A : vector<2048x128xf32>
    %get3A_8 = arith.constant 0 : index
    %get3A_9 = arith.constant 0 : index
    %get3A_10 = vector.load %arg3[%get3A_8, %get3A_9] : memref<128x128xf32, #tpu.memory_space<vmem>>, vector<128x128xf32>
    %dot_general3A = arith.constant dense<0.000000e+00> : vector<2048x128xf32>
    %dot_general3A_11 = tpu.matmul %div3A_7, %get3A_10, %dot_general3A {dimension_numbers = #tpu.dot_dimension_numbers<[1], [0], [0], [1], [0, 0, 1, 1], [], []>, transpose_lhs_hint = false} : vector<2048x128xf32>, vector<128x128xf32>, vector<2048x128xf32> -> vector<2048x128xf32>
    %get3A_12 = arith.constant 0 : index
    %get3A_13 = arith.constant 0 : index
    %get3A_14 = vector.load %arg4[%get3A_12, %get3A_13] : memref<1x128xf32, #tpu.memory_space<vmem>>, vector<1x128xf32>
    %add3A_15 = vector.broadcast %get3A_14 : vector<1x128xf32> to vector<2048x128xf32>
    %add3A_16 = arith.addf %dot_general3A_11, %add3A_15 : vector<2048x128xf32>
    %max3A_17 = arith.constant 0.000000e+00 : f32
    %max3A_18 = vector.broadcast %max3A_17 : f32 to vector<2048x128xf32>
    %max3A_19 = arith.maximumf %add3A_16, %max3A_18 : vector<2048x128xf32>
    %swap3A = arith.constant 0 : index
    %swap3A_20 = arith.constant 0 : index
    %swap3A_21 = vector.load %arg5[%swap3A, %swap3A_20] : memref<2048x128xf32, #tpu.memory_space<vmem>>, vector<2048x128xf32>
    tpu.vector_store %arg5[%swap3A, %swap3A_20], %max3A_19 {strides = array<i32>} : memref<2048x128xf32, #tpu.memory_space<vmem>>, vector<2048x128xf32>,
    return
  }
  func.func @transform_0(%arg0: i32) -> (i32, i32) {
    %c0_i32 = arith.constant 0 : i32
    %c0_i32_0 = arith.constant 0 : i32
    %c0_i32_1 = arith.constant 0 : i32
    return %c0_i32, %c0_i32_0 : i32, i32
  }
  func.func @transform_1(%arg0: i32) -> (i32, i32) {
    %c0_i32 = arith.constant 0 : i32
    %c0_i32_0 = arith.constant 0 : i32
    %c0_i32_1 = arith.constant 0 : i32
    return %c0_i32, %c0_i32_0 : i32, i32
  }
  func.func @transform_2(%arg0: i32) -> (i32, i32) {
    %c0_i32 = arith.constant 0 : i32
    %c0_i32_0 = arith.constant 0 : i32
    %c0_i32_1 = arith.constant 0 : i32
    return %c0_i32, %c0_i32_0 : i32, i32
  }
  func.func @transform_3(%arg0: i32) -> (i32, i32) {
    %c0_i32 = arith.constant 0 : i32
    %c0_i32_0 = arith.constant 0 : i32
    %c0_i32_1 = arith.constant 0 : i32
    return %c0_i32, %c0_i32_0 : i32, i32
  }
  func.func @transform_4(%arg0: i32) -> (i32, i32) {
    %c0_i32 = arith.constant 0 : i32
    %c0_i32_0 = arith.constant 0 : i32
    %c0_i32_1 = arith.constant 0 : i32
    return %c0_i32, %c0_i32_0 : i32, i32
  }
}

module attributes {stable_mosaic.version = 14 : i64} {
  func.func @_tc3_body(%arg0: i32, %arg1: memref<1024x128xf32, #tpu.memory_space<vmem>>, %arg2: memref<1024x128xf32, #tpu.memory_space<vmem>>, %arg3: memref<1024x1xf32, #tpu.memory_space<vmem>>, %arg4: memref<1024x1xf32, #tpu.memory_space<vmem>>, %arg5: memref<1024x128xf32, #tpu.memory_space<vmem>>, %arg6: memref<128x128xf32, #tpu.memory_space<vmem>>, %arg7: memref<1x128xf32, #tpu.memory_space<vmem>>, %arg8: memref<128x128xf32, #tpu.memory_space<vmem>>, %arg9: memref<128x128xf32, #tpu.memory_space<vmem>>, %arg10: memref<1024x128xf32, #tpu.memory_space<vmem>>, %arg11: memref<1024x1xf32, #tpu.memory_space<vmem>>) attributes {dimension_semantics = [#tpu.dimension_semantics<arbitrary>], iteration_bounds = array<i64: 10>, scalar_prefetch = 0 : i64, scratch_operands = 0 : i64, tpu.core_type = #tpu.core_type<tc>, window_params = [{transform_indices = @transform_0, window_bounds = array<i64: 1024, 128>}, {transform_indices = @transform_1, window_bounds = array<i64: 1024, 128>}, {transform_indices = @transform_2, window_bounds = array<i64: 1024, 1>}, {transform_indices = @transform_3, window_bounds = array<i64: 1024, 1>}, {transform_indices = @transform_4, window_bounds = array<i64: 1024, 128>}, {pipeline_mode = #tpu.pipeline_mode<synchronous>, transform_indices = @transform_5, window_bounds = array<i64: 128, 128>}, {pipeline_mode = #tpu.pipeline_mode<synchronous>, transform_indices = @transform_6, window_bounds = array<i64: 1, 128>}, {pipeline_mode = #tpu.pipeline_mode<synchronous>, transform_indices = @transform_7, window_bounds = array<i64: 128, 128>}, {pipeline_mode = #tpu.pipeline_mode<synchronous>, transform_indices = @transform_8, window_bounds = array<i64: 128, 128>}, {transform_indices = @transform_9, window_bounds = array<i64: 1024, 128>}, {transform_indices = @transform_10, window_bounds = array<i64: 1024, 1>}]} {
    %get3A = arith.constant 0 : index
    %get3A_0 = arith.constant 0 : index
    %get3A_1 = vector.load %arg1[%get3A, %get3A_0] : memref<1024x128xf32, #tpu.memory_space<vmem>>, vector<1024x128xf32>
    %get3A_2 = arith.constant 0 : index
    %get3A_3 = arith.constant 0 : index
    %get3A_4 = vector.load %arg2[%get3A_2, %get3A_3] : memref<1024x128xf32, #tpu.memory_space<vmem>>, vector<1024x128xf32>
    %add3A = arith.addf %get3A_1, %get3A_4 : vector<1024x128xf32>
    %slice3A = vector.extract_strided_slice %add3A {offsets = [0, 64], sizes = [1024, 1], strides = [1, 1]} : vector<1024x128xf32> to vector<1024x1xf32>
    %max3A = arith.constant 1.000000e+00 : f32
    %max3A_5 = vector.broadcast %max3A : f32 to vector<1024x1xf32>
    %max3A_6 = arith.maximumf %slice3A, %max3A_5 : vector<1024x1xf32>
    %div3A = vector.broadcast %max3A_6 : vector<1024x1xf32> to vector<1024x128xf32>
    %div3A_7 = arith.divf %add3A, %div3A : vector<1024x128xf32>
    %get3A_8 = arith.constant 0 : index
    %get3A_9 = arith.constant 0 : index
    %get3A_10 = vector.load %arg6[%get3A_8, %get3A_9] : memref<128x128xf32, #tpu.memory_space<vmem>>, vector<128x128xf32>
    %dot_general3A = arith.constant dense<0.000000e+00> : vector<1024x128xf32>
    %dot_general3A_11 = tpu.matmul %div3A_7, %get3A_10, %dot_general3A {dimension_numbers = #tpu.dot_dimension_numbers<[1], [0], [0], [1], [0, 0, 1, 1], [], []>, transpose_lhs_hint = false} : vector<1024x128xf32>, vector<128x128xf32>, vector<1024x128xf32> -> vector<1024x128xf32>
    %get3A_12 = arith.constant 0 : index
    %get3A_13 = arith.constant 0 : index
    %get3A_14 = vector.load %arg7[%get3A_12, %get3A_13] : memref<1x128xf32, #tpu.memory_space<vmem>>, vector<1x128xf32>
    %add3A_15 = vector.broadcast %get3A_14 : vector<1x128xf32> to vector<1024x128xf32>
    %add3A_16 = arith.addf %dot_general3A_11, %add3A_15 : vector<1024x128xf32>
    %max3A_17 = arith.constant 0.000000e+00 : f32
    %max3A_18 = vector.broadcast %max3A_17 : f32 to vector<1024x128xf32>
    %max3A_19 = arith.maximumf %add3A_16, %max3A_18 : vector<1024x128xf32>
    %get3A_20 = arith.constant 0 : index
    %get3A_21 = arith.constant 0 : index
    %get3A_22 = vector.load %arg3[%get3A_20, %get3A_21] : memref<1024x1xf32, #tpu.memory_space<vmem>>, vector<1024x1xf32>
    %get3A_23 = arith.constant 0 : index
    %get3A_24 = arith.constant 0 : index
    %get3A_25 = vector.load %arg4[%get3A_23, %get3A_24] : memref<1024x1xf32, #tpu.memory_space<vmem>>, vector<1024x1xf32>
    %add3A_26 = arith.addf %get3A_22, %get3A_25 : vector<1024x1xf32>
    %add3A_27 = arith.constant 1.000000e+00 : f32
    %add3A_28 = vector.broadcast %add3A_27 : f32 to vector<1024x1xf32>
    %add3A_29 = arith.addf %add3A_26, %add3A_28 : vector<1024x1xf32>
    %rsqrt3A = math.rsqrt %add3A_29 : vector<1024x1xf32>
    %get3A_30 = arith.constant 0 : index
    %get3A_31 = arith.constant 0 : index
    %get3A_32 = vector.load %arg5[%get3A_30, %get3A_31] : memref<1024x128xf32, #tpu.memory_space<vmem>>, vector<1024x128xf32>
    %get3A_33 = arith.constant 0 : index
    %get3A_34 = arith.constant 0 : index
    %get3A_35 = vector.load %arg8[%get3A_33, %get3A_34] : memref<128x128xf32, #tpu.memory_space<vmem>>, vector<128x128xf32>
    %dot_general3A_36 = arith.constant dense<0.000000e+00> : vector<1024x128xf32>
    %dot_general3A_37 = tpu.matmul %get3A_32, %get3A_35, %dot_general3A_36 {dimension_numbers = #tpu.dot_dimension_numbers<[1], [0], [0], [1], [0, 0, 1, 1], [], []>, transpose_lhs_hint = false} : vector<1024x128xf32>, vector<128x128xf32>, vector<1024x128xf32> -> vector<1024x128xf32>
    %get3A_38 = arith.constant 0 : index
    %get3A_39 = arith.constant 0 : index
    %get3A_40 = vector.load %arg9[%get3A_38, %get3A_39] : memref<128x128xf32, #tpu.memory_space<vmem>>, vector<128x128xf32>
    %dot_general3A_41 = arith.constant dense<0.000000e+00> : vector<1024x128xf32>
    %dot_general3A_42 = tpu.matmul %max3A_19, %get3A_40, %dot_general3A_41 {dimension_numbers = #tpu.dot_dimension_numbers<[1], [0], [0], [1], [0, 0, 1, 1], [], []>, transpose_lhs_hint = false} : vector<1024x128xf32>, vector<128x128xf32>, vector<1024x128xf32> -> vector<1024x128xf32>
    %add3A_43 = arith.addf %dot_general3A_37, %dot_general3A_42 : vector<1024x128xf32>
    %mul3A = vector.broadcast %rsqrt3A : vector<1024x1xf32> to vector<1024x128xf32>
    %mul3A_44 = arith.mulf %add3A_43, %mul3A : vector<1024x128xf32>
    %swap3A = arith.constant 0 : index
    %swap3A_45 = arith.constant 0 : index
    %swap3A_46 = vector.load %arg10[%swap3A, %swap3A_45] : memref<1024x128xf32, #tpu.memory_space<vmem>>, vector<1024x128xf32>
    tpu.vector_store %arg10[%swap3A, %swap3A_45], %mul3A_44 {strides = array<i32>} : memref<1024x128xf32, #tpu.memory_space<vmem>>, vector<1024x128xf32>,
    %swap3A_47 = arith.constant 0 : index
    %swap3A_48 = arith.constant 0 : index
    %swap3A_49 = vector.load %arg11[%swap3A_47, %swap3A_48] : memref<1024x1xf32, #tpu.memory_space<vmem>>, vector<1024x1xf32>
    tpu.vector_store %arg11[%swap3A_47, %swap3A_48], %rsqrt3A {strides = array<i32>} : memref<1024x1xf32, #tpu.memory_space<vmem>>, vector<1024x1xf32>,
    return
  }
  func.func @transform_0(%arg0: i32) -> (i32, i32) {
    %c0_i32 = arith.constant 0 : i32
    %c0_i32_0 = arith.constant 0 : i32
    return %arg0, %c0_i32 : i32, i32
  }
  func.func @transform_1(%arg0: i32) -> (i32, i32) {
    %c0_i32 = arith.constant 0 : i32
    %c0_i32_0 = arith.constant 0 : i32
    return %arg0, %c0_i32 : i32, i32
  }
  func.func @transform_2(%arg0: i32) -> (i32, i32) {
    %c0_i32 = arith.constant 0 : i32
    %c0_i32_0 = arith.constant 0 : i32
    return %arg0, %c0_i32 : i32, i32
  }
  func.func @transform_3(%arg0: i32) -> (i32, i32) {
    %c0_i32 = arith.constant 0 : i32
    %c0_i32_0 = arith.constant 0 : i32
    return %arg0, %c0_i32 : i32, i32
  }
  func.func @transform_4(%arg0: i32) -> (i32, i32) {
    %c0_i32 = arith.constant 0 : i32
    %c0_i32_0 = arith.constant 0 : i32
    return %arg0, %c0_i32 : i32, i32
  }
  func.func @transform_5(%arg0: i32) -> (i32, i32) {
    %c0_i32 = arith.constant 0 : i32
    %c0_i32_0 = arith.constant 0 : i32
    %c0_i32_1 = arith.constant 0 : i32
    return %c0_i32, %c0_i32_0 : i32, i32
  }
  func.func @transform_6(%arg0: i32) -> (i32, i32) {
    %c0_i32 = arith.constant 0 : i32
    %c0_i32_0 = arith.constant 0 : i32
    %c0_i32_1 = arith.constant 0 : i32
    return %c0_i32, %c0_i32_0 : i32, i32
  }
  func.func @transform_7(%arg0: i32) -> (i32, i32) {
    %c0_i32 = arith.constant 0 : i32
    %c0_i32_0 = arith.constant 0 : i32
    %c0_i32_1 = arith.constant 0 : i32
    return %c0_i32, %c0_i32_0 : i32, i32
  }
  func.func @transform_8(%arg0: i32) -> (i32, i32) {
    %c0_i32 = arith.constant 0 : i32
    %c0_i32_0 = arith.constant 0 : i32
    %c0_i32_1 = arith.constant 0 : i32
    return %c0_i32, %c0_i32_0 : i32, i32
  }
  func.func @transform_9(%arg0: i32) -> (i32, i32) {
    %c0_i32 = arith.constant 0 : i32
    %c0_i32_0 = arith.constant 0 : i32
    return %arg0, %c0_i32 : i32, i32
  }
  func.func @transform_10(%arg0: i32) -> (i32, i32) {
    %c0_i32 = arith.constant 0 : i32
    %c0_i32_0 = arith.constant 0 : i32
    return %arg0, %c0_i32 : i32, i32
  }
}

module attributes {stable_mosaic.version = 14 : i64} {
  func.func @_tc4_body(%arg0: i32, %arg1: memref<1024x128xf32, #tpu.memory_space<vmem>>, %arg2: memref<1024x128xf32, #tpu.memory_space<vmem>>, %arg3: memref<1024x128xf32, #tpu.memory_space<vmem>>, %arg4: memref<1024x1xf32, #tpu.memory_space<vmem>>, %arg5: memref<128x128xf32, #tpu.memory_space<vmem>>, %arg6: memref<1x128xf32, #tpu.memory_space<vmem>>, %arg7: memref<1024x128xf32, #tpu.memory_space<vmem>>) attributes {dimension_semantics = [#tpu.dimension_semantics<arbitrary>], iteration_bounds = array<i64: 10>, scalar_prefetch = 0 : i64, scratch_operands = 0 : i64, tpu.core_type = #tpu.core_type<tc>, window_params = [{transform_indices = @transform_0, window_bounds = array<i64: 1024, 128>}, {transform_indices = @transform_1, window_bounds = array<i64: 1024, 128>}, {transform_indices = @transform_2, window_bounds = array<i64: 1024, 128>}, {transform_indices = @transform_3, window_bounds = array<i64: 1024, 1>}, {pipeline_mode = #tpu.pipeline_mode<synchronous>, transform_indices = @transform_4, window_bounds = array<i64: 128, 128>}, {pipeline_mode = #tpu.pipeline_mode<synchronous>, transform_indices = @transform_5, window_bounds = array<i64: 1, 128>}, {transform_indices = @transform_6, window_bounds = array<i64: 1024, 128>}]} {
    %get3A = arith.constant 0 : index
    %get3A_0 = arith.constant 0 : index
    %get3A_1 = vector.load %arg1[%get3A, %get3A_0] : memref<1024x128xf32, #tpu.memory_space<vmem>>, vector<1024x128xf32>
    %get3A_2 = arith.constant 0 : index
    %get3A_3 = arith.constant 0 : index
    %get3A_4 = vector.load %arg2[%get3A_2, %get3A_3] : memref<1024x128xf32, #tpu.memory_space<vmem>>, vector<1024x128xf32>
    %add3A = arith.addf %get3A_1, %get3A_4 : vector<1024x128xf32>
    %get3A_5 = arith.constant 0 : index
    %get3A_6 = arith.constant 0 : index
    %get3A_7 = vector.load %arg3[%get3A_5, %get3A_6] : memref<1024x128xf32, #tpu.memory_space<vmem>>, vector<1024x128xf32>
    %add3A_8 = arith.addf %add3A, %get3A_7 : vector<1024x128xf32>
    %get3A_9 = arith.constant 0 : index
    %get3A_10 = arith.constant 0 : index
    %get3A_11 = vector.load %arg4[%get3A_9, %get3A_10] : memref<1024x1xf32, #tpu.memory_space<vmem>>, vector<1024x1xf32>
    %mul3A = vector.broadcast %get3A_11 : vector<1024x1xf32> to vector<1024x128xf32>
    %mul3A_12 = arith.mulf %add3A_8, %mul3A : vector<1024x128xf32>
    %get3A_13 = arith.constant 0 : index
    %get3A_14 = arith.constant 0 : index
    %get3A_15 = vector.load %arg6[%get3A_13, %get3A_14] : memref<1x128xf32, #tpu.memory_space<vmem>>, vector<1x128xf32>
    %add3A_16 = vector.broadcast %get3A_15 : vector<1x128xf32> to vector<1024x128xf32>
    %add3A_17 = arith.addf %mul3A_12, %add3A_16 : vector<1024x128xf32>
    %max3A = arith.constant 0.000000e+00 : f32
    %max3A_18 = vector.broadcast %max3A : f32 to vector<1024x128xf32>
    %max3A_19 = arith.maximumf %add3A_17, %max3A_18 : vector<1024x128xf32>
    %get3A_20 = arith.constant 0 : index
    %get3A_21 = arith.constant 0 : index
    %get3A_22 = vector.load %arg5[%get3A_20, %get3A_21] : memref<128x128xf32, #tpu.memory_space<vmem>>, vector<128x128xf32>
    %dot_general3A = arith.constant dense<0.000000e+00> : vector<1024x128xf32>
    %dot_general3A_23 = tpu.matmul %max3A_19, %get3A_22, %dot_general3A {dimension_numbers = #tpu.dot_dimension_numbers<[1], [0], [0], [1], [0, 0, 1, 1], [], []>, transpose_lhs_hint = false} : vector<1024x128xf32>, vector<128x128xf32>, vector<1024x128xf32> -> vector<1024x128xf32>
    %get3A_24 = arith.constant 0 : index
    %get3A_25 = arith.constant 0 : index
    %get3A_26 = vector.load %arg4[%get3A_24, %get3A_25] : memref<1024x1xf32, #tpu.memory_space<vmem>>, vector<1024x1xf32>
    %mul3A_27 = vector.broadcast %get3A_26 : vector<1024x1xf32> to vector<1024x128xf32>
    %mul3A_28 = arith.mulf %dot_general3A_23, %mul3A_27 : vector<1024x128xf32>
    %swap3A = arith.constant 0 : index
    %swap3A_29 = arith.constant 0 : index
    %swap3A_30 = vector.load %arg7[%swap3A, %swap3A_29] : memref<1024x128xf32, #tpu.memory_space<vmem>>, vector<1024x128xf32>
    tpu.vector_store %arg7[%swap3A, %swap3A_29], %mul3A_28 {strides = array<i32>} : memref<1024x128xf32, #tpu.memory_space<vmem>>, vector<1024x128xf32>,
    return
  }
  func.func @transform_0(%arg0: i32) -> (i32, i32) {
    %c0_i32 = arith.constant 0 : i32
    %c0_i32_0 = arith.constant 0 : i32
    return %arg0, %c0_i32 : i32, i32
  }
  func.func @transform_1(%arg0: i32) -> (i32, i32) {
    %c0_i32 = arith.constant 0 : i32
    %c0_i32_0 = arith.constant 0 : i32
    return %arg0, %c0_i32 : i32, i32
  }
  func.func @transform_2(%arg0: i32) -> (i32, i32) {
    %c0_i32 = arith.constant 0 : i32
    %c0_i32_0 = arith.constant 0 : i32
    return %arg0, %c0_i32 : i32, i32
  }
  func.func @transform_3(%arg0: i32) -> (i32, i32) {
    %c0_i32 = arith.constant 0 : i32
    %c0_i32_0 = arith.constant 0 : i32
    return %arg0, %c0_i32 : i32, i32
  }
  func.func @transform_4(%arg0: i32) -> (i32, i32) {
    %c0_i32 = arith.constant 0 : i32
    %c0_i32_0 = arith.constant 0 : i32
    %c0_i32_1 = arith.constant 0 : i32
    return %c0_i32, %c0_i32_0 : i32, i32
  }
  func.func @transform_5(%arg0: i32) -> (i32, i32) {
    %c0_i32 = arith.constant 0 : i32
    %c0_i32_0 = arith.constant 0 : i32
    %c0_i32_1 = arith.constant 0 : i32
    return %c0_i32, %c0_i32_0 : i32, i32
  }
  func.func @transform_6(%arg0: i32) -> (i32, i32) {
    %c0_i32 = arith.constant 0 : i32
    %c0_i32_0 = arith.constant 0 : i32
    return %arg0, %c0_i32 : i32, i32
  }
}

module attributes {stable_mosaic.version = 14 : i64} {
  func.func @_tc5_body(%arg0: i32, %arg1: memref<1024x128xf32, #tpu.memory_space<vmem>>, %arg2: memref<1024x128xf32, #tpu.memory_space<vmem>>, %arg3: memref<1024x128xf32, #tpu.memory_space<vmem>>, %arg4: memref<1024x1xf32, #tpu.memory_space<vmem>>, %arg5: memref<1x128xf32, #tpu.memory_space<vmem>>, %arg6: memref<128x40xf32, #tpu.memory_space<vmem>>, %arg7: memref<1x40xf32, #tpu.memory_space<vmem>>, %arg8: memref<1024x40xf32, #tpu.memory_space<vmem>>) attributes {dimension_semantics = [#tpu.dimension_semantics<arbitrary>], iteration_bounds = array<i64: 10>, scalar_prefetch = 0 : i64, scratch_operands = 0 : i64, tpu.core_type = #tpu.core_type<tc>, window_params = [{transform_indices = @transform_0, window_bounds = array<i64: 1024, 128>}, {transform_indices = @transform_1, window_bounds = array<i64: 1024, 128>}, {transform_indices = @transform_2, window_bounds = array<i64: 1024, 128>}, {transform_indices = @transform_3, window_bounds = array<i64: 1024, 1>}, {pipeline_mode = #tpu.pipeline_mode<synchronous>, transform_indices = @transform_4, window_bounds = array<i64: 1, 128>}, {pipeline_mode = #tpu.pipeline_mode<synchronous>, transform_indices = @transform_5, window_bounds = array<i64: 128, 40>}, {pipeline_mode = #tpu.pipeline_mode<synchronous>, transform_indices = @transform_6, window_bounds = array<i64: 1, 40>}, {transform_indices = @transform_7, window_bounds = array<i64: 1024, 40>}]} {
    %get3A = arith.constant 0 : index
    %get3A_0 = arith.constant 0 : index
    %get3A_1 = vector.load %arg1[%get3A, %get3A_0] : memref<1024x128xf32, #tpu.memory_space<vmem>>, vector<1024x128xf32>
    %get3A_2 = arith.constant 0 : index
    %get3A_3 = arith.constant 0 : index
    %get3A_4 = vector.load %arg2[%get3A_2, %get3A_3] : memref<1024x128xf32, #tpu.memory_space<vmem>>, vector<1024x128xf32>
    %add3A = arith.addf %get3A_1, %get3A_4 : vector<1024x128xf32>
    %get3A_5 = arith.constant 0 : index
    %get3A_6 = arith.constant 0 : index
    %get3A_7 = vector.load %arg3[%get3A_5, %get3A_6] : memref<1024x128xf32, #tpu.memory_space<vmem>>, vector<1024x128xf32>
    %add3A_8 = arith.addf %add3A, %get3A_7 : vector<1024x128xf32>
    %get3A_9 = arith.constant 0 : index
    %get3A_10 = arith.constant 0 : index
    %get3A_11 = vector.load %arg4[%get3A_9, %get3A_10] : memref<1024x1xf32, #tpu.memory_space<vmem>>, vector<1024x1xf32>
    %mul3A = vector.broadcast %get3A_11 : vector<1024x1xf32> to vector<1024x128xf32>
    %mul3A_12 = arith.mulf %add3A_8, %mul3A : vector<1024x128xf32>
    %get3A_13 = arith.constant 0 : index
    %get3A_14 = arith.constant 0 : index
    %get3A_15 = vector.load %arg5[%get3A_13, %get3A_14] : memref<1x128xf32, #tpu.memory_space<vmem>>, vector<1x128xf32>
    %add3A_16 = vector.broadcast %get3A_15 : vector<1x128xf32> to vector<1024x128xf32>
    %add3A_17 = arith.addf %mul3A_12, %add3A_16 : vector<1024x128xf32>
    %get3A_18 = arith.constant 0 : index
    %get3A_19 = arith.constant 0 : index
    %get3A_20 = vector.load %arg6[%get3A_18, %get3A_19] : memref<128x40xf32, #tpu.memory_space<vmem>>, vector<128x40xf32>
    %dot_general3A = arith.constant dense<0.000000e+00> : vector<1024x40xf32>
    %dot_general3A_21 = tpu.matmul %add3A_17, %get3A_20, %dot_general3A {dimension_numbers = #tpu.dot_dimension_numbers<[1], [0], [0], [1], [0, 0, 1, 1], [], []>, transpose_lhs_hint = false} : vector<1024x128xf32>, vector<128x40xf32>, vector<1024x40xf32> -> vector<1024x40xf32>
    %get3A_22 = arith.constant 0 : index
    %get3A_23 = arith.constant 0 : index
    %get3A_24 = vector.load %arg7[%get3A_22, %get3A_23] : memref<1x40xf32, #tpu.memory_space<vmem>>, vector<1x40xf32>
    %add3A_25 = vector.broadcast %get3A_24 : vector<1x40xf32> to vector<1024x40xf32>
    %add3A_26 = arith.addf %dot_general3A_21, %add3A_25 : vector<1024x40xf32>
    %swap3A = arith.constant 0 : index
    %swap3A_27 = arith.constant 0 : index
    %swap3A_28 = vector.load %arg8[%swap3A, %swap3A_27] : memref<1024x40xf32, #tpu.memory_space<vmem>>, vector<1024x40xf32>
    tpu.vector_store %arg8[%swap3A, %swap3A_27], %add3A_26 {strides = array<i32>} : memref<1024x40xf32, #tpu.memory_space<vmem>>, vector<1024x40xf32>,
    return
  }
  func.func @transform_0(%arg0: i32) -> (i32, i32) {
    %c0_i32 = arith.constant 0 : i32
    %c0_i32_0 = arith.constant 0 : i32
    return %arg0, %c0_i32 : i32, i32
  }
  func.func @transform_1(%arg0: i32) -> (i32, i32) {
    %c0_i32 = arith.constant 0 : i32
    %c0_i32_0 = arith.constant 0 : i32
    return %arg0, %c0_i32 : i32, i32
  }
  func.func @transform_2(%arg0: i32) -> (i32, i32) {
    %c0_i32 = arith.constant 0 : i32
    %c0_i32_0 = arith.constant 0 : i32
    return %arg0, %c0_i32 : i32, i32
  }
  func.func @transform_3(%arg0: i32) -> (i32, i32) {
    %c0_i32 = arith.constant 0 : i32
    %c0_i32_0 = arith.constant 0 : i32
    return %arg0, %c0_i32 : i32, i32
  }
  func.func @transform_4(%arg0: i32) -> (i32, i32) {
    %c0_i32 = arith.constant 0 : i32
    %c0_i32_0 = arith.constant 0 : i32
    %c0_i32_1 = arith.constant 0 : i32
    return %c0_i32, %c0_i32_0 : i32, i32
  }
  func.func @transform_5(%arg0: i32) -> (i32, i32) {
    %c0_i32 = arith.constant 0 : i32
    %c0_i32_0 = arith.constant 0 : i32
    %c0_i32_1 = arith.constant 0 : i32
    return %c0_i32, %c0_i32_0 : i32, i32
  }
  func.func @transform_6(%arg0: i32) -> (i32, i32) {
    %c0_i32 = arith.constant 0 : i32
    %c0_i32_0 = arith.constant 0 : i32
    %c0_i32_1 = arith.constant 0 : i32
    return %c0_i32, %c0_i32_0 : i32, i32
  }
  func.func @transform_7(%arg0: i32) -> (i32, i32) {
    %c0_i32 = arith.constant 0 : i32
    %c0_i32_0 = arith.constant 0 : i32
    return %arg0, %c0_i32 : i32, i32
  }
}

</mosaic_0001>

<sc_bundles>
// kernel: sc_gcn_edges.4.cloned.1.call-start
scs
__scs_entry_jumppad:
0x0: {  	(pc) =	sbr.rel $0x88, $3  }
0x1: {  	(tag) =	ssettag $0x0;
	lr =	simm.s32 $0x1  }
0x2: {  	[smem:$0x3F92] =	sst lr;
	_ =	strace $0xD0000000  }
0x3: {  	_ = 	snop  }
0x4: {  	_ = 	snop  }
0x5: {  	_ = 	snop  }
0x6: {  	_ = 	snop  }
0x7: {  	_ = 	snop  }
__scs_overlays_trampoline_lowered:
0x8: {  	[smem:$0x3FA1] =	sst s0  }
0x9: {  	[smem:$0x3FA2] =	sst s1  }
0xa: {  	[smem:$0x3FA3] =	sst s2  }
0xb: {  	[smem:$0x3FA4] =	sst s3  }
0xc: {  	[smem:$0x3FA5] =	sst s4  }
0xd: {  	[smem:$0x3FA6] =	sst s5  }
0xe: {  	[smem:$0x3FA7] =	sst s6  }
0xf: {  	[smem:$0x3FA8] =	sst s7  }
0x10: {  	[smem:$0x3FA9] =	sst s8  }
0x11: {  	[smem:$0x3FAA] =	sst s9;
	s0 =	simm.s32 @!p0 $0x0  }
0x12: {  	s1 =	sld [smem:$0x3F90];
	s0 =	simm.s32 @p0 $0x1  }
0x13: {  	[smem:$0x3FAB] =	sst s0;
	s0 =	simm.s32 @!p1 $0x0  }
0x14: {  	s2 =	sld [smem:$0x3F8F];
	s0 =	simm.s32 @p1 $0x1  }
0x15: {  	[smem:$0x3FAC] =	sst s0;
	s0 =	simm.s32 @!p2 $0x0  }
0x16: {  	s3 =	sld [smem:$0x3FDB];
	s0 =	simm.s32 @p2 $0x1  }
0x17: {  	s4 =	simm.s32 $0x1BF5;
	[smem:$0x3FAE] =	sst s0  }
0x18: {  	s0 =	sld [smem:$0x3F91];
	_ =	swait.ge [sflag:s4], $0x0  }
0x19: {  	s7 =	sld [smem:$0x3F92]  }
0x1a: {  	s8 =	sadd.s32 $0xFFFFE003, lr  }
0x1b: {  	s9 =	sadd.s32 $0xFFFFFEF7, lr;
	s5 =	simm.s32 $0xFFFFFFFF;
	p2 =	slt.u32 s8, $0xFFFFF086  }
0x1c: {  	p1 =	slt.u32 s9, $0xF7A;
	s5 =	simm.s32 @!p2 $0x0  }
0x1d: {  	s5 =	simm.s32 @p1 $0x1;
	p0 =	seq.s32 s7, s2  }
0x1e: {  	s7 =	smul.u32 @!p0 $0xF7A, s2;
	p2 =	seq.s32 @!p0 s5, $0x0  }
0x1f: {  	s9 =	smul.u32 $0xF7A, s1;
	s8 =	simm.s32 @!p0 $0x1BF5;
	p2 =	por !p2, p0  }
0x20: {  	[sflag:s8] =	ssyncset.s32 @!p0 $0xFFFFF086;
	s6 =	sadd.s32 @!p0 s3, s7;
	s7 =	simm.s32 @!p0 $0x108  }
0x21: {  	s3 =	sadd.s32 s3, s9;
	s6 =	sadd.s32 @!p0 $0x88, s6;
	s7 =	simm.s32 @p2 $0x1082  }
0x22: {  	[simem:s7], [sflag:s8] =	dma.local @!p0 [hbm:s6], $0xF7A  }
0x23: {  	s9 =	sor.u32 $0xD0000000, s2;
	s6 =	simm.s32 $0x108;
	_ =	swait.ge @!p0 [sflag:s8], $0x0  }
0x24: {  	s3 =	sadd.s32 $0x88, s3;
	s6 =	simm.s32 @!p1 $0x1082;
	[sflag:s4] =	ssyncset.s32 $0xFFFFF086  }
0x25: {  	[simem:s6], [sflag:s4] =	dma.local [hbm:s3], $0xF7A  }
0x26: {  	[smem:$0x3F92] =	sst s1;
	(tag) =	ssettag s2;
	_ =	strace s9  }
0x27: {  	s1 =	sld [smem:$0x3FA2]  }
0x28: {  	s2 =	sld [smem:$0x3FA3]  }
0x29: {  	s4 =	sld [smem:$0x3FA5]  }
0x2a: {  	p0 =	seq.s32 s5, $0x0;
	s5 =	sld [smem:$0x3FA6]  }
0x2b: {  	s6 =	sld [smem:$0x3FA7]  }
0x2c: {  	s7 =	sld [smem:$0x3FA8]  }
0x2d: {  	s3 =	simm.s32 $0x108;
	s8 =	sld [smem:$0x3FA9]  }
0x2e: {  	s3 =	simm.s32 @!p0 $0x1082;
	s9 =	sld [smem:$0x3FAA]  }
0x2f: {  	lr =	sadd.s32 s0, s3;
	s0 =	sld [smem:$0x3FA1]  }
0x30: {  	s3 =	sld [smem:$0x3FA4]  }
0x31: {  	[smem:$0x3FAD] =	sst s10  }
0x32: {  	s10 =	sld [smem:$0x3FAB];
	_ =	sdelay $0x3  }
0x33: {  	p0 =	seq.s32 s10, $0x1;
	s10 =	sld [smem:$0x3FAD];
	_ =	sdelay $0x3  }
0x34: {  	[smem:$0x3FAD] =	sst s10  }
0x35: {  	s10 =	sld [smem:$0x3FAC];
	_ =	sdelay $0x3  }
0x36: {  	p1 =	seq.s32 s10, $0x1;
	s10 =	sld [smem:$0x3FAD];
	_ =	sdelay $0x3  }
0x37: {  	[smem:$0x3FAD] =	sst s10  }
0x38: {  	s10 =	sld [smem:$0x3FAE]  }
0x39: {  	_ = 	snop;
	(pc) =	sbr.ind lr, $3  }
0x3a: {  	_ = 	snop  }
0x3b: {  	_ = 	snop  }
0x3c: {  	p2 =	seq.s32 s10, $0x1;
	s10 =	sld [smem:$0x3FAD]  }
0x3d: {  	_ =	shalt  }
0x3e: {  	_ =	shalt  }
0x3f: {  	_ =	shalt  }
0x40: {  	_ =	shalt  }
0x41: {  	_ =	shalt  }
0x42: {  	_ =	shalt  }
0x43: {  	_ =	shalt  }
0x44: {  	_ =	shalt  }
0x45: {  	_ =	shalt  }
0x46: {  	_ =	shalt  }
0x47: {  	_ =	shalt  }
0x48: {  	_ =	shalt  }
0x49: {  	_ =	shalt  }
0x4a: {  	_ =	shalt  }
0x4b: {  	_ =	shalt  }
0x4c: {  	_ =	shalt  }
0x4d: {  	_ =	shalt  }
0x4e: {  	_ =	shalt  }
0x4f: {  	_ =	shalt  }
0x50: {  	_ =	shalt  }
0x51: {  	_ =	shalt  }
0x52: {  	_ =	shalt  }
0x53: {  	_ =	shalt  }
0x54: {  	_ =	shalt  }
0x55: {  	_ =	shalt  }
0x56: {  	_ =	shalt  }
0x57: {  	_ =	shalt  }
0x58: {  	_ =	shalt  }
0x59: {  	_ =	shalt  }
0x5a: {  	_ =	shalt  }
0x5b: {  	_ =	shalt  }
0x5c: {  	_ =	shalt  }
0x5d: {  	_ =	shalt  }
0x5e: {  	_ =	shalt  }
0x5f: {  	_ =	shalt  }
0x60: {  	_ =	shalt  }
0x61: {  	_ =	shalt  }
0x62: {  	_ =	shalt  }
0x63: {  	_ =	shalt  }
0x64: {  	_ =	shalt  }
0x65: {  	_ =	shalt  }
0x66: {  	_ =	shalt  }
0x67: {  	_ =	shalt  }
0x68: {  	_ =	shalt  }
0x69: {  	_ =	shalt  }
0x6a: {  	_ =	shalt  }
0x6b: {  	_ =	shalt  }
0x6c: {  	_ =	shalt  }
0x6d: {  	_ =	shalt  }
0x6e: {  	_ =	shalt  }
0x6f: {  	_ =	shalt  }
0x70: {  	_ =	shalt  }
0x71: {  	_ =	shalt  }
0x72: {  	_ =	shalt  }
0x73: {  	_ =	shalt  }
0x74: {  	_ =	shalt  }
0x75: {  	_ =	shalt  }
0x76: {  	_ =	shalt  }
0x77: {  	_ =	shalt  }
0x78: {  	_ =	shalt  }
0x79: {  	_ =	shalt  }
0x7a: {  	_ =	shalt  }
0x7b: {  	_ =	shalt  }
0x7c: {  	_ =	shalt  }
0x7d: {  	_ =	shalt  }
0x7e: {  	_ =	shalt  }
0x7f: {  	_ =	shalt  }
0x80: {  	_ =	shalt  }
0x81: {  	_ =	shalt  }
0x82: {  	_ =	shalt  }
0x83: {  	_ =	shalt  }
0x84: {  	_ =	shalt  }
0x85: {  	_ =	shalt  }
0x86: {  	_ =	shalt  }
0x87: {  	_ =	shalt  }
.Lfunc_end0:
.L_simem_size_0:
called_computation.2_lowered:
.L_overlay_start_0:
0x88: {  	s2 =	sld [smem:$0x3FD9]  }
0x89: {  	s3 =	sld [smem:$0x3FFE];
	_ =	sdelay $0x1  }
0x8a: {  	s1 =	srdreg.scid  }
0x8b: {  	s0 =	sand.u32 $0x1, s1  }
0x8c: {  	s17 =	sshll.u32 s0, $0xA;
	s2 =	sadd.s32 s3, s2  }
0x8d: {  	s2 =	sadd.s32 s2, s17  }
0x8e: {  	[smem:$0x3FB9] =	sst s2  }
0x8f: {  	_ = 	snop  }
0x90: {  	s2 =	sld [smem:$0x3FD0];
	(tm) =	ssettm $0x1  }
0x91: {  	s18 =	sld [smem:$0x3FFB];
	_ =	sdelay $0x3  }
0x92: {  	_ =	strace s18  }
0x93: {  	s3 =	sld [smem:$0x3FFC];
	_ =	sdelay $0x3  }
0x94: {  	_ =	strace s3  }
0x95: {  	s3 =	sld [smem:$0x3FFD];
	_ =	sdelay $0x3  }
0x96: {  	_ =	strace s3  }
0x97: {  	_ =	strace $0x8FFFFFFF  }
0x98: {  	s19 =	sld [smem:$0x3FDB];
	_ =	sdelay $0x1  }
0x99: {  	s4 =	simm.s32 $_scs_section_size  }
0x9a: {  	s5 =	simm.s32 $_size__tile_overlayer_lowered;
	s6 =	simm.s32 $_tile_overlayer_lowered  }
0x9b: {  	s22 =	simm.s32 $0x1BFF;
	s21 =	sshll.u32 s6, $0x1;
	s3 =	sadd.s32 s4, s19  }
0x9c: {  	s7 =	simm.s32 $0x0;
	s20 =	sshll.u32 s5, $0x1;
	s5 =	sadd.s32 s21, s3  }
0x9d: {  	[timem:s7], [sflag:s22] =	dma.local [hbm:s5], s20  }
0x9e: {  	_ =	swait.ge [sflag:s22], s20  }
0x9f: {  	s4 =	ssub.s32 $0x0, s20;
	[sflag:s22] =	ssyncset.done $0x0  }
0xa0: {  	[sflag:s22] =	ssyncadd.s32 s4;
	_ =	sdelay $0x1  }
0xa1: {  	s23 =	simm.s32 $0x1B8B  }
0xa2: {  	_ =	swait.ge [sflag:s23], $0x1  }
0xa3: {  	[sflag:s23] =	ssyncset.done $0x0  }
0xa4: {  	s25 =	simm.s32 $0x1B8E;
	s24 =	sld [smem:$0x3FFE];
	[sflag:s23] =	ssyncadd.s32 $0xFFFFFFFF  }
0xa5: {  	s26 =	simm.s32 $execute0_lowered;
	[smem:$0x3FD2] =	sst s25  }
0xa6: {  	s5 =	sshll.u32 s26, $0x1;
	_ =	strace $0x8000004C;
	[dreg:$0x1] =	wrdreg $0xFFFFFFFF  }
0xa7: {  	s28 =	simm.s32 $_size_execute0_lowered;
	s3 =	sadd.s32 s3, s5;
	[dreg:$0x0] =	wrdreg $0x0  }
0xa8: {  	s5 =	sshll.u32 s28, $0x1;
	[dreg:$0x2] =	wrdreg s3  }
0xa9: {  	[dreg:$0x3] =	wrdreg s5  }
0xaa: {  	[dreg:$0x4] =	wrdreg $0xC0  }
0xab: {  	_ =	task [dreg:s7], $0x5FFFF  }
0xac: {  	[dreg:$0x1] =	wrdreg $0xFFFFFFFF  }
0xad: {  	[dreg:$0x0] =	wrdreg $0x60  }
0xae: {  	[dreg:$0x2] =	wrdreg s24  }
0xaf: {  	[dreg:$0x3] =	wrdreg s2  }
0xb0: {  	[dreg:$0x4] =	wrdreg $0xA8000  }
0xb1: {  	[dreg:$0x5] =	wrdreg $0x9  }
0xb2: {  	_ =	task.clear_ibuf [dreg:s7], $0x6FFFF;
	_ =	strace $0x9000004C  }
0xb3: {  	s29 =	simm.s32 $0x9;
	_ =	strace $0x8000004E  }
0xb4: {  	_ =	swait.ge [sflag:s29], $0x1  }
0xb5: {  	[sflag:s29] =	ssyncadd.s32 $0xFFFFFFFF  }
0xb6: {  	_ =	strace $0x9000004E  }
0xb7: {  	_ =	sfence  }
0xb8: {  	s30 =	sld [smem:$0x0];
	_ =	sdelay $0x2  }
0xb9: {  	s31 =	sshll.u32 s1, $0xD;
	s1 =	sshrl.u32 s1, $0x2  }
0xba: {  	s3 =	sand.u32 $0x4000, s31;
	s1 =	sadd.s32 s1, s30  }
0xbb: {  	s0 =	sor.u32 s3, s0;
	s1 =	sshll.u32 s1, $0x11  }
0xbc: {  	s0 =	sor.u32 s1, s0  }
0xbd: {  	s0 =	sadd.s32 $0x8F2B, s0  }
0xbe: {  	[sflag:s0] =	ssyncadd.remote.s32 $0x1  }
0xbf: {  	_ =	sfence.sel $0xFFFF  }
0xc0: {  	[dreg:$0x0] =	wrdreg $0xFFFFFFFF;
	(pc) =	sbr.abs _section_cstart, $3  }
0xc1: {  	[dreg:$0x1] =	wrdreg $0xFFFFFFFF  }
0xc2: {  	_ =	task.clear_ibuf [dreg:s7], $0x2FFFF;
	_ =	strace $0x9FFFFFFF  }
0xc3: {  	(tm) =	ssettm $0x7FFFFFFF  }
tec
execute0_lowered:
.L_overlay_start_1:
0x0: {  	(tag) =	ssettag $0x1  }
0x1: {  	s0 =	rddreg [dreg:$0x0]  }
0x2: {  	s2 =	rddreg [dreg:$0x1]  }
0x3: {  	s1 =	rddreg [dreg:$0x2]  }
0x4: {  	s3 =	simm.s32 $0x0;
	s4 =	srdreg.scid;
	s8 =	stileid.u32  }
0x5: {  	s28 =	simm.s32 $0x3;
	s29 =	simm.s32 $0x4;
	s30 =	simm.s32 $0x2700  }
0x6: {  	s31 =	simm.s32 $0x2780;
	[smem:$0x7FF] =	sst s3;
	s12 =	smul.u32 $0x280, s8  }
0x7: {  	s9 =	sand.u32 $0x1, s4;
	s4 =	sadd.s32 $0x3C00, s0;
	s7 =	smul.u32 $0x50000, s8  }
0x8: {  	s13 =	sadd.s32 $0x5C400, s0;
	s0 =	sadd.s32 $0x66400, s0;
	s5 =	ssub.s32 $0x2, s9  }
0x9: {  	_ =	strace $0x8000004D;
	s10 =	sshll.u32 s9, $0x4;
	s6 =	sshrl.u32 s5, $0x1  }
0xa: {  	s11 =	sshrl.u32 s7, $0x2;
	s14 =	sadd.s32 $0x80, s12;
	s15 =	sor.u32 s8, s10  }
0xb: {  	s16 =	sadd.s32 $0x100, s12;
	s17 =	sadd.s32 $0x180, s12;
	s19 =	ssub.s32 s5, s6  }
0xc: {  	s5 =	sadd.s32 s11, s1;
	s18 =	sshll.u32 s14, $0x7;
	s20 =	sshll.u32 s16, $0x7  }
0xd: {  	s10 =	sshll.u32 s17, $0x7;
	s11 =	smul.u32 $0x2800, s15;
	s6 =	sadd.s32 s18, s1  }
0xe: {  	s7 =	sadd.s32 s20, s1;
	s8 =	sadd.s32 s10, s1;
	s18 =	sadd.s32 $0x200, s12  }
0xf: {  	s20 =	smul.u32 $0x2800, s9;
	s21 =	sshll.u32 s18, $0x7;
	s15 =	sshrl.u32 s11, $0x3  }
0x10: {  	s19 =	smax.u32 s19, $0x1;
	s9 =	sadd.s32 s21, s1;
	s22 =	sadd.s32 s13, s15  }
0x11: {  	s11 =	sadd.s32 s2, s15;
	s15 =	sadd.s32 $0x280, s15;
	s21 =	sadd.s32 s12, s20  }
0x12: {  	s14 =	sadd.s32 s20, s14;
	s23 =	sadd.s32 s20, s16;
	s24 =	sadd.s32 s20, s17  }
0x13: {  	s25 =	sadd.s32 s20, s18;
	[dreg:$0x4] =	wrdreg s22;
	s12 =	sadd.s32 s13, s15  }
0x14: {  	s21 =	sshll.u32 s21, $0x4;
	s22 =	sshll.u32 s14, $0x4;
	s13 =	sadd.s32 s2, s15  }
0x15: {  	s2 =	sshll.u32 s23, $0x4;
	s26 =	sshll.u32 s24, $0x4;
	s20 =	sshll.u32 s25, $0x4  }
0x16: {  	s23 =	simm.s32 $0x1400;
	s24 =	simm.s32 $0x80;
	s25 =	simm.s32 $0x6800  }
0x17: {  	s14 =	sadd.s32 s0, s21;
	s15 =	sadd.s32 s0, s22;
	s16 =	sadd.s32 s0, s2  }
0x18: {  	s17 =	sadd.s32 s0, s26;
	s18 =	sadd.s32 s0, s20;
	s20 =	simm.s32 $0x2800  }
0x19: {  	v0 =	vimm.f32 $0.0e+00;
	s21 =	simm.s32 $0x1;
	s22 =	simm.s32 $0x5;
	s26 =	simm.s32 $0x2  }
.LBB2_1:
0x1a: {  	s0 =	simm.s32 $0x0;
	s2 =	simm.s32 $0x200  }
.LBB2_2:
0x1b: {  	p0 =	sne.s32 s2, $0xFE00;
	[tilespmem:s0+$0x2870] =	vst v0  }
0x1c: {  	[tilespmem:s0+$0x2800] =	vst v0  }
0x1d: {  	[tilespmem:s0+$0x2810] =	vst v0  }
.Ltmp0:
0x1e: {  	[tilespmem:s0+$0x2820] =	vst v0;
	(pc) =	sbr.rel @p0 .LBB2_2-.Ltmp0, $4  }
0x1f: {  	[tilespmem:s0+$0x2830] =	vst v0  }
0x20: {  	[tilespmem:s0+$0x2840] =	vst v0  }
0x21: {  	[tilespmem:s0+$0x2850] =	vst v0  }
0x22: {  	[tilespmem:s0+$0x2860] =	vst v0;
	s0 =	sshra.s32 s2, $0x2;
	s2 =	sadd.s32 $0x200, s2  }
0x23: {  	[tilespmem:s0+$0x2870] =	vst v0  }
0x24: {  	[tilespmem:s0+$0x2800] =	vst v0  }
0x25: {  	[tilespmem:s0+$0x2810] =	vst v0  }
0x26: {  	[tilespmem:s0+$0x2820] =	vst v0  }
0x27: {  	[tilespmem:s0+$0x2830] =	vst v0  }
0x28: {  	[tilespmem:s0+$0x2840] =	vst v0  }
0x29: {  	[tilespmem:s0+$0x2850] =	vst v0  }
0x2a: {  	[tilespmem:s0+$0x2860] =	vst v0  }
0x2b: {  	[spmem:s5] =	stream.linear.scatter [tilespmem:s20], [sflag:$0x1], $0x4000, $0x38;
	[tilespmem:$0x1E800] =	vst v63  }
0x2c: {  	_ = 	snop  }
0x2d: {  	[spmem:s6] =	stream.linear.scatter [tilespmem:s20], [sflag:$0x1], $0x4000, $0x38;
	[tilespmem:$0x1E800] =	vst v63  }
0x2e: {  	_ = 	snop  }
0x2f: {  	[spmem:s7] =	stream.linear.scatter [tilespmem:s20], [sflag:$0x1], $0x4000, $0x38;
	[tilespmem:$0x1E800] =	vst v63  }
0x30: {  	_ = 	snop  }
0x31: {  	[spmem:s8] =	stream.linear.scatter [tilespmem:s20], [sflag:$0x1], $0x4000, $0x38;
	[tilespmem:$0x1E800] =	vst v63  }
0x32: {  	_ = 	snop  }
0x33: {  	[spmem:s9] =	stream.linear.scatter [tilespmem:s20], [sflag:$0x1], $0x4000, $0x38;
	[tilespmem:$0x1E800] =	vst v63  }
0x34: {  	_ =	swait.ge [sflag:s21], $0x4000  }
0x35: {  	[sflag:s21] =	ssyncset.done $0x0  }
0x36: {  	[sflag:s21] =	ssyncadd.s32 $0xFFFFC000  }
0x37: {  	_ =	swait.ge [sflag:s21], $0x4000  }
0x38: {  	[sflag:s21] =	ssyncset.done $0x0  }
0x39: {  	[sflag:s21] =	ssyncadd.s32 $0xFFFFC000  }
0x3a: {  	_ =	swait.ge [sflag:s21], $0x4000  }
0x3b: {  	[sflag:s21] =	ssyncset.done $0x0  }
0x3c: {  	[sflag:s21] =	ssyncadd.s32 $0xFFFFC000  }
0x3d: {  	_ =	swait.ge [sflag:s21], $0x4000  }
0x3e: {  	[sflag:s21] =	ssyncset.done $0x0  }
0x3f: {  	[sflag:s21] =	ssyncadd.s32 $0xFFFFC000  }
0x40: {  	_ =	swait.ge [sflag:s21], $0x4000  }
0x41: {  	[sflag:s21] =	ssyncset.done $0x0  }
0x42: {  	[sflag:s21] =	ssyncadd.s32 $0xFFFFC000  }
0x43: {  	[bflag:$0x0] =	sbarrier.arrive $0xFFFF  }
0x44: {  	s10 =	simm.s32 $0x0;
	s2 =	rddreg [dreg:$0x4]  }
0x45: {  	[tilespmem:s10], [sflag:$0x5] =	stream.linear.gather [hbm4b:s2+s10], $0x1400, $0x38;
	[tilespmem:$0x1E800] =	vst v63  }
0x46: {  	_ =	swait.ge [sflag:s22], $0x1400  }
0x47: {  	[sflag:s22] =	ssyncset.done $0x0  }
0x48: {  	[sflag:s22] =	ssyncadd.s32 $0xFFFFEC00  }
0x49: {  	[tilespmem:s23], [sflag:$0x5] =	stream.linear.gather [hbm4b:s11+s10], $0x1400, $0x38;
	[tilespmem:$0x1E800] =	vst v63  }
0x4a: {  	_ =	swait.ge [sflag:s22], $0x1400  }
0x4b: {  	[sflag:s22] =	ssyncset.done $0x0  }
0x4c: {  	[sflag:s22] =	ssyncadd.s32 $0xFFFFEC00  }
0x4d: {  	[tilespmem:s20], [sflag:$0x1] =	stream.indirect.gather [hbm4b:s4+s24], $0x80, s10, s24, $0xb8;
	[tilespmem:$0x1E800] =	vst v63  }
0x4e: {  	_ = 	snop  }
0x4f: {  	[tilespmem:s25], [sflag:$0x2] =	stream.indirect.gather [hbm4b:s4+s24], $0x80, s24, s24, $0xb8;
	[tilespmem:$0x1E800] =	vst v63  }
0x50: {  	_ =	swait.ge [sflag:s21], $0x4000  }
0x51: {  	[sflag:s21] =	ssyncset.done $0x0  }
0x52: {  	s10 =	simm.s32 $0x1400;
	[sflag:s21] =	ssyncadd.s32 $0xFFFFC000  }
0x53: {  	[spmem:s1] =	stream.indirect.scatter.add.f32 [tilespmem:s20], [sflag:$0x3], $0x80, s10, s24, $0xb8;
	[tilespmem:$0x1E800] =	vst v63  }
0x54: {  	_ =	swait.ge [sflag:s26], $0x4000  }
0x55: {  	[sflag:s26] =	ssyncset.done $0x0  }
0x56: {  	s2 =	simm.s32 $0x1480;
	[sflag:s26] =	ssyncadd.s32 $0xFFFFC000  }
0x57: {  	[spmem:s1] =	stream.indirect.scatter.add.f32 [tilespmem:s25], [sflag:$0x4], $0x80, s2, s24, $0xb8;
	[tilespmem:$0x1E800] =	vst v63  }
0x58: {  	_ =	swait.ge [sflag:s28], $0x4000  }
0x59: {  	[sflag:s28] =	ssyncset.done $0x0  }
0x5a: {  	s10 =	simm.s32 $0x100;
	[sflag:s28] =	ssyncadd.s32 $0xFFFFC000  }
0x5b: {  	[tilespmem:s20], [sflag:$0x1] =	stream.indirect.gather [hbm4b:s4+s24], $0x80, s10, s24, $0xb8;
	[tilespmem:$0x1E800] =	vst v63  }
0x5c: {  	_ =	swait.ge [sflag:s29], $0x4000  }
0x5d: {  	[sflag:s29] =	ssyncset.done $0x0  }
0x5e: {  	s0 =	simm.s32 $0x400;
	s2 =	simm.s32 $0x180;
	[sflag:s29] =	ssyncadd.s32 $0xFFFFC000  }
.LBB2_4:
0x5f: {  	[tilespmem:s25], [sflag:$0x2] =	stream.indirect.gather [hbm4b:s4+s24], $0x80, s2, s24, $0xb8;
	[tilespmem:$0x1E800] =	vst v63  }
0x60: {  	s2 =	smov.u32 s0  }
0x61: {  	p0 =	sne.s32 s0, $0x4800;
	s0 =	sadd.s32 $0x400, s0;
	_ =	swait.ge [sflag:s21], $0x4000  }
0x62: {  	s2 =	sshra.s32 s2, $0x2;
	[sflag:s21] =	ssyncset.done $0x0  }
0x63: {  	s10 =	sadd.s32 $0x1400, s2;
	[sflag:s21] =	ssyncadd.s32 $0xFFFFC000  }
0x64: {  	[spmem:s1] =	stream.indirect.scatter.add.f32 [tilespmem:s20], [sflag:$0x3], $0x80, s10, s24, $0xb8;
	[tilespmem:$0x1E800] =	vst v63  }
0x65: {  	_ =	swait.ge [sflag:s26], $0x4000  }
0x66: {  	[sflag:s26] =	ssyncset.done $0x0  }
0x67: {  	s10 =	sadd.s32 $0x1480, s2;
	[sflag:s26] =	ssyncadd.s32 $0xFFFFC000  }
0x68: {  	[spmem:s1] =	stream.indirect.scatter.add.f32 [tilespmem:s25], [sflag:$0x4], $0x80, s10, s24, $0xb8;
	[tilespmem:$0x1E800] =	vst v63  }
0x69: {  	_ =	swait.ge [sflag:s28], $0x4000  }
0x6a: {  	[sflag:s28] =	ssyncset.done $0x0  }
.Ltmp1:
0x6b: {  	s10 =	sadd.s32 $0x100, s2;
	[sflag:s28] =	ssyncadd.s32 $0xFFFFC000;
	(pc) =	sbr.rel @p0 .LBB2_4-.Ltmp1, $4  }
0x6c: {  	[tilespmem:s20], [sflag:$0x1] =	stream.indirect.gather [hbm4b:s4+s24], $0x80, s10, s24, $0xb8;
	[tilespmem:$0x1E800] =	vst v63  }
0x6d: {  	_ =	swait.ge [sflag:s29], $0x4000  }
0x6e: {  	[sflag:s29] =	ssyncset.done $0x0  }
0x6f: {  	s2 =	sadd.s32 $0x180, s2;
	[sflag:s29] =	ssyncadd.s32 $0xFFFFC000  }
0x70: {  	[tilespmem:s25], [sflag:$0x2] =	stream.indirect.gather [hbm4b:s4+s24], $0x80, s2, s24, $0xb8;
	[tilespmem:$0x1E800] =	vst v63  }
0x71: {  	_ =	swait.ge [sflag:s21], $0x4000  }
0x72: {  	[sflag:s21] =	ssyncset.done $0x0  }
0x73: {  	[sflag:s21] =	ssyncadd.s32 $0xFFFFC000  }
0x74: {  	[spmem:s1] =	stream.indirect.scatter.add.f32 [tilespmem:s20], [sflag:$0x3], $0x80, s30, s24, $0xb8;
	[tilespmem:$0x1E800] =	vst v63  }
0x75: {  	_ =	swait.ge [sflag:s26], $0x4000  }
0x76: {  	[sflag:s26] =	ssyncset.done $0x0  }
0x77: {  	[sflag:s26] =	ssyncadd.s32 $0xFFFFC000  }
0x78: {  	[spmem:s1] =	stream.indirect.scatter.add.f32 [tilespmem:s25], [sflag:$0x4], $0x80, s31, s24, $0xb8;
	[tilespmem:$0x1E800] =	vst v63  }
0x79: {  	_ =	swait.ge [sflag:s28], $0x4000  }
0x7a: {  	[sflag:s28] =	ssyncset.done $0x0  }
0x7b: {  	[sflag:s28] =	ssyncadd.s32 $0xFFFFC000  }
0x7c: {  	_ =	swait.ge [sflag:s29], $0x4000  }
0x7d: {  	[sflag:s29] =	ssyncset.done $0x0  }
0x7e: {  	s0 =	simm.s32 $0x0;
	[sflag:s29] =	ssyncadd.s32 $0xFFFFC000  }
0x7f: {  	[tilespmem:s0], [sflag:$0x5] =	stream.linear.gather [hbm4b:s12+s0], $0x1400, $0x38;
	[tilespmem:$0x1E800] =	vst v63  }
0x80: {  	_ =	swait.ge [sflag:s22], $0x1400  }
0x81: {  	[sflag:s22] =	ssyncset.done $0x0  }
0x82: {  	[sflag:s22] =	ssyncadd.s32 $0xFFFFEC00  }
0x83: {  	[tilespmem:s23], [sflag:$0x5] =	stream.linear.gather [hbm4b:s13+s0], $0x1400, $0x38;
	[tilespmem:$0x1E800] =	vst v63  }
0x84: {  	_ =	swait.ge [sflag:s22], $0x1400  }
0x85: {  	[sflag:s22] =	ssyncset.done $0x0  }
0x86: {  	[sflag:s22] =	ssyncadd.s32 $0xFFFFEC00  }
0x87: {  	[tilespmem:s20], [sflag:$0x1] =	stream.indirect.gather [hbm4b:s4+s24], $0x80, s0, s24, $0xb8;
	[tilespmem:$0x1E800] =	vst v63  }
0x88: {  	_ = 	snop  }
0x89: {  	[tilespmem:s25], [sflag:$0x2] =	stream.indirect.gather [hbm4b:s4+s24], $0x80, s24, s24, $0xb8;
	[tilespmem:$0x1E800] =	vst v63  }
0x8a: {  	_ =	swait.ge [sflag:s21], $0x4000  }
0x8b: {  	[sflag:s21] =	ssyncset.done $0x0  }
0x8c: {  	s10 =	simm.s32 $0x1400;
	[sflag:s21] =	ssyncadd.s32 $0xFFFFC000  }
0x8d: {  	[spmem:s1] =	stream.indirect.scatter.add.f32 [tilespmem:s20], [sflag:$0x3], $0x80, s10, s24, $0xb8;
	[tilespmem:$0x1E800] =	vst v63  }
0x8e: {  	_ =	swait.ge [sflag:s26], $0x4000  }
0x8f: {  	[sflag:s26] =	ssyncset.done $0x0  }
0x90: {  	s2 =	simm.s32 $0x1480;
	[sflag:s26] =	ssyncadd.s32 $0xFFFFC000  }
0x91: {  	[spmem:s1] =	stream.indirect.scatter.add.f32 [tilespmem:s25], [sflag:$0x4], $0x80, s2, s24, $0xb8;
	[tilespmem:$0x1E800] =	vst v63  }
0x92: {  	_ =	swait.ge [sflag:s28], $0x4000  }
0x93: {  	[sflag:s28] =	ssyncset.done $0x0  }
0x94: {  	s10 =	simm.s32 $0x100;
	[sflag:s28] =	ssyncadd.s32 $0xFFFFC000  }
0x95: {  	[tilespmem:s20], [sflag:$0x1] =	stream.indirect.gather [hbm4b:s4+s24], $0x80, s10, s24, $0xb8;
	[tilespmem:$0x1E800] =	vst v63  }
0x96: {  	_ =	swait.ge [sflag:s29], $0x4000  }
0x97: {  	[sflag:s29] =	ssyncset.done $0x0  }
0x98: {  	s0 =	simm.s32 $0x400;
	s2 =	simm.s32 $0x180;
	[sflag:s29] =	ssyncadd.s32 $0xFFFFC000  }
.LBB2_6:
0x99: {  	[tilespmem:s25], [sflag:$0x2] =	stream.indirect.gather [hbm4b:s4+s24], $0x80, s2, s24, $0xb8;
	[tilespmem:$0x1E800] =	vst v63  }
0x9a: {  	s2 =	smov.u32 s0  }
0x9b: {  	p0 =	sne.s32 s0, $0x4800;
	s0 =	sadd.s32 $0x400, s0;
	_ =	swait.ge [sflag:s21], $0x4000  }
0x9c: {  	s2 =	sshra.s32 s2, $0x2;
	[sflag:s21] =	ssyncset.done $0x0  }
0x9d: {  	s10 =	sadd.s32 $0x1400, s2;
	[sflag:s21] =	ssyncadd.s32 $0xFFFFC000  }
0x9e: {  	[spmem:s1] =	stream.indirect.scatter.add.f32 [tilespmem:s20], [sflag:$0x3], $0x80, s10, s24, $0xb8;
	[tilespmem:$0x1E800] =	vst v63  }
0x9f: {  	_ =	swait.ge [sflag:s26], $0x4000  }
0xa0: {  	[sflag:s26] =	ssyncset.done $0x0  }
0xa1: {  	s10 =	sadd.s32 $0x1480, s2;
	[sflag:s26] =	ssyncadd.s32 $0xFFFFC000  }
0xa2: {  	[spmem:s1] =	stream.indirect.scatter.add.f32 [tilespmem:s25], [sflag:$0x4], $0x80, s10, s24, $0xb8;
	[tilespmem:$0x1E800] =	vst v63  }
0xa3: {  	_ =	swait.ge [sflag:s28], $0x4000  }
0xa4: {  	[sflag:s28] =	ssyncset.done $0x0  }
.Ltmp2:
0xa5: {  	s10 =	sadd.s32 $0x100, s2;
	[sflag:s28] =	ssyncadd.s32 $0xFFFFC000;
	(pc) =	sbr.rel @p0 .LBB2_6-.Ltmp2, $4  }
0xa6: {  	[tilespmem:s20], [sflag:$0x1] =	stream.indirect.gather [hbm4b:s4+s24], $0x80, s10, s24, $0xb8;
	[tilespmem:$0x1E800] =	vst v63  }
0xa7: {  	_ =	swait.ge [sflag:s29], $0x4000  }
0xa8: {  	[sflag:s29] =	ssyncset.done $0x0  }
0xa9: {  	s2 =	sadd.s32 $0x180, s2;
	[sflag:s29] =	ssyncadd.s32 $0xFFFFC000  }
0xaa: {  	[tilespmem:s25], [sflag:$0x2] =	stream.indirect.gather [hbm4b:s4+s24], $0x80, s2, s24, $0xb8;
	[tilespmem:$0x1E800] =	vst v63  }
0xab: {  	_ =	swait.ge [sflag:s21], $0x4000  }
0xac: {  	[sflag:s21] =	ssyncset.done $0x0  }
0xad: {  	[sflag:s21] =	ssyncadd.s32 $0xFFFFC000  }
0xae: {  	[spmem:s1] =	stream.indirect.scatter.add.f32 [tilespmem:s20], [sflag:$0x3], $0x80, s30, s24, $0xb8;
	[tilespmem:$0x1E800] =	vst v63  }
0xaf: {  	_ =	swait.ge [sflag:s26], $0x4000  }
0xb0: {  	[sflag:s26] =	ssyncset.done $0x0  }
0xb1: {  	[sflag:s26] =	ssyncadd.s32 $0xFFFFC000  }
0xb2: {  	[spmem:s1] =	stream.indirect.scatter.add.f32 [tilespmem:s25], [sflag:$0x4], $0x80, s31, s24, $0xb8;
	[tilespmem:$0x1E800] =	vst v63  }
0xb3: {  	_ =	swait.ge [sflag:s28], $0x4000  }
0xb4: {  	[sflag:s28] =	ssyncset.done $0x0  }
0xb5: {  	[sflag:s28] =	ssyncadd.s32 $0xFFFFC000  }
0xb6: {  	_ =	swait.ge [sflag:s29], $0x4000  }
0xb7: {  	s0 =	stileid.u32;
	[sflag:s29] =	ssyncset.done $0x0  }
0xb8: {  	s0 =	sshll.u32 s0, $0x6;
	[sflag:s29] =	ssyncadd.s32 $0xFFFFC000  }
0xb9: {  	s10 =	sshrl.u32 s5, $0x3;
	s0 =	sor.u32 $0x1C01, s0;
	[bflag:$0x0] =	sbarrier.arrive $0xFFFF  }
0xba: {  	[hbm:s14], [sflag:s0] =	dma.local [spmem:s10], $0x800  }
0xbb: {  	s10 =	sshrl.u32 s6, $0x3  }
0xbc: {  	[hbm:s15], [sflag:s0] =	dma.local [spmem:s10], $0x800  }
0xbd: {  	s10 =	sshrl.u32 s7, $0x3  }
0xbe: {  	[hbm:s16], [sflag:s0] =	dma.local [spmem:s10], $0x800  }
0xbf: {  	s10 =	sshrl.u32 s8, $0x3  }
0xc0: {  	[hbm:s17], [sflag:s0] =	dma.local [spmem:s10], $0x800  }
0xc1: {  	s10 =	sshrl.u32 s9, $0x3  }
0xc2: {  	[hbm:s18], [sflag:s0] =	dma.local [spmem:s10], $0x800  }
0xc3: {  	_ =	swait.ge [sflag:s21], $0x800  }
0xc4: {  	[sflag:s21] =	ssyncset.done $0x0  }
0xc5: {  	[sflag:s21] =	ssyncadd.s32 $0xFFFFF800  }
0xc6: {  	_ =	swait.ge [sflag:s21], $0x800  }
0xc7: {  	[sflag:s21] =	ssyncset.done $0x0  }
0xc8: {  	[sflag:s21] =	ssyncadd.s32 $0xFFFFF800  }
0xc9: {  	_ =	swait.ge [sflag:s21], $0x800  }
0xca: {  	[sflag:s21] =	ssyncset.done $0x0  }
0xcb: {  	s3 =	sadd.s32 $0x1, s3;
	[sflag:s21] =	ssyncadd.s32 $0xFFFFF800  }
0xcc: {  	p0 =	sne.s32 s3, s19;
	_ =	swait.ge [sflag:s21], $0x800  }
.Ltmp3:
0xcd: {  	[sflag:s21] =	ssyncset.done $0x0;
	(pc) =	sbr.rel @p0 .LBB2_1-.Ltmp3, $4  }
0xce: {  	[sflag:s21] =	ssyncadd.s32 $0xFFFFF800  }
0xcf: {  	_ =	swait.ge [sflag:s21], $0x800  }
0xd0: {  	[sflag:s21] =	ssyncset.done $0x0  }
0xd1: {  	[sflag:s21] =	ssyncadd.s32 $0xFFFFF800  }
0xd2: {  	_ =	sfence.sel $0x180000  }
0xd3: {  	[bflag:$0x0] =	sbarrier.arrive $0xFFFF  }
0xd4: {  	_ =	strace $0x9000004D  }
0xd5: {  	s0 =	stileid.u32;
	[bflag:$0x2] =	sbarrier.arrive $0xFFFF  }
0xd6: {  	p0 =	sne.s32 s0, $0x0;
	s0 =	rddreg [dreg:$0x3]  }
0xd7: {  	s0 =	sadd.s32 @!p0 $0x100000, s0  }
0xd8: {  	[sflag:s0] =	ssyncadd.tile.s32 @!p0 $0x1;
	_ =	shalt  }
.Lfunc_end2:
_tile_overlayer_lowered:
.L_overlay_start_2:
0xd9: {  	(tag) =	ssettag $0x2  }
0xda: {  	s0 =	rddreg [dreg:$0x0];
	s2 =	stileid.u32  }
0xdb: {  	s1 =	rddreg [dreg:$0x1];
	p0 =	sne.s32 s2, $0x0  }
0xdc: {  	s3 =	rddreg [dreg:$0x2];
	[bflag:$0x3] =	sbarrier.arrive $0xFFFF;
	s2 =	simm.s32 @!p0 $0x1C05  }
0xdd: {  	[timem:s3], [sflag:s2] =	dma.local @!p0 [hbm:s0], s1  }
0xde: {  	s0 =	simm.s32 @!p0 $0x5  }
0xdf: {  	_ =	swait.ge @!p0 [sflag:s0], s1  }
0xe0: {  	s1 =	ssub.s32 @!p0 $0x0, s1;
	[sflag:s0] =	ssyncset.done @!p0 $0x0  }
0xe1: {  	[sflag:s0] =	ssyncadd.s32 @!p0 s1  }
0xe2: {  	[bflag:$0x3] =	sbarrier.arrive $0xFFFF  }
0xe3: {  	_ =	shalt  }

// kernel: sc_gcn_edges.7.cloned.1.call-start
scs
__scs_entry_jumppad:
0x0: {  	(pc) =	sbr.rel $0x88, $3  }
0x1: {  	(tag) =	ssettag $0x0;
	lr =	simm.s32 $0x1  }
0x2: {  	[smem:$0x3F92] =	sst lr;
	_ =	strace $0xD0000000  }
0x3: {  	_ = 	snop  }
0x4: {  	_ = 	snop  }
0x5: {  	_ = 	snop  }
0x6: {  	_ = 	snop  }
0x7: {  	_ = 	snop  }
__scs_overlays_trampoline_lowered:
0x8: {  	[smem:$0x3FA1] =	sst s0  }
0x9: {  	[smem:$0x3FA2] =	sst s1  }
0xa: {  	[smem:$0x3FA3] =	sst s2  }
0xb: {  	[smem:$0x3FA4] =	sst s3  }
0xc: {  	[smem:$0x3FA5] =	sst s4  }
0xd: {  	[smem:$0x3FA6] =	sst s5  }
0xe: {  	[smem:$0x3FA7] =	sst s6  }
0xf: {  	[smem:$0x3FA8] =	sst s7  }
0x10: {  	[smem:$0x3FA9] =	sst s8  }
0x11: {  	[smem:$0x3FAA] =	sst s9;
	s0 =	simm.s32 @!p0 $0x0  }
0x12: {  	s1 =	sld [smem:$0x3F90];
	s0 =	simm.s32 @p0 $0x1  }
0x13: {  	[smem:$0x3FAB] =	sst s0;
	s0 =	simm.s32 @!p1 $0x0  }
0x14: {  	s2 =	sld [smem:$0x3F8F];
	s0 =	simm.s32 @p1 $0x1  }
0x15: {  	[smem:$0x3FAC] =	sst s0;
	s0 =	simm.s32 @!p2 $0x0  }
0x16: {  	s3 =	sld [smem:$0x3FDB];
	s0 =	simm.s32 @p2 $0x1  }
0x17: {  	s4 =	simm.s32 $0x1BF5;
	[smem:$0x3FAE] =	sst s0  }
0x18: {  	s0 =	sld [smem:$0x3F91];
	_ =	swait.ge [sflag:s4], $0x0  }
0x19: {  	s7 =	sld [smem:$0x3F92]  }
0x1a: {  	s8 =	sadd.s32 $0xFFFFE003, lr  }
0x1b: {  	s9 =	sadd.s32 $0xFFFFFEF7, lr;
	s5 =	simm.s32 $0xFFFFFFFF;
	p2 =	slt.u32 s8, $0xFFFFF086  }
0x1c: {  	p1 =	slt.u32 s9, $0xF7A;
	s5 =	simm.s32 @!p2 $0x0  }
0x1d: {  	s5 =	simm.s32 @p1 $0x1;
	p0 =	seq.s32 s7, s2  }
0x1e: {  	s7 =	smul.u32 @!p0 $0xF7A, s2;
	p2 =	seq.s32 @!p0 s5, $0x0  }
0x1f: {  	s9 =	smul.u32 $0xF7A, s1;
	s8 =	simm.s32 @!p0 $0x1BF5;
	p2 =	por !p2, p0  }
0x20: {  	[sflag:s8] =	ssyncset.s32 @!p0 $0xFFFFF086;
	s6 =	sadd.s32 @!p0 s3, s7;
	s7 =	simm.s32 @!p0 $0x108  }
0x21: {  	s3 =	sadd.s32 s3, s9;
	s6 =	sadd.s32 @!p0 $0x88, s6;
	s7 =	simm.s32 @p2 $0x1082  }
0x22: {  	[simem:s7], [sflag:s8] =	dma.local @!p0 [hbm:s6], $0xF7A  }
0x23: {  	s9 =	sor.u32 $0xD0000000, s2;
	s6 =	simm.s32 $0x108;
	_ =	swait.ge @!p0 [sflag:s8], $0x0  }
0x24: {  	s3 =	sadd.s32 $0x88, s3;
	s6 =	simm.s32 @!p1 $0x1082;
	[sflag:s4] =	ssyncset.s32 $0xFFFFF086  }
0x25: {  	[simem:s6], [sflag:s4] =	dma.local [hbm:s3], $0xF7A  }
0x26: {  	[smem:$0x3F92] =	sst s1;
	(tag) =	ssettag s2;
	_ =	strace s9  }
0x27: {  	s1 =	sld [smem:$0x3FA2]  }
0x28: {  	s2 =	sld [smem:$0x3FA3]  }
0x29: {  	s4 =	sld [smem:$0x3FA5]  }
0x2a: {  	p0 =	seq.s32 s5, $0x0;
	s5 =	sld [smem:$0x3FA6]  }
0x2b: {  	s6 =	sld [smem:$0x3FA7]  }
0x2c: {  	s7 =	sld [smem:$0x3FA8]  }
0x2d: {  	s3 =	simm.s32 $0x108;
	s8 =	sld [smem:$0x3FA9]  }
0x2e: {  	s3 =	simm.s32 @!p0 $0x1082;
	s9 =	sld [smem:$0x3FAA]  }
0x2f: {  	lr =	sadd.s32 s0, s3;
	s0 =	sld [smem:$0x3FA1]  }
0x30: {  	s3 =	sld [smem:$0x3FA4]  }
0x31: {  	[smem:$0x3FAD] =	sst s10  }
0x32: {  	s10 =	sld [smem:$0x3FAB];
	_ =	sdelay $0x3  }
0x33: {  	p0 =	seq.s32 s10, $0x1;
	s10 =	sld [smem:$0x3FAD];
	_ =	sdelay $0x3  }
0x34: {  	[smem:$0x3FAD] =	sst s10  }
0x35: {  	s10 =	sld [smem:$0x3FAC];
	_ =	sdelay $0x3  }
0x36: {  	p1 =	seq.s32 s10, $0x1;
	s10 =	sld [smem:$0x3FAD];
	_ =	sdelay $0x3  }
0x37: {  	[smem:$0x3FAD] =	sst s10  }
0x38: {  	s10 =	sld [smem:$0x3FAE]  }
0x39: {  	_ = 	snop;
	(pc) =	sbr.ind lr, $3  }
0x3a: {  	_ = 	snop  }
0x3b: {  	_ = 	snop  }
0x3c: {  	p2 =	seq.s32 s10, $0x1;
	s10 =	sld [smem:$0x3FAD]  }
0x3d: {  	_ =	shalt  }
0x3e: {  	_ =	shalt  }
0x3f: {  	_ =	shalt  }
0x40: {  	_ =	shalt  }
0x41: {  	_ =	shalt  }
0x42: {  	_ =	shalt  }
0x43: {  	_ =	shalt  }
0x44: {  	_ =	shalt  }
0x45: {  	_ =	shalt  }
0x46: {  	_ =	shalt  }
0x47: {  	_ =	shalt  }
0x48: {  	_ =	shalt  }
0x49: {  	_ =	shalt  }
0x4a: {  	_ =	shalt  }
0x4b: {  	_ =	shalt  }
0x4c: {  	_ =	shalt  }
0x4d: {  	_ =	shalt  }
0x4e: {  	_ =	shalt  }
0x4f: {  	_ =	shalt  }
0x50: {  	_ =	shalt  }
0x51: {  	_ =	shalt  }
0x52: {  	_ =	shalt  }
0x53: {  	_ =	shalt  }
0x54: {  	_ =	shalt  }
0x55: {  	_ =	shalt  }
0x56: {  	_ =	shalt  }
0x57: {  	_ =	shalt  }
0x58: {  	_ =	shalt  }
0x59: {  	_ =	shalt  }
0x5a: {  	_ =	shalt  }
0x5b: {  	_ =	shalt  }
0x5c: {  	_ =	shalt  }
0x5d: {  	_ =	shalt  }
0x5e: {  	_ =	shalt  }
0x5f: {  	_ =	shalt  }
0x60: {  	_ =	shalt  }
0x61: {  	_ =	shalt  }
0x62: {  	_ =	shalt  }
0x63: {  	_ =	shalt  }
0x64: {  	_ =	shalt  }
0x65: {  	_ =	shalt  }
0x66: {  	_ =	shalt  }
0x67: {  	_ =	shalt  }
0x68: {  	_ =	shalt  }
0x69: {  	_ =	shalt  }
0x6a: {  	_ =	shalt  }
0x6b: {  	_ =	shalt  }
0x6c: {  	_ =	shalt  }
0x6d: {  	_ =	shalt  }
0x6e: {  	_ =	shalt  }
0x6f: {  	_ =	shalt  }
0x70: {  	_ =	shalt  }
0x71: {  	_ =	shalt  }
0x72: {  	_ =	shalt  }
0x73: {  	_ =	shalt  }
0x74: {  	_ =	shalt  }
0x75: {  	_ =	shalt  }
0x76: {  	_ =	shalt  }
0x77: {  	_ =	shalt  }
0x78: {  	_ =	shalt  }
0x79: {  	_ =	shalt  }
0x7a: {  	_ =	shalt  }
0x7b: {  	_ =	shalt  }
0x7c: {  	_ =	shalt  }
0x7d: {  	_ =	shalt  }
0x7e: {  	_ =	shalt  }
0x7f: {  	_ =	shalt  }
0x80: {  	_ =	shalt  }
0x81: {  	_ =	shalt  }
0x82: {  	_ =	shalt  }
0x83: {  	_ =	shalt  }
0x84: {  	_ =	shalt  }
0x85: {  	_ =	shalt  }
0x86: {  	_ =	shalt  }
0x87: {  	_ =	shalt  }
.Lfunc_end0:
.L_simem_size_0:
called_computation.3_lowered:
.L_overlay_start_0:
0x88: {  	s2 =	sld [smem:$0x3FD9]  }
0x89: {  	s3 =	sld [smem:$0x3FFE];
	_ =	sdelay $0x1  }
0x8a: {  	s1 =	srdreg.scid  }
0x8b: {  	s0 =	sand.u32 $0x1, s1  }
0x8c: {  	s17 =	sshll.u32 s0, $0xA;
	s2 =	sadd.s32 s3, s2  }
0x8d: {  	s2 =	sadd.s32 s2, s17  }
0x8e: {  	[smem:$0x3FB9] =	sst s2  }
0x8f: {  	_ = 	snop  }
0x90: {  	s2 =	sld [smem:$0x3FD0];
	(tm) =	ssettm $0x1  }
0x91: {  	s18 =	sld [smem:$0x3FFB];
	_ =	sdelay $0x3  }
0x92: {  	_ =	strace s18  }
0x93: {  	s3 =	sld [smem:$0x3FFC];
	_ =	sdelay $0x3  }
0x94: {  	_ =	strace s3  }
0x95: {  	s3 =	sld [smem:$0x3FFD];
	_ =	sdelay $0x3  }
0x96: {  	_ =	strace s3  }
0x97: {  	_ =	strace $0x8FFFFFFF  }
0x98: {  	s19 =	sld [smem:$0x3FDB];
	_ =	sdelay $0x1  }
0x99: {  	s4 =	simm.s32 $_scs_section_size  }
0x9a: {  	s5 =	simm.s32 $_size__tile_overlayer_lowered;
	s6 =	simm.s32 $_tile_overlayer_lowered  }
0x9b: {  	s22 =	simm.s32 $0x1BFF;
	s21 =	sshll.u32 s6, $0x1;
	s3 =	sadd.s32 s4, s19  }
0x9c: {  	s7 =	simm.s32 $0x0;
	s20 =	sshll.u32 s5, $0x1;
	s5 =	sadd.s32 s21, s3  }
0x9d: {  	[timem:s7], [sflag:s22] =	dma.local [hbm:s5], s20  }
0x9e: {  	_ =	swait.ge [sflag:s22], s20  }
0x9f: {  	s4 =	ssub.s32 $0x0, s20;
	[sflag:s22] =	ssyncset.done $0x0  }
0xa0: {  	[sflag:s22] =	ssyncadd.s32 s4;
	_ =	sdelay $0x1  }
0xa1: {  	s23 =	simm.s32 $0x1B8B  }
0xa2: {  	_ =	swait.ge [sflag:s23], $0x1  }
0xa3: {  	[sflag:s23] =	ssyncset.done $0x0  }
0xa4: {  	s25 =	simm.s32 $0x1B8E;
	s24 =	sld [smem:$0x3FFE];
	[sflag:s23] =	ssyncadd.s32 $0xFFFFFFFF  }
0xa5: {  	s26 =	simm.s32 $execute0_lowered;
	[smem:$0x3FD2] =	sst s25  }
0xa6: {  	s5 =	sshll.u32 s26, $0x1;
	_ =	strace $0x8000004F;
	[dreg:$0x1] =	wrdreg $0xFFFFFFFF  }
0xa7: {  	s28 =	simm.s32 $_size_execute0_lowered;
	s3 =	sadd.s32 s3, s5;
	[dreg:$0x0] =	wrdreg $0x0  }
0xa8: {  	s5 =	sshll.u32 s28, $0x1;
	[dreg:$0x2] =	wrdreg s3  }
0xa9: {  	[dreg:$0x3] =	wrdreg s5  }
0xaa: {  	[dreg:$0x4] =	wrdreg $0xC0  }
0xab: {  	_ =	task [dreg:s7], $0x5FFFF  }
0xac: {  	[dreg:$0x1] =	wrdreg $0xFFFFFFFF  }
0xad: {  	[dreg:$0x0] =	wrdreg $0x60  }
0xae: {  	[dreg:$0x2] =	wrdreg s24  }
0xaf: {  	[dreg:$0x3] =	wrdreg s2  }
0xb0: {  	[dreg:$0x4] =	wrdreg $0xA8000  }
0xb1: {  	[dreg:$0x5] =	wrdreg $0x9  }
0xb2: {  	_ =	task.clear_ibuf [dreg:s7], $0x6FFFF;
	_ =	strace $0x9000004F  }
0xb3: {  	s29 =	simm.s32 $0x9;
	_ =	strace $0x80000051  }
0xb4: {  	_ =	swait.ge [sflag:s29], $0x1  }
0xb5: {  	[sflag:s29] =	ssyncadd.s32 $0xFFFFFFFF  }
0xb6: {  	_ =	strace $0x90000051  }
0xb7: {  	_ =	sfence  }
0xb8: {  	s30 =	sld [smem:$0x0];
	_ =	sdelay $0x2  }
0xb9: {  	s31 =	sshll.u32 s1, $0xD;
	s1 =	sshrl.u32 s1, $0x2  }
0xba: {  	s3 =	sand.u32 $0x4000, s31;
	s1 =	sadd.s32 s1, s30  }
0xbb: {  	s0 =	sor.u32 s3, s0;
	s1 =	sshll.u32 s1, $0x11  }
0xbc: {  	s0 =	sor.u32 s1, s0  }
0xbd: {  	s0 =	sadd.s32 $0x8F2B, s0  }
0xbe: {  	[sflag:s0] =	ssyncadd.remote.s32 $0x1  }
0xbf: {  	_ =	sfence.sel $0xFFFF  }
0xc0: {  	[dreg:$0x0] =	wrdreg $0xFFFFFFFF;
	(pc) =	sbr.abs _section_cstart, $3  }
0xc1: {  	[dreg:$0x1] =	wrdreg $0xFFFFFFFF  }
0xc2: {  	_ =	task.clear_ibuf [dreg:s7], $0x2FFFF;
	_ =	strace $0x9FFFFFFF  }
0xc3: {  	(tm) =	ssettm $0x7FFFFFFF  }
tec
execute0_lowered:
.L_overlay_start_1:
0x0: {  	(tag) =	ssettag $0x1  }
0x1: {  	s0 =	rddreg [dreg:$0x0]  }
0x2: {  	s2 =	rddreg [dreg:$0x1]  }
0x3: {  	s1 =	rddreg [dreg:$0x2]  }
0x4: {  	s3 =	simm.s32 $0x0;
	s4 =	srdreg.scid;
	s8 =	stileid.u32  }
0x5: {  	s28 =	simm.s32 $0x3;
	s29 =	simm.s32 $0x4;
	s30 =	simm.s32 $0x2700  }
0x6: {  	s31 =	simm.s32 $0x2780;
	[smem:$0x7FF] =	sst s3;
	s12 =	smul.u32 $0x280, s8  }
0x7: {  	s9 =	sand.u32 $0x1, s4;
	s4 =	sadd.s32 $0x3C00, s0;
	s7 =	smul.u32 $0x50000, s8  }
0x8: {  	s13 =	sadd.s32 $0x5C400, s0;
	s0 =	sadd.s32 $0x66400, s0;
	s5 =	ssub.s32 $0x2, s9  }
0x9: {  	_ =	strace $0x80000050;
	s10 =	sshll.u32 s9, $0x4;
	s6 =	sshrl.u32 s5, $0x1  }
0xa: {  	s11 =	sshrl.u32 s7, $0x2;
	s14 =	sadd.s32 $0x80, s12;
	s15 =	sor.u32 s8, s10  }
0xb: {  	s16 =	sadd.s32 $0x100, s12;
	s17 =	sadd.s32 $0x180, s12;
	s19 =	ssub.s32 s5, s6  }
0xc: {  	s5 =	sadd.s32 s11, s1;
	s18 =	sshll.u32 s14, $0x7;
	s20 =	sshll.u32 s16, $0x7  }
0xd: {  	s10 =	sshll.u32 s17, $0x7;
	s11 =	smul.u32 $0x2800, s15;
	s6 =	sadd.s32 s18, s1  }
0xe: {  	s7 =	sadd.s32 s20, s1;
	s8 =	sadd.s32 s10, s1;
	s18 =	sadd.s32 $0x200, s12  }
0xf: {  	s20 =	smul.u32 $0x2800, s9;
	s21 =	sshll.u32 s18, $0x7;
	s15 =	sshrl.u32 s11, $0x3  }
0x10: {  	s19 =	smax.u32 s19, $0x1;
	s9 =	sadd.s32 s21, s1;
	s22 =	sadd.s32 s13, s15  }
0x11: {  	s11 =	sadd.s32 s2, s15;
	s15 =	sadd.s32 $0x280, s15;
	s21 =	sadd.s32 s12, s20  }
0x12: {  	s14 =	sadd.s32 s20, s14;
	s23 =	sadd.s32 s20, s16;
	s24 =	sadd.s32 s20, s17  }
0x13: {  	s25 =	sadd.s32 s20, s18;
	[dreg:$0x4] =	wrdreg s22;
	s12 =	sadd.s32 s13, s15  }
0x14: {  	s21 =	sshll.u32 s21, $0x4;
	s22 =	sshll.u32 s14, $0x4;
	s13 =	sadd.s32 s2, s15  }
0x15: {  	s2 =	sshll.u32 s23, $0x4;
	s26 =	sshll.u32 s24, $0x4;
	s20 =	sshll.u32 s25, $0x4  }
0x16: {  	s23 =	simm.s32 $0x1400;
	s24 =	simm.s32 $0x80;
	s25 =	simm.s32 $0x6800  }
0x17: {  	s14 =	sadd.s32 s0, s21;
	s15 =	sadd.s32 s0, s22;
	s16 =	sadd.s32 s0, s2  }
0x18: {  	s17 =	sadd.s32 s0, s26;
	s18 =	sadd.s32 s0, s20;
	s20 =	simm.s32 $0x2800  }
0x19: {  	v0 =	vimm.f32 $0.0e+00;
	s21 =	simm.s32 $0x1;
	s22 =	simm.s32 $0x5;
	s26 =	simm.s32 $0x2  }
.LBB2_1:
0x1a: {  	s0 =	simm.s32 $0x0;
	s2 =	simm.s32 $0x200  }
.LBB2_2:
0x1b: {  	p0 =	sne.s32 s2, $0xFE00;
	[tilespmem:s0+$0x2870] =	vst v0  }
0x1c: {  	[tilespmem:s0+$0x2800] =	vst v0  }
0x1d: {  	[tilespmem:s0+$0x2810] =	vst v0  }
.Ltmp0:
0x1e: {  	[tilespmem:s0+$0x2820] =	vst v0;
	(pc) =	sbr.rel @p0 .LBB2_2-.Ltmp0, $4  }
0x1f: {  	[tilespmem:s0+$0x2830] =	vst v0  }
0x20: {  	[tilespmem:s0+$0x2840] =	vst v0  }
0x21: {  	[tilespmem:s0+$0x2850] =	vst v0  }
0x22: {  	[tilespmem:s0+$0x2860] =	vst v0;
	s0 =	sshra.s32 s2, $0x2;
	s2 =	sadd.s32 $0x200, s2  }
0x23: {  	[tilespmem:s0+$0x2870] =	vst v0  }
0x24: {  	[tilespmem:s0+$0x2800] =	vst v0  }
0x25: {  	[tilespmem:s0+$0x2810] =	vst v0  }
0x26: {  	[tilespmem:s0+$0x2820] =	vst v0  }
0x27: {  	[tilespmem:s0+$0x2830] =	vst v0  }
0x28: {  	[tilespmem:s0+$0x2840] =	vst v0  }
0x29: {  	[tilespmem:s0+$0x2850] =	vst v0  }
0x2a: {  	[tilespmem:s0+$0x2860] =	vst v0  }
0x2b: {  	[spmem:s5] =	stream.linear.scatter [tilespmem:s20], [sflag:$0x1], $0x4000, $0x38;
	[tilespmem:$0x1E800] =	vst v63  }
0x2c: {  	_ = 	snop  }
0x2d: {  	[spmem:s6] =	stream.linear.scatter [tilespmem:s20], [sflag:$0x1], $0x4000, $0x38;
	[tilespmem:$0x1E800] =	vst v63  }
0x2e: {  	_ = 	snop  }
0x2f: {  	[spmem:s7] =	stream.linear.scatter [tilespmem:s20], [sflag:$0x1], $0x4000, $0x38;
	[tilespmem:$0x1E800] =	vst v63  }
0x30: {  	_ = 	snop  }
0x31: {  	[spmem:s8] =	stream.linear.scatter [tilespmem:s20], [sflag:$0x1], $0x4000, $0x38;
	[tilespmem:$0x1E800] =	vst v63  }
0x32: {  	_ = 	snop  }
0x33: {  	[spmem:s9] =	stream.linear.scatter [tilespmem:s20], [sflag:$0x1], $0x4000, $0x38;
	[tilespmem:$0x1E800] =	vst v63  }
0x34: {  	_ =	swait.ge [sflag:s21], $0x4000  }
0x35: {  	[sflag:s21] =	ssyncset.done $0x0  }
0x36: {  	[sflag:s21] =	ssyncadd.s32 $0xFFFFC000  }
0x37: {  	_ =	swait.ge [sflag:s21], $0x4000  }
0x38: {  	[sflag:s21] =	ssyncset.done $0x0  }
0x39: {  	[sflag:s21] =	ssyncadd.s32 $0xFFFFC000  }
0x3a: {  	_ =	swait.ge [sflag:s21], $0x4000  }
0x3b: {  	[sflag:s21] =	ssyncset.done $0x0  }
0x3c: {  	[sflag:s21] =	ssyncadd.s32 $0xFFFFC000  }
0x3d: {  	_ =	swait.ge [sflag:s21], $0x4000  }
0x3e: {  	[sflag:s21] =	ssyncset.done $0x0  }
0x3f: {  	[sflag:s21] =	ssyncadd.s32 $0xFFFFC000  }
0x40: {  	_ =	swait.ge [sflag:s21], $0x4000  }
0x41: {  	[sflag:s21] =	ssyncset.done $0x0  }
0x42: {  	[sflag:s21] =	ssyncadd.s32 $0xFFFFC000  }
0x43: {  	[bflag:$0x0] =	sbarrier.arrive $0xFFFF  }
0x44: {  	s10 =	simm.s32 $0x0;
	s2 =	rddreg [dreg:$0x4]  }
0x45: {  	[tilespmem:s10], [sflag:$0x5] =	stream.linear.gather [hbm4b:s2+s10], $0x1400, $0x38;
	[tilespmem:$0x1E800] =	vst v63  }
0x46: {  	_ =	swait.ge [sflag:s22], $0x1400  }
0x47: {  	[sflag:s22] =	ssyncset.done $0x0  }
0x48: {  	[sflag:s22] =	ssyncadd.s32 $0xFFFFEC00  }
0x49: {  	[tilespmem:s23], [sflag:$0x5] =	stream.linear.gather [hbm4b:s11+s10], $0x1400, $0x38;
	[tilespmem:$0x1E800] =	vst v63  }
0x4a: {  	_ =	swait.ge [sflag:s22], $0x1400  }
0x4b: {  	[sflag:s22] =	ssyncset.done $0x0  }
0x4c: {  	[sflag:s22] =	ssyncadd.s32 $0xFFFFEC00  }
0x4d: {  	[tilespmem:s20], [sflag:$0x1] =	stream.indirect.gather [hbm4b:s4+s24], $0x80, s10, s24, $0xb8;
	[tilespmem:$0x1E800] =	vst v63  }
0x4e: {  	_ = 	snop  }
0x4f: {  	[tilespmem:s25], [sflag:$0x2] =	stream.indirect.gather [hbm4b:s4+s24], $0x80, s24, s24, $0xb8;
	[tilespmem:$0x1E800] =	vst v63  }
0x50: {  	_ =	swait.ge [sflag:s21], $0x4000  }
0x51: {  	[sflag:s21] =	ssyncset.done $0x0  }
0x52: {  	s10 =	simm.s32 $0x1400;
	[sflag:s21] =	ssyncadd.s32 $0xFFFFC000  }
0x53: {  	[spmem:s1] =	stream.indirect.scatter.add.f32 [tilespmem:s20], [sflag:$0x3], $0x80, s10, s24, $0xb8;
	[tilespmem:$0x1E800] =	vst v63  }
0x54: {  	_ =	swait.ge [sflag:s26], $0x4000  }
0x55: {  	[sflag:s26] =	ssyncset.done $0x0  }
0x56: {  	s2 =	simm.s32 $0x1480;
	[sflag:s26] =	ssyncadd.s32 $0xFFFFC000  }
0x57: {  	[spmem:s1] =	stream.indirect.scatter.add.f32 [tilespmem:s25], [sflag:$0x4], $0x80, s2, s24, $0xb8;
	[tilespmem:$0x1E800] =	vst v63  }
0x58: {  	_ =	swait.ge [sflag:s28], $0x4000  }
0x59: {  	[sflag:s28] =	ssyncset.done $0x0  }
0x5a: {  	s10 =	simm.s32 $0x100;
	[sflag:s28] =	ssyncadd.s32 $0xFFFFC000  }
0x5b: {  	[tilespmem:s20], [sflag:$0x1] =	stream.indirect.gather [hbm4b:s4+s24], $0x80, s10, s24, $0xb8;
	[tilespmem:$0x1E800] =	vst v63  }
0x5c: {  	_ =	swait.ge [sflag:s29], $0x4000  }
0x5d: {  	[sflag:s29] =	ssyncset.done $0x0  }
0x5e: {  	s0 =	simm.s32 $0x400;
	s2 =	simm.s32 $0x180;
	[sflag:s29] =	ssyncadd.s32 $0xFFFFC000  }
.LBB2_4:
0x5f: {  	[tilespmem:s25], [sflag:$0x2] =	stream.indirect.gather [hbm4b:s4+s24], $0x80, s2, s24, $0xb8;
	[tilespmem:$0x1E800] =	vst v63  }
0x60: {  	s2 =	smov.u32 s0  }
0x61: {  	p0 =	sne.s32 s0, $0x4800;
	s0 =	sadd.s32 $0x400, s0;
	_ =	swait.ge [sflag:s21], $0x4000  }
0x62: {  	s2 =	sshra.s32 s2, $0x2;
	[sflag:s21] =	ssyncset.done $0x0  }
0x63: {  	s10 =	sadd.s32 $0x1400, s2;
	[sflag:s21] =	ssyncadd.s32 $0xFFFFC000  }
0x64: {  	[spmem:s1] =	stream.indirect.scatter.add.f32 [tilespmem:s20], [sflag:$0x3], $0x80, s10, s24, $0xb8;
	[tilespmem:$0x1E800] =	vst v63  }
0x65: {  	_ =	swait.ge [sflag:s26], $0x4000  }
0x66: {  	[sflag:s26] =	ssyncset.done $0x0  }
0x67: {  	s10 =	sadd.s32 $0x1480, s2;
	[sflag:s26] =	ssyncadd.s32 $0xFFFFC000  }
0x68: {  	[spmem:s1] =	stream.indirect.scatter.add.f32 [tilespmem:s25], [sflag:$0x4], $0x80, s10, s24, $0xb8;
	[tilespmem:$0x1E800] =	vst v63  }
0x69: {  	_ =	swait.ge [sflag:s28], $0x4000  }
0x6a: {  	[sflag:s28] =	ssyncset.done $0x0  }
.Ltmp1:
0x6b: {  	s10 =	sadd.s32 $0x100, s2;
	[sflag:s28] =	ssyncadd.s32 $0xFFFFC000;
	(pc) =	sbr.rel @p0 .LBB2_4-.Ltmp1, $4  }
0x6c: {  	[tilespmem:s20], [sflag:$0x1] =	stream.indirect.gather [hbm4b:s4+s24], $0x80, s10, s24, $0xb8;
	[tilespmem:$0x1E800] =	vst v63  }
0x6d: {  	_ =	swait.ge [sflag:s29], $0x4000  }
0x6e: {  	[sflag:s29] =	ssyncset.done $0x0  }
0x6f: {  	s2 =	sadd.s32 $0x180, s2;
	[sflag:s29] =	ssyncadd.s32 $0xFFFFC000  }
0x70: {  	[tilespmem:s25], [sflag:$0x2] =	stream.indirect.gather [hbm4b:s4+s24], $0x80, s2, s24, $0xb8;
	[tilespmem:$0x1E800] =	vst v63  }
0x71: {  	_ =	swait.ge [sflag:s21], $0x4000  }
0x72: {  	[sflag:s21] =	ssyncset.done $0x0  }
0x73: {  	[sflag:s21] =	ssyncadd.s32 $0xFFFFC000  }
0x74: {  	[spmem:s1] =	stream.indirect.scatter.add.f32 [tilespmem:s20], [sflag:$0x3], $0x80, s30, s24, $0xb8;
	[tilespmem:$0x1E800] =	vst v63  }
0x75: {  	_ =	swait.ge [sflag:s26], $0x4000  }
0x76: {  	[sflag:s26] =	ssyncset.done $0x0  }
0x77: {  	[sflag:s26] =	ssyncadd.s32 $0xFFFFC000  }
0x78: {  	[spmem:s1] =	stream.indirect.scatter.add.f32 [tilespmem:s25], [sflag:$0x4], $0x80, s31, s24, $0xb8;
	[tilespmem:$0x1E800] =	vst v63  }
0x79: {  	_ =	swait.ge [sflag:s28], $0x4000  }
0x7a: {  	[sflag:s28] =	ssyncset.done $0x0  }
0x7b: {  	[sflag:s28] =	ssyncadd.s32 $0xFFFFC000  }
0x7c: {  	_ =	swait.ge [sflag:s29], $0x4000  }
0x7d: {  	[sflag:s29] =	ssyncset.done $0x0  }
0x7e: {  	s0 =	simm.s32 $0x0;
	[sflag:s29] =	ssyncadd.s32 $0xFFFFC000  }
0x7f: {  	[tilespmem:s0], [sflag:$0x5] =	stream.linear.gather [hbm4b:s12+s0], $0x1400, $0x38;
	[tilespmem:$0x1E800] =	vst v63  }
0x80: {  	_ =	swait.ge [sflag:s22], $0x1400  }
0x81: {  	[sflag:s22] =	ssyncset.done $0x0  }
0x82: {  	[sflag:s22] =	ssyncadd.s32 $0xFFFFEC00  }
0x83: {  	[tilespmem:s23], [sflag:$0x5] =	stream.linear.gather [hbm4b:s13+s0], $0x1400, $0x38;
	[tilespmem:$0x1E800] =	vst v63  }
0x84: {  	_ =	swait.ge [sflag:s22], $0x1400  }
0x85: {  	[sflag:s22] =	ssyncset.done $0x0  }
0x86: {  	[sflag:s22] =	ssyncadd.s32 $0xFFFFEC00  }
0x87: {  	[tilespmem:s20], [sflag:$0x1] =	stream.indirect.gather [hbm4b:s4+s24], $0x80, s0, s24, $0xb8;
	[tilespmem:$0x1E800] =	vst v63  }
0x88: {  	_ = 	snop  }
0x89: {  	[tilespmem:s25], [sflag:$0x2] =	stream.indirect.gather [hbm4b:s4+s24], $0x80, s24, s24, $0xb8;
	[tilespmem:$0x1E800] =	vst v63  }
0x8a: {  	_ =	swait.ge [sflag:s21], $0x4000  }
0x8b: {  	[sflag:s21] =	ssyncset.done $0x0  }
0x8c: {  	s10 =	simm.s32 $0x1400;
	[sflag:s21] =	ssyncadd.s32 $0xFFFFC000  }
0x8d: {  	[spmem:s1] =	stream.indirect.scatter.add.f32 [tilespmem:s20], [sflag:$0x3], $0x80, s10, s24, $0xb8;
	[tilespmem:$0x1E800] =	vst v63  }
0x8e: {  	_ =	swait.ge [sflag:s26], $0x4000  }
0x8f: {  	[sflag:s26] =	ssyncset.done $0x0  }
0x90: {  	s2 =	simm.s32 $0x1480;
	[sflag:s26] =	ssyncadd.s32 $0xFFFFC000  }
0x91: {  	[spmem:s1] =	stream.indirect.scatter.add.f32 [tilespmem:s25], [sflag:$0x4], $0x80, s2, s24, $0xb8;
	[tilespmem:$0x1E800] =	vst v63  }
0x92: {  	_ =	swait.ge [sflag:s28], $0x4000  }
0x93: {  	[sflag:s28] =	ssyncset.done $0x0  }
0x94: {  	s10 =	simm.s32 $0x100;
	[sflag:s28] =	ssyncadd.s32 $0xFFFFC000  }
0x95: {  	[tilespmem:s20], [sflag:$0x1] =	stream.indirect.gather [hbm4b:s4+s24], $0x80, s10, s24, $0xb8;
	[tilespmem:$0x1E800] =	vst v63  }
0x96: {  	_ =	swait.ge [sflag:s29], $0x4000  }
0x97: {  	[sflag:s29] =	ssyncset.done $0x0  }
0x98: {  	s0 =	simm.s32 $0x400;
	s2 =	simm.s32 $0x180;
	[sflag:s29] =	ssyncadd.s32 $0xFFFFC000  }
.LBB2_6:
0x99: {  	[tilespmem:s25], [sflag:$0x2] =	stream.indirect.gather [hbm4b:s4+s24], $0x80, s2, s24, $0xb8;
	[tilespmem:$0x1E800] =	vst v63  }
0x9a: {  	s2 =	smov.u32 s0  }
0x9b: {  	p0 =	sne.s32 s0, $0x4800;
	s0 =	sadd.s32 $0x400, s0;
	_ =	swait.ge [sflag:s21], $0x4000  }
0x9c: {  	s2 =	sshra.s32 s2, $0x2;
	[sflag:s21] =	ssyncset.done $0x0  }
0x9d: {  	s10 =	sadd.s32 $0x1400, s2;
	[sflag:s21] =	ssyncadd.s32 $0xFFFFC000  }
0x9e: {  	[spmem:s1] =	stream.indirect.scatter.add.f32 [tilespmem:s20], [sflag:$0x3], $0x80, s10, s24, $0xb8;
	[tilespmem:$0x1E800] =	vst v63  }
0x9f: {  	_ =	swait.ge [sflag:s26], $0x4000  }
0xa0: {  	[sflag:s26] =	ssyncset.done $0x0  }
0xa1: {  	s10 =	sadd.s32 $0x1480, s2;
	[sflag:s26] =	ssyncadd.s32 $0xFFFFC000  }
0xa2: {  	[spmem:s1] =	stream.indirect.scatter.add.f32 [tilespmem:s25], [sflag:$0x4], $0x80, s10, s24, $0xb8;
	[tilespmem:$0x1E800] =	vst v63  }
0xa3: {  	_ =	swait.ge [sflag:s28], $0x4000  }
0xa4: {  	[sflag:s28] =	ssyncset.done $0x0  }
.Ltmp2:
0xa5: {  	s10 =	sadd.s32 $0x100, s2;
	[sflag:s28] =	ssyncadd.s32 $0xFFFFC000;
	(pc) =	sbr.rel @p0 .LBB2_6-.Ltmp2, $4  }
0xa6: {  	[tilespmem:s20], [sflag:$0x1] =	stream.indirect.gather [hbm4b:s4+s24], $0x80, s10, s24, $0xb8;
	[tilespmem:$0x1E800] =	vst v63  }
0xa7: {  	_ =	swait.ge [sflag:s29], $0x4000  }
0xa8: {  	[sflag:s29] =	ssyncset.done $0x0  }
0xa9: {  	s2 =	sadd.s32 $0x180, s2;
	[sflag:s29] =	ssyncadd.s32 $0xFFFFC000  }
0xaa: {  	[tilespmem:s25], [sflag:$0x2] =	stream.indirect.gather [hbm4b:s4+s24], $0x80, s2, s24, $0xb8;
	[tilespmem:$0x1E800] =	vst v63  }
0xab: {  	_ =	swait.ge [sflag:s21], $0x4000  }
0xac: {  	[sflag:s21] =	ssyncset.done $0x0  }
0xad: {  	[sflag:s21] =	ssyncadd.s32 $0xFFFFC000  }
0xae: {  	[spmem:s1] =	stream.indirect.scatter.add.f32 [tilespmem:s20], [sflag:$0x3], $0x80, s30, s24, $0xb8;
	[tilespmem:$0x1E800] =	vst v63  }
0xaf: {  	_ =	swait.ge [sflag:s26], $0x4000  }
0xb0: {  	[sflag:s26] =	ssyncset.done $0x0  }
0xb1: {  	[sflag:s26] =	ssyncadd.s32 $0xFFFFC000  }
0xb2: {  	[spmem:s1] =	stream.indirect.scatter.add.f32 [tilespmem:s25], [sflag:$0x4], $0x80, s31, s24, $0xb8;
	[tilespmem:$0x1E800] =	vst v63  }
0xb3: {  	_ =	swait.ge [sflag:s28], $0x4000  }
0xb4: {  	[sflag:s28] =	ssyncset.done $0x0  }
0xb5: {  	[sflag:s28] =	ssyncadd.s32 $0xFFFFC000  }
0xb6: {  	_ =	swait.ge [sflag:s29], $0x4000  }
0xb7: {  	s0 =	stileid.u32;
	[sflag:s29] =	ssyncset.done $0x0  }
0xb8: {  	s0 =	sshll.u32 s0, $0x6;
	[sflag:s29] =	ssyncadd.s32 $0xFFFFC000  }
0xb9: {  	s10 =	sshrl.u32 s5, $0x3;
	s0 =	sor.u32 $0x1C01, s0;
	[bflag:$0x0] =	sbarrier.arrive $0xFFFF  }
0xba: {  	[hbm:s14], [sflag:s0] =	dma.local [spmem:s10], $0x800  }
0xbb: {  	s10 =	sshrl.u32 s6, $0x3  }
0xbc: {  	[hbm:s15], [sflag:s0] =	dma.local [spmem:s10], $0x800  }
0xbd: {  	s10 =	sshrl.u32 s7, $0x3  }
0xbe: {  	[hbm:s16], [sflag:s0] =	dma.local [spmem:s10], $0x800  }
0xbf: {  	s10 =	sshrl.u32 s8, $0x3  }
0xc0: {  	[hbm:s17], [sflag:s0] =	dma.local [spmem:s10], $0x800  }
0xc1: {  	s10 =	sshrl.u32 s9, $0x3  }
0xc2: {  	[hbm:s18], [sflag:s0] =	dma.local [spmem:s10], $0x800  }
0xc3: {  	_ =	swait.ge [sflag:s21], $0x800  }
0xc4: {  	[sflag:s21] =	ssyncset.done $0x0  }
0xc5: {  	[sflag:s21] =	ssyncadd.s32 $0xFFFFF800  }
0xc6: {  	_ =	swait.ge [sflag:s21], $0x800  }
0xc7: {  	[sflag:s21] =	ssyncset.done $0x0  }
0xc8: {  	[sflag:s21] =	ssyncadd.s32 $0xFFFFF800  }
0xc9: {  	_ =	swait.ge [sflag:s21], $0x800  }
0xca: {  	[sflag:s21] =	ssyncset.done $0x0  }
0xcb: {  	s3 =	sadd.s32 $0x1, s3;
	[sflag:s21] =	ssyncadd.s32 $0xFFFFF800  }
0xcc: {  	p0 =	sne.s32 s3, s19;
	_ =	swait.ge [sflag:s21], $0x800  }
.Ltmp3:
0xcd: {  	[sflag:s21] =	ssyncset.done $0x0;
	(pc) =	sbr.rel @p0 .LBB2_1-.Ltmp3, $4  }
0xce: {  	[sflag:s21] =	ssyncadd.s32 $0xFFFFF800  }
0xcf: {  	_ =	swait.ge [sflag:s21], $0x800  }
0xd0: {  	[sflag:s21] =	ssyncset.done $0x0  }
0xd1: {  	[sflag:s21] =	ssyncadd.s32 $0xFFFFF800  }
0xd2: {  	_ =	sfence.sel $0x180000  }
0xd3: {  	[bflag:$0x0] =	sbarrier.arrive $0xFFFF  }
0xd4: {  	_ =	strace $0x90000050  }
0xd5: {  	s0 =	stileid.u32;
	[bflag:$0x2] =	sbarrier.arrive $0xFFFF  }
0xd6: {  	p0 =	sne.s32 s0, $0x0;
	s0 =	rddreg [dreg:$0x3]  }
0xd7: {  	s0 =	sadd.s32 @!p0 $0x100000, s0  }
0xd8: {  	[sflag:s0] =	ssyncadd.tile.s32 @!p0 $0x1;
	_ =	shalt  }
.Lfunc_end2:
_tile_overlayer_lowered:
.L_overlay_start_2:
0xd9: {  	(tag) =	ssettag $0x2  }
0xda: {  	s0 =	rddreg [dreg:$0x0];
	s2 =	stileid.u32  }
0xdb: {  	s1 =	rddreg [dreg:$0x1];
	p0 =	sne.s32 s2, $0x0  }
0xdc: {  	s3 =	rddreg [dreg:$0x2];
	[bflag:$0x3] =	sbarrier.arrive $0xFFFF;
	s2 =	simm.s32 @!p0 $0x1C05  }
0xdd: {  	[timem:s3], [sflag:s2] =	dma.local @!p0 [hbm:s0], s1  }
0xde: {  	s0 =	simm.s32 @!p0 $0x5  }
0xdf: {  	_ =	swait.ge @!p0 [sflag:s0], s1  }
0xe0: {  	s1 =	ssub.s32 @!p0 $0x0, s1;
	[sflag:s0] =	ssyncset.done @!p0 $0x0  }
0xe1: {  	[sflag:s0] =	ssyncadd.s32 @!p0 s1  }
0xe2: {  	[bflag:$0x3] =	sbarrier.arrive $0xFFFF  }
0xe3: {  	_ =	shalt  }

// kernel: sc_hyper_bwd.3.cloned.1.call-start
scs
__scs_entry_jumppad:
0x0: {  	(pc) =	sbr.rel $0x88, $3  }
0x1: {  	(tag) =	ssettag $0x0;
	lr =	simm.s32 $0x1  }
0x2: {  	[smem:$0x3F92] =	sst lr;
	_ =	strace $0xD0000000  }
0x3: {  	_ = 	snop  }
0x4: {  	_ = 	snop  }
0x5: {  	_ = 	snop  }
0x6: {  	_ = 	snop  }
0x7: {  	_ = 	snop  }
__scs_overlays_trampoline_lowered:
0x8: {  	[smem:$0x3FA1] =	sst s0  }
0x9: {  	[smem:$0x3FA2] =	sst s1  }
0xa: {  	[smem:$0x3FA3] =	sst s2  }
0xb: {  	[smem:$0x3FA4] =	sst s3  }
0xc: {  	[smem:$0x3FA5] =	sst s4  }
0xd: {  	[smem:$0x3FA6] =	sst s5  }
0xe: {  	[smem:$0x3FA7] =	sst s6  }
0xf: {  	[smem:$0x3FA8] =	sst s7  }
0x10: {  	[smem:$0x3FA9] =	sst s8  }
0x11: {  	[smem:$0x3FAA] =	sst s9;
	s0 =	simm.s32 @!p0 $0x0  }
0x12: {  	s1 =	sld [smem:$0x3F90];
	s0 =	simm.s32 @p0 $0x1  }
0x13: {  	[smem:$0x3FAB] =	sst s0;
	s0 =	simm.s32 @!p1 $0x0  }
0x14: {  	s2 =	sld [smem:$0x3F8F];
	s0 =	simm.s32 @p1 $0x1  }
0x15: {  	[smem:$0x3FAC] =	sst s0;
	s0 =	simm.s32 @!p2 $0x0  }
0x16: {  	s3 =	sld [smem:$0x3FDB];
	s0 =	simm.s32 @p2 $0x1  }
0x17: {  	s4 =	simm.s32 $0x1BF5;
	[smem:$0x3FAE] =	sst s0  }
0x18: {  	s0 =	sld [smem:$0x3F91];
	_ =	swait.ge [sflag:s4], $0x0  }
0x19: {  	s7 =	sld [smem:$0x3F92]  }
0x1a: {  	s8 =	sadd.s32 $0xFFFFE003, lr  }
0x1b: {  	s9 =	sadd.s32 $0xFFFFFEF7, lr;
	s5 =	simm.s32 $0xFFFFFFFF;
	p2 =	slt.u32 s8, $0xFFFFF086  }
0x1c: {  	p1 =	slt.u32 s9, $0xF7A;
	s5 =	simm.s32 @!p2 $0x0  }
0x1d: {  	s5 =	simm.s32 @p1 $0x1;
	p0 =	seq.s32 s7, s2  }
0x1e: {  	s7 =	smul.u32 @!p0 $0xF7A, s2;
	p2 =	seq.s32 @!p0 s5, $0x0  }
0x1f: {  	s9 =	smul.u32 $0xF7A, s1;
	s8 =	simm.s32 @!p0 $0x1BF5;
	p2 =	por !p2, p0  }
0x20: {  	[sflag:s8] =	ssyncset.s32 @!p0 $0xFFFFF086;
	s6 =	sadd.s32 @!p0 s3, s7;
	s7 =	simm.s32 @!p0 $0x108  }
0x21: {  	s3 =	sadd.s32 s3, s9;
	s6 =	sadd.s32 @!p0 $0x88, s6;
	s7 =	simm.s32 @p2 $0x1082  }
0x22: {  	[simem:s7], [sflag:s8] =	dma.local @!p0 [hbm:s6], $0xF7A  }
0x23: {  	s9 =	sor.u32 $0xD0000000, s2;
	s6 =	simm.s32 $0x108;
	_ =	swait.ge @!p0 [sflag:s8], $0x0  }
0x24: {  	s3 =	sadd.s32 $0x88, s3;
	s6 =	simm.s32 @!p1 $0x1082;
	[sflag:s4] =	ssyncset.s32 $0xFFFFF086  }
0x25: {  	[simem:s6], [sflag:s4] =	dma.local [hbm:s3], $0xF7A  }
0x26: {  	[smem:$0x3F92] =	sst s1;
	(tag) =	ssettag s2;
	_ =	strace s9  }
0x27: {  	s1 =	sld [smem:$0x3FA2]  }
0x28: {  	s2 =	sld [smem:$0x3FA3]  }
0x29: {  	s4 =	sld [smem:$0x3FA5]  }
0x2a: {  	p0 =	seq.s32 s5, $0x0;
	s5 =	sld [smem:$0x3FA6]  }
0x2b: {  	s6 =	sld [smem:$0x3FA7]  }
0x2c: {  	s7 =	sld [smem:$0x3FA8]  }
0x2d: {  	s3 =	simm.s32 $0x108;
	s8 =	sld [smem:$0x3FA9]  }
0x2e: {  	s3 =	simm.s32 @!p0 $0x1082;
	s9 =	sld [smem:$0x3FAA]  }
0x2f: {  	lr =	sadd.s32 s0, s3;
	s0 =	sld [smem:$0x3FA1]  }
0x30: {  	s3 =	sld [smem:$0x3FA4]  }
0x31: {  	[smem:$0x3FAD] =	sst s10  }
0x32: {  	s10 =	sld [smem:$0x3FAB];
	_ =	sdelay $0x3  }
0x33: {  	p0 =	seq.s32 s10, $0x1;
	s10 =	sld [smem:$0x3FAD];
	_ =	sdelay $0x3  }
0x34: {  	[smem:$0x3FAD] =	sst s10  }
0x35: {  	s10 =	sld [smem:$0x3FAC];
	_ =	sdelay $0x3  }
0x36: {  	p1 =	seq.s32 s10, $0x1;
	s10 =	sld [smem:$0x3FAD];
	_ =	sdelay $0x3  }
0x37: {  	[smem:$0x3FAD] =	sst s10  }
0x38: {  	s10 =	sld [smem:$0x3FAE]  }
0x39: {  	_ = 	snop;
	(pc) =	sbr.ind lr, $3  }
0x3a: {  	_ = 	snop  }
0x3b: {  	_ = 	snop  }
0x3c: {  	p2 =	seq.s32 s10, $0x1;
	s10 =	sld [smem:$0x3FAD]  }
0x3d: {  	_ =	shalt  }
0x3e: {  	_ =	shalt  }
0x3f: {  	_ =	shalt  }
0x40: {  	_ =	shalt  }
0x41: {  	_ =	shalt  }
0x42: {  	_ =	shalt  }
0x43: {  	_ =	shalt  }
0x44: {  	_ =	shalt  }
0x45: {  	_ =	shalt  }
0x46: {  	_ =	shalt  }
0x47: {  	_ =	shalt  }
0x48: {  	_ =	shalt  }
0x49: {  	_ =	shalt  }
0x4a: {  	_ =	shalt  }
0x4b: {  	_ =	shalt  }
0x4c: {  	_ =	shalt  }
0x4d: {  	_ =	shalt  }
0x4e: {  	_ =	shalt  }
0x4f: {  	_ =	shalt  }
0x50: {  	_ =	shalt  }
0x51: {  	_ =	shalt  }
0x52: {  	_ =	shalt  }
0x53: {  	_ =	shalt  }
0x54: {  	_ =	shalt  }
0x55: {  	_ =	shalt  }
0x56: {  	_ =	shalt  }
0x57: {  	_ =	shalt  }
0x58: {  	_ =	shalt  }
0x59: {  	_ =	shalt  }
0x5a: {  	_ =	shalt  }
0x5b: {  	_ =	shalt  }
0x5c: {  	_ =	shalt  }
0x5d: {  	_ =	shalt  }
0x5e: {  	_ =	shalt  }
0x5f: {  	_ =	shalt  }
0x60: {  	_ =	shalt  }
0x61: {  	_ =	shalt  }
0x62: {  	_ =	shalt  }
0x63: {  	_ =	shalt  }
0x64: {  	_ =	shalt  }
0x65: {  	_ =	shalt  }
0x66: {  	_ =	shalt  }
0x67: {  	_ =	shalt  }
0x68: {  	_ =	shalt  }
0x69: {  	_ =	shalt  }
0x6a: {  	_ =	shalt  }
0x6b: {  	_ =	shalt  }
0x6c: {  	_ =	shalt  }
0x6d: {  	_ =	shalt  }
0x6e: {  	_ =	shalt  }
0x6f: {  	_ =	shalt  }
0x70: {  	_ =	shalt  }
0x71: {  	_ =	shalt  }
0x72: {  	_ =	shalt  }
0x73: {  	_ =	shalt  }
0x74: {  	_ =	shalt  }
0x75: {  	_ =	shalt  }
0x76: {  	_ =	shalt  }
0x77: {  	_ =	shalt  }
0x78: {  	_ =	shalt  }
0x79: {  	_ =	shalt  }
0x7a: {  	_ =	shalt  }
0x7b: {  	_ =	shalt  }
0x7c: {  	_ =	shalt  }
0x7d: {  	_ =	shalt  }
0x7e: {  	_ =	shalt  }
0x7f: {  	_ =	shalt  }
0x80: {  	_ =	shalt  }
0x81: {  	_ =	shalt  }
0x82: {  	_ =	shalt  }
0x83: {  	_ =	shalt  }
0x84: {  	_ =	shalt  }
0x85: {  	_ =	shalt  }
0x86: {  	_ =	shalt  }
0x87: {  	_ =	shalt  }
.Lfunc_end0:
.L_simem_size_0:
called_computation.1_lowered:
.L_overlay_start_0:
0x88: {  	s2 =	sld [smem:$0x3FD9]  }
0x89: {  	s3 =	sld [smem:$0x3FFE];
	_ =	sdelay $0x1  }
0x8a: {  	s1 =	srdreg.scid  }
0x8b: {  	s0 =	sand.u32 $0x1, s1  }
0x8c: {  	s16 =	sshll.u32 s0, $0xA;
	s2 =	sadd.s32 s3, s2  }
0x8d: {  	s2 =	sadd.s32 s2, s16  }
0x8e: {  	[smem:$0x3FB9] =	sst s2  }
0x8f: {  	_ = 	snop  }
0x90: {  	(tm) =	ssettm $0x1  }
0x91: {  	s17 =	sld [smem:$0x3FFB];
	_ =	sdelay $0x3  }
0x92: {  	_ =	strace s17  }
0x93: {  	s2 =	sld [smem:$0x3FFC];
	_ =	sdelay $0x3  }
0x94: {  	_ =	strace s2  }
0x95: {  	s2 =	sld [smem:$0x3FFD];
	_ =	sdelay $0x3  }
0x96: {  	_ =	strace s2  }
0x97: {  	_ =	strace $0x8FFFFFFF  }
0x98: {  	s18 =	sld [smem:$0x3FDB];
	_ =	sdelay $0x1  }
0x99: {  	s19 =	simm.s32 $_scs_section_size  }
0x9a: {  	s4 =	simm.s32 $_size__tile_overlayer_lowered;
	s5 =	simm.s32 $_tile_overlayer_lowered  }
0x9b: {  	s22 =	simm.s32 $0x1BFF;
	s21 =	sshll.u32 s5, $0x1;
	s2 =	sadd.s32 s19, s18  }
0x9c: {  	s6 =	simm.s32 $0x0;
	s20 =	sshll.u32 s4, $0x1;
	s4 =	sadd.s32 s21, s2  }
0x9d: {  	[timem:s6], [sflag:s22] =	dma.local [hbm:s4], s20  }
0x9e: {  	_ =	swait.ge [sflag:s22], s20  }
0x9f: {  	s3 =	ssub.s32 $0x0, s20;
	[sflag:s22] =	ssyncset.done $0x0  }
0xa0: {  	[sflag:s22] =	ssyncadd.s32 s3;
	_ =	sdelay $0x1  }
0xa1: {  	s23 =	simm.s32 $0x1B8B  }
0xa2: {  	_ =	swait.ge [sflag:s23], $0x1  }
0xa3: {  	[sflag:s23] =	ssyncset.done $0x0  }
0xa4: {  	s25 =	simm.s32 $0x1B8E;
	s24 =	sld [smem:$0x3FFE];
	[sflag:s23] =	ssyncadd.s32 $0xFFFFFFFF  }
0xa5: {  	s26 =	simm.s32 $execute0_lowered;
	[smem:$0x3FD2] =	sst s25  }
0xa6: {  	s4 =	sshll.u32 s26, $0x1;
	_ =	strace $0x80000049;
	[dreg:$0x1] =	wrdreg $0xFFFFFFFF  }
0xa7: {  	s28 =	simm.s32 $_size_execute0_lowered;
	s2 =	sadd.s32 s2, s4;
	[dreg:$0x0] =	wrdreg $0x0  }
0xa8: {  	s4 =	sshll.u32 s28, $0x1;
	[dreg:$0x2] =	wrdreg s2  }
0xa9: {  	[dreg:$0x3] =	wrdreg s4  }
0xaa: {  	[dreg:$0x4] =	wrdreg $0xC0  }
0xab: {  	_ =	task [dreg:s6], $0x5FFFF  }
0xac: {  	[dreg:$0x1] =	wrdreg $0xFFFFFFFF  }
0xad: {  	[dreg:$0x0] =	wrdreg $0x60  }
0xae: {  	[dreg:$0x2] =	wrdreg s24  }
0xaf: {  	[dreg:$0x3] =	wrdreg $0xA0000  }
0xb0: {  	[dreg:$0x4] =	wrdreg $0x9  }
0xb1: {  	_ =	task.clear_ibuf [dreg:s6], $0x5FFFF;
	_ =	strace $0x90000049  }
0xb2: {  	s29 =	simm.s32 $0x9;
	_ =	strace $0x8000004B  }
0xb3: {  	_ =	swait.ge [sflag:s29], $0x1  }
0xb4: {  	[sflag:s29] =	ssyncadd.s32 $0xFFFFFFFF  }
0xb5: {  	_ =	strace $0x9000004B  }
0xb6: {  	_ =	sfence  }
0xb7: {  	s30 =	sld [smem:$0x0];
	_ =	sdelay $0x2  }
0xb8: {  	s31 =	sshll.u32 s1, $0xD;
	s1 =	sshrl.u32 s1, $0x2  }
0xb9: {  	s3 =	sand.u32 $0x4000, s31;
	s1 =	sadd.s32 s1, s30  }
0xba: {  	s0 =	sor.u32 s3, s0;
	s1 =	sshll.u32 s1, $0x11  }
0xbb: {  	s0 =	sor.u32 s1, s0  }
0xbc: {  	s0 =	sadd.s32 $0x8F2B, s0  }
0xbd: {  	[sflag:s0] =	ssyncadd.remote.s32 $0x1  }
0xbe: {  	_ =	sfence.sel $0xFFFF  }
0xbf: {  	[dreg:$0x0] =	wrdreg $0xFFFFFFFF;
	(pc) =	sbr.abs _section_cstart, $3  }
0xc0: {  	[dreg:$0x1] =	wrdreg $0xFFFFFFFF  }
0xc1: {  	_ =	task.clear_ibuf [dreg:s6], $0x2FFFF;
	_ =	strace $0x9FFFFFFF  }
0xc2: {  	(tm) =	ssettm $0x7FFFFFFF  }
0xc3: {  	_ =	shalt  }
tec
execute0_lowered:
.L_overlay_start_1:
0x0: {  	(tag) =	ssettag $0x1  }
0x1: {  	s5 =	rddreg [dreg:$0x0]  }
0x2: {  	s1 =	rddreg [dreg:$0x1];
	s2 =	simm.s32 $0x0  }
0x3: {  	s6 =	srdreg.scid;
	s3 =	stileid.u32;
	s21 =	simm.s32 $0x1000  }
0x4: {  	s28 =	simm.s32 $0x1C00;
	s29 =	simm.s32 $0x1C80;
	[smem:$0x7FF] =	sst s2  }
0x5: {  	s4 =	sadd.s32 $0x66400, s5;
	s7 =	sand.u32 $0x1, s6;
	s10 =	smul.u32 $0x280, s3  }
0x6: {  	s8 =	sshll.u32 s3, $0x9;
	s9 =	smul.u32 $0x50000, s3;
	s16 =	sadd.s32 $0x76E00, s5  }
0x7: {  	_ =	strace $0x8000004A;
	s6 =	sshll.u32 s7, $0xD;
	s22 =	ssub.s32 $0x2, s7  }
0x8: {  	s19 =	smul.u32 $0x2800, s7;
	s6 =	sor.u32 s8, s6;
	s23 =	sshrl.u32 s22, $0x1  }
0x9: {  	s24 =	sshrl.u32 s9, $0x2;
	s12 =	sadd.s32 $0x80, s10;
	s14 =	sadd.s32 $0x100, s10  }
0xa: {  	s15 =	sadd.s32 $0x180, s10;
	s18 =	sadd.s32 $0x200, s10;
	s11 =	sadd.s32 s6, s5  }
0xb: {  	s17 =	ssub.s32 s22, s23;
	s5 =	sadd.s32 s24, s1;
	s25 =	sshll.u32 s12, $0x7  }
0xc: {  	s26 =	sshll.u32 s14, $0x7;
	s30 =	sshll.u32 s15, $0x7;
	s31 =	sshll.u32 s18, $0x7  }
0xd: {  	s13 =	sadd.s32 s10, s19;
	s12 =	sadd.s32 s19, s12;
	s14 =	sadd.s32 s19, s14  }
0xe: {  	s15 =	sadd.s32 s19, s15;
	s18 =	sadd.s32 s19, s18;
	s19 =	simm.s32 $0x1  }
0xf: {  	s22 =	simm.s32 $0x80;
	s23 =	simm.s32 $0x6000;
	s24 =	simm.s32 $0x2  }
0x10: {  	s6 =	sadd.s32 s25, s1;
	s7 =	sadd.s32 s26, s1;
	s8 =	sadd.s32 s30, s1  }
0x11: {  	s9 =	sadd.s32 s31, s1;
	s10 =	sadd.s32 $0x30000, s11;
	s13 =	sshll.u32 s13, $0x4  }
0x12: {  	s20 =	sshll.u32 s12, $0x4;
	s11 =	sadd.s32 $0x2C000, s11;
	s14 =	sshll.u32 s14, $0x4  }
0x13: {  	s15 =	sshll.u32 s15, $0x4;
	s18 =	sshll.u32 s18, $0x4;
	s17 =	smax.u32 s17, $0x1  }
0x14: {  	s25 =	simm.s32 $0x3;
	s26 =	simm.s32 $0x4;
	s12 =	sadd.s32 s16, s13  }
0x15: {  	s13 =	sadd.s32 s16, s20;
	s14 =	sadd.s32 s16, s14;
	s15 =	sadd.s32 s16, s15  }
0x16: {  	v0 =	vimm.f32 $0.0e+00;
	s16 =	sadd.s32 s16, s18;
	s18 =	simm.s32 $0x2000;
	s20 =	simm.s32 $0x5  }
.LBB2_1:
0x17: {  	s30 =	simm.s32 $0x0;
	s31 =	simm.s32 $0x200  }
.LBB2_2:
0x18: {  	p0 =	sne.s32 s31, $0xFE00;
	[tilespmem:s30+$0x2070] =	vst v0  }
0x19: {  	[tilespmem:s30+$0x2000] =	vst v0  }
0x1a: {  	[tilespmem:s30+$0x2010] =	vst v0  }
.Ltmp0:
0x1b: {  	[tilespmem:s30+$0x2020] =	vst v0;
	(pc) =	sbr.rel @p0 .LBB2_2-.Ltmp0, $4  }
0x1c: {  	[tilespmem:s30+$0x2030] =	vst v0  }
0x1d: {  	[tilespmem:s30+$0x2040] =	vst v0  }
0x1e: {  	[tilespmem:s30+$0x2050] =	vst v0  }
0x1f: {  	[tilespmem:s30+$0x2060] =	vst v0;
	s30 =	sshra.s32 s31, $0x2;
	s31 =	sadd.s32 $0x200, s31  }
0x20: {  	[tilespmem:s30+$0x2070] =	vst v0  }
0x21: {  	[tilespmem:s30+$0x2000] =	vst v0  }
0x22: {  	[tilespmem:s30+$0x2010] =	vst v0  }
0x23: {  	[tilespmem:s30+$0x2020] =	vst v0  }
0x24: {  	[tilespmem:s30+$0x2030] =	vst v0  }
0x25: {  	[tilespmem:s30+$0x2040] =	vst v0  }
0x26: {  	[tilespmem:s30+$0x2050] =	vst v0  }
0x27: {  	[tilespmem:s30+$0x2060] =	vst v0  }
0x28: {  	[spmem:s5] =	stream.linear.scatter [tilespmem:s18], [sflag:$0x1], $0x4000, $0x38;
	[tilespmem:$0x1E000] =	vst v63  }
0x29: {  	_ = 	snop  }
0x2a: {  	[spmem:s6] =	stream.linear.scatter [tilespmem:s18], [sflag:$0x1], $0x4000, $0x38;
	[tilespmem:$0x1E000] =	vst v63  }
0x2b: {  	_ = 	snop  }
0x2c: {  	[spmem:s7] =	stream.linear.scatter [tilespmem:s18], [sflag:$0x1], $0x4000, $0x38;
	[tilespmem:$0x1E000] =	vst v63  }
0x2d: {  	_ = 	snop  }
0x2e: {  	[spmem:s8] =	stream.linear.scatter [tilespmem:s18], [sflag:$0x1], $0x4000, $0x38;
	[tilespmem:$0x1E000] =	vst v63  }
0x2f: {  	_ = 	snop  }
0x30: {  	[spmem:s9] =	stream.linear.scatter [tilespmem:s18], [sflag:$0x1], $0x4000, $0x38;
	[tilespmem:$0x1E000] =	vst v63  }
0x31: {  	_ =	swait.ge [sflag:s19], $0x4000  }
0x32: {  	[sflag:s19] =	ssyncset.done $0x0  }
0x33: {  	[sflag:s19] =	ssyncadd.s32 $0xFFFFC000  }
0x34: {  	_ =	swait.ge [sflag:s19], $0x4000  }
0x35: {  	[sflag:s19] =	ssyncset.done $0x0  }
0x36: {  	[sflag:s19] =	ssyncadd.s32 $0xFFFFC000  }
0x37: {  	_ =	swait.ge [sflag:s19], $0x4000  }
0x38: {  	[sflag:s19] =	ssyncset.done $0x0  }
0x39: {  	[sflag:s19] =	ssyncadd.s32 $0xFFFFC000  }
0x3a: {  	_ =	swait.ge [sflag:s19], $0x4000  }
0x3b: {  	[sflag:s19] =	ssyncset.done $0x0  }
0x3c: {  	[sflag:s19] =	ssyncadd.s32 $0xFFFFC000  }
0x3d: {  	_ =	swait.ge [sflag:s19], $0x4000  }
0x3e: {  	[sflag:s19] =	ssyncset.done $0x0  }
0x3f: {  	[sflag:s19] =	ssyncadd.s32 $0xFFFFC000  }
0x40: {  	s30 =	simm.s32 $0x0;
	[bflag:$0x0] =	sbarrier.arrive $0xFFFF  }
0x41: {  	[tilespmem:s30], [sflag:$0x5] =	stream.linear.gather [hbm4b:s10+s30], $0xD00, $0x38;
	[tilespmem:$0x1E000] =	vst v63  }
0x42: {  	_ =	swait.ge [sflag:s20], $0xD00  }
0x43: {  	[sflag:s20] =	ssyncset.done $0x0  }
0x44: {  	[sflag:s20] =	ssyncadd.s32 $0xFFFFF300  }
0x45: {  	[tilespmem:s21], [sflag:$0x5] =	stream.linear.gather [hbm4b:s11+s30], $0xD00, $0x38;
	[tilespmem:$0x1E000] =	vst v63  }
0x46: {  	_ =	swait.ge [sflag:s20], $0xD00  }
0x47: {  	[sflag:s20] =	ssyncset.done $0x0  }
0x48: {  	[sflag:s20] =	ssyncadd.s32 $0xFFFFF300  }
0x49: {  	[tilespmem:s18], [sflag:$0x1] =	stream.indirect.gather [hbm4b:s4+s22], $0x80, s30, s22, $0xb8;
	[tilespmem:$0x1E000] =	vst v63  }
0x4a: {  	_ = 	snop  }
0x4b: {  	[tilespmem:s23], [sflag:$0x2] =	stream.indirect.gather [hbm4b:s4+s22], $0x80, s22, s22, $0xb8;
	[tilespmem:$0x1E000] =	vst v63  }
0x4c: {  	_ =	swait.ge [sflag:s19], $0x4000  }
0x4d: {  	[sflag:s19] =	ssyncset.done $0x0  }
0x4e: {  	s30 =	simm.s32 $0x1000;
	[sflag:s19] =	ssyncadd.s32 $0xFFFFC000  }
0x4f: {  	[spmem:s1] =	stream.indirect.scatter.add.f32 [tilespmem:s18], [sflag:$0x3], $0x80, s30, s22, $0xb8;
	[tilespmem:$0x1E000] =	vst v63  }
0x50: {  	_ =	swait.ge [sflag:s24], $0x4000  }
0x51: {  	[sflag:s24] =	ssyncset.done $0x0  }
0x52: {  	s30 =	simm.s32 $0x1080;
	[sflag:s24] =	ssyncadd.s32 $0xFFFFC000  }
0x53: {  	[spmem:s1] =	stream.indirect.scatter.add.f32 [tilespmem:s23], [sflag:$0x4], $0x80, s30, s22, $0xb8;
	[tilespmem:$0x1E000] =	vst v63  }
0x54: {  	_ =	swait.ge [sflag:s25], $0x4000  }
0x55: {  	[sflag:s25] =	ssyncset.done $0x0  }
0x56: {  	s30 =	simm.s32 $0x100;
	[sflag:s25] =	ssyncadd.s32 $0xFFFFC000  }
0x57: {  	[tilespmem:s18], [sflag:$0x1] =	stream.indirect.gather [hbm4b:s4+s22], $0x80, s30, s22, $0xb8;
	[tilespmem:$0x1E000] =	vst v63  }
0x58: {  	_ =	swait.ge [sflag:s26], $0x4000  }
0x59: {  	[sflag:s26] =	ssyncset.done $0x0  }
0x5a: {  	s31 =	simm.s32 $0x180;
	s30 =	simm.s32 $0x400;
	[sflag:s26] =	ssyncadd.s32 $0xFFFFC000  }
.LBB2_4:
0x5b: {  	[tilespmem:s23], [sflag:$0x2] =	stream.indirect.gather [hbm4b:s4+s22], $0x80, s31, s22, $0xb8;
	[tilespmem:$0x1E000] =	vst v63  }
0x5c: {  	s31 =	smov.u32 s30  }
0x5d: {  	p0 =	sne.s32 s30, $0x2C00;
	s30 =	sadd.s32 $0x400, s30;
	_ =	swait.ge [sflag:s19], $0x4000  }
0x5e: {  	s31 =	sshra.s32 s31, $0x2;
	[sflag:s19] =	ssyncset.done $0x0  }
0x5f: {  	s0 =	sadd.s32 $0x1000, s31;
	[sflag:s19] =	ssyncadd.s32 $0xFFFFC000  }
0x60: {  	[spmem:s1] =	stream.indirect.scatter.add.f32 [tilespmem:s18], [sflag:$0x3], $0x80, s0, s22, $0xb8;
	[tilespmem:$0x1E000] =	vst v63  }
0x61: {  	_ =	swait.ge [sflag:s24], $0x4000  }
0x62: {  	[sflag:s24] =	ssyncset.done $0x0  }
0x63: {  	s0 =	sadd.s32 $0x1080, s31;
	[sflag:s24] =	ssyncadd.s32 $0xFFFFC000  }
0x64: {  	[spmem:s1] =	stream.indirect.scatter.add.f32 [tilespmem:s23], [sflag:$0x4], $0x80, s0, s22, $0xb8;
	[tilespmem:$0x1E000] =	vst v63  }
0x65: {  	_ =	swait.ge [sflag:s25], $0x4000  }
0x66: {  	[sflag:s25] =	ssyncset.done $0x0  }
.Ltmp1:
0x67: {  	s0 =	sadd.s32 $0x100, s31;
	[sflag:s25] =	ssyncadd.s32 $0xFFFFC000;
	(pc) =	sbr.rel @p0 .LBB2_4-.Ltmp1, $4  }
0x68: {  	[tilespmem:s18], [sflag:$0x1] =	stream.indirect.gather [hbm4b:s4+s22], $0x80, s0, s22, $0xb8;
	[tilespmem:$0x1E000] =	vst v63  }
0x69: {  	_ =	swait.ge [sflag:s26], $0x4000  }
0x6a: {  	[sflag:s26] =	ssyncset.done $0x0  }
0x6b: {  	s31 =	sadd.s32 $0x180, s31;
	[sflag:s26] =	ssyncadd.s32 $0xFFFFC000  }
0x6c: {  	[tilespmem:s23], [sflag:$0x2] =	stream.indirect.gather [hbm4b:s4+s22], $0x80, s31, s22, $0xb8;
	[tilespmem:$0x1E000] =	vst v63  }
0x6d: {  	_ =	swait.ge [sflag:s19], $0x4000  }
0x6e: {  	[sflag:s19] =	ssyncset.done $0x0  }
0x6f: {  	[sflag:s19] =	ssyncadd.s32 $0xFFFFC000  }
0x70: {  	[spmem:s1] =	stream.indirect.scatter.add.f32 [tilespmem:s18], [sflag:$0x3], $0x80, s28, s22, $0xb8;
	[tilespmem:$0x1E000] =	vst v63  }
0x71: {  	_ =	swait.ge [sflag:s24], $0x4000  }
0x72: {  	[sflag:s24] =	ssyncset.done $0x0  }
0x73: {  	[sflag:s24] =	ssyncadd.s32 $0xFFFFC000  }
0x74: {  	[spmem:s1] =	stream.indirect.scatter.add.f32 [tilespmem:s23], [sflag:$0x4], $0x80, s29, s22, $0xb8;
	[tilespmem:$0x1E000] =	vst v63  }
0x75: {  	_ =	swait.ge [sflag:s25], $0x4000  }
0x76: {  	[sflag:s25] =	ssyncset.done $0x0  }
0x77: {  	[sflag:s25] =	ssyncadd.s32 $0xFFFFC000  }
0x78: {  	_ =	swait.ge [sflag:s26], $0x4000  }
0x79: {  	[sflag:s26] =	ssyncset.done $0x0  }
0x7a: {  	s0 =	sshll.u32 s3, $0x6;
	s30 =	sshrl.u32 s5, $0x3;
	[sflag:s26] =	ssyncadd.s32 $0xFFFFC000  }
0x7b: {  	s31 =	sshrl.u32 s6, $0x3;
	s0 =	sor.u32 $0x1C01, s0;
	[bflag:$0x0] =	sbarrier.arrive $0xFFFF  }
0x7c: {  	[hbm:s12], [sflag:s0] =	dma.local [spmem:s30], $0x800  }
0x7d: {  	[hbm:s13], [sflag:s0] =	dma.local [spmem:s31], $0x800  }
0x7e: {  	s31 =	sshrl.u32 s7, $0x3  }
0x7f: {  	[hbm:s14], [sflag:s0] =	dma.local [spmem:s31], $0x800  }
0x80: {  	s31 =	sshrl.u32 s8, $0x3  }
0x81: {  	[hbm:s15], [sflag:s0] =	dma.local [spmem:s31], $0x800  }
0x82: {  	s31 =	sshrl.u32 s9, $0x3  }
0x83: {  	[hbm:s16], [sflag:s0] =	dma.local [spmem:s31], $0x800  }
0x84: {  	_ =	swait.ge [sflag:s19], $0x800  }
0x85: {  	[sflag:s19] =	ssyncset.done $0x0  }
0x86: {  	[sflag:s19] =	ssyncadd.s32 $0xFFFFF800  }
0x87: {  	_ =	swait.ge [sflag:s19], $0x800  }
0x88: {  	[sflag:s19] =	ssyncset.done $0x0  }
0x89: {  	[sflag:s19] =	ssyncadd.s32 $0xFFFFF800  }
0x8a: {  	_ =	swait.ge [sflag:s19], $0x800  }
0x8b: {  	[sflag:s19] =	ssyncset.done $0x0  }
0x8c: {  	s2 =	sadd.s32 $0x1, s2;
	[sflag:s19] =	ssyncadd.s32 $0xFFFFF800  }
0x8d: {  	p0 =	sne.s32 s2, s17;
	_ =	swait.ge [sflag:s19], $0x800  }
.Ltmp2:
0x8e: {  	[sflag:s19] =	ssyncset.done $0x0;
	(pc) =	sbr.rel @p0 .LBB2_1-.Ltmp2, $4  }
0x8f: {  	[sflag:s19] =	ssyncadd.s32 $0xFFFFF800  }
0x90: {  	_ =	swait.ge [sflag:s19], $0x800  }
0x91: {  	[sflag:s19] =	ssyncset.done $0x0  }
0x92: {  	[sflag:s19] =	ssyncadd.s32 $0xFFFFF800  }
0x93: {  	_ =	sfence.sel $0x180000  }
0x94: {  	[bflag:$0x0] =	sbarrier.arrive $0xFFFF  }
0x95: {  	_ =	strace $0x9000004A  }
0x96: {  	[bflag:$0x2] =	sbarrier.arrive $0xFFFF  }
0x97: {  	p0 =	sne.s32 s3, $0x0;
	s0 =	rddreg [dreg:$0x2]  }
0x98: {  	s0 =	sadd.s32 @!p0 $0x100000, s0  }
0x99: {  	[sflag:s0] =	ssyncadd.tile.s32 @!p0 $0x1;
	_ =	shalt  }
.Lfunc_end2:
_tile_overlayer_lowered:
.L_overlay_start_2:
0x9a: {  	(tag) =	ssettag $0x2  }
0x9b: {  	s0 =	rddreg [dreg:$0x0];
	s2 =	stileid.u32  }
0x9c: {  	s1 =	rddreg [dreg:$0x1];
	p0 =	sne.s32 s2, $0x0  }
0x9d: {  	s3 =	rddreg [dreg:$0x2];
	[bflag:$0x3] =	sbarrier.arrive $0xFFFF;
	s2 =	simm.s32 @!p0 $0x1C05  }
0x9e: {  	[timem:s3], [sflag:s2] =	dma.local @!p0 [hbm:s0], s1  }
0x9f: {  	s0 =	simm.s32 @!p0 $0x5  }
0xa0: {  	_ =	swait.ge @!p0 [sflag:s0], s1  }
0xa1: {  	s1 =	ssub.s32 @!p0 $0x0, s1;
	[sflag:s0] =	ssyncset.done @!p0 $0x0  }
0xa2: {  	[sflag:s0] =	ssyncadd.s32 @!p0 s1  }
0xa3: {  	[bflag:$0x3] =	sbarrier.arrive $0xFFFF  }
0xa4: {  	_ =	shalt  }

// kernel: sc_hyper_fwd_hist.3.cloned.1.call-start
scs
__scs_entry_jumppad:
0x0: {  	(pc) =	sbr.rel $0x88, $3  }
0x1: {  	(tag) =	ssettag $0x0;
	lr =	simm.s32 $0x1  }
0x2: {  	[smem:$0x3F92] =	sst lr;
	_ =	strace $0xD0000000  }
0x3: {  	_ = 	snop  }
0x4: {  	_ = 	snop  }
0x5: {  	_ = 	snop  }
0x6: {  	_ = 	snop  }
0x7: {  	_ = 	snop  }
__scs_overlays_trampoline_lowered:
0x8: {  	[smem:$0x3FA1] =	sst s0  }
0x9: {  	[smem:$0x3FA2] =	sst s1  }
0xa: {  	[smem:$0x3FA3] =	sst s2  }
0xb: {  	[smem:$0x3FA4] =	sst s3  }
0xc: {  	[smem:$0x3FA5] =	sst s4  }
0xd: {  	[smem:$0x3FA6] =	sst s5  }
0xe: {  	[smem:$0x3FA7] =	sst s6  }
0xf: {  	[smem:$0x3FA8] =	sst s7  }
0x10: {  	[smem:$0x3FA9] =	sst s8  }
0x11: {  	[smem:$0x3FAA] =	sst s9;
	s0 =	simm.s32 @!p0 $0x0  }
0x12: {  	s1 =	sld [smem:$0x3F90];
	s0 =	simm.s32 @p0 $0x1  }
0x13: {  	[smem:$0x3FAB] =	sst s0;
	s0 =	simm.s32 @!p1 $0x0  }
0x14: {  	s2 =	sld [smem:$0x3F8F];
	s0 =	simm.s32 @p1 $0x1  }
0x15: {  	[smem:$0x3FAC] =	sst s0;
	s0 =	simm.s32 @!p2 $0x0  }
0x16: {  	s3 =	sld [smem:$0x3FDB];
	s0 =	simm.s32 @p2 $0x1  }
0x17: {  	s4 =	simm.s32 $0x1BF5;
	[smem:$0x3FAE] =	sst s0  }
0x18: {  	s0 =	sld [smem:$0x3F91];
	_ =	swait.ge [sflag:s4], $0x0  }
0x19: {  	s7 =	sld [smem:$0x3F92]  }
0x1a: {  	s8 =	sadd.s32 $0xFFFFE003, lr  }
0x1b: {  	s9 =	sadd.s32 $0xFFFFFEF7, lr;
	s5 =	simm.s32 $0xFFFFFFFF;
	p2 =	slt.u32 s8, $0xFFFFF086  }
0x1c: {  	p1 =	slt.u32 s9, $0xF7A;
	s5 =	simm.s32 @!p2 $0x0  }
0x1d: {  	s5 =	simm.s32 @p1 $0x1;
	p0 =	seq.s32 s7, s2  }
0x1e: {  	s7 =	smul.u32 @!p0 $0xF7A, s2;
	p2 =	seq.s32 @!p0 s5, $0x0  }
0x1f: {  	s9 =	smul.u32 $0xF7A, s1;
	s8 =	simm.s32 @!p0 $0x1BF5;
	p2 =	por !p2, p0  }
0x20: {  	[sflag:s8] =	ssyncset.s32 @!p0 $0xFFFFF086;
	s6 =	sadd.s32 @!p0 s3, s7;
	s7 =	simm.s32 @!p0 $0x108  }
0x21: {  	s3 =	sadd.s32 s3, s9;
	s6 =	sadd.s32 @!p0 $0x88, s6;
	s7 =	simm.s32 @p2 $0x1082  }
0x22: {  	[simem:s7], [sflag:s8] =	dma.local @!p0 [hbm:s6], $0xF7A  }
0x23: {  	s9 =	sor.u32 $0xD0000000, s2;
	s6 =	simm.s32 $0x108;
	_ =	swait.ge @!p0 [sflag:s8], $0x0  }
0x24: {  	s3 =	sadd.s32 $0x88, s3;
	s6 =	simm.s32 @!p1 $0x1082;
	[sflag:s4] =	ssyncset.s32 $0xFFFFF086  }
0x25: {  	[simem:s6], [sflag:s4] =	dma.local [hbm:s3], $0xF7A  }
0x26: {  	[smem:$0x3F92] =	sst s1;
	(tag) =	ssettag s2;
	_ =	strace s9  }
0x27: {  	s1 =	sld [smem:$0x3FA2]  }
0x28: {  	s2 =	sld [smem:$0x3FA3]  }
0x29: {  	s4 =	sld [smem:$0x3FA5]  }
0x2a: {  	p0 =	seq.s32 s5, $0x0;
	s5 =	sld [smem:$0x3FA6]  }
0x2b: {  	s6 =	sld [smem:$0x3FA7]  }
0x2c: {  	s7 =	sld [smem:$0x3FA8]  }
0x2d: {  	s3 =	simm.s32 $0x108;
	s8 =	sld [smem:$0x3FA9]  }
0x2e: {  	s3 =	simm.s32 @!p0 $0x1082;
	s9 =	sld [smem:$0x3FAA]  }
0x2f: {  	lr =	sadd.s32 s0, s3;
	s0 =	sld [smem:$0x3FA1]  }
0x30: {  	s3 =	sld [smem:$0x3FA4]  }
0x31: {  	[smem:$0x3FAD] =	sst s10  }
0x32: {  	s10 =	sld [smem:$0x3FAB];
	_ =	sdelay $0x3  }
0x33: {  	p0 =	seq.s32 s10, $0x1;
	s10 =	sld [smem:$0x3FAD];
	_ =	sdelay $0x3  }
0x34: {  	[smem:$0x3FAD] =	sst s10  }
0x35: {  	s10 =	sld [smem:$0x3FAC];
	_ =	sdelay $0x3  }
0x36: {  	p1 =	seq.s32 s10, $0x1;
	s10 =	sld [smem:$0x3FAD];
	_ =	sdelay $0x3  }
0x37: {  	[smem:$0x3FAD] =	sst s10  }
0x38: {  	s10 =	sld [smem:$0x3FAE]  }
0x39: {  	_ = 	snop;
	(pc) =	sbr.ind lr, $3  }
0x3a: {  	_ = 	snop  }
0x3b: {  	_ = 	snop  }
0x3c: {  	p2 =	seq.s32 s10, $0x1;
	s10 =	sld [smem:$0x3FAD]  }
0x3d: {  	_ =	shalt  }
0x3e: {  	_ =	shalt  }
0x3f: {  	_ =	shalt  }
0x40: {  	_ =	shalt  }
0x41: {  	_ =	shalt  }
0x42: {  	_ =	shalt  }
0x43: {  	_ =	shalt  }
0x44: {  	_ =	shalt  }
0x45: {  	_ =	shalt  }
0x46: {  	_ =	shalt  }
0x47: {  	_ =	shalt  }
0x48: {  	_ =	shalt  }
0x49: {  	_ =	shalt  }
0x4a: {  	_ =	shalt  }
0x4b: {  	_ =	shalt  }
0x4c: {  	_ =	shalt  }
0x4d: {  	_ =	shalt  }
0x4e: {  	_ =	shalt  }
0x4f: {  	_ =	shalt  }
0x50: {  	_ =	shalt  }
0x51: {  	_ =	shalt  }
0x52: {  	_ =	shalt  }
0x53: {  	_ =	shalt  }
0x54: {  	_ =	shalt  }
0x55: {  	_ =	shalt  }
0x56: {  	_ =	shalt  }
0x57: {  	_ =	shalt  }
0x58: {  	_ =	shalt  }
0x59: {  	_ =	shalt  }
0x5a: {  	_ =	shalt  }
0x5b: {  	_ =	shalt  }
0x5c: {  	_ =	shalt  }
0x5d: {  	_ =	shalt  }
0x5e: {  	_ =	shalt  }
0x5f: {  	_ =	shalt  }
0x60: {  	_ =	shalt  }
0x61: {  	_ =	shalt  }
0x62: {  	_ =	shalt  }
0x63: {  	_ =	shalt  }
0x64: {  	_ =	shalt  }
0x65: {  	_ =	shalt  }
0x66: {  	_ =	shalt  }
0x67: {  	_ =	shalt  }
0x68: {  	_ =	shalt  }
0x69: {  	_ =	shalt  }
0x6a: {  	_ =	shalt  }
0x6b: {  	_ =	shalt  }
0x6c: {  	_ =	shalt  }
0x6d: {  	_ =	shalt  }
0x6e: {  	_ =	shalt  }
0x6f: {  	_ =	shalt  }
0x70: {  	_ =	shalt  }
0x71: {  	_ =	shalt  }
0x72: {  	_ =	shalt  }
0x73: {  	_ =	shalt  }
0x74: {  	_ =	shalt  }
0x75: {  	_ =	shalt  }
0x76: {  	_ =	shalt  }
0x77: {  	_ =	shalt  }
0x78: {  	_ =	shalt  }
0x79: {  	_ =	shalt  }
0x7a: {  	_ =	shalt  }
0x7b: {  	_ =	shalt  }
0x7c: {  	_ =	shalt  }
0x7d: {  	_ =	shalt  }
0x7e: {  	_ =	shalt  }
0x7f: {  	_ =	shalt  }
0x80: {  	_ =	shalt  }
0x81: {  	_ =	shalt  }
0x82: {  	_ =	shalt  }
0x83: {  	_ =	shalt  }
0x84: {  	_ =	shalt  }
0x85: {  	_ =	shalt  }
0x86: {  	_ =	shalt  }
0x87: {  	_ =	shalt  }
.Lfunc_end0:
.L_simem_size_0:
called_computation_lowered:
.L_overlay_start_0:
0x88: {  	s2 =	sld [smem:$0x3FD9]  }
0x89: {  	s3 =	sld [smem:$0x3FFE];
	_ =	sdelay $0x1  }
0x8a: {  	s1 =	srdreg.scid  }
0x8b: {  	s0 =	sand.u32 $0x1, s1  }
0x8c: {  	s17 =	sshll.u32 s0, $0xA;
	s2 =	sadd.s32 s3, s2  }
0x8d: {  	s2 =	sadd.s32 s2, s17  }
0x8e: {  	[smem:$0x3FB9] =	sst s2  }
0x8f: {  	_ = 	snop  }
0x90: {  	s2 =	sld [smem:$0x3FD0];
	(tm) =	ssettm $0x1  }
0x91: {  	s18 =	sld [smem:$0x3FFB];
	_ =	sdelay $0x3  }
0x92: {  	_ =	strace s18  }
0x93: {  	s3 =	sld [smem:$0x3FFC];
	_ =	sdelay $0x3  }
0x94: {  	_ =	strace s3  }
0x95: {  	s3 =	sld [smem:$0x3FFD];
	_ =	sdelay $0x3  }
0x96: {  	_ =	strace s3  }
0x97: {  	_ =	strace $0x8FFFFFFF  }
0x98: {  	s19 =	sld [smem:$0x3FDB];
	_ =	sdelay $0x1  }
0x99: {  	s4 =	simm.s32 $_scs_section_size  }
0x9a: {  	s5 =	simm.s32 $_size__tile_overlayer_lowered;
	s6 =	simm.s32 $_tile_overlayer_lowered  }
0x9b: {  	s22 =	simm.s32 $0x1BFF;
	s21 =	sshll.u32 s6, $0x1;
	s3 =	sadd.s32 s4, s19  }
0x9c: {  	s7 =	simm.s32 $0x0;
	s20 =	sshll.u32 s5, $0x1;
	s5 =	sadd.s32 s21, s3  }
0x9d: {  	[timem:s7], [sflag:s22] =	dma.local [hbm:s5], s20  }
0x9e: {  	_ =	swait.ge [sflag:s22], s20  }
0x9f: {  	s4 =	ssub.s32 $0x0, s20;
	[sflag:s22] =	ssyncset.done $0x0  }
0xa0: {  	[sflag:s22] =	ssyncadd.s32 s4;
	_ =	sdelay $0x1  }
0xa1: {  	s23 =	simm.s32 $0x1B8B  }
0xa2: {  	_ =	swait.ge [sflag:s23], $0x1  }
0xa3: {  	[sflag:s23] =	ssyncset.done $0x0  }
0xa4: {  	s25 =	simm.s32 $0x1B8E;
	s24 =	sld [smem:$0x3FFE];
	[sflag:s23] =	ssyncadd.s32 $0xFFFFFFFF  }
0xa5: {  	s26 =	simm.s32 $execute0_lowered;
	[smem:$0x3FD2] =	sst s25  }
0xa6: {  	s5 =	sshll.u32 s26, $0x1;
	_ =	strace $0x80000046;
	[dreg:$0x1] =	wrdreg $0xFFFFFFFF  }
0xa7: {  	s28 =	simm.s32 $_size_execute0_lowered;
	s3 =	sadd.s32 s3, s5;
	[dreg:$0x0] =	wrdreg $0x0  }
0xa8: {  	s5 =	sshll.u32 s28, $0x1;
	[dreg:$0x2] =	wrdreg s3  }
0xa9: {  	[dreg:$0x3] =	wrdreg s5  }
0xaa: {  	[dreg:$0x4] =	wrdreg $0xC0  }
0xab: {  	_ =	task [dreg:s7], $0x5FFFF  }
0xac: {  	[dreg:$0x1] =	wrdreg $0xFFFFFFFF  }
0xad: {  	[dreg:$0x0] =	wrdreg $0x60  }
0xae: {  	[dreg:$0x2] =	wrdreg s24  }
0xaf: {  	[dreg:$0x3] =	wrdreg s2  }
0xb0: {  	[dreg:$0x4] =	wrdreg $0xC9000  }
0xb1: {  	[dreg:$0x5] =	wrdreg $0x109000  }
0xb2: {  	[dreg:$0x6] =	wrdreg $0x9  }
0xb3: {  	_ =	task.clear_ibuf [dreg:s7], $0x7FFFF;
	_ =	strace $0x90000046  }
0xb4: {  	s29 =	simm.s32 $0x9;
	_ =	strace $0x80000048  }
0xb5: {  	_ =	swait.ge [sflag:s29], $0x1  }
0xb6: {  	[sflag:s29] =	ssyncadd.s32 $0xFFFFFFFF  }
0xb7: {  	_ =	strace $0x90000048  }
0xb8: {  	_ =	sfence  }
0xb9: {  	s30 =	sld [smem:$0x0];
	_ =	sdelay $0x2  }
0xba: {  	s31 =	sshll.u32 s1, $0xD;
	s1 =	sshrl.u32 s1, $0x2  }
0xbb: {  	s3 =	sand.u32 $0x4000, s31;
	s1 =	sadd.s32 s1, s30  }
0xbc: {  	s0 =	sor.u32 s3, s0;
	s1 =	sshll.u32 s1, $0x11  }
0xbd: {  	s0 =	sor.u32 s1, s0  }
0xbe: {  	s0 =	sadd.s32 $0x8F2B, s0  }
0xbf: {  	[sflag:s0] =	ssyncadd.remote.s32 $0x1  }
0xc0: {  	_ =	sfence.sel $0xFFFF  }
0xc1: {  	[dreg:$0x0] =	wrdreg $0xFFFFFFFF;
	(pc) =	sbr.abs _section_cstart, $3  }
0xc2: {  	[dreg:$0x1] =	wrdreg $0xFFFFFFFF  }
0xc3: {  	_ =	task.clear_ibuf [dreg:s7], $0x2FFFF;
	_ =	strace $0x9FFFFFFF  }
0xc4: {  	(tm) =	ssettm $0x7FFFFFFF  }
0xc5: {  	_ =	shalt  }
tec
execute0_lowered:
.L_overlay_start_1:
0x0: {  	(tag) =	ssettag $0x1  }
0x1: {  	s0 =	rddreg [dreg:$0x0]  }
0x2: {  	s3 =	rddreg [dreg:$0x1]  }
0x3: {  	s1 =	rddreg [dreg:$0x2]  }
0x4: {  	s2 =	rddreg [dreg:$0x3];
	s5 =	srdreg.scid  }
0x5: {  	s4 =	simm.s32 $0x0;
	s9 =	stileid.u32;
	s28 =	simm.s32 $0x3  }
0x6: {  	s29 =	simm.s32 $0x5;
	s30 =	simm.s32 $0x80;
	s31 =	simm.s32 $0x8800  }
0x7: {  	s12 =	sand.u32 $0x1, s5;
	[smem:$0x7FF] =	sst s4;
	s7 =	sshll.u32 s9, $0xB  }
0x8: {  	s8 =	sshll.u32 s9, $0xE;
	s16 =	smul.u32 $0x280, s9;
	s5 =	sshll.u32 s12, $0x4  }
0x9: {  	_ =	strace $0x80000047;
	s15 =	sadd.s32 s7, s0;
	s24 =	ssub.s32 $0x2, s12  }
0xa: {  	s26 =	smul.u32 $0x2800, s12;
	s12 =	sshll.u32 s12, $0xF;
	s11 =	sor.u32 s9, s5  }
0xb: {  	s5 =	sadd.s32 $0x34400, s0;
	s25 =	sshrl.u32 s24, $0x1;
	s7 =	sadd.s32 s16, s2  }
0xc: {  	s17 =	sadd.s32 $0x80, s16;
	s18 =	sadd.s32 $0x100, s16;
	s19 =	sadd.s32 $0x180, s16  }
0xd: {  	s20 =	sadd.s32 $0x200, s16;
	s6 =	sshll.u32 s11, $0x9;
	s21 =	ssub.s32 s24, s25  }
0xe: {  	s9 =	sadd.s32 s18, s2;
	s10 =	sadd.s32 s19, s2;
	s14 =	smul.u32 $0x500, s11  }
0xf: {  	s11 =	sadd.s32 s20, s2;
	s18 =	sadd.s32 s26, s18;
	s23 =	sadd.s32 s26, s19  }
0x10: {  	s24 =	sadd.s32 s26, s20;
	s13 =	sadd.s32 s6, s0;
	s0 =	sadd.s32 $0x76400, s0  }
0x11: {  	s6 =	sadd.s32 s8, s1;
	s8 =	sadd.s32 s17, s2;
	s25 =	sshrl.u32 s23, $0x3  }
0x12: {  	s21 =	smax.u32 s21, $0x1;
	s23 =	simm.s32 $0xC880;
	s22 =	sadd.s32 $0x2C000, s13  }
0x13: {  	s13 =	sadd.s32 $0x30000, s13;
	s3 =	sadd.s32 s3, s14;
	[dreg:$0x5] =	wrdreg s22  }
0x14: {  	s14 =	sadd.s32 s26, s17;
	s19 =	sadd.s32 s0, s25;
	[dreg:$0x6] =	wrdreg s13  }
0x15: {  	s25 =	simm.s32 $0x4;
	[dreg:$0x7] =	wrdreg s3;
	s3 =	sadd.s32 s12, s15  }
0x16: {  	s13 =	sadd.s32 s16, s26;
	s17 =	sshrl.u32 s14, $0x3;
	s26 =	sshrl.u32 s24, $0x3  }
0x17: {  	s22 =	simm.s32 $0x4800;
	s24 =	simm.s32 $0x6;
	s15 =	sadd.s32 $0x66400, s3  }
0x18: {  	s16 =	sshrl.u32 s13, $0x3;
	s17 =	sadd.s32 s0, s17;
	s3 =	sshrl.u32 s18, $0x3  }
0x19: {  	s20 =	sadd.s32 s0, s26;
	s26 =	simm.s32 $0xC800;
	s16 =	sadd.s32 s0, s16  }
0x1a: {  	v0 =	vimm.f32 $0.0e+00;
	v1 =	vimm.f32 $1.000000000e+00;
	s18 =	sadd.s32 s0, s3;
	s0 =	simm.s32 $0x1;
	s3 =	simm.s32 $0x2  }
.LBB2_1:
0x1b: {  	s12 =	simm.s32 $0x0;
	s13 =	simm.s32 $0x200  }
.LBB2_2:
0x1c: {  	p0 =	sne.s32 s13, $0xFE00;
	[tilespmem:s12+$0x4870] =	vst v0  }
0x1d: {  	[tilespmem:s12+$0x4800] =	vst v0  }
0x1e: {  	[tilespmem:s12+$0x4810] =	vst v0  }
.Ltmp0:
0x1f: {  	[tilespmem:s12+$0x4820] =	vst v0;
	(pc) =	sbr.rel @p0 .LBB2_2-.Ltmp0, $4  }
0x20: {  	[tilespmem:s12+$0x4830] =	vst v0  }
0x21: {  	[tilespmem:s12+$0x4840] =	vst v0  }
0x22: {  	[tilespmem:s12+$0x4850] =	vst v0  }
0x23: {  	[tilespmem:s12+$0x4860] =	vst v0;
	s12 =	sshra.s32 s13, $0x2;
	s13 =	sadd.s32 $0x200, s13  }
0x24: {  	[tilespmem:s12+$0x4870] =	vst v0  }
0x25: {  	[tilespmem:s12+$0x4800] =	vst v0  }
0x26: {  	[tilespmem:s12+$0x4810] =	vst v0  }
0x27: {  	[tilespmem:s12+$0x4820] =	vst v0  }
0x28: {  	[tilespmem:s12+$0x4830] =	vst v0  }
0x29: {  	[tilespmem:s12+$0x4840] =	vst v0  }
0x2a: {  	[tilespmem:s12+$0x4850] =	vst v0  }
0x2b: {  	[tilespmem:s12+$0x4860] =	vst v0  }
0x2c: {  	[tilespmem:$0xC800] =	vst v1  }
0x2d: {  	[tilespmem:$0xC810] =	vst v1  }
0x2e: {  	[tilespmem:$0xC820] =	vst v1  }
0x2f: {  	[tilespmem:$0xC830] =	vst v1  }
0x30: {  	[tilespmem:$0xC840] =	vst v1  }
0x31: {  	[tilespmem:$0xC850] =	vst v1  }
0x32: {  	[tilespmem:$0xC860] =	vst v1  }
0x33: {  	[tilespmem:$0xC870] =	vst v1  }
0x34: {  	[tilespmem:$0xC880] =	vst v0  }
0x35: {  	[tilespmem:$0xC890] =	vst v0  }
0x36: {  	[tilespmem:$0xC8A0] =	vst v0  }
0x37: {  	[tilespmem:$0xC8B0] =	vst v0  }
0x38: {  	[tilespmem:$0xC8C0] =	vst v0  }
0x39: {  	[tilespmem:$0xC8D0] =	vst v0  }
0x3a: {  	[tilespmem:$0xC8E0] =	vst v0  }
0x3b: {  	[tilespmem:$0xC8F0] =	vst v0  }
0x3c: {  	[spmem:s6] =	stream.linear.scatter [tilespmem:s22], [sflag:$0x3], $0x4000, $0x38;
	[tilespmem:$0x10B80] =	vst v63  }
0x3d: {  	_ = 	snop  }
0x3e: {  	[spmem:s7] =	stream.linear.scatter [tilespmem:s23], [sflag:$0x5], $0x80, $0x38;
	[tilespmem:$0x10B80] =	vst v63  }
0x3f: {  	_ = 	snop  }
0x40: {  	[spmem:s8] =	stream.linear.scatter [tilespmem:s23], [sflag:$0x5], $0x80, $0x38;
	[tilespmem:$0x10B80] =	vst v63  }
0x41: {  	_ = 	snop  }
0x42: {  	[spmem:s9] =	stream.linear.scatter [tilespmem:s23], [sflag:$0x5], $0x80, $0x38;
	[tilespmem:$0x10B80] =	vst v63  }
0x43: {  	_ = 	snop  }
0x44: {  	[spmem:s10] =	stream.linear.scatter [tilespmem:s23], [sflag:$0x5], $0x80, $0x38;
	[tilespmem:$0x10B80] =	vst v63  }
0x45: {  	_ = 	snop  }
0x46: {  	[spmem:s11] =	stream.linear.scatter [tilespmem:s23], [sflag:$0x5], $0x80, $0x38;
	[tilespmem:$0x10B80] =	vst v63  }
0x47: {  	s12 =	simm.s32 $0x0;
	s13 =	rddreg [dreg:$0x5]  }
0x48: {  	[tilespmem:s12], [sflag:$0x6] =	stream.linear.gather [hbm4b:s13+s12], $0xD00, $0x38;
	[tilespmem:$0x10B80] =	vst v63  }
0x49: {  	_ =	swait.ge [sflag:s24], $0xD00  }
0x4a: {  	[sflag:s24] =	ssyncset.done $0x0  }
0x4b: {  	s14 =	simm.s32 $0x1000;
	s13 =	rddreg [dreg:$0x6];
	[sflag:s24] =	ssyncadd.s32 $0xFFFFF300  }
0x4c: {  	[tilespmem:s14], [sflag:$0x6] =	stream.linear.gather [hbm4b:s13+s12], $0xD00, $0x38;
	[tilespmem:$0x10B80] =	vst v63  }
0x4d: {  	_ =	swait.ge [sflag:s24], $0xD00  }
0x4e: {  	[sflag:s24] =	ssyncset.done $0x0  }
0x4f: {  	s14 =	simm.s32 $0x2000;
	s13 =	rddreg [dreg:$0x7];
	[sflag:s24] =	ssyncadd.s32 $0xFFFFF300  }
0x50: {  	[tilespmem:s14], [sflag:$0x6] =	stream.linear.gather [hbm4b:s13+s12], $0x2800, $0x38;
	[tilespmem:$0x10B80] =	vst v63  }
0x51: {  	_ =	swait.ge [sflag:s24], $0x2800  }
0x52: {  	[sflag:s24] =	ssyncset.done $0x0  }
0x53: {  	[sflag:s24] =	ssyncadd.s32 $0xFFFFD800  }
0x54: {  	_ =	swait.ge [sflag:s28], $0x4000  }
0x55: {  	[sflag:s28] =	ssyncset.done $0x0  }
0x56: {  	[sflag:s28] =	ssyncadd.s32 $0xFFFFC000  }
0x57: {  	_ =	swait.ge [sflag:s29], $0x80  }
0x58: {  	[sflag:s29] =	ssyncset.done $0x0  }
0x59: {  	[sflag:s29] =	ssyncadd.s32 $0xFFFFFF80  }
0x5a: {  	_ =	swait.ge [sflag:s29], $0x80  }
0x5b: {  	[sflag:s29] =	ssyncset.done $0x0  }
0x5c: {  	[sflag:s29] =	ssyncadd.s32 $0xFFFFFF80  }
0x5d: {  	_ =	swait.ge [sflag:s29], $0x80  }
0x5e: {  	[sflag:s29] =	ssyncset.done $0x0  }
0x5f: {  	[sflag:s29] =	ssyncadd.s32 $0xFFFFFF80  }
0x60: {  	_ =	swait.ge [sflag:s29], $0x80  }
0x61: {  	[sflag:s29] =	ssyncset.done $0x0  }
0x62: {  	[sflag:s29] =	ssyncadd.s32 $0xFFFFFF80  }
0x63: {  	_ =	swait.ge [sflag:s29], $0x80  }
0x64: {  	[sflag:s29] =	ssyncset.done $0x0  }
0x65: {  	[sflag:s29] =	ssyncadd.s32 $0xFFFFFF80  }
0x66: {  	[bflag:$0x0] =	sbarrier.arrive $0xFFFF  }
0x67: {  	[tilespmem:s22], [sflag:$0x1] =	stream.indirect.gather [hbm4b:s5+s30], $0x80, s12, s30, $0xb8;
	[tilespmem:$0x10B80] =	vst v63  }
0x68: {  	_ = 	snop  }
0x69: {  	[tilespmem:s31], [sflag:$0x2] =	stream.indirect.gather [hbm4b:s5+s30], $0x80, s30, s30, $0xb8;
	[tilespmem:$0x10B80] =	vst v63  }
0x6a: {  	_ =	swait.ge [sflag:s0], $0x4000  }
0x6b: {  	[sflag:s0] =	ssyncset.done $0x0  }
0x6c: {  	s14 =	simm.s32 $0x1000;
	[sflag:s0] =	ssyncadd.s32 $0xFFFFC000  }
0x6d: {  	[spmem:s1] =	stream.indirect.scatter.add.f32 [tilespmem:s22], [sflag:$0x3], $0x80, s14, s30, $0xb8;
	[tilespmem:$0x10B80] =	vst v63  }
0x6e: {  	_ =	swait.ge [sflag:s3], $0x4000  }
0x6f: {  	[sflag:s3] =	ssyncset.done $0x0  }
0x70: {  	s13 =	simm.s32 $0x1080;
	[sflag:s3] =	ssyncadd.s32 $0xFFFFC000  }
0x71: {  	[spmem:s1] =	stream.indirect.scatter.add.f32 [tilespmem:s31], [sflag:$0x4], $0x80, s13, s30, $0xb8;
	[tilespmem:$0x10B80] =	vst v63  }
0x72: {  	_ =	swait.ge [sflag:s28], $0x4000  }
0x73: {  	[sflag:s28] =	ssyncset.done $0x0  }
0x74: {  	s14 =	simm.s32 $0x100;
	[sflag:s28] =	ssyncadd.s32 $0xFFFFC000  }
0x75: {  	[tilespmem:s22], [sflag:$0x1] =	stream.indirect.gather [hbm4b:s5+s30], $0x80, s14, s30, $0xb8;
	[tilespmem:$0x10B80] =	vst v63  }
0x76: {  	_ =	swait.ge [sflag:s25], $0x4000  }
0x77: {  	[sflag:s25] =	ssyncset.done $0x0  }
0x78: {  	s12 =	simm.s32 $0x400;
	s13 =	simm.s32 $0x180;
	[sflag:s25] =	ssyncadd.s32 $0xFFFFC000  }
.LBB2_4:
0x79: {  	[tilespmem:s31], [sflag:$0x2] =	stream.indirect.gather [hbm4b:s5+s30], $0x80, s13, s30, $0xb8;
	[tilespmem:$0x10B80] =	vst v63  }
0x7a: {  	s13 =	smov.u32 s12  }
0x7b: {  	p0 =	sne.s32 s12, $0x2C00;
	s12 =	sadd.s32 $0x400, s12;
	_ =	swait.ge [sflag:s0], $0x4000  }
0x7c: {  	s13 =	sshra.s32 s13, $0x2;
	[sflag:s0] =	ssyncset.done $0x0  }
0x7d: {  	s14 =	sadd.s32 $0x1000, s13;
	[sflag:s0] =	ssyncadd.s32 $0xFFFFC000  }
0x7e: {  	[spmem:s1] =	stream.indirect.scatter.add.f32 [tilespmem:s22], [sflag:$0x3], $0x80, s14, s30, $0xb8;
	[tilespmem:$0x10B80] =	vst v63  }
0x7f: {  	_ =	swait.ge [sflag:s3], $0x4000  }
0x80: {  	[sflag:s3] =	ssyncset.done $0x0  }
0x81: {  	s14 =	sadd.s32 $0x1080, s13;
	[sflag:s3] =	ssyncadd.s32 $0xFFFFC000  }
0x82: {  	[spmem:s1] =	stream.indirect.scatter.add.f32 [tilespmem:s31], [sflag:$0x4], $0x80, s14, s30, $0xb8;
	[tilespmem:$0x10B80] =	vst v63  }
0x83: {  	_ =	swait.ge [sflag:s28], $0x4000  }
0x84: {  	[sflag:s28] =	ssyncset.done $0x0  }
.Ltmp1:
0x85: {  	s14 =	sadd.s32 $0x100, s13;
	[sflag:s28] =	ssyncadd.s32 $0xFFFFC000;
	(pc) =	sbr.rel @p0 .LBB2_4-.Ltmp1, $4  }
0x86: {  	[tilespmem:s22], [sflag:$0x1] =	stream.indirect.gather [hbm4b:s5+s30], $0x80, s14, s30, $0xb8;
	[tilespmem:$0x10B80] =	vst v63  }
0x87: {  	_ =	swait.ge [sflag:s25], $0x4000  }
0x88: {  	[sflag:s25] =	ssyncset.done $0x0  }
0x89: {  	s13 =	sadd.s32 $0x180, s13;
	[sflag:s25] =	ssyncadd.s32 $0xFFFFC000  }
0x8a: {  	[tilespmem:s31], [sflag:$0x2] =	stream.indirect.gather [hbm4b:s5+s30], $0x80, s13, s30, $0xb8;
	[tilespmem:$0x10B80] =	vst v63  }
0x8b: {  	_ =	swait.ge [sflag:s0], $0x4000  }
0x8c: {  	[sflag:s0] =	ssyncset.done $0x0  }
0x8d: {  	s12 =	simm.s32 $0x1C00;
	[sflag:s0] =	ssyncadd.s32 $0xFFFFC000  }
0x8e: {  	[spmem:s1] =	stream.indirect.scatter.add.f32 [tilespmem:s22], [sflag:$0x3], $0x80, s12, s30, $0xb8;
	[tilespmem:$0x10B80] =	vst v63  }
0x8f: {  	_ =	swait.ge [sflag:s3], $0x4000  }
0x90: {  	[sflag:s3] =	ssyncset.done $0x0  }
0x91: {  	s14 =	simm.s32 $0x1C80;
	[sflag:s3] =	ssyncadd.s32 $0xFFFFC000  }
0x92: {  	[spmem:s1] =	stream.indirect.scatter.add.f32 [tilespmem:s31], [sflag:$0x4], $0x80, s14, s30, $0xb8;
	[tilespmem:$0x10B80] =	vst v63  }
0x93: {  	_ =	swait.ge [sflag:s28], $0x4000  }
0x94: {  	[sflag:s28] =	ssyncset.done $0x0  }
0x95: {  	[sflag:s28] =	ssyncadd.s32 $0xFFFFC000  }
0x96: {  	_ =	swait.ge [sflag:s25], $0x4000  }
0x97: {  	[sflag:s25] =	ssyncset.done $0x0  }
0x98: {  	s12 =	simm.s32 $0x0;
	[sflag:s25] =	ssyncadd.s32 $0xFFFFC000  }
.LBB2_6:
0x99: {  	p0 =	sne.s32 s12, $0x9E00  }
.Ltmp2:
0x9a: {  	_ = 	snop;
	(pc) =	sbr.rel @p0 .LBB2_6-.Ltmp2, $4  }
0x9b: {  	_ = 	snop  }
0x9c: {  	s13 =	sshra.s32 s12, $0x2  }
0x9d: {  	s12 =	sadd.s32 $0x200, s12;
	s13 =	sadd.s32 $0x2000, s13  }
0x9e: {  	[spmem:s2] =	stream.indirect.scatter.add.f32 [tilespmem:s26], [sflag:$0x5], $0x1, s13, s30, $0xb8;
	[tilespmem:$0x10B80] =	vst v63  }
0x9f: {  	_ =	swait.ge [sflag:s29], $0x80  }
0xa0: {  	s12 =	simm.s32 $0x4F;
	[sflag:s29] =	ssyncset.done $0x0  }
.LBB2_8:
0xa1: {  	p0 =	sne.s32 s12, $0x1;
	s12 =	sadd.s32 $0xFFFFFFFF, s12;
	[sflag:s29] =	ssyncadd.s32 $0xFFFFFF80  }
.Ltmp3:
0xa2: {  	(pc) =	sbr.rel @p0 .LBB2_8-.Ltmp3, $3  }
0xa3: {  	_ =	sdelay $0x1  }
0xa4: {  	_ =	swait.ge [sflag:s29], $0x80  }
0xa5: {  	[sflag:s29] =	ssyncset.done $0x0  }
0xa6: {  	s12 =	stileid.u32  }
0xa7: {  	[sflag:s29] =	ssyncadd.s32 $0xFFFFFF80;
	s12 =	sshll.u32 s12, $0x6  }
0xa8: {  	s14 =	sshrl.u32 s6, $0x3;
	[bflag:$0x0] =	sbarrier.arrive $0xFFFF;
	s13 =	sor.u32 $0x1C03, s12  }
0xa9: {  	[hbm:s15], [sflag:s13] =	dma.local [spmem:s14], $0x800  }
0xaa: {  	s12 =	sor.u32 $0x1C05, s12;
	s14 =	sshrl.u32 s7, $0x3  }
0xab: {  	[hbm:s16], [sflag:s12] =	dma.local [spmem:s14], $0x10  }
0xac: {  	s14 =	sshrl.u32 s8, $0x3  }
0xad: {  	[hbm:s17], [sflag:s12] =	dma.local [spmem:s14], $0x10  }
0xae: {  	s14 =	sshrl.u32 s9, $0x3  }
0xaf: {  	[hbm:s18], [sflag:s12] =	dma.local [spmem:s14], $0x10  }
0xb0: {  	s14 =	sshrl.u32 s10, $0x3  }
0xb1: {  	[hbm:s19], [sflag:s12] =	dma.local [spmem:s14], $0x10  }
0xb2: {  	s14 =	sshrl.u32 s11, $0x3  }
0xb3: {  	[hbm:s20], [sflag:s12] =	dma.local [spmem:s14], $0x10  }
0xb4: {  	_ =	swait.ge [sflag:s28], $0x800  }
0xb5: {  	[sflag:s28] =	ssyncset.done $0x0  }
0xb6: {  	[sflag:s28] =	ssyncadd.s32 $0xFFFFF800  }
0xb7: {  	_ =	swait.ge [sflag:s29], $0x10  }
0xb8: {  	[sflag:s29] =	ssyncset.done $0x0  }
0xb9: {  	[sflag:s29] =	ssyncadd.s32 $0xFFFFFFF0  }
0xba: {  	_ =	swait.ge [sflag:s29], $0x10  }
0xbb: {  	[sflag:s29] =	ssyncset.done $0x0  }
0xbc: {  	[sflag:s29] =	ssyncadd.s32 $0xFFFFFFF0  }
0xbd: {  	_ =	swait.ge [sflag:s29], $0x10  }
0xbe: {  	[sflag:s29] =	ssyncset.done $0x0  }
0xbf: {  	s4 =	sadd.s32 $0x1, s4;
	[sflag:s29] =	ssyncadd.s32 $0xFFFFFFF0  }
0xc0: {  	p0 =	sne.s32 s4, s21;
	_ =	swait.ge [sflag:s29], $0x10  }
.Ltmp4:
0xc1: {  	[sflag:s29] =	ssyncset.done $0x0;
	(pc) =	sbr.rel @p0 .LBB2_1-.Ltmp4, $4  }
0xc2: {  	[sflag:s29] =	ssyncadd.s32 $0xFFFFFFF0  }
0xc3: {  	_ =	swait.ge [sflag:s29], $0x10  }
0xc4: {  	[sflag:s29] =	ssyncset.done $0x0  }
0xc5: {  	[sflag:s29] =	ssyncadd.s32 $0xFFFFFFF0  }
0xc6: {  	_ =	sfence.sel $0x180000  }
0xc7: {  	[bflag:$0x0] =	sbarrier.arrive $0xFFFF  }
0xc8: {  	_ =	strace $0x90000047  }
0xc9: {  	s0 =	stileid.u32;
	[bflag:$0x2] =	sbarrier.arrive $0xFFFF  }
0xca: {  	p0 =	sne.s32 s0, $0x0;
	s0 =	rddreg [dreg:$0x4]  }
0xcb: {  	s0 =	sadd.s32 @!p0 $0x100000, s0  }
0xcc: {  	[sflag:s0] =	ssyncadd.tile.s32 @!p0 $0x1;
	_ =	shalt  }
.Lfunc_end2:
_tile_overlayer_lowered:
.L_overlay_start_2:
0xcd: {  	(tag) =	ssettag $0x2  }
0xce: {  	s0 =	rddreg [dreg:$0x0];
	s2 =	stileid.u32  }
0xcf: {  	s1 =	rddreg [dreg:$0x1];
	p0 =	sne.s32 s2, $0x0  }
0xd0: {  	s3 =	rddreg [dreg:$0x2];
	[bflag:$0x3] =	sbarrier.arrive $0xFFFF;
	s2 =	simm.s32 @!p0 $0x1C06  }
0xd1: {  	[timem:s3], [sflag:s2] =	dma.local @!p0 [hbm:s0], s1  }
0xd2: {  	s0 =	simm.s32 @!p0 $0x6  }
0xd3: {  	_ =	swait.ge @!p0 [sflag:s0], s1  }
0xd4: {  	s1 =	ssub.s32 @!p0 $0x0, s1;
	[sflag:s0] =	ssyncset.done @!p0 $0x0  }
0xd5: {  	[sflag:s0] =	ssyncadd.s32 @!p0 s1  }
0xd6: {  	[bflag:$0x3] =	sbarrier.arrive $0xFFFF  }
0xd7: {  	_ =	shalt  }

</sc_bundles>
